<compile_context>
chip_gen: v7x
topology: tpu7x:2x2x1
jax: 0.10.2.dev20260603
libtpu: 0.0.44.dev20260713+nightly
codegen_flags: <defaults>
</compile_context>

<pallas_src>
import functools

import jax
import jax.numpy as jnp
from jax import lax
from jax.experimental import pallas as pl
from jax.experimental.pallas import tpu as pltpu
from jax.experimental.pallas import tpu_sc as plsc

_N = 10000
_E = 320000
_D_IN = 128
_H = 64
_MAX_DEG = 10
_PRED_H = 128
_B = 64

_NC = 2
_NS = 16
_NW = _NC * _NS
_EW = _E // _NW
_CH = 80
_NCH = _EW // _CH
_RT1 = _N // _NS

_BLK = 512
_NB = (_N + _BLK - 1) // _BLK



def _sc_pipeline(table, srcv, dstv, rowsv, accsh, gsems, ssems, nch,
                 hook=None):
    def start_gather(i, b):
        pltpu.async_copy(table.at[srcv.at[i]], rowsv.at[b], gsems[b])

    def wait_gather(i, b):
        pltpu.make_async_copy(table.at[srcv.at[i]], rowsv.at[b],
                              gsems[b]).wait()

    def start_scatter(i, b):
        pltpu.async_copy(rowsv.at[b], accsh.at[dstv.at[i]], ssems[b],
                         add=True)

    def wait_scatter(i, b):
        pltpu.make_async_copy(rowsv.at[b], accsh.at[dstv.at[i]],
                              ssems[b]).wait()

    start_gather(0, 0)
    start_gather(1, 1)
    wait_gather(0, 0)
    start_scatter(0, 0)
    start_gather(2, 2)
    if hook is not None:
        hook(0)
    wait_gather(1, 1)
    start_scatter(1, 1)
    start_gather(3, 3)
    if hook is not None:
        hook(1)

    def group(g, _):
        for b in range(4):
            i = g * 4 + b + 2
            bb = (b + 2) % 4

            @pl.when(i < nch)
            def _():
                wait_gather(i, bb)
                start_scatter(i, bb)
                if hook is not None:
                    hook(i)

            @pl.when(i - 2 < nch)
            def _():
                wait_scatter(i - 2, b)

                @pl.when(i + 2 < nch)
                def _():
                    start_gather(i + 2, b)
        return 0

    lax.fori_loop(0, (nch + 3) // 4, group, 0)


def _sc_zero_acc(rowsv0, accsh, s):
    z16 = jnp.zeros((16,), jnp.float32)
    d = rowsv0.shape[1]

    def zr(r, _):
        for k in range(d // 16):
            rowsv0[r, pl.ds(k * 16, 16)] = z16
        return 0

    lax.fori_loop(0, _CH, zr, 0)
    for q in range(_RT1 // _CH):
        pltpu.sync_copy(rowsv0, accsh.at[pl.ds(s * _RT1 + q * _CH, _CH)])
    rem = _RT1 % _CH
    if rem:
        pltpu.sync_copy(
            rowsv0.at[pl.ds(0, rem)],
            accsh.at[pl.ds(s * _RT1 + _RT1 - rem, rem)])


def _sc_zero_deg(degv):
    z16 = jnp.zeros((16,), jnp.float32)

    def zd(j, _):
        degv[pl.ds(j * 16, 16)] = z16
        return 0

    lax.fori_loop(0, _N // 16, zd, 0)


def _sc_count_deg(dstv, degv, nch):
    ones16 = jnp.full((16,), 1.0, jnp.float32)

    def deg_row(j, _):
        for k in range(_CH // 16):
            d16 = dstv[j, pl.ds(k * 16, 16)]
            plsc.addupdate_scatter(degv, [d16], ones16)
        return 0

    lax.fori_loop(0, nch, deg_row, 0)


_SC_PARAMS = pltpu.CompilerParams(needs_layout_passes=False,
                                  use_tc_tiling_on_sc=False)
_NCH1 = _E // _NS // _CH


def _make_sc_agg1():
    mesh = plsc.VectorSubcoreMesh(core_axis_name="c", subcore_axis_name="s")
    D = _D_IN // 2
    out_type = [jax.ShapeDtypeStruct((_NC, _N, D), jnp.float32),
                jax.ShapeDtypeStruct((_NS, _N), jnp.float32)]
    scratch = [
        pltpu.VMEM((_NCH1, _CH), jnp.int32),
        pltpu.VMEM((_NCH1, _CH), jnp.int32),
        pltpu.VMEM((_NCH1, _CH), jnp.int32),
        pltpu.VMEM((4, _CH, D), jnp.float32),
        pltpu.VMEM((_N,), jnp.float32),
        pltpu.VMEM_SHARED((_N, D), jnp.float32),
        [pltpu.SemaphoreType.DMA] * 4,
        [pltpu.SemaphoreType.DMA] * 4,
    ]

    def body(table, src3, dst3, agg_out, deg_out,
             srcv, srci, dstv, rowsv, degv, accsh, gsems, ssems):
        c = lax.axis_index("c")
        s = lax.axis_index("s")

        pltpu.sync_copy(src3.at[s], srcv)
        pltpu.sync_copy(dst3.at[s], dstv)

        def dec_row(r, _):
            for k in range(_CH // 16):
                v = srcv[r, pl.ds(k * 16, 16)]
                srci[r, pl.ds(k * 16, 16)] = v * 2 + c
            return 0

        lax.fori_loop(0, _NCH1, dec_row, 0)
        _sc_zero_acc(rowsv.at[0], accsh, s)

        @pl.when(c == 0)
        def _():
            _sc_zero_deg(degv)

        ones16 = jnp.full((16,), 1.0, jnp.float32)

        def deg_hook(i):
            @pl.when(c == 0)
            def _():
                for k in range(_CH // 16):
                    d16 = dstv[i, pl.ds(k * 16, 16)]
                    plsc.addupdate_scatter(degv, [d16], ones16)

        plsc.subcore_barrier()
        _sc_pipeline(table, srci, dstv, rowsv, accsh, gsems, ssems, _NCH1,
                     hook=deg_hook)
        plsc.subcore_barrier()

        pltpu.sync_copy(accsh.at[pl.ds(s * _RT1, _RT1)],
                        agg_out.at[c, pl.ds(s * _RT1, _RT1)])

        @pl.when(c == 0)
        def _():
            pltpu.sync_copy(degv, deg_out.at[s])

    return pl.kernel(body, out_type=out_type, mesh=mesh,
                     scratch_types=scratch, compiler_params=_SC_PARAMS)


def _make_sc_agg2():
    mesh = plsc.VectorSubcoreMesh(core_axis_name="c", subcore_axis_name="s")
    out_type = [jax.ShapeDtypeStruct((_NC, _N, _H), jnp.float32)]
    scratch = [
        pltpu.VMEM((_NCH, _CH), jnp.int32),
        pltpu.VMEM((_NCH, _CH), jnp.int32),
        pltpu.VMEM((4, _CH, _H), jnp.float32),
        pltpu.VMEM_SHARED((_N, _H), jnp.float32),
        [pltpu.SemaphoreType.DMA] * 4,
        [pltpu.SemaphoreType.DMA] * 4,
    ]

    def body(table, src3, dst3, agg_out,
             srcv, dstv, rowsv, accsh, gsems, ssems):
        c = lax.axis_index("c")
        s = lax.axis_index("s")
        wid = s * _NC + c

        pltpu.sync_copy(src3.at[wid], srcv)
        pltpu.sync_copy(dst3.at[wid], dstv)
        _sc_zero_acc(rowsv.at[0], accsh, s)

        plsc.subcore_barrier()
        _sc_pipeline(table, srcv, dstv, rowsv, accsh, gsems, ssems, _NCH)
        plsc.subcore_barrier()

        pltpu.sync_copy(accsh.at[pl.ds(s * _RT1, _RT1)],
                        agg_out.at[c, pl.ds(s * _RT1, _RT1)])

    return pl.kernel(body, out_type=out_type, mesh=mesh,
                     scratch_types=scratch, compiler_params=_SC_PARAMS)



def _valid_mask(i):
    return (i * _BLK + lax.broadcasted_iota(jnp.int32, (_BLK, 1), 0)) < _N


def _deg_col(degp):
    ones = jnp.ones((_NS, 1), jnp.float32)
    return lax.dot_general(degp, ones, (((0,), (0,)), ((), ())),
                           preferred_element_type=jnp.float32)


def _bank_select(hwide, deg_col, width):
    degc = jnp.minimum(deg_col, float(_MAX_DEG))
    acc = jnp.zeros((_BLK, width), jnp.float32)
    for d in range(_MAX_DEG + 1):
        sel = degc == float(d)
        acc = acc + jnp.where(sel, hwide[:, d * width:(d + 1) * width], 0.0)
    return acc


def _affine(stats, gamma, beta):
    mean = stats[0:1, :] / float(_N)
    var = stats[1:2, :] / float(_N) - mean * mean
    a = gamma * lax.rsqrt(var + 1e-5)
    c = beta - mean * a
    return a, c


def _k1_body(feats, a0, a1, degp, w, b, h_out, st_out):
    i = pl.program_id(0)
    x = feats[...] + jnp.concatenate([a0[...], a1[...]], axis=1)
    deg = _deg_col(degp[...])
    hwide = jnp.dot(x.astype(jnp.bfloat16), w[...],
                    preferred_element_type=jnp.float32) + b[...]
    y = jnp.maximum(_bank_select(hwide, deg, _H), 0.0)
    valid = _valid_mask(i)
    ym = jnp.where(valid, y, 0.0)
    h_out[...] = y

    @pl.when(i == 0)
    def _():
        st_out[...] = jnp.zeros_like(st_out)

    st_out[...] += jnp.concatenate(
        [jnp.sum(ym, axis=0, keepdims=True),
         jnp.sum(jnp.where(valid, y * y, 0.0), axis=0, keepdims=True)], axis=0)


def _k2_body(h1, a0, a1, degp, st1, gamma1, beta1, w, b, h_out, st_out):
    i = pl.program_id(0)
    a_, c_ = _affine(st1[...], gamma1[...], beta1[...])
    deg = _deg_col(degp[...])
    x = a_ * (h1[...] + a0[...] + a1[...]) + c_ * (1.0 + deg)
    hwide = jnp.dot(x.astype(jnp.bfloat16), w[...],
                    preferred_element_type=jnp.float32) + b[...]
    y = jnp.maximum(_bank_select(hwide, deg, _H), 0.0)
    valid = _valid_mask(i)
    ym = jnp.where(valid, y, 0.0)
    h_out[...] = y

    @pl.when(i == 0)
    def _():
        st_out[...] = jnp.zeros_like(st_out)

    st_out[...] += jnp.concatenate(
        [jnp.sum(ym, axis=0, keepdims=True),
         jnp.sum(jnp.where(valid, y * y, 0.0), axis=0, keepdims=True)], axis=0)


def _k3_body(h2, ids, st2, gamma2, beta2, w, b,
             psum, pcnt, pmax, pmin, st_out):
    i = pl.program_id(0)
    a_, c_ = _affine(st2[...], gamma2[...], beta2[...])
    z = a_ * h2[...] + c_
    h3 = jnp.dot(z, w[...], preferred_element_type=jnp.float32) + b[...]
    valid = _valid_mask(i)
    h3 = jnp.where(valid, h3, 0.0)

    @pl.when(i == 0)
    def _():
        psum[...] = jnp.zeros_like(psum)
        pcnt[...] = jnp.zeros_like(pcnt)
        pmax[...] = jnp.full_like(pmax, -jnp.inf)
        pmin[...] = jnp.full_like(pmin, jnp.inf)
        st_out[...] = jnp.zeros_like(st_out)

    st_out[...] += jnp.concatenate(
        [jnp.sum(h3, axis=0, keepdims=True),
         jnp.sum(jnp.where(valid, h3 * h3, 0.0), axis=0, keepdims=True)],
        axis=0)

    idc = ids[...]
    onehot = jnp.where(
        (idc == lax.broadcasted_iota(jnp.int32, (1, _B), 1).astype(jnp.float32))
        & valid,
        1.0, 0.0)
    psum[...] += lax.dot_general(onehot, h3, (((0,), (0,)), ((), ())),
                                 preferred_element_type=jnp.float32)
    pcnt[...] += lax.dot_general(onehot, jnp.where(valid, 1.0, 0.0),
                                 (((0,), (0,)), ((), ())),
                                 preferred_element_type=jnp.float32)

    lo = jnp.min(jnp.where(valid, idc, float(_B))).astype(jnp.int32)
    hi = jnp.max(jnp.where(valid, idc, -1.0)).astype(jnp.int32)

    def mbody(g, _):
        m = (idc == g.astype(jnp.float32)) & valid
        row = lax.broadcasted_iota(jnp.int32, (_B, 1), 0) == g
        cmx = jnp.max(jnp.where(m, h3, -jnp.inf), axis=0, keepdims=True)
        cmn = jnp.min(jnp.where(m, h3, jnp.inf), axis=0, keepdims=True)
        pmax[...] = jnp.where(row, jnp.maximum(pmax[...], cmx), pmax[...])
        pmin[...] = jnp.where(row, jnp.minimum(pmin[...], cmn), pmin[...])
        return 0

    lax.fori_loop(lo, hi + 1, mbody, 0)


def _k4_body(psum, pcnt, pmax, pmin, st3, gamma_p, beta_p, w, b, out):
    a_, c_ = _affine(st3[...], gamma_p[...], beta_p[...])
    sum_n = a_ * psum[...] + c_ * pcnt[...]
    max_n = jnp.where(a_ >= 0.0, a_ * pmax[...] + c_, a_ * pmin[...] + c_)
    g = jnp.tanh(jnp.concatenate([sum_n, max_n], axis=1))
    out[...] = jnp.dot(g, w[...], preferred_element_type=jnp.float32) + b[...]


def _node_spec(width):
    return pl.BlockSpec((_BLK, width), lambda i: (i, 0))


def _const_spec(shape):
    return pl.BlockSpec(shape, lambda i: tuple(0 for _ in shape))


def kernel(feats, edge_index, node_graph_ids, W1, b1, gamma1, beta1,
           W2, b2, gamma2, beta2, W_ng, b_ng, gamma_p, beta_p, W_out, b_out):
    f32 = jnp.float32
    src = edge_index[0]
    dst = edge_index[1]
    src3 = src.reshape(_NW, _NCH, _CH)
    dst3 = dst.reshape(_NW, _NCH, _CH)
    src3a = src.reshape(_NS, _NCH1, _CH)
    dst3a = dst.reshape(_NS, _NCH1, _CH)
    table1 = feats.reshape(2 * _N, _D_IN // 2)
    ids_col = node_graph_ids.astype(f32)[:, None]
    w1t = W1.reshape((_MAX_DEG + 1) * _H, _D_IN).T.astype(jnp.bfloat16)
    b1r = b1.reshape(1, (_MAX_DEG + 1) * _H)
    w2t = W2.reshape((_MAX_DEG + 1) * _H, _H).T.astype(jnp.bfloat16)
    b2r = b2.reshape(1, (_MAX_DEG + 1) * _H)
    wngt = W_ng.T
    bngr = b_ng.reshape(1, _PRED_H)
    woutt = W_out.T
    boutr = b_out.reshape(1, 1)
    g1 = gamma1.reshape(1, _H)
    be1 = beta1.reshape(1, _H)
    g2 = gamma2.reshape(1, _H)
    be2 = beta2.reshape(1, _H)
    gp = gamma_p.reshape(1, _PRED_H)
    bep = beta_p.reshape(1, _PRED_H)

    agg1p, degp = _make_sc_agg1()(table1, src3a, dst3a)

    wide = (_MAX_DEG + 1) * _H
    h1p, st1 = pl.pallas_call(
        _k1_body,
        grid=(_NB,),
        in_specs=[
            _node_spec(_D_IN), _node_spec(_H), _node_spec(_H),
            pl.BlockSpec((_NS, _BLK), lambda i: (0, i)),
            _const_spec((_D_IN, wide)), _const_spec((1, wide)),
        ],
        out_specs=[_node_spec(_H), _const_spec((2, _H))],
        out_shape=[jax.ShapeDtypeStruct((_N, _H), f32),
                   jax.ShapeDtypeStruct((2, _H), f32)],
    )(feats, agg1p[0], agg1p[1], degp, w1t, b1r)

    agg2p = _make_sc_agg2()(h1p, src3, dst3)[0]

    h2p, st2 = pl.pallas_call(
        _k2_body,
        grid=(_NB,),
        in_specs=[
            _node_spec(_H), _node_spec(_H), _node_spec(_H),
            pl.BlockSpec((_NS, _BLK), lambda i: (0, i)),
            _const_spec((2, _H)), _const_spec((1, _H)), _const_spec((1, _H)),
            _const_spec((_H, wide)), _const_spec((1, wide)),
        ],
        out_specs=[_node_spec(_H), _const_spec((2, _H))],
        out_shape=[jax.ShapeDtypeStruct((_N, _H), f32),
                   jax.ShapeDtypeStruct((2, _H), f32)],
    )(h1p, agg2p[0], agg2p[1], degp, st1, g1, be1, w2t, b2r)

    psum, pcnt, pmax, pmin, st3 = pl.pallas_call(
        _k3_body,
        grid=(_NB,),
        in_specs=[
            _node_spec(_H), _node_spec(1),
            _const_spec((2, _H)), _const_spec((1, _H)), _const_spec((1, _H)),
            _const_spec((_H, _PRED_H)), _const_spec((1, _PRED_H)),
        ],
        out_specs=[_const_spec((_B, _PRED_H)), _const_spec((_B, 1)),
                   _const_spec((_B, _PRED_H)), _const_spec((_B, _PRED_H)),
                   _const_spec((2, _PRED_H))],
        out_shape=[jax.ShapeDtypeStruct((_B, _PRED_H), f32),
                   jax.ShapeDtypeStruct((_B, 1), f32),
                   jax.ShapeDtypeStruct((_B, _PRED_H), f32),
                   jax.ShapeDtypeStruct((_B, _PRED_H), f32),
                   jax.ShapeDtypeStruct((2, _PRED_H), f32)],
    )(h2p, ids_col, st2, g2, be2, wngt, bngr)

    out = pl.pallas_call(
        _k4_body,
        out_shape=jax.ShapeDtypeStruct((_B, 1), f32),
    )(psum, pcnt, pmax, pmin, st3, gp, bep, woutt, boutr)
    return out

# --- scband reference (transcript-rebuilt; emitter-appended) ---
"""Pipeline reference for scband-nfpredictor-3229815407279 (READ-ONLY COPY).

The authoritative reference and input builder live on the scoring server;
editing this copy changes nothing except your own understanding.
"""

import jax, jax.numpy as jnp
import numpy as np

N = 10000
E = 320000
D_IN = 128
H = 64
MAX_DEG = 10
PRED_H = 128
B = 64
N_TASKS = 1


def setup_inputs(seed: int = 0):
    key = jax.random.key(seed)
    ks = jax.random.split(key, 12)
    feats = jax.random.normal(ks[0], (N, D_IN), dtype=jnp.float32)
    edge_index = jax.random.randint(ks[1], (2, E), 0, N, dtype=jnp.int32)
    node_graph_ids = jnp.sort(jax.random.randint(ks[2], (N,), 0, B, dtype=jnp.int32))
    s1 = 1.0 / np.sqrt(D_IN)
    s2 = 1.0 / np.sqrt(H)
    so = 1.0 / np.sqrt(2 * PRED_H)
    W1 = jax.random.uniform(ks[3], (MAX_DEG + 1, H, D_IN), jnp.float32, -s1, s1)
    b1 = jax.random.uniform(ks[4], (MAX_DEG + 1, H), jnp.float32, -s1, s1)
    gamma1 = jnp.ones((H,), jnp.float32)
    beta1 = jnp.zeros((H,), jnp.float32)
    W2 = jax.random.uniform(ks[5], (MAX_DEG + 1, H, H), jnp.float32, -s2, s2)
    b2 = jax.random.uniform(ks[6], (MAX_DEG + 1, H), jnp.float32, -s2, s2)
    gamma2 = jnp.ones((H,), jnp.float32)
    beta2 = jnp.zeros((H,), jnp.float32)
    W_ng = jax.random.uniform(ks[7], (PRED_H, H), jnp.float32, -s2, s2)
    b_ng = jax.random.uniform(ks[8], (PRED_H,), jnp.float32, -s2, s2)
    gamma_p = jnp.ones((PRED_H,), jnp.float32)
    beta_p = jnp.zeros((PRED_H,), jnp.float32)
    W_out = jax.random.uniform(ks[9], (N_TASKS, 2 * PRED_H), jnp.float32, -so, so)
    b_out = jax.random.uniform(ks[10], (N_TASKS,), jnp.float32, -so, so)
    return {
        'feats': feats, 'edge_index': edge_index, 'node_graph_ids': node_graph_ids,
        'W1': W1, 'b1': b1, 'gamma1': gamma1, 'beta1': beta1,
        'W2': W2, 'b2': b2, 'gamma2': gamma2, 'beta2': beta2,
        'W_ng': W_ng, 'b_ng': b_ng, 'gamma_p': gamma_p, 'beta_p': beta_p,
        'W_out': W_out, 'b_out': b_out,
    }


def _batchnorm(x, gamma, beta):
    mean = jnp.mean(x, axis=0)
    var = jnp.var(x, axis=0)
    return (x - mean) / jnp.sqrt(var + 1e-5) * gamma + beta


def _nf_layer(feats, src, dst, deg, W, b, gamma, beta):
    # message passing: sum neighbor features into dst, add self features (NF fingerprint update)
    agg = jnp.zeros((feats.shape[0], feats.shape[1]), feats.dtype).at[dst].add(feats[src])
    h = feats + agg
    # degree-specific linear transform (degrees clamped to max_degree)
    all_out = jnp.einsum('ni,doi->ndo', h, W) + b[None, :, :]
    onehot = (deg[:, None] == jnp.arange(W.shape[0])[None, :]).astype(h.dtype)
    out = jnp.einsum('nd,ndo->no', onehot, all_out)
    out = jax.nn.relu(out)
    return _batchnorm(out, gamma, beta)


def reference(feats, edge_index, node_graph_ids, W1, b1, gamma1, beta1, W2, b2, gamma2, beta2, W_ng, b_ng, gamma_p, beta_p, W_out, b_out):
    src = edge_index[0]
    dst = edge_index[1]
    deg = jnp.clip(jnp.bincount(dst, length=feats.shape[0]), 0, MAX_DEG)
    h = _nf_layer(feats, src, dst, deg, W1, b1, gamma1, beta1)
    h = _nf_layer(h, src, dst, deg, W2, b2, gamma2, beta2)
    h = h @ W_ng.T + b_ng
    h = _batchnorm(h, gamma_p, beta_p)
    sum_pool = jax.ops.segment_sum(h, node_graph_ids, num_segments=B)
    max_pool = jax.ops.segment_max(h, node_graph_ids, num_segments=B)
    g = jnp.concatenate([sum_pool, max_pool], axis=1)
    g = jnp.tanh(g)
    return g @ W_out.T + b_out


if False:  # reference __main__ guard neutralized (emitter)
    out = reference(**setup_inputs())
    print(out.shape)

if __name__ == "__main__":
    import jax
    _d = setup_inputs()
    print(jax.jit(kernel)(*tuple(_d.values())))

</pallas_src>

<mosaic_0001>
#map = affine_map<(d0, d1) -> (0, 0)>
#map1 = affine_map<(d0, d1) -> (0, 0, 0)>
module attributes {stable_mosaic.version = 14 : i64} {
  func.func @body(%arg0: i32, %arg1: i32, %arg2: memref<20000x64xf32, #tpu.memory_space<hbm>>, %arg3: memref<16x250x80xi32, #tpu.memory_space<hbm>>, %arg4: memref<16x250x80xi32, #tpu.memory_space<hbm>>, %arg5: memref<2x10000x64xf32, #tpu.memory_space<hbm>>, %arg6: memref<16x10000xf32, #tpu.memory_space<hbm>>, %arg7: memref<250x80xi32, #tpu.memory_space<vmem>>, %arg8: memref<250x80xi32, #tpu.memory_space<vmem>>, %arg9: memref<250x80xi32, #tpu.memory_space<vmem>>, %arg10: memref<4x80x64xf32, #tpu.memory_space<vmem>>, %arg11: memref<10000xf32, #tpu.memory_space<vmem>>, %arg12: memref<10000x64xf32, #tpu.memory_space<vmem_shared>>, %arg13: memref<!tpu.dma_semaphore, #tpu.memory_space<semaphore_mem>>, %arg14: memref<!tpu.dma_semaphore, #tpu.memory_space<semaphore_mem>>, %arg15: memref<!tpu.dma_semaphore, #tpu.memory_space<semaphore_mem>>, %arg16: memref<!tpu.dma_semaphore, #tpu.memory_space<semaphore_mem>>, %arg17: memref<!tpu.dma_semaphore, #tpu.memory_space<semaphore_mem>>, %arg18: memref<!tpu.dma_semaphore, #tpu.memory_space<semaphore_mem>>, %arg19: memref<!tpu.dma_semaphore, #tpu.memory_space<semaphore_mem>>, %arg20: memref<!tpu.dma_semaphore, #tpu.memory_space<semaphore_mem>>) attributes {dimension_semantics = [#tpu.dimension_semantics<core_parallel>, #tpu.dimension_semantics<subcore_parallel>], iteration_bounds = array<i64: 2, 16>, scalar_prefetch = 0 : i64, scratch_operands = 14 : i64, tpu.core_type = #tpu.core_type<sc_vector_subcore>, window_params = [{transform_indices = #map}, {transform_indices = #map1}, {transform_indices = #map1}, {transform_indices = #map1}, {transform_indices = #map}]} {
    "tpu.region"() ({
      %run_scoped3A_178 = tpu.sem_alloc : memref<!tpu.dma_semaphore, #tpu.memory_space<semaphore_mem>>
      %dma_start3A_179 = arith.constant 0 : i32
      %dma_start3A_180 = arith.constant 0 : i32
      %dma_start3A_181 = tpu.memref_slice %arg3[%arg1, %dma_start3A_179, %dma_start3A_180] : memref<16x250x80xi32, #tpu.memory_space<hbm>> -> memref<1x250x80xi32, #tpu.memory_space<hbm>>
      %dma_start3A_182 = tpu.memref_squeeze %dma_start3A_181 : memref<1x250x80xi32, #tpu.memory_space<hbm>> -> memref<250x80xi32, #tpu.memory_space<hbm>>
      %dma_start3A_183 = arith.constant 0 : i32
      %dma_start3A_184 = arith.constant 0 : i32
      %dma_start3A_185 = tpu.memref_slice %arg3[%arg1, %dma_start3A_183, %dma_start3A_184] : memref<16x250x80xi32, #tpu.memory_space<hbm>> -> memref<1x250x80xi32, #tpu.memory_space<hbm>>
      %dma_start3A_186 = tpu.memref_squeeze %dma_start3A_185 : memref<1x250x80xi32, #tpu.memory_space<hbm>> -> memref<250x80xi32, #tpu.memory_space<hbm>>
      tpu.enqueue_dma source(%dma_start3A_186 : memref<250x80xi32, #tpu.memory_space<hbm>>) target(%arg7 : memref<250x80xi32, #tpu.memory_space<vmem>>) target_semaphore(%run_scoped3A_178 : memref<!tpu.dma_semaphore, #tpu.memory_space<semaphore_mem>>)
      %dma_wait3A_187 = arith.constant 0 : i32
      %dma_wait3A_188 = arith.constant 0 : i32
      %dma_wait3A_189 = tpu.memref_slice %arg3[%arg1, %dma_wait3A_187, %dma_wait3A_188] : memref<16x250x80xi32, #tpu.memory_space<hbm>> -> memref<1x250x80xi32, #tpu.memory_space<hbm>>
      %dma_wait3A_190 = tpu.memref_squeeze %dma_wait3A_189 : memref<1x250x80xi32, #tpu.memory_space<hbm>> -> memref<250x80xi32, #tpu.memory_space<hbm>>
      %dma_wait3A_191 = arith.constant 0 : i32
      %dma_wait3A_192 = arith.constant 0 : i32
      %dma_wait3A_193 = tpu.memref_slice %arg3[%arg1, %dma_wait3A_191, %dma_wait3A_192] : memref<16x250x80xi32, #tpu.memory_space<hbm>> -> memref<1x250x80xi32, #tpu.memory_space<hbm>>
      %dma_wait3A_194 = tpu.memref_squeeze %dma_wait3A_193 : memref<1x250x80xi32, #tpu.memory_space<hbm>> -> memref<250x80xi32, #tpu.memory_space<hbm>>
      tpu.wait_dma2 semaphore(%run_scoped3A_178 : memref<!tpu.dma_semaphore, #tpu.memory_space<semaphore_mem>>) src(%dma_wait3A_194 : memref<250x80xi32, #tpu.memory_space<hbm>>) dst(%arg7 : memref<250x80xi32, #tpu.memory_space<vmem>>)
      tpu.yield
    }) : () -> ()
    "tpu.region"() ({
      %run_scoped3A_178 = tpu.sem_alloc : memref<!tpu.dma_semaphore, #tpu.memory_space<semaphore_mem>>
      %dma_start3A_179 = arith.constant 0 : i32
      %dma_start3A_180 = arith.constant 0 : i32
      %dma_start3A_181 = tpu.memref_slice %arg4[%arg1, %dma_start3A_179, %dma_start3A_180] : memref<16x250x80xi32, #tpu.memory_space<hbm>> -> memref<1x250x80xi32, #tpu.memory_space<hbm>>
      %dma_start3A_182 = tpu.memref_squeeze %dma_start3A_181 : memref<1x250x80xi32, #tpu.memory_space<hbm>> -> memref<250x80xi32, #tpu.memory_space<hbm>>
      %dma_start3A_183 = arith.constant 0 : i32
      %dma_start3A_184 = arith.constant 0 : i32
      %dma_start3A_185 = tpu.memref_slice %arg4[%arg1, %dma_start3A_183, %dma_start3A_184] : memref<16x250x80xi32, #tpu.memory_space<hbm>> -> memref<1x250x80xi32, #tpu.memory_space<hbm>>
      %dma_start3A_186 = tpu.memref_squeeze %dma_start3A_185 : memref<1x250x80xi32, #tpu.memory_space<hbm>> -> memref<250x80xi32, #tpu.memory_space<hbm>>
      tpu.enqueue_dma source(%dma_start3A_186 : memref<250x80xi32, #tpu.memory_space<hbm>>) target(%arg9 : memref<250x80xi32, #tpu.memory_space<vmem>>) target_semaphore(%run_scoped3A_178 : memref<!tpu.dma_semaphore, #tpu.memory_space<semaphore_mem>>)
      %dma_wait3A_187 = arith.constant 0 : i32
      %dma_wait3A_188 = arith.constant 0 : i32
      %dma_wait3A_189 = tpu.memref_slice %arg4[%arg1, %dma_wait3A_187, %dma_wait3A_188] : memref<16x250x80xi32, #tpu.memory_space<hbm>> -> memref<1x250x80xi32, #tpu.memory_space<hbm>>
      %dma_wait3A_190 = tpu.memref_squeeze %dma_wait3A_189 : memref<1x250x80xi32, #tpu.memory_space<hbm>> -> memref<250x80xi32, #tpu.memory_space<hbm>>
      %dma_wait3A_191 = arith.constant 0 : i32
      %dma_wait3A_192 = arith.constant 0 : i32
      %dma_wait3A_193 = tpu.memref_slice %arg4[%arg1, %dma_wait3A_191, %dma_wait3A_192] : memref<16x250x80xi32, #tpu.memory_space<hbm>> -> memref<1x250x80xi32, #tpu.memory_space<hbm>>
      %dma_wait3A_194 = tpu.memref_squeeze %dma_wait3A_193 : memref<1x250x80xi32, #tpu.memory_space<hbm>> -> memref<250x80xi32, #tpu.memory_space<hbm>>
      tpu.wait_dma2 semaphore(%run_scoped3A_178 : memref<!tpu.dma_semaphore, #tpu.memory_space<semaphore_mem>>) src(%dma_wait3A_194 : memref<250x80xi32, #tpu.memory_space<hbm>>) dst(%arg9 : memref<250x80xi32, #tpu.memory_space<vmem>>)
      tpu.yield
    }) : () -> ()
    %scan3A = arith.constant 0 : i32
    %scan3A_0 = arith.constant 0 : i32
    %scan3A_1 = arith.constant 250 : i32
    %scan3A_2 = arith.addi %scan3A_0, %scan3A_1 : i32
    %scan3A_3 = arith.constant 1 : i32
    %scan3A_4 = scf.for %scan3A_178 = %scan3A_0 to %scan3A_2 step %scan3A_3 iter_args(%scan3A_179 = %scan3A) -> (i32)  : i32 {
      %get3A = arith.index_cast %scan3A_178 : i32 to index
      %get3A_180 = arith.constant 0 : index
      %get3A_181 = tpu.vector_load %arg7[%get3A, %get3A_180] {strides = array<i32>} : memref<250x80xi32, #tpu.memory_space<vmem>>, vector<16xi32>,
      %mul3A_182 = arith.constant 2 : i32
      %mul3A_183 = vector.broadcast %mul3A_182 : i32 to vector<16xi32>
      %mul3A_184 = arith.muli %get3A_181, %mul3A_183 : vector<16xi32>
      %add3A_185 = vector.broadcast %arg0 : i32 to vector<16xi32>
      %add3A_186 = arith.addi %mul3A_184, %add3A_185 : vector<16xi32>
      %swap3A = arith.index_cast %scan3A_178 : i32 to index
      %swap3A_187 = arith.constant 0 : index
      %swap3A_188 = tpu.vector_load %arg8[%swap3A, %swap3A_187] {strides = array<i32>} : memref<250x80xi32, #tpu.memory_space<vmem>>, vector<16xi32>,
      tpu.vector_store %arg8[%swap3A, %swap3A_187], %add3A_186 {strides = array<i32>} : memref<250x80xi32, #tpu.memory_space<vmem>>, vector<16xi32>,
      %get3A_189 = arith.index_cast %scan3A_178 : i32 to index
      %get3A_190 = arith.constant 16 : index
      %get3A_191 = tpu.vector_load %arg7[%get3A_189, %get3A_190] {strides = array<i32>} : memref<250x80xi32, #tpu.memory_space<vmem>>, vector<16xi32>,
      %mul3A_192 = arith.constant 2 : i32
      %mul3A_193 = vector.broadcast %mul3A_192 : i32 to vector<16xi32>
      %mul3A_194 = arith.muli %get3A_191, %mul3A_193 : vector<16xi32>
      %add3A_195 = vector.broadcast %arg0 : i32 to vector<16xi32>
      %add3A_196 = arith.addi %mul3A_194, %add3A_195 : vector<16xi32>
      %swap3A_197 = arith.index_cast %scan3A_178 : i32 to index
      %swap3A_198 = arith.constant 16 : index
      %swap3A_199 = tpu.vector_load %arg8[%swap3A_197, %swap3A_198] {strides = array<i32>} : memref<250x80xi32, #tpu.memory_space<vmem>>, vector<16xi32>,
      tpu.vector_store %arg8[%swap3A_197, %swap3A_198], %add3A_196 {strides = array<i32>} : memref<250x80xi32, #tpu.memory_space<vmem>>, vector<16xi32>,
      %get3A_200 = arith.index_cast %scan3A_178 : i32 to index
      %get3A_201 = arith.constant 32 : index
      %get3A_202 = tpu.vector_load %arg7[%get3A_200, %get3A_201] {strides = array<i32>} : memref<250x80xi32, #tpu.memory_space<vmem>>, vector<16xi32>,
      %mul3A_203 = arith.constant 2 : i32
      %mul3A_204 = vector.broadcast %mul3A_203 : i32 to vector<16xi32>
      %mul3A_205 = arith.muli %get3A_202, %mul3A_204 : vector<16xi32>
      %add3A_206 = vector.broadcast %arg0 : i32 to vector<16xi32>
      %add3A_207 = arith.addi %mul3A_205, %add3A_206 : vector<16xi32>
      %swap3A_208 = arith.index_cast %scan3A_178 : i32 to index
      %swap3A_209 = arith.constant 32 : index
      %swap3A_210 = tpu.vector_load %arg8[%swap3A_208, %swap3A_209] {strides = array<i32>} : memref<250x80xi32, #tpu.memory_space<vmem>>, vector<16xi32>,
      tpu.vector_store %arg8[%swap3A_208, %swap3A_209], %add3A_207 {strides = array<i32>} : memref<250x80xi32, #tpu.memory_space<vmem>>, vector<16xi32>,
      %get3A_211 = arith.index_cast %scan3A_178 : i32 to index
      %get3A_212 = arith.constant 48 : index
      %get3A_213 = tpu.vector_load %arg7[%get3A_211, %get3A_212] {strides = array<i32>} : memref<250x80xi32, #tpu.memory_space<vmem>>, vector<16xi32>,
      %mul3A_214 = arith.constant 2 : i32
      %mul3A_215 = vector.broadcast %mul3A_214 : i32 to vector<16xi32>
      %mul3A_216 = arith.muli %get3A_213, %mul3A_215 : vector<16xi32>
      %add3A_217 = vector.broadcast %arg0 : i32 to vector<16xi32>
      %add3A_218 = arith.addi %mul3A_216, %add3A_217 : vector<16xi32>
      %swap3A_219 = arith.index_cast %scan3A_178 : i32 to index
      %swap3A_220 = arith.constant 48 : index
      %swap3A_221 = tpu.vector_load %arg8[%swap3A_219, %swap3A_220] {strides = array<i32>} : memref<250x80xi32, #tpu.memory_space<vmem>>, vector<16xi32>,
      tpu.vector_store %arg8[%swap3A_219, %swap3A_220], %add3A_218 {strides = array<i32>} : memref<250x80xi32, #tpu.memory_space<vmem>>, vector<16xi32>,
      %get3A_222 = arith.index_cast %scan3A_178 : i32 to index
      %get3A_223 = arith.constant 64 : index
      %get3A_224 = tpu.vector_load %arg7[%get3A_222, %get3A_223] {strides = array<i32>} : memref<250x80xi32, #tpu.memory_space<vmem>>, vector<16xi32>,
      %mul3A_225 = arith.constant 2 : i32
      %mul3A_226 = vector.broadcast %mul3A_225 : i32 to vector<16xi32>
      %mul3A_227 = arith.muli %get3A_224, %mul3A_226 : vector<16xi32>
      %add3A_228 = vector.broadcast %arg0 : i32 to vector<16xi32>
      %add3A_229 = arith.addi %mul3A_227, %add3A_228 : vector<16xi32>
      %swap3A_230 = arith.index_cast %scan3A_178 : i32 to index
      %swap3A_231 = arith.constant 64 : index
      %swap3A_232 = tpu.vector_load %arg8[%swap3A_230, %swap3A_231] {strides = array<i32>} : memref<250x80xi32, #tpu.memory_space<vmem>>, vector<16xi32>,
      tpu.vector_store %arg8[%swap3A_230, %swap3A_231], %add3A_229 {strides = array<i32>} : memref<250x80xi32, #tpu.memory_space<vmem>>, vector<16xi32>,
      %scan3A_233 = arith.constant 0 : i32
      scf.yield %scan3A_233 : i32
    }
    %scan3A_5 = arith.constant 250 : i32
    %broadcast_in_dim3A = arith.constant 0.000000e+00 : f32
    %broadcast_in_dim3A_6 = vector.broadcast %broadcast_in_dim3A : f32 to vector<16xf32>
    %scan3A_7 = arith.constant 0 : i32
    %scan3A_8 = arith.constant 0 : i32
    %scan3A_9 = arith.constant 0 : i32
    %scan3A_10 = arith.constant 80 : i32
    %scan3A_11 = arith.addi %scan3A_9, %scan3A_10 : i32
    %scan3A_12 = arith.constant 1 : i32
    %scan3A_13 = scf.for %scan3A_178 = %scan3A_9 to %scan3A_11 step %scan3A_12 iter_args(%scan3A_179 = %scan3A_8) -> (i32)  : i32 {
      %swap3A = arith.constant 0 : i32
      %swap3A_180 = arith.constant 0 : i32
      %swap3A_181 = tpu.memref_slice %arg10[%scan3A_7, %swap3A, %swap3A_180] : memref<4x80x64xf32, #tpu.memory_space<vmem>> -> memref<1x80x64xf32, #tpu.memory_space<vmem>>
      %swap3A_182 = tpu.memref_squeeze %swap3A_181 : memref<1x80x64xf32, #tpu.memory_space<vmem>> -> memref<80x64xf32, #tpu.memory_space<vmem>>
      %swap3A_183 = arith.index_cast %scan3A_178 : i32 to index
      %swap3A_184 = arith.constant 0 : index
      %swap3A_185 = tpu.vector_load %swap3A_182[%swap3A_183, %swap3A_184] {strides = array<i32>} : memref<80x64xf32, #tpu.memory_space<vmem>>, vector<16xf32>,
      tpu.vector_store %swap3A_182[%swap3A_183, %swap3A_184], %broadcast_in_dim3A_6 {strides = array<i32>} : memref<80x64xf32, #tpu.memory_space<vmem>>, vector<16xf32>,
      %swap3A_186 = arith.constant 0 : i32
      %swap3A_187 = arith.constant 0 : i32
      %swap3A_188 = tpu.memref_slice %arg10[%scan3A_7, %swap3A_186, %swap3A_187] : memref<4x80x64xf32, #tpu.memory_space<vmem>> -> memref<1x80x64xf32, #tpu.memory_space<vmem>>
      %swap3A_189 = tpu.memref_squeeze %swap3A_188 : memref<1x80x64xf32, #tpu.memory_space<vmem>> -> memref<80x64xf32, #tpu.memory_space<vmem>>
      %swap3A_190 = arith.index_cast %scan3A_178 : i32 to index
      %swap3A_191 = arith.constant 16 : index
      %swap3A_192 = tpu.vector_load %swap3A_189[%swap3A_190, %swap3A_191] {strides = array<i32>} : memref<80x64xf32, #tpu.memory_space<vmem>>, vector<16xf32>,
      tpu.vector_store %swap3A_189[%swap3A_190, %swap3A_191], %broadcast_in_dim3A_6 {strides = array<i32>} : memref<80x64xf32, #tpu.memory_space<vmem>>, vector<16xf32>,
      %swap3A_193 = arith.constant 0 : i32
      %swap3A_194 = arith.constant 0 : i32
      %swap3A_195 = tpu.memref_slice %arg10[%scan3A_7, %swap3A_193, %swap3A_194] : memref<4x80x64xf32, #tpu.memory_space<vmem>> -> memref<1x80x64xf32, #tpu.memory_space<vmem>>
      %swap3A_196 = tpu.memref_squeeze %swap3A_195 : memref<1x80x64xf32, #tpu.memory_space<vmem>> -> memref<80x64xf32, #tpu.memory_space<vmem>>
      %swap3A_197 = arith.index_cast %scan3A_178 : i32 to index
      %swap3A_198 = arith.constant 32 : index
      %swap3A_199 = tpu.vector_load %swap3A_196[%swap3A_197, %swap3A_198] {strides = array<i32>} : memref<80x64xf32, #tpu.memory_space<vmem>>, vector<16xf32>,
      tpu.vector_store %swap3A_196[%swap3A_197, %swap3A_198], %broadcast_in_dim3A_6 {strides = array<i32>} : memref<80x64xf32, #tpu.memory_space<vmem>>, vector<16xf32>,
      %swap3A_200 = arith.constant 0 : i32
      %swap3A_201 = arith.constant 0 : i32
      %swap3A_202 = tpu.memref_slice %arg10[%scan3A_7, %swap3A_200, %swap3A_201] : memref<4x80x64xf32, #tpu.memory_space<vmem>> -> memref<1x80x64xf32, #tpu.memory_space<vmem>>
      %swap3A_203 = tpu.memref_squeeze %swap3A_202 : memref<1x80x64xf32, #tpu.memory_space<vmem>> -> memref<80x64xf32, #tpu.memory_space<vmem>>
      %swap3A_204 = arith.index_cast %scan3A_178 : i32 to index
      %swap3A_205 = arith.constant 48 : index
      %swap3A_206 = tpu.vector_load %swap3A_203[%swap3A_204, %swap3A_205] {strides = array<i32>} : memref<80x64xf32, #tpu.memory_space<vmem>>, vector<16xf32>,
      tpu.vector_store %swap3A_203[%swap3A_204, %swap3A_205], %broadcast_in_dim3A_6 {strides = array<i32>} : memref<80x64xf32, #tpu.memory_space<vmem>>, vector<16xf32>,
      %scan3A_207 = arith.constant 0 : i32
      scf.yield %scan3A_207 : i32
    }
    %scan3A_14 = arith.constant 80 : i32
    %mul3A = arith.constant 625 : i32
    %mul3A_15 = arith.muli %arg1, %mul3A : i32
    %add3A = arith.constant 0 : i32
    %add3A_16 = arith.addi %mul3A_15, %add3A : i32
    %run_scoped3A = arith.constant 0 : i32
    "tpu.region"() ({
      %run_scoped3A_178 = tpu.sem_alloc : memref<!tpu.dma_semaphore, #tpu.memory_space<semaphore_mem>>
      %dma_start3A_179 = arith.constant 0 : i32
      %dma_start3A_180 = arith.constant 0 : i32
      %dma_start3A_181 = tpu.memref_slice %arg10[%run_scoped3A, %dma_start3A_179, %dma_start3A_180] : memref<4x80x64xf32, #tpu.memory_space<vmem>> -> memref<1x80x64xf32, #tpu.memory_space<vmem>>
      %dma_start3A_182 = tpu.memref_squeeze %dma_start3A_181 : memref<1x80x64xf32, #tpu.memory_space<vmem>> -> memref<80x64xf32, #tpu.memory_space<vmem>>
      %dma_start3A_183 = arith.constant 0 : i32
      %dma_start3A_184 = tpu.memref_slice %arg12[%add3A_16, %dma_start3A_183] : memref<10000x64xf32, #tpu.memory_space<vmem_shared>> -> memref<80x64xf32, #tpu.memory_space<vmem_shared>>
      %dma_start3A_185 = arith.constant 0 : i32
      %dma_start3A_186 = tpu.memref_slice %arg12[%add3A_16, %dma_start3A_185] : memref<10000x64xf32, #tpu.memory_space<vmem_shared>> -> memref<80x64xf32, #tpu.memory_space<vmem_shared>>
      %dma_start3A_187 = arith.constant 0 : i32
      %dma_start3A_188 = arith.constant 0 : i32
      %dma_start3A_189 = tpu.memref_slice %arg10[%run_scoped3A, %dma_start3A_187, %dma_start3A_188] : memref<4x80x64xf32, #tpu.memory_space<vmem>> -> memref<1x80x64xf32, #tpu.memory_space<vmem>>
      %dma_start3A_190 = tpu.memref_squeeze %dma_start3A_189 : memref<1x80x64xf32, #tpu.memory_space<vmem>> -> memref<80x64xf32, #tpu.memory_space<vmem>>
      tpu.enqueue_dma source(%dma_start3A_190 : memref<80x64xf32, #tpu.memory_space<vmem>>) target(%dma_start3A_186 : memref<80x64xf32, #tpu.memory_space<vmem_shared>>) target_semaphore(%run_scoped3A_178 : memref<!tpu.dma_semaphore, #tpu.memory_space<semaphore_mem>>)
      %dma_wait3A_191 = arith.constant 0 : i32
      %dma_wait3A_192 = arith.constant 0 : i32
      %dma_wait3A_193 = tpu.memref_slice %arg10[%run_scoped3A, %dma_wait3A_191, %dma_wait3A_192] : memref<4x80x64xf32, #tpu.memory_space<vmem>> -> memref<1x80x64xf32, #tpu.memory_space<vmem>>
      %dma_wait3A_194 = tpu.memref_squeeze %dma_wait3A_193 : memref<1x80x64xf32, #tpu.memory_space<vmem>> -> memref<80x64xf32, #tpu.memory_space<vmem>>
      %dma_wait3A_195 = arith.constant 0 : i32
      %dma_wait3A_196 = tpu.memref_slice %arg12[%add3A_16, %dma_wait3A_195] : memref<10000x64xf32, #tpu.memory_space<vmem_shared>> -> memref<80x64xf32, #tpu.memory_space<vmem_shared>>
      %dma_wait3A_197 = arith.constant 0 : i32
      %dma_wait3A_198 = tpu.memref_slice %arg12[%add3A_16, %dma_wait3A_197] : memref<10000x64xf32, #tpu.memory_space<vmem_shared>> -> memref<80x64xf32, #tpu.memory_space<vmem_shared>>
      %dma_wait3A_199 = arith.constant 0 : i32
      %dma_wait3A_200 = arith.constant 0 : i32
      %dma_wait3A_201 = tpu.memref_slice %arg10[%run_scoped3A, %dma_wait3A_199, %dma_wait3A_200] : memref<4x80x64xf32, #tpu.memory_space<vmem>> -> memref<1x80x64xf32, #tpu.memory_space<vmem>>
      %dma_wait3A_202 = tpu.memref_squeeze %dma_wait3A_201 : memref<1x80x64xf32, #tpu.memory_space<vmem>> -> memref<80x64xf32, #tpu.memory_space<vmem>>
      tpu.wait_dma2 semaphore(%run_scoped3A_178 : memref<!tpu.dma_semaphore, #tpu.memory_space<semaphore_mem>>) src(%dma_wait3A_202 : memref<80x64xf32, #tpu.memory_space<vmem>>) dst(%dma_wait3A_198 : memref<80x64xf32, #tpu.memory_space<vmem_shared>>)
      tpu.yield
    }) : () -> ()
    %mul3A_17 = arith.constant 625 : i32
    %mul3A_18 = arith.muli %arg1, %mul3A_17 : i32
    %add3A_19 = arith.constant 80 : i32
    %add3A_20 = arith.addi %mul3A_18, %add3A_19 : i32
    %run_scoped3A_21 = arith.constant 0 : i32
    "tpu.region"() ({
      %run_scoped3A_178 = tpu.sem_alloc : memref<!tpu.dma_semaphore, #tpu.memory_space<semaphore_mem>>
      %dma_start3A_179 = arith.constant 0 : i32
      %dma_start3A_180 = arith.constant 0 : i32
      %dma_start3A_181 = tpu.memref_slice %arg10[%run_scoped3A_21, %dma_start3A_179, %dma_start3A_180] : memref<4x80x64xf32, #tpu.memory_space<vmem>> -> memref<1x80x64xf32, #tpu.memory_space<vmem>>
      %dma_start3A_182 = tpu.memref_squeeze %dma_start3A_181 : memref<1x80x64xf32, #tpu.memory_space<vmem>> -> memref<80x64xf32, #tpu.memory_space<vmem>>
      %dma_start3A_183 = arith.constant 0 : i32
      %dma_start3A_184 = tpu.memref_slice %arg12[%add3A_20, %dma_start3A_183] : memref<10000x64xf32, #tpu.memory_space<vmem_shared>> -> memref<80x64xf32, #tpu.memory_space<vmem_shared>>
      %dma_start3A_185 = arith.constant 0 : i32
      %dma_start3A_186 = tpu.memref_slice %arg12[%add3A_20, %dma_start3A_185] : memref<10000x64xf32, #tpu.memory_space<vmem_shared>> -> memref<80x64xf32, #tpu.memory_space<vmem_shared>>
      %dma_start3A_187 = arith.constant 0 : i32
      %dma_start3A_188 = arith.constant 0 : i32
      %dma_start3A_189 = tpu.memref_slice %arg10[%run_scoped3A_21, %dma_start3A_187, %dma_start3A_188] : memref<4x80x64xf32, #tpu.memory_space<vmem>> -> memref<1x80x64xf32, #tpu.memory_space<vmem>>
      %dma_start3A_190 = tpu.memref_squeeze %dma_start3A_189 : memref<1x80x64xf32, #tpu.memory_space<vmem>> -> memref<80x64xf32, #tpu.memory_space<vmem>>
      tpu.enqueue_dma source(%dma_start3A_190 : memref<80x64xf32, #tpu.memory_space<vmem>>) target(%dma_start3A_186 : memref<80x64xf32, #tpu.memory_space<vmem_shared>>) target_semaphore(%run_scoped3A_178 : memref<!tpu.dma_semaphore, #tpu.memory_space<semaphore_mem>>)
      %dma_wait3A_191 = arith.constant 0 : i32
      %dma_wait3A_192 = arith.constant 0 : i32
      %dma_wait3A_193 = tpu.memref_slice %arg10[%run_scoped3A_21, %dma_wait3A_191, %dma_wait3A_192] : memref<4x80x64xf32, #tpu.memory_space<vmem>> -> memref<1x80x64xf32, #tpu.memory_space<vmem>>
      %dma_wait3A_194 = tpu.memref_squeeze %dma_wait3A_193 : memref<1x80x64xf32, #tpu.memory_space<vmem>> -> memref<80x64xf32, #tpu.memory_space<vmem>>
      %dma_wait3A_195 = arith.constant 0 : i32
      %dma_wait3A_196 = tpu.memref_slice %arg12[%add3A_20, %dma_wait3A_195] : memref<10000x64xf32, #tpu.memory_space<vmem_shared>> -> memref<80x64xf32, #tpu.memory_space<vmem_shared>>
      %dma_wait3A_197 = arith.constant 0 : i32
      %dma_wait3A_198 = tpu.memref_slice %arg12[%add3A_20, %dma_wait3A_197] : memref<10000x64xf32, #tpu.memory_space<vmem_shared>> -> memref<80x64xf32, #tpu.memory_space<vmem_shared>>
      %dma_wait3A_199 = arith.constant 0 : i32
      %dma_wait3A_200 = arith.constant 0 : i32
      %dma_wait3A_201 = tpu.memref_slice %arg10[%run_scoped3A_21, %dma_wait3A_199, %dma_wait3A_200] : memref<4x80x64xf32, #tpu.memory_space<vmem>> -> memref<1x80x64xf32, #tpu.memory_space<vmem>>
      %dma_wait3A_202 = tpu.memref_squeeze %dma_wait3A_201 : memref<1x80x64xf32, #tpu.memory_space<vmem>> -> memref<80x64xf32, #tpu.memory_space<vmem>>
      tpu.wait_dma2 semaphore(%run_scoped3A_178 : memref<!tpu.dma_semaphore, #tpu.memory_space<semaphore_mem>>) src(%dma_wait3A_202 : memref<80x64xf32, #tpu.memory_space<vmem>>) dst(%dma_wait3A_198 : memref<80x64xf32, #tpu.memory_space<vmem_shared>>)
      tpu.yield
    }) : () -> ()
    %mul3A_22 = arith.constant 625 : i32
    %mul3A_23 = arith.muli %arg1, %mul3A_22 : i32
    %add3A_24 = arith.constant 160 : i32
    %add3A_25 = arith.addi %mul3A_23, %add3A_24 : i32
    %run_scoped3A_26 = arith.constant 0 : i32
    "tpu.region"() ({
      %run_scoped3A_178 = tpu.sem_alloc : memref<!tpu.dma_semaphore, #tpu.memory_space<semaphore_mem>>
      %dma_start3A_179 = arith.constant 0 : i32
      %dma_start3A_180 = arith.constant 0 : i32
      %dma_start3A_181 = tpu.memref_slice %arg10[%run_scoped3A_26, %dma_start3A_179, %dma_start3A_180] : memref<4x80x64xf32, #tpu.memory_space<vmem>> -> memref<1x80x64xf32, #tpu.memory_space<vmem>>
      %dma_start3A_182 = tpu.memref_squeeze %dma_start3A_181 : memref<1x80x64xf32, #tpu.memory_space<vmem>> -> memref<80x64xf32, #tpu.memory_space<vmem>>
      %dma_start3A_183 = arith.constant 0 : i32
      %dma_start3A_184 = tpu.memref_slice %arg12[%add3A_25, %dma_start3A_183] : memref<10000x64xf32, #tpu.memory_space<vmem_shared>> -> memref<80x64xf32, #tpu.memory_space<vmem_shared>>
      %dma_start3A_185 = arith.constant 0 : i32
      %dma_start3A_186 = tpu.memref_slice %arg12[%add3A_25, %dma_start3A_185] : memref<10000x64xf32, #tpu.memory_space<vmem_shared>> -> memref<80x64xf32, #tpu.memory_space<vmem_shared>>
      %dma_start3A_187 = arith.constant 0 : i32
      %dma_start3A_188 = arith.constant 0 : i32
      %dma_start3A_189 = tpu.memref_slice %arg10[%run_scoped3A_26, %dma_start3A_187, %dma_start3A_188] : memref<4x80x64xf32, #tpu.memory_space<vmem>> -> memref<1x80x64xf32, #tpu.memory_space<vmem>>
      %dma_start3A_190 = tpu.memref_squeeze %dma_start3A_189 : memref<1x80x64xf32, #tpu.memory_space<vmem>> -> memref<80x64xf32, #tpu.memory_space<vmem>>
      tpu.enqueue_dma source(%dma_start3A_190 : memref<80x64xf32, #tpu.memory_space<vmem>>) target(%dma_start3A_186 : memref<80x64xf32, #tpu.memory_space<vmem_shared>>) target_semaphore(%run_scoped3A_178 : memref<!tpu.dma_semaphore, #tpu.memory_space<semaphore_mem>>)
      %dma_wait3A_191 = arith.constant 0 : i32
      %dma_wait3A_192 = arith.constant 0 : i32
      %dma_wait3A_193 = tpu.memref_slice %arg10[%run_scoped3A_26, %dma_wait3A_191, %dma_wait3A_192] : memref<4x80x64xf32, #tpu.memory_space<vmem>> -> memref<1x80x64xf32, #tpu.memory_space<vmem>>
      %dma_wait3A_194 = tpu.memref_squeeze %dma_wait3A_193 : memref<1x80x64xf32, #tpu.memory_space<vmem>> -> memref<80x64xf32, #tpu.memory_space<vmem>>
      %dma_wait3A_195 = arith.constant 0 : i32
      %dma_wait3A_196 = tpu.memref_slice %arg12[%add3A_25, %dma_wait3A_195] : memref<10000x64xf32, #tpu.memory_space<vmem_shared>> -> memref<80x64xf32, #tpu.memory_space<vmem_shared>>
      %dma_wait3A_197 = arith.constant 0 : i32
      %dma_wait3A_198 = tpu.memref_slice %arg12[%add3A_25, %dma_wait3A_197] : memref<10000x64xf32, #tpu.memory_space<vmem_shared>> -> memref<80x64xf32, #tpu.memory_space<vmem_shared>>
      %dma_wait3A_199 = arith.constant 0 : i32
      %dma_wait3A_200 = arith.constant 0 : i32
      %dma_wait3A_201 = tpu.memref_slice %arg10[%run_scoped3A_26, %dma_wait3A_199, %dma_wait3A_200] : memref<4x80x64xf32, #tpu.memory_space<vmem>> -> memref<1x80x64xf32, #tpu.memory_space<vmem>>
      %dma_wait3A_202 = tpu.memref_squeeze %dma_wait3A_201 : memref<1x80x64xf32, #tpu.memory_space<vmem>> -> memref<80x64xf32, #tpu.memory_space<vmem>>
      tpu.wait_dma2 semaphore(%run_scoped3A_178 : memref<!tpu.dma_semaphore, #tpu.memory_space<semaphore_mem>>) src(%dma_wait3A_202 : memref<80x64xf32, #tpu.memory_space<vmem>>) dst(%dma_wait3A_198 : memref<80x64xf32, #tpu.memory_space<vmem_shared>>)
      tpu.yield
    }) : () -> ()
    %mul3A_27 = arith.constant 625 : i32
    %mul3A_28 = arith.muli %arg1, %mul3A_27 : i32
    %add3A_29 = arith.constant 240 : i32
    %add3A_30 = arith.addi %mul3A_28, %add3A_29 : i32
    %run_scoped3A_31 = arith.constant 0 : i32
    "tpu.region"() ({
      %run_scoped3A_178 = tpu.sem_alloc : memref<!tpu.dma_semaphore, #tpu.memory_space<semaphore_mem>>
      %dma_start3A_179 = arith.constant 0 : i32
      %dma_start3A_180 = arith.constant 0 : i32
      %dma_start3A_181 = tpu.memref_slice %arg10[%run_scoped3A_31, %dma_start3A_179, %dma_start3A_180] : memref<4x80x64xf32, #tpu.memory_space<vmem>> -> memref<1x80x64xf32, #tpu.memory_space<vmem>>
      %dma_start3A_182 = tpu.memref_squeeze %dma_start3A_181 : memref<1x80x64xf32, #tpu.memory_space<vmem>> -> memref<80x64xf32, #tpu.memory_space<vmem>>
      %dma_start3A_183 = arith.constant 0 : i32
      %dma_start3A_184 = tpu.memref_slice %arg12[%add3A_30, %dma_start3A_183] : memref<10000x64xf32, #tpu.memory_space<vmem_shared>> -> memref<80x64xf32, #tpu.memory_space<vmem_shared>>
      %dma_start3A_185 = arith.constant 0 : i32
      %dma_start3A_186 = tpu.memref_slice %arg12[%add3A_30, %dma_start3A_185] : memref<10000x64xf32, #tpu.memory_space<vmem_shared>> -> memref<80x64xf32, #tpu.memory_space<vmem_shared>>
      %dma_start3A_187 = arith.constant 0 : i32
      %dma_start3A_188 = arith.constant 0 : i32
      %dma_start3A_189 = tpu.memref_slice %arg10[%run_scoped3A_31, %dma_start3A_187, %dma_start3A_188] : memref<4x80x64xf32, #tpu.memory_space<vmem>> -> memref<1x80x64xf32, #tpu.memory_space<vmem>>
      %dma_start3A_190 = tpu.memref_squeeze %dma_start3A_189 : memref<1x80x64xf32, #tpu.memory_space<vmem>> -> memref<80x64xf32, #tpu.memory_space<vmem>>
      tpu.enqueue_dma source(%dma_start3A_190 : memref<80x64xf32, #tpu.memory_space<vmem>>) target(%dma_start3A_186 : memref<80x64xf32, #tpu.memory_space<vmem_shared>>) target_semaphore(%run_scoped3A_178 : memref<!tpu.dma_semaphore, #tpu.memory_space<semaphore_mem>>)
      %dma_wait3A_191 = arith.constant 0 : i32
      %dma_wait3A_192 = arith.constant 0 : i32
      %dma_wait3A_193 = tpu.memref_slice %arg10[%run_scoped3A_31, %dma_wait3A_191, %dma_wait3A_192] : memref<4x80x64xf32, #tpu.memory_space<vmem>> -> memref<1x80x64xf32, #tpu.memory_space<vmem>>
      %dma_wait3A_194 = tpu.memref_squeeze %dma_wait3A_193 : memref<1x80x64xf32, #tpu.memory_space<vmem>> -> memref<80x64xf32, #tpu.memory_space<vmem>>
      %dma_wait3A_195 = arith.constant 0 : i32
      %dma_wait3A_196 = tpu.memref_slice %arg12[%add3A_30, %dma_wait3A_195] : memref<10000x64xf32, #tpu.memory_space<vmem_shared>> -> memref<80x64xf32, #tpu.memory_space<vmem_shared>>
      %dma_wait3A_197 = arith.constant 0 : i32
      %dma_wait3A_198 = tpu.memref_slice %arg12[%add3A_30, %dma_wait3A_197] : memref<10000x64xf32, #tpu.memory_space<vmem_shared>> -> memref<80x64xf32, #tpu.memory_space<vmem_shared>>
      %dma_wait3A_199 = arith.constant 0 : i32
      %dma_wait3A_200 = arith.constant 0 : i32
      %dma_wait3A_201 = tpu.memref_slice %arg10[%run_scoped3A_31, %dma_wait3A_199, %dma_wait3A_200] : memref<4x80x64xf32, #tpu.memory_space<vmem>> -> memref<1x80x64xf32, #tpu.memory_space<vmem>>
      %dma_wait3A_202 = tpu.memref_squeeze %dma_wait3A_201 : memref<1x80x64xf32, #tpu.memory_space<vmem>> -> memref<80x64xf32, #tpu.memory_space<vmem>>
      tpu.wait_dma2 semaphore(%run_scoped3A_178 : memref<!tpu.dma_semaphore, #tpu.memory_space<semaphore_mem>>) src(%dma_wait3A_202 : memref<80x64xf32, #tpu.memory_space<vmem>>) dst(%dma_wait3A_198 : memref<80x64xf32, #tpu.memory_space<vmem_shared>>)
      tpu.yield
    }) : () -> ()
    %mul3A_32 = arith.constant 625 : i32
    %mul3A_33 = arith.muli %arg1, %mul3A_32 : i32
    %add3A_34 = arith.constant 320 : i32
    %add3A_35 = arith.addi %mul3A_33, %add3A_34 : i32
    %run_scoped3A_36 = arith.constant 0 : i32
    "tpu.region"() ({
      %run_scoped3A_178 = tpu.sem_alloc : memref<!tpu.dma_semaphore, #tpu.memory_space<semaphore_mem>>
      %dma_start3A_179 = arith.constant 0 : i32
      %dma_start3A_180 = arith.constant 0 : i32
      %dma_start3A_181 = tpu.memref_slice %arg10[%run_scoped3A_36, %dma_start3A_179, %dma_start3A_180] : memref<4x80x64xf32, #tpu.memory_space<vmem>> -> memref<1x80x64xf32, #tpu.memory_space<vmem>>
      %dma_start3A_182 = tpu.memref_squeeze %dma_start3A_181 : memref<1x80x64xf32, #tpu.memory_space<vmem>> -> memref<80x64xf32, #tpu.memory_space<vmem>>
      %dma_start3A_183 = arith.constant 0 : i32
      %dma_start3A_184 = tpu.memref_slice %arg12[%add3A_35, %dma_start3A_183] : memref<10000x64xf32, #tpu.memory_space<vmem_shared>> -> memref<80x64xf32, #tpu.memory_space<vmem_shared>>
      %dma_start3A_185 = arith.constant 0 : i32
      %dma_start3A_186 = tpu.memref_slice %arg12[%add3A_35, %dma_start3A_185] : memref<10000x64xf32, #tpu.memory_space<vmem_shared>> -> memref<80x64xf32, #tpu.memory_space<vmem_shared>>
      %dma_start3A_187 = arith.constant 0 : i32
      %dma_start3A_188 = arith.constant 0 : i32
      %dma_start3A_189 = tpu.memref_slice %arg10[%run_scoped3A_36, %dma_start3A_187, %dma_start3A_188] : memref<4x80x64xf32, #tpu.memory_space<vmem>> -> memref<1x80x64xf32, #tpu.memory_space<vmem>>
      %dma_start3A_190 = tpu.memref_squeeze %dma_start3A_189 : memref<1x80x64xf32, #tpu.memory_space<vmem>> -> memref<80x64xf32, #tpu.memory_space<vmem>>
      tpu.enqueue_dma source(%dma_start3A_190 : memref<80x64xf32, #tpu.memory_space<vmem>>) target(%dma_start3A_186 : memref<80x64xf32, #tpu.memory_space<vmem_shared>>) target_semaphore(%run_scoped3A_178 : memref<!tpu.dma_semaphore, #tpu.memory_space<semaphore_mem>>)
      %dma_wait3A_191 = arith.constant 0 : i32
      %dma_wait3A_192 = arith.constant 0 : i32
      %dma_wait3A_193 = tpu.memref_slice %arg10[%run_scoped3A_36, %dma_wait3A_191, %dma_wait3A_192] : memref<4x80x64xf32, #tpu.memory_space<vmem>> -> memref<1x80x64xf32, #tpu.memory_space<vmem>>
      %dma_wait3A_194 = tpu.memref_squeeze %dma_wait3A_193 : memref<1x80x64xf32, #tpu.memory_space<vmem>> -> memref<80x64xf32, #tpu.memory_space<vmem>>
      %dma_wait3A_195 = arith.constant 0 : i32
      %dma_wait3A_196 = tpu.memref_slice %arg12[%add3A_35, %dma_wait3A_195] : memref<10000x64xf32, #tpu.memory_space<vmem_shared>> -> memref<80x64xf32, #tpu.memory_space<vmem_shared>>
      %dma_wait3A_197 = arith.constant 0 : i32
      %dma_wait3A_198 = tpu.memref_slice %arg12[%add3A_35, %dma_wait3A_197] : memref<10000x64xf32, #tpu.memory_space<vmem_shared>> -> memref<80x64xf32, #tpu.memory_space<vmem_shared>>
      %dma_wait3A_199 = arith.constant 0 : i32
      %dma_wait3A_200 = arith.constant 0 : i32
      %dma_wait3A_201 = tpu.memref_slice %arg10[%run_scoped3A_36, %dma_wait3A_199, %dma_wait3A_200] : memref<4x80x64xf32, #tpu.memory_space<vmem>> -> memref<1x80x64xf32, #tpu.memory_space<vmem>>
      %dma_wait3A_202 = tpu.memref_squeeze %dma_wait3A_201 : memref<1x80x64xf32, #tpu.memory_space<vmem>> -> memref<80x64xf32, #tpu.memory_space<vmem>>
      tpu.wait_dma2 semaphore(%run_scoped3A_178 : memref<!tpu.dma_semaphore, #tpu.memory_space<semaphore_mem>>) src(%dma_wait3A_202 : memref<80x64xf32, #tpu.memory_space<vmem>>) dst(%dma_wait3A_198 : memref<80x64xf32, #tpu.memory_space<vmem_shared>>)
      tpu.yield
    }) : () -> ()
    %mul3A_37 = arith.constant 625 : i32
    %mul3A_38 = arith.muli %arg1, %mul3A_37 : i32
    %add3A_39 = arith.constant 400 : i32
    %add3A_40 = arith.addi %mul3A_38, %add3A_39 : i32
    %run_scoped3A_41 = arith.constant 0 : i32
    "tpu.region"() ({
      %run_scoped3A_178 = tpu.sem_alloc : memref<!tpu.dma_semaphore, #tpu.memory_space<semaphore_mem>>
      %dma_start3A_179 = arith.constant 0 : i32
      %dma_start3A_180 = arith.constant 0 : i32
      %dma_start3A_181 = tpu.memref_slice %arg10[%run_scoped3A_41, %dma_start3A_179, %dma_start3A_180] : memref<4x80x64xf32, #tpu.memory_space<vmem>> -> memref<1x80x64xf32, #tpu.memory_space<vmem>>
      %dma_start3A_182 = tpu.memref_squeeze %dma_start3A_181 : memref<1x80x64xf32, #tpu.memory_space<vmem>> -> memref<80x64xf32, #tpu.memory_space<vmem>>
      %dma_start3A_183 = arith.constant 0 : i32
      %dma_start3A_184 = tpu.memref_slice %arg12[%add3A_40, %dma_start3A_183] : memref<10000x64xf32, #tpu.memory_space<vmem_shared>> -> memref<80x64xf32, #tpu.memory_space<vmem_shared>>
      %dma_start3A_185 = arith.constant 0 : i32
      %dma_start3A_186 = tpu.memref_slice %arg12[%add3A_40, %dma_start3A_185] : memref<10000x64xf32, #tpu.memory_space<vmem_shared>> -> memref<80x64xf32, #tpu.memory_space<vmem_shared>>
      %dma_start3A_187 = arith.constant 0 : i32
      %dma_start3A_188 = arith.constant 0 : i32
      %dma_start3A_189 = tpu.memref_slice %arg10[%run_scoped3A_41, %dma_start3A_187, %dma_start3A_188] : memref<4x80x64xf32, #tpu.memory_space<vmem>> -> memref<1x80x64xf32, #tpu.memory_space<vmem>>
      %dma_start3A_190 = tpu.memref_squeeze %dma_start3A_189 : memref<1x80x64xf32, #tpu.memory_space<vmem>> -> memref<80x64xf32, #tpu.memory_space<vmem>>
      tpu.enqueue_dma source(%dma_start3A_190 : memref<80x64xf32, #tpu.memory_space<vmem>>) target(%dma_start3A_186 : memref<80x64xf32, #tpu.memory_space<vmem_shared>>) target_semaphore(%run_scoped3A_178 : memref<!tpu.dma_semaphore, #tpu.memory_space<semaphore_mem>>)
      %dma_wait3A_191 = arith.constant 0 : i32
      %dma_wait3A_192 = arith.constant 0 : i32
      %dma_wait3A_193 = tpu.memref_slice %arg10[%run_scoped3A_41, %dma_wait3A_191, %dma_wait3A_192] : memref<4x80x64xf32, #tpu.memory_space<vmem>> -> memref<1x80x64xf32, #tpu.memory_space<vmem>>
      %dma_wait3A_194 = tpu.memref_squeeze %dma_wait3A_193 : memref<1x80x64xf32, #tpu.memory_space<vmem>> -> memref<80x64xf32, #tpu.memory_space<vmem>>
      %dma_wait3A_195 = arith.constant 0 : i32
      %dma_wait3A_196 = tpu.memref_slice %arg12[%add3A_40, %dma_wait3A_195] : memref<10000x64xf32, #tpu.memory_space<vmem_shared>> -> memref<80x64xf32, #tpu.memory_space<vmem_shared>>
      %dma_wait3A_197 = arith.constant 0 : i32
      %dma_wait3A_198 = tpu.memref_slice %arg12[%add3A_40, %dma_wait3A_197] : memref<10000x64xf32, #tpu.memory_space<vmem_shared>> -> memref<80x64xf32, #tpu.memory_space<vmem_shared>>
      %dma_wait3A_199 = arith.constant 0 : i32
      %dma_wait3A_200 = arith.constant 0 : i32
      %dma_wait3A_201 = tpu.memref_slice %arg10[%run_scoped3A_41, %dma_wait3A_199, %dma_wait3A_200] : memref<4x80x64xf32, #tpu.memory_space<vmem>> -> memref<1x80x64xf32, #tpu.memory_space<vmem>>
      %dma_wait3A_202 = tpu.memref_squeeze %dma_wait3A_201 : memref<1x80x64xf32, #tpu.memory_space<vmem>> -> memref<80x64xf32, #tpu.memory_space<vmem>>
      tpu.wait_dma2 semaphore(%run_scoped3A_178 : memref<!tpu.dma_semaphore, #tpu.memory_space<semaphore_mem>>) src(%dma_wait3A_202 : memref<80x64xf32, #tpu.memory_space<vmem>>) dst(%dma_wait3A_198 : memref<80x64xf32, #tpu.memory_space<vmem_shared>>)
      tpu.yield
    }) : () -> ()
    %mul3A_42 = arith.constant 625 : i32
    %mul3A_43 = arith.muli %arg1, %mul3A_42 : i32
    %add3A_44 = arith.constant 480 : i32
    %add3A_45 = arith.addi %mul3A_43, %add3A_44 : i32
    %run_scoped3A_46 = arith.constant 0 : i32
    "tpu.region"() ({
      %run_scoped3A_178 = tpu.sem_alloc : memref<!tpu.dma_semaphore, #tpu.memory_space<semaphore_mem>>
      %dma_start3A_179 = arith.constant 0 : i32
      %dma_start3A_180 = arith.constant 0 : i32
      %dma_start3A_181 = tpu.memref_slice %arg10[%run_scoped3A_46, %dma_start3A_179, %dma_start3A_180] : memref<4x80x64xf32, #tpu.memory_space<vmem>> -> memref<1x80x64xf32, #tpu.memory_space<vmem>>
      %dma_start3A_182 = tpu.memref_squeeze %dma_start3A_181 : memref<1x80x64xf32, #tpu.memory_space<vmem>> -> memref<80x64xf32, #tpu.memory_space<vmem>>
      %dma_start3A_183 = arith.constant 0 : i32
      %dma_start3A_184 = tpu.memref_slice %arg12[%add3A_45, %dma_start3A_183] : memref<10000x64xf32, #tpu.memory_space<vmem_shared>> -> memref<80x64xf32, #tpu.memory_space<vmem_shared>>
      %dma_start3A_185 = arith.constant 0 : i32
      %dma_start3A_186 = tpu.memref_slice %arg12[%add3A_45, %dma_start3A_185] : memref<10000x64xf32, #tpu.memory_space<vmem_shared>> -> memref<80x64xf32, #tpu.memory_space<vmem_shared>>
      %dma_start3A_187 = arith.constant 0 : i32
      %dma_start3A_188 = arith.constant 0 : i32
      %dma_start3A_189 = tpu.memref_slice %arg10[%run_scoped3A_46, %dma_start3A_187, %dma_start3A_188] : memref<4x80x64xf32, #tpu.memory_space<vmem>> -> memref<1x80x64xf32, #tpu.memory_space<vmem>>
      %dma_start3A_190 = tpu.memref_squeeze %dma_start3A_189 : memref<1x80x64xf32, #tpu.memory_space<vmem>> -> memref<80x64xf32, #tpu.memory_space<vmem>>
      tpu.enqueue_dma source(%dma_start3A_190 : memref<80x64xf32, #tpu.memory_space<vmem>>) target(%dma_start3A_186 : memref<80x64xf32, #tpu.memory_space<vmem_shared>>) target_semaphore(%run_scoped3A_178 : memref<!tpu.dma_semaphore, #tpu.memory_space<semaphore_mem>>)
      %dma_wait3A_191 = arith.constant 0 : i32
      %dma_wait3A_192 = arith.constant 0 : i32
      %dma_wait3A_193 = tpu.memref_slice %arg10[%run_scoped3A_46, %dma_wait3A_191, %dma_wait3A_192] : memref<4x80x64xf32, #tpu.memory_space<vmem>> -> memref<1x80x64xf32, #tpu.memory_space<vmem>>
      %dma_wait3A_194 = tpu.memref_squeeze %dma_wait3A_193 : memref<1x80x64xf32, #tpu.memory_space<vmem>> -> memref<80x64xf32, #tpu.memory_space<vmem>>
      %dma_wait3A_195 = arith.constant 0 : i32
      %dma_wait3A_196 = tpu.memref_slice %arg12[%add3A_45, %dma_wait3A_195] : memref<10000x64xf32, #tpu.memory_space<vmem_shared>> -> memref<80x64xf32, #tpu.memory_space<vmem_shared>>
      %dma_wait3A_197 = arith.constant 0 : i32
      %dma_wait3A_198 = tpu.memref_slice %arg12[%add3A_45, %dma_wait3A_197] : memref<10000x64xf32, #tpu.memory_space<vmem_shared>> -> memref<80x64xf32, #tpu.memory_space<vmem_shared>>
      %dma_wait3A_199 = arith.constant 0 : i32
      %dma_wait3A_200 = arith.constant 0 : i32
      %dma_wait3A_201 = tpu.memref_slice %arg10[%run_scoped3A_46, %dma_wait3A_199, %dma_wait3A_200] : memref<4x80x64xf32, #tpu.memory_space<vmem>> -> memref<1x80x64xf32, #tpu.memory_space<vmem>>
      %dma_wait3A_202 = tpu.memref_squeeze %dma_wait3A_201 : memref<1x80x64xf32, #tpu.memory_space<vmem>> -> memref<80x64xf32, #tpu.memory_space<vmem>>
      tpu.wait_dma2 semaphore(%run_scoped3A_178 : memref<!tpu.dma_semaphore, #tpu.memory_space<semaphore_mem>>) src(%dma_wait3A_202 : memref<80x64xf32, #tpu.memory_space<vmem>>) dst(%dma_wait3A_198 : memref<80x64xf32, #tpu.memory_space<vmem_shared>>)
      tpu.yield
    }) : () -> ()
    %mul3A_47 = arith.constant 625 : i32
    %mul3A_48 = arith.muli %arg1, %mul3A_47 : i32
    %add3A_49 = arith.constant 625 : i32
    %add3A_50 = arith.addi %mul3A_48, %add3A_49 : i32
    %sub3A = arith.constant 65 : i32
    %sub3A_51 = arith.subi %add3A_50, %sub3A : i32
    %run_scoped3A_52 = arith.constant 0 : i32
    "tpu.region"() ({
      %run_scoped3A_178 = tpu.sem_alloc : memref<!tpu.dma_semaphore, #tpu.memory_space<semaphore_mem>>
      %dma_start3A_179 = arith.constant 0 : i32
      %dma_start3A_180 = arith.constant 0 : i32
      %dma_start3A_181 = tpu.memref_slice %arg10[%run_scoped3A_52, %dma_start3A_179, %dma_start3A_180] : memref<4x80x64xf32, #tpu.memory_space<vmem>> -> memref<1x80x64xf32, #tpu.memory_space<vmem>>
      %dma_start3A_182 = tpu.memref_squeeze %dma_start3A_181 : memref<1x80x64xf32, #tpu.memory_space<vmem>> -> memref<80x64xf32, #tpu.memory_space<vmem>>
      %dma_start3A_183 = arith.constant 0 : i32
      %dma_start3A_184 = arith.constant 0 : i32
      %dma_start3A_185 = tpu.memref_slice %dma_start3A_182[%dma_start3A_183, %dma_start3A_184] : memref<80x64xf32, #tpu.memory_space<vmem>> -> memref<65x64xf32, #tpu.memory_space<vmem>>
      %dma_start3A_186 = arith.constant 0 : i32
      %dma_start3A_187 = tpu.memref_slice %arg12[%sub3A_51, %dma_start3A_186] : memref<10000x64xf32, #tpu.memory_space<vmem_shared>> -> memref<65x64xf32, #tpu.memory_space<vmem_shared>>
      %dma_start3A_188 = arith.constant 0 : i32
      %dma_start3A_189 = tpu.memref_slice %arg12[%sub3A_51, %dma_start3A_188] : memref<10000x64xf32, #tpu.memory_space<vmem_shared>> -> memref<65x64xf32, #tpu.memory_space<vmem_shared>>
      %dma_start3A_190 = arith.constant 0 : i32
      %dma_start3A_191 = arith.constant 0 : i32
      %dma_start3A_192 = tpu.memref_slice %arg10[%run_scoped3A_52, %dma_start3A_190, %dma_start3A_191] : memref<4x80x64xf32, #tpu.memory_space<vmem>> -> memref<1x80x64xf32, #tpu.memory_space<vmem>>
      %dma_start3A_193 = tpu.memref_squeeze %dma_start3A_192 : memref<1x80x64xf32, #tpu.memory_space<vmem>> -> memref<80x64xf32, #tpu.memory_space<vmem>>
      %dma_start3A_194 = arith.constant 0 : i32
      %dma_start3A_195 = arith.constant 0 : i32
      %dma_start3A_196 = tpu.memref_slice %dma_start3A_193[%dma_start3A_194, %dma_start3A_195] : memref<80x64xf32, #tpu.memory_space<vmem>> -> memref<65x64xf32, #tpu.memory_space<vmem>>
      tpu.enqueue_dma source(%dma_start3A_196 : memref<65x64xf32, #tpu.memory_space<vmem>>) target(%dma_start3A_189 : memref<65x64xf32, #tpu.memory_space<vmem_shared>>) target_semaphore(%run_scoped3A_178 : memref<!tpu.dma_semaphore, #tpu.memory_space<semaphore_mem>>)
      %dma_wait3A_197 = arith.constant 0 : i32
      %dma_wait3A_198 = arith.constant 0 : i32
      %dma_wait3A_199 = tpu.memref_slice %arg10[%run_scoped3A_52, %dma_wait3A_197, %dma_wait3A_198] : memref<4x80x64xf32, #tpu.memory_space<vmem>> -> memref<1x80x64xf32, #tpu.memory_space<vmem>>
      %dma_wait3A_200 = tpu.memref_squeeze %dma_wait3A_199 : memref<1x80x64xf32, #tpu.memory_space<vmem>> -> memref<80x64xf32, #tpu.memory_space<vmem>>
      %dma_wait3A_201 = arith.constant 0 : i32
      %dma_wait3A_202 = arith.constant 0 : i32
      %dma_wait3A_203 = tpu.memref_slice %dma_wait3A_200[%dma_wait3A_201, %dma_wait3A_202] : memref<80x64xf32, #tpu.memory_space<vmem>> -> memref<65x64xf32, #tpu.memory_space<vmem>>
      %dma_wait3A_204 = arith.constant 0 : i32
      %dma_wait3A_205 = tpu.memref_slice %arg12[%sub3A_51, %dma_wait3A_204] : memref<10000x64xf32, #tpu.memory_space<vmem_shared>> -> memref<65x64xf32, #tpu.memory_space<vmem_shared>>
      %dma_wait3A_206 = arith.constant 0 : i32
      %dma_wait3A_207 = tpu.memref_slice %arg12[%sub3A_51, %dma_wait3A_206] : memref<10000x64xf32, #tpu.memory_space<vmem_shared>> -> memref<65x64xf32, #tpu.memory_space<vmem_shared>>
      %dma_wait3A_208 = arith.constant 0 : i32
      %dma_wait3A_209 = arith.constant 0 : i32
      %dma_wait3A_210 = tpu.memref_slice %arg10[%run_scoped3A_52, %dma_wait3A_208, %dma_wait3A_209] : memref<4x80x64xf32, #tpu.memory_space<vmem>> -> memref<1x80x64xf32, #tpu.memory_space<vmem>>
      %dma_wait3A_211 = tpu.memref_squeeze %dma_wait3A_210 : memref<1x80x64xf32, #tpu.memory_space<vmem>> -> memref<80x64xf32, #tpu.memory_space<vmem>>
      %dma_wait3A_212 = arith.constant 0 : i32
      %dma_wait3A_213 = arith.constant 0 : i32
      %dma_wait3A_214 = tpu.memref_slice %dma_wait3A_211[%dma_wait3A_212, %dma_wait3A_213] : memref<80x64xf32, #tpu.memory_space<vmem>> -> memref<65x64xf32, #tpu.memory_space<vmem>>
      tpu.wait_dma2 semaphore(%run_scoped3A_178 : memref<!tpu.dma_semaphore, #tpu.memory_space<semaphore_mem>>) src(%dma_wait3A_214 : memref<65x64xf32, #tpu.memory_space<vmem>>) dst(%dma_wait3A_207 : memref<65x64xf32, #tpu.memory_space<vmem_shared>>)
      tpu.yield
    }) : () -> ()
    %eq3A = arith.constant 0 : i32
    %eq3A_53 = arith.cmpi eq, %arg0, %eq3A : i32
    %convert_element_type3A = arith.extui %eq3A_53 : i1 to i32
    %cond3A = arith.constant 0 : i32
    %cond3A_54 = arith.cmpi ne, %convert_element_type3A, %cond3A : i32
    scf.if %cond3A_54 {
      %broadcast_in_dim3A_178 = arith.constant 0.000000e+00 : f32
      %broadcast_in_dim3A_179 = vector.broadcast %broadcast_in_dim3A_178 : f32 to vector<16xf32>
      %scan3A_180 = arith.constant 0 : i32
      %scan3A_181 = arith.constant 0 : i32
      %scan3A_182 = arith.constant 625 : i32
      %scan3A_183 = arith.addi %scan3A_181, %scan3A_182 : i32
      %scan3A_184 = arith.constant 1 : i32
      %scan3A_185 = scf.for %scan3A_187 = %scan3A_181 to %scan3A_183 step %scan3A_184 iter_args(%scan3A_188 = %scan3A_180) -> (i32)  : i32 {
        %mul3A_189 = arith.constant 16 : i32
        %mul3A_190 = arith.muli %scan3A_187, %mul3A_189 : i32
        %swap3A = arith.index_cast %mul3A_190 : i32 to index
        %swap3A_191 = tpu.vector_load %arg11[%swap3A] {strides = array<i32>} : memref<10000xf32, #tpu.memory_space<vmem>>, vector<16xf32>,
        tpu.vector_store %arg11[%swap3A], %broadcast_in_dim3A_179 {strides = array<i32>} : memref<10000xf32, #tpu.memory_space<vmem>>, vector<16xf32>,
        %scan3A_192 = arith.constant 0 : i32
        scf.yield %scan3A_192 : i32
      }
      %scan3A_186 = arith.constant 625 : i32
    } else {
    }
    %broadcast_in_dim3A_55 = arith.constant 1.000000e+00 : f32
    %broadcast_in_dim3A_56 = vector.broadcast %broadcast_in_dim3A_55 : f32 to vector<16xf32>
    %barrier3A = arith.constant 0 : index
    tpu.barrier barrier_id(%barrier3A)
    %dma_start3A = arith.constant 0 : i32
    %dma_start3A_57 = arith.constant 0 : i32
    %dma_start3A_58 = arith.constant 0 : i32
    %dma_start3A_59 = arith.constant 0 : i32
    %dma_start3A_60 = tpu.memref_slice %arg10[%dma_start3A_57, %dma_start3A_58, %dma_start3A_59] : memref<4x80x64xf32, #tpu.memory_space<vmem>> -> memref<1x80x64xf32, #tpu.memory_space<vmem>>
    %dma_start3A_61 = tpu.memref_squeeze %dma_start3A_60 : memref<1x80x64xf32, #tpu.memory_space<vmem>> -> memref<80x64xf32, #tpu.memory_space<vmem>>
    %dma_start3A_62 = arith.constant 0 : i32
    %dma_start3A_63 = tpu.memref_slice %arg8[%dma_start3A, %dma_start3A_62] : memref<250x80xi32, #tpu.memory_space<vmem>> -> memref<1x80xi32, #tpu.memory_space<vmem>>
    %dma_start3A_64 = tpu.memref_squeeze %dma_start3A_63 : memref<1x80xi32, #tpu.memory_space<vmem>> -> memref<80xi32, #tpu.memory_space<vmem>>
    %dma_start3A_65 = arith.constant 0 : i32
    %dma_start3A_66 = arith.constant 0 : i32
    %dma_start3A_67 = tpu.memref_slice %arg2[%dma_start3A_65, %dma_start3A_66] : memref<20000x64xf32, #tpu.memory_space<hbm>> -> memref<20000x64xf32, #tpu.memory_space<hbm>>
    tpu.enqueue_indirect_dma source(%dma_start3A_67 : memref<20000x64xf32, #tpu.memory_space<hbm>>) target(%dma_start3A_61 : memref<80x64xf32, #tpu.memory_space<vmem>>) offsets(%dma_start3A_64 : memref<80xi32, #tpu.memory_space<vmem>>) semaphore(%arg13 : memref<!tpu.dma_semaphore, #tpu.memory_space<semaphore_mem>>)
    %dma_start3A_68 = arith.constant 1 : i32
    %dma_start3A_69 = arith.constant 1 : i32
    %dma_start3A_70 = arith.constant 0 : i32
    %dma_start3A_71 = arith.constant 0 : i32
    %dma_start3A_72 = tpu.memref_slice %arg10[%dma_start3A_69, %dma_start3A_70, %dma_start3A_71] : memref<4x80x64xf32, #tpu.memory_space<vmem>> -> memref<1x80x64xf32, #tpu.memory_space<vmem>>
    %dma_start3A_73 = tpu.memref_squeeze %dma_start3A_72 : memref<1x80x64xf32, #tpu.memory_space<vmem>> -> memref<80x64xf32, #tpu.memory_space<vmem>>
    %dma_start3A_74 = arith.constant 0 : i32
    %dma_start3A_75 = tpu.memref_slice %arg8[%dma_start3A_68, %dma_start3A_74] : memref<250x80xi32, #tpu.memory_space<vmem>> -> memref<1x80xi32, #tpu.memory_space<vmem>>
    %dma_start3A_76 = tpu.memref_squeeze %dma_start3A_75 : memref<1x80xi32, #tpu.memory_space<vmem>> -> memref<80xi32, #tpu.memory_space<vmem>>
    %dma_start3A_77 = arith.constant 0 : i32
    %dma_start3A_78 = arith.constant 0 : i32
    %dma_start3A_79 = tpu.memref_slice %arg2[%dma_start3A_77, %dma_start3A_78] : memref<20000x64xf32, #tpu.memory_space<hbm>> -> memref<20000x64xf32, #tpu.memory_space<hbm>>
    tpu.enqueue_indirect_dma source(%dma_start3A_79 : memref<20000x64xf32, #tpu.memory_space<hbm>>) target(%dma_start3A_73 : memref<80x64xf32, #tpu.memory_space<vmem>>) offsets(%dma_start3A_76 : memref<80xi32, #tpu.memory_space<vmem>>) semaphore(%arg14 : memref<!tpu.dma_semaphore, #tpu.memory_space<semaphore_mem>>)
    %dma_wait3A = arith.constant 0 : i32
    %dma_wait3A_80 = arith.constant 0 : i32
    %dma_wait3A_81 = arith.constant 0 : i32
    %dma_wait3A_82 = arith.constant 0 : i32
    %dma_wait3A_83 = tpu.memref_slice %arg10[%dma_wait3A_80, %dma_wait3A_81, %dma_wait3A_82] : memref<4x80x64xf32, #tpu.memory_space<vmem>> -> memref<1x80x64xf32, #tpu.memory_space<vmem>>
    %dma_wait3A_84 = tpu.memref_squeeze %dma_wait3A_83 : memref<1x80x64xf32, #tpu.memory_space<vmem>> -> memref<80x64xf32, #tpu.memory_space<vmem>>
    %dma_wait3A_85 = arith.constant 0 : i32
    %dma_wait3A_86 = tpu.memref_slice %arg8[%dma_wait3A, %dma_wait3A_85] : memref<250x80xi32, #tpu.memory_space<vmem>> -> memref<1x80xi32, #tpu.memory_space<vmem>>
    %dma_wait3A_87 = tpu.memref_squeeze %dma_wait3A_86 : memref<1x80xi32, #tpu.memory_space<vmem>> -> memref<80xi32, #tpu.memory_space<vmem>>
    %dma_wait3A_88 = arith.constant 0 : i32
    %dma_wait3A_89 = arith.constant 0 : i32
    %dma_wait3A_90 = tpu.memref_slice %arg2[%dma_wait3A_88, %dma_wait3A_89] : memref<20000x64xf32, #tpu.memory_space<hbm>> -> memref<20000x64xf32, #tpu.memory_space<hbm>>
    tpu.wait_indirect_dma semaphore(%arg13 : memref<!tpu.dma_semaphore, #tpu.memory_space<semaphore_mem>>) src(%dma_wait3A_90 : memref<20000x64xf32, #tpu.memory_space<hbm>>) dst(%dma_wait3A_84 : memref<80x64xf32, #tpu.memory_space<vmem>>)
    %dma_start3A_91 = arith.constant 0 : i32
    %dma_start3A_92 = arith.constant 0 : i32
    %dma_start3A_93 = arith.constant 0 : i32
    %dma_start3A_94 = arith.constant 0 : i32
    %dma_start3A_95 = tpu.memref_slice %arg10[%dma_start3A_91, %dma_start3A_93, %dma_start3A_94] : memref<4x80x64xf32, #tpu.memory_space<vmem>> -> memref<1x80x64xf32, #tpu.memory_space<vmem>>
    %dma_start3A_96 = tpu.memref_squeeze %dma_start3A_95 : memref<1x80x64xf32, #tpu.memory_space<vmem>> -> memref<80x64xf32, #tpu.memory_space<vmem>>
    %dma_start3A_97 = arith.constant 0 : i32
    %dma_start3A_98 = tpu.memref_slice %arg9[%dma_start3A_92, %dma_start3A_97] : memref<250x80xi32, #tpu.memory_space<vmem>> -> memref<1x80xi32, #tpu.memory_space<vmem>>
    %dma_start3A_99 = tpu.memref_squeeze %dma_start3A_98 : memref<1x80xi32, #tpu.memory_space<vmem>> -> memref<80xi32, #tpu.memory_space<vmem>>
    %dma_start3A_100 = arith.constant 0 : i32
    %dma_start3A_101 = arith.constant 0 : i32
    %dma_start3A_102 = tpu.memref_slice %arg12[%dma_start3A_100, %dma_start3A_101] : memref<10000x64xf32, #tpu.memory_space<vmem_shared>> -> memref<10000x64xf32, #tpu.memory_space<vmem_shared>>
    tpu.enqueue_indirect_dma source(%dma_start3A_96 : memref<80x64xf32, #tpu.memory_space<vmem>>) target(%dma_start3A_102 : memref<10000x64xf32, #tpu.memory_space<vmem_shared>>) offsets(%dma_start3A_99 : memref<80xi32, #tpu.memory_space<vmem>>) semaphore(%arg17 : memref<!tpu.dma_semaphore, #tpu.memory_space<semaphore_mem>>) {add = true}
    %dma_start3A_103 = arith.constant 2 : i32
    %dma_start3A_104 = arith.constant 2 : i32
    %dma_start3A_105 = arith.constant 0 : i32
    %dma_start3A_106 = arith.constant 0 : i32
    %dma_start3A_107 = tpu.memref_slice %arg10[%dma_start3A_104, %dma_start3A_105, %dma_start3A_106] : memref<4x80x64xf32, #tpu.memory_space<vmem>> -> memref<1x80x64xf32, #tpu.memory_space<vmem>>
    %dma_start3A_108 = tpu.memref_squeeze %dma_start3A_107 : memref<1x80x64xf32, #tpu.memory_space<vmem>> -> memref<80x64xf32, #tpu.memory_space<vmem>>
    %dma_start3A_109 = arith.constant 0 : i32
    %dma_start3A_110 = tpu.memref_slice %arg8[%dma_start3A_103, %dma_start3A_109] : memref<250x80xi32, #tpu.memory_space<vmem>> -> memref<1x80xi32, #tpu.memory_space<vmem>>
    %dma_start3A_111 = tpu.memref_squeeze %dma_start3A_110 : memref<1x80xi32, #tpu.memory_space<vmem>> -> memref<80xi32, #tpu.memory_space<vmem>>
    %dma_start3A_112 = arith.constant 0 : i32
    %dma_start3A_113 = arith.constant 0 : i32
    %dma_start3A_114 = tpu.memref_slice %arg2[%dma_start3A_112, %dma_start3A_113] : memref<20000x64xf32, #tpu.memory_space<hbm>> -> memref<20000x64xf32, #tpu.memory_space<hbm>>
    tpu.enqueue_indirect_dma source(%dma_start3A_114 : memref<20000x64xf32, #tpu.memory_space<hbm>>) target(%dma_start3A_108 : memref<80x64xf32, #tpu.memory_space<vmem>>) offsets(%dma_start3A_111 : memref<80xi32, #tpu.memory_space<vmem>>) semaphore(%arg15 : memref<!tpu.dma_semaphore, #tpu.memory_space<semaphore_mem>>)
    %eq3A_115 = arith.constant 0 : i32
    %eq3A_116 = arith.cmpi eq, %arg0, %eq3A_115 : i32
    %convert_element_type3A_117 = arith.extui %eq3A_116 : i1 to i32
    %cond3A_118 = arith.constant 0 : i32
    %cond3A_119 = arith.cmpi ne, %convert_element_type3A_117, %cond3A_118 : i32
    scf.if %cond3A_119 {
      %get3A = arith.constant 0 : i32
      %get3A_178 = arith.index_cast %get3A : i32 to index
      %get3A_179 = arith.constant 0 : index
      %get3A_180 = tpu.vector_load %arg9[%get3A_178, %get3A_179] {strides = array<i32>} : memref<250x80xi32, #tpu.memory_space<vmem>>, vector<16xi32>,
      tpu.vector_store_idx %arg11[%get3A_180], %broadcast_in_dim3A_56 {add = true} : memref<10000xf32, #tpu.memory_space<vmem>>[vector<16xi32>], vector<16xf32>,
      %get3A_181 = arith.constant 0 : i32
      %get3A_182 = arith.index_cast %get3A_181 : i32 to index
      %get3A_183 = arith.constant 16 : index
      %get3A_184 = tpu.vector_load %arg9[%get3A_182, %get3A_183] {strides = array<i32>} : memref<250x80xi32, #tpu.memory_space<vmem>>, vector<16xi32>,
      tpu.vector_store_idx %arg11[%get3A_184], %broadcast_in_dim3A_56 {add = true} : memref<10000xf32, #tpu.memory_space<vmem>>[vector<16xi32>], vector<16xf32>,
      %get3A_185 = arith.constant 0 : i32
      %get3A_186 = arith.index_cast %get3A_185 : i32 to index
      %get3A_187 = arith.constant 32 : index
      %get3A_188 = tpu.vector_load %arg9[%get3A_186, %get3A_187] {strides = array<i32>} : memref<250x80xi32, #tpu.memory_space<vmem>>, vector<16xi32>,
      tpu.vector_store_idx %arg11[%get3A_188], %broadcast_in_dim3A_56 {add = true} : memref<10000xf32, #tpu.memory_space<vmem>>[vector<16xi32>], vector<16xf32>,
      %get3A_189 = arith.constant 0 : i32
      %get3A_190 = arith.index_cast %get3A_189 : i32 to index
      %get3A_191 = arith.constant 48 : index
      %get3A_192 = tpu.vector_load %arg9[%get3A_190, %get3A_191] {strides = array<i32>} : memref<250x80xi32, #tpu.memory_space<vmem>>, vector<16xi32>,
      tpu.vector_store_idx %arg11[%get3A_192], %broadcast_in_dim3A_56 {add = true} : memref<10000xf32, #tpu.memory_space<vmem>>[vector<16xi32>], vector<16xf32>,
      %get3A_193 = arith.constant 0 : i32
      %get3A_194 = arith.index_cast %get3A_193 : i32 to index
      %get3A_195 = arith.constant 64 : index
      %get3A_196 = tpu.vector_load %arg9[%get3A_194, %get3A_195] {strides = array<i32>} : memref<250x80xi32, #tpu.memory_space<vmem>>, vector<16xi32>,
      tpu.vector_store_idx %arg11[%get3A_196], %broadcast_in_dim3A_56 {add = true} : memref<10000xf32, #tpu.memory_space<vmem>>[vector<16xi32>], vector<16xf32>,
    } else {
    }
    %dma_wait3A_120 = arith.constant 1 : i32
    %dma_wait3A_121 = arith.constant 1 : i32
    %dma_wait3A_122 = arith.constant 0 : i32
    %dma_wait3A_123 = arith.constant 0 : i32
    %dma_wait3A_124 = tpu.memref_slice %arg10[%dma_wait3A_121, %dma_wait3A_122, %dma_wait3A_123] : memref<4x80x64xf32, #tpu.memory_space<vmem>> -> memref<1x80x64xf32, #tpu.memory_space<vmem>>
    %dma_wait3A_125 = tpu.memref_squeeze %dma_wait3A_124 : memref<1x80x64xf32, #tpu.memory_space<vmem>> -> memref<80x64xf32, #tpu.memory_space<vmem>>
    %dma_wait3A_126 = arith.constant 0 : i32
    %dma_wait3A_127 = tpu.memref_slice %arg8[%dma_wait3A_120, %dma_wait3A_126] : memref<250x80xi32, #tpu.memory_space<vmem>> -> memref<1x80xi32, #tpu.memory_space<vmem>>
    %dma_wait3A_128 = tpu.memref_squeeze %dma_wait3A_127 : memref<1x80xi32, #tpu.memory_space<vmem>> -> memref<80xi32, #tpu.memory_space<vmem>>
    %dma_wait3A_129 = arith.constant 0 : i32
    %dma_wait3A_130 = arith.constant 0 : i32
    %dma_wait3A_131 = tpu.memref_slice %arg2[%dma_wait3A_129, %dma_wait3A_130] : memref<20000x64xf32, #tpu.memory_space<hbm>> -> memref<20000x64xf32, #tpu.memory_space<hbm>>
    tpu.wait_indirect_dma semaphore(%arg14 : memref<!tpu.dma_semaphore, #tpu.memory_space<semaphore_mem>>) src(%dma_wait3A_131 : memref<20000x64xf32, #tpu.memory_space<hbm>>) dst(%dma_wait3A_125 : memref<80x64xf32, #tpu.memory_space<vmem>>)
    %dma_start3A_132 = arith.constant 1 : i32
    %dma_start3A_133 = arith.constant 1 : i32
    %dma_start3A_134 = arith.constant 0 : i32
    %dma_start3A_135 = arith.constant 0 : i32
    %dma_start3A_136 = tpu.memref_slice %arg10[%dma_start3A_132, %dma_start3A_134, %dma_start3A_135] : memref<4x80x64xf32, #tpu.memory_space<vmem>> -> memref<1x80x64xf32, #tpu.memory_space<vmem>>
    %dma_start3A_137 = tpu.memref_squeeze %dma_start3A_136 : memref<1x80x64xf32, #tpu.memory_space<vmem>> -> memref<80x64xf32, #tpu.memory_space<vmem>>
    %dma_start3A_138 = arith.constant 0 : i32
    %dma_start3A_139 = tpu.memref_slice %arg9[%dma_start3A_133, %dma_start3A_138] : memref<250x80xi32, #tpu.memory_space<vmem>> -> memref<1x80xi32, #tpu.memory_space<vmem>>
    %dma_start3A_140 = tpu.memref_squeeze %dma_start3A_139 : memref<1x80xi32, #tpu.memory_space<vmem>> -> memref<80xi32, #tpu.memory_space<vmem>>
    %dma_start3A_141 = arith.constant 0 : i32
    %dma_start3A_142 = arith.constant 0 : i32
    %dma_start3A_143 = tpu.memref_slice %arg12[%dma_start3A_141, %dma_start3A_142] : memref<10000x64xf32, #tpu.memory_space<vmem_shared>> -> memref<10000x64xf32, #tpu.memory_space<vmem_shared>>
    tpu.enqueue_indirect_dma source(%dma_start3A_137 : memref<80x64xf32, #tpu.memory_space<vmem>>) target(%dma_start3A_143 : memref<10000x64xf32, #tpu.memory_space<vmem_shared>>) offsets(%dma_start3A_140 : memref<80xi32, #tpu.memory_space<vmem>>) semaphore(%arg18 : memref<!tpu.dma_semaphore, #tpu.memory_space<semaphore_mem>>) {add = true}
    %dma_start3A_144 = arith.constant 3 : i32
    %dma_start3A_145 = arith.constant 3 : i32
    %dma_start3A_146 = arith.constant 0 : i32
    %dma_start3A_147 = arith.constant 0 : i32
    %dma_start3A_148 = tpu.memref_slice %arg10[%dma_start3A_145, %dma_start3A_146, %dma_start3A_147] : memref<4x80x64xf32, #tpu.memory_space<vmem>> -> memref<1x80x64xf32, #tpu.memory_space<vmem>>
    %dma_start3A_149 = tpu.memref_squeeze %dma_start3A_148 : memref<1x80x64xf32, #tpu.memory_space<vmem>> -> memref<80x64xf32, #tpu.memory_space<vmem>>
    %dma_start3A_150 = arith.constant 0 : i32
    %dma_start3A_151 = tpu.memref_slice %arg8[%dma_start3A_144, %dma_start3A_150] : memref<250x80xi32, #tpu.memory_space<vmem>> -> memref<1x80xi32, #tpu.memory_space<vmem>>
    %dma_start3A_152 = tpu.memref_squeeze %dma_start3A_151 : memref<1x80xi32, #tpu.memory_space<vmem>> -> memref<80xi32, #tpu.memory_space<vmem>>
    %dma_start3A_153 = arith.constant 0 : i32
    %dma_start3A_154 = arith.constant 0 : i32
    %dma_start3A_155 = tpu.memref_slice %arg2[%dma_start3A_153, %dma_start3A_154] : memref<20000x64xf32, #tpu.memory_space<hbm>> -> memref<20000x64xf32, #tpu.memory_space<hbm>>
    tpu.enqueue_indirect_dma source(%dma_start3A_155 : memref<20000x64xf32, #tpu.memory_space<hbm>>) target(%dma_start3A_149 : memref<80x64xf32, #tpu.memory_space<vmem>>) offsets(%dma_start3A_152 : memref<80xi32, #tpu.memory_space<vmem>>) semaphore(%arg16 : memref<!tpu.dma_semaphore, #tpu.memory_space<semaphore_mem>>)
    %eq3A_156 = arith.constant 0 : i32
    %eq3A_157 = arith.cmpi eq, %arg0, %eq3A_156 : i32
    %convert_element_type3A_158 = arith.extui %eq3A_157 : i1 to i32
    %cond3A_159 = arith.constant 0 : i32
    %cond3A_160 = arith.cmpi ne, %convert_element_type3A_158, %cond3A_159 : i32
    scf.if %cond3A_160 {
      %get3A = arith.constant 1 : i32
      %get3A_178 = arith.index_cast %get3A : i32 to index
      %get3A_179 = arith.constant 0 : index
      %get3A_180 = tpu.vector_load %arg9[%get3A_178, %get3A_179] {strides = array<i32>} : memref<250x80xi32, #tpu.memory_space<vmem>>, vector<16xi32>,
      tpu.vector_store_idx %arg11[%get3A_180], %broadcast_in_dim3A_56 {add = true} : memref<10000xf32, #tpu.memory_space<vmem>>[vector<16xi32>], vector<16xf32>,
      %get3A_181 = arith.constant 1 : i32
      %get3A_182 = arith.index_cast %get3A_181 : i32 to index
      %get3A_183 = arith.constant 16 : index
      %get3A_184 = tpu.vector_load %arg9[%get3A_182, %get3A_183] {strides = array<i32>} : memref<250x80xi32, #tpu.memory_space<vmem>>, vector<16xi32>,
      tpu.vector_store_idx %arg11[%get3A_184], %broadcast_in_dim3A_56 {add = true} : memref<10000xf32, #tpu.memory_space<vmem>>[vector<16xi32>], vector<16xf32>,
      %get3A_185 = arith.constant 1 : i32
      %get3A_186 = arith.index_cast %get3A_185 : i32 to index
      %get3A_187 = arith.constant 32 : index
      %get3A_188 = tpu.vector_load %arg9[%get3A_186, %get3A_187] {strides = array<i32>} : memref<250x80xi32, #tpu.memory_space<vmem>>, vector<16xi32>,
      tpu.vector_store_idx %arg11[%get3A_188], %broadcast_in_dim3A_56 {add = true} : memref<10000xf32, #tpu.memory_space<vmem>>[vector<16xi32>], vector<16xf32>,
      %get3A_189 = arith.constant 1 : i32
      %get3A_190 = arith.index_cast %get3A_189 : i32 to index
      %get3A_191 = arith.constant 48 : index
      %get3A_192 = tpu.vector_load %arg9[%get3A_190, %get3A_191] {strides = array<i32>} : memref<250x80xi32, #tpu.memory_space<vmem>>, vector<16xi32>,
      tpu.vector_store_idx %arg11[%get3A_192], %broadcast_in_dim3A_56 {add = true} : memref<10000xf32, #tpu.memory_space<vmem>>[vector<16xi32>], vector<16xf32>,
      %get3A_193 = arith.constant 1 : i32
      %get3A_194 = arith.index_cast %get3A_193 : i32 to index
      %get3A_195 = arith.constant 64 : index
      %get3A_196 = tpu.vector_load %arg9[%get3A_194, %get3A_195] {strides = array<i32>} : memref<250x80xi32, #tpu.memory_space<vmem>>, vector<16xi32>,
      tpu.vector_store_idx %arg11[%get3A_196], %broadcast_in_dim3A_56 {add = true} : memref<10000xf32, #tpu.memory_space<vmem>>[vector<16xi32>], vector<16xf32>,
    } else {
    }
    %scan3A_161 = arith.constant 0 : i32
    %scan3A_162 = arith.constant 0 : i32
    %scan3A_163 = arith.constant 63 : i32
    %scan3A_164 = arith.addi %scan3A_162, %scan3A_163 : i32
    %scan3A_165 = arith.constant 1 : i32
    %scan3A_166 = scf.for %scan3A_178 = %scan3A_162 to %scan3A_164 step %scan3A_165 iter_args(%scan3A_179 = %scan3A_161) -> (i32)  : i32 {
      %mul3A_180 = arith.constant 4 : i32
      %mul3A_181 = arith.muli %scan3A_178, %mul3A_180 : i32
      %add3A_182 = arith.constant 0 : i32
      %add3A_183 = arith.addi %mul3A_181, %add3A_182 : i32
      %add3A_184 = arith.constant 2 : i32
      %add3A_185 = arith.addi %add3A_183, %add3A_184 : i32
      %lt3A = arith.constant 250 : i32
      %lt3A_186 = arith.cmpi slt, %add3A_185, %lt3A : i32
      %convert_element_type3A_187 = arith.extui %lt3A_186 : i1 to i32
      %cond3A_188 = arith.constant 0 : i32
      %cond3A_189 = arith.cmpi ne, %convert_element_type3A_187, %cond3A_188 : i32
      scf.if %cond3A_189 {
        %dma_wait3A_252 = arith.constant 2 : i32
        %dma_wait3A_253 = arith.constant 0 : i32
        %dma_wait3A_254 = arith.constant 0 : i32
        %dma_wait3A_255 = tpu.memref_slice %arg10[%dma_wait3A_252, %dma_wait3A_253, %dma_wait3A_254] : memref<4x80x64xf32, #tpu.memory_space<vmem>> -> memref<1x80x64xf32, #tpu.memory_space<vmem>>
        %dma_wait3A_256 = tpu.memref_squeeze %dma_wait3A_255 : memref<1x80x64xf32, #tpu.memory_space<vmem>> -> memref<80x64xf32, #tpu.memory_space<vmem>>
        %dma_wait3A_257 = arith.constant 0 : i32
        %dma_wait3A_258 = tpu.memref_slice %arg8[%add3A_185, %dma_wait3A_257] : memref<250x80xi32, #tpu.memory_space<vmem>> -> memref<1x80xi32, #tpu.memory_space<vmem>>
        %dma_wait3A_259 = tpu.memref_squeeze %dma_wait3A_258 : memref<1x80xi32, #tpu.memory_space<vmem>> -> memref<80xi32, #tpu.memory_space<vmem>>
        %dma_wait3A_260 = arith.constant 0 : i32
        %dma_wait3A_261 = arith.constant 0 : i32
        %dma_wait3A_262 = tpu.memref_slice %arg2[%dma_wait3A_260, %dma_wait3A_261] : memref<20000x64xf32, #tpu.memory_space<hbm>> -> memref<20000x64xf32, #tpu.memory_space<hbm>>
        tpu.wait_indirect_dma semaphore(%arg15 : memref<!tpu.dma_semaphore, #tpu.memory_space<semaphore_mem>>) src(%dma_wait3A_262 : memref<20000x64xf32, #tpu.memory_space<hbm>>) dst(%dma_wait3A_256 : memref<80x64xf32, #tpu.memory_space<vmem>>)
        %dma_start3A_263 = arith.constant 2 : i32
        %dma_start3A_264 = arith.constant 0 : i32
        %dma_start3A_265 = arith.constant 0 : i32
        %dma_start3A_266 = tpu.memref_slice %arg10[%dma_start3A_263, %dma_start3A_264, %dma_start3A_265] : memref<4x80x64xf32, #tpu.memory_space<vmem>> -> memref<1x80x64xf32, #tpu.memory_space<vmem>>
        %dma_start3A_267 = tpu.memref_squeeze %dma_start3A_266 : memref<1x80x64xf32, #tpu.memory_space<vmem>> -> memref<80x64xf32, #tpu.memory_space<vmem>>
        %dma_start3A_268 = arith.constant 0 : i32
        %dma_start3A_269 = tpu.memref_slice %arg9[%add3A_185, %dma_start3A_268] : memref<250x80xi32, #tpu.memory_space<vmem>> -> memref<1x80xi32, #tpu.memory_space<vmem>>
        %dma_start3A_270 = tpu.memref_squeeze %dma_start3A_269 : memref<1x80xi32, #tpu.memory_space<vmem>> -> memref<80xi32, #tpu.memory_space<vmem>>
        %dma_start3A_271 = arith.constant 0 : i32
        %dma_start3A_272 = arith.constant 0 : i32
        %dma_start3A_273 = tpu.memref_slice %arg12[%dma_start3A_271, %dma_start3A_272] : memref<10000x64xf32, #tpu.memory_space<vmem_shared>> -> memref<10000x64xf32, #tpu.memory_space<vmem_shared>>
        tpu.enqueue_indirect_dma source(%dma_start3A_267 : memref<80x64xf32, #tpu.memory_space<vmem>>) target(%dma_start3A_273 : memref<10000x64xf32, #tpu.memory_space<vmem_shared>>) offsets(%dma_start3A_270 : memref<80xi32, #tpu.memory_space<vmem>>) semaphore(%arg19 : memref<!tpu.dma_semaphore, #tpu.memory_space<semaphore_mem>>) {add = true}
        %eq3A_274 = arith.constant 0 : i32
        %eq3A_275 = arith.cmpi eq, %arg0, %eq3A_274 : i32
        %convert_element_type3A_276 = arith.extui %eq3A_275 : i1 to i32
        %cond3A_277 = arith.constant 0 : i32
        %cond3A_278 = arith.cmpi ne, %convert_element_type3A_276, %cond3A_277 : i32
        scf.if %cond3A_278 {
          %get3A = arith.index_cast %add3A_185 : i32 to index
          %get3A_279 = arith.constant 0 : index
          %get3A_280 = tpu.vector_load %arg9[%get3A, %get3A_279] {strides = array<i32>} : memref<250x80xi32, #tpu.memory_space<vmem>>, vector<16xi32>,
          tpu.vector_store_idx %arg11[%get3A_280], %broadcast_in_dim3A_56 {add = true} : memref<10000xf32, #tpu.memory_space<vmem>>[vector<16xi32>], vector<16xf32>,
          %get3A_281 = arith.index_cast %add3A_185 : i32 to index
          %get3A_282 = arith.constant 16 : index
          %get3A_283 = tpu.vector_load %arg9[%get3A_281, %get3A_282] {strides = array<i32>} : memref<250x80xi32, #tpu.memory_space<vmem>>, vector<16xi32>,
          tpu.vector_store_idx %arg11[%get3A_283], %broadcast_in_dim3A_56 {add = true} : memref<10000xf32, #tpu.memory_space<vmem>>[vector<16xi32>], vector<16xf32>,
          %get3A_284 = arith.index_cast %add3A_185 : i32 to index
          %get3A_285 = arith.constant 32 : index
          %get3A_286 = tpu.vector_load %arg9[%get3A_284, %get3A_285] {strides = array<i32>} : memref<250x80xi32, #tpu.memory_space<vmem>>, vector<16xi32>,
          tpu.vector_store_idx %arg11[%get3A_286], %broadcast_in_dim3A_56 {add = true} : memref<10000xf32, #tpu.memory_space<vmem>>[vector<16xi32>], vector<16xf32>,
          %get3A_287 = arith.index_cast %add3A_185 : i32 to index
          %get3A_288 = arith.constant 48 : index
          %get3A_289 = tpu.vector_load %arg9[%get3A_287, %get3A_288] {strides = array<i32>} : memref<250x80xi32, #tpu.memory_space<vmem>>, vector<16xi32>,
          tpu.vector_store_idx %arg11[%get3A_289], %broadcast_in_dim3A_56 {add = true} : memref<10000xf32, #tpu.memory_space<vmem>>[vector<16xi32>], vector<16xf32>,
          %get3A_290 = arith.index_cast %add3A_185 : i32 to index
          %get3A_291 = arith.constant 64 : index
          %get3A_292 = tpu.vector_load %arg9[%get3A_290, %get3A_291] {strides = array<i32>} : memref<250x80xi32, #tpu.memory_space<vmem>>, vector<16xi32>,
          tpu.vector_store_idx %arg11[%get3A_292], %broadcast_in_dim3A_56 {add = true} : memref<10000xf32, #tpu.memory_space<vmem>>[vector<16xi32>], vector<16xf32>,
        } else {
        }
      } else {
      }
      %sub3A_190 = arith.constant 2 : i32
      %sub3A_191 = arith.subi %add3A_185, %sub3A_190 : i32
      %lt3A_192 = arith.constant 250 : i32
      %lt3A_193 = arith.cmpi slt, %sub3A_191, %lt3A_192 : i32
      %convert_element_type3A_194 = arith.extui %lt3A_193 : i1 to i32
      %cond3A_195 = arith.constant 0 : i32
      %cond3A_196 = arith.cmpi ne, %convert_element_type3A_194, %cond3A_195 : i32
      scf.if %cond3A_196 {
        %sub3A_252 = arith.constant 2 : i32
        %sub3A_253 = arith.subi %add3A_185, %sub3A_252 : i32
        %dma_wait3A_254 = arith.constant 0 : i32
        %dma_wait3A_255 = arith.constant 0 : i32
        %dma_wait3A_256 = arith.constant 0 : i32
        %dma_wait3A_257 = tpu.memref_slice %arg10[%dma_wait3A_254, %dma_wait3A_255, %dma_wait3A_256] : memref<4x80x64xf32, #tpu.memory_space<vmem>> -> memref<1x80x64xf32, #tpu.memory_space<vmem>>
        %dma_wait3A_258 = tpu.memref_squeeze %dma_wait3A_257 : memref<1x80x64xf32, #tpu.memory_space<vmem>> -> memref<80x64xf32, #tpu.memory_space<vmem>>
        %dma_wait3A_259 = arith.constant 0 : i32
        %dma_wait3A_260 = tpu.memref_slice %arg9[%sub3A_253, %dma_wait3A_259] : memref<250x80xi32, #tpu.memory_space<vmem>> -> memref<1x80xi32, #tpu.memory_space<vmem>>
        %dma_wait3A_261 = tpu.memref_squeeze %dma_wait3A_260 : memref<1x80xi32, #tpu.memory_space<vmem>> -> memref<80xi32, #tpu.memory_space<vmem>>
        %dma_wait3A_262 = arith.constant 0 : i32
        %dma_wait3A_263 = arith.constant 0 : i32
        %dma_wait3A_264 = tpu.memref_slice %arg12[%dma_wait3A_262, %dma_wait3A_263] : memref<10000x64xf32, #tpu.memory_space<vmem_shared>> -> memref<10000x64xf32, #tpu.memory_space<vmem_shared>>
        tpu.wait_indirect_dma semaphore(%arg17 : memref<!tpu.dma_semaphore, #tpu.memory_space<semaphore_mem>>) src(%dma_wait3A_258 : memref<80x64xf32, #tpu.memory_space<vmem>>) dst(%dma_wait3A_264 : memref<10000x64xf32, #tpu.memory_space<vmem_shared>>)
        %add3A_265 = arith.constant 2 : i32
        %add3A_266 = arith.addi %add3A_185, %add3A_265 : i32
        %lt3A_267 = arith.constant 250 : i32
        %lt3A_268 = arith.cmpi slt, %add3A_266, %lt3A_267 : i32
        %convert_element_type3A_269 = arith.extui %lt3A_268 : i1 to i32
        %cond3A_270 = arith.constant 0 : i32
        %cond3A_271 = arith.cmpi ne, %convert_element_type3A_269, %cond3A_270 : i32
        scf.if %cond3A_271 {
          %add3A_272 = arith.constant 2 : i32
          %add3A_273 = arith.addi %add3A_185, %add3A_272 : i32
          %dma_start3A_274 = arith.constant 0 : i32
          %dma_start3A_275 = arith.constant 0 : i32
          %dma_start3A_276 = arith.constant 0 : i32
          %dma_start3A_277 = tpu.memref_slice %arg10[%dma_start3A_274, %dma_start3A_275, %dma_start3A_276] : memref<4x80x64xf32, #tpu.memory_space<vmem>> -> memref<1x80x64xf32, #tpu.memory_space<vmem>>
          %dma_start3A_278 = tpu.memref_squeeze %dma_start3A_277 : memref<1x80x64xf32, #tpu.memory_space<vmem>> -> memref<80x64xf32, #tpu.memory_space<vmem>>
          %dma_start3A_279 = arith.constant 0 : i32
          %dma_start3A_280 = tpu.memref_slice %arg8[%add3A_273, %dma_start3A_279] : memref<250x80xi32, #tpu.memory_space<vmem>> -> memref<1x80xi32, #tpu.memory_space<vmem>>
          %dma_start3A_281 = tpu.memref_squeeze %dma_start3A_280 : memref<1x80xi32, #tpu.memory_space<vmem>> -> memref<80xi32, #tpu.memory_space<vmem>>
          %dma_start3A_282 = arith.constant 0 : i32
          %dma_start3A_283 = arith.constant 0 : i32
          %dma_start3A_284 = tpu.memref_slice %arg2[%dma_start3A_282, %dma_start3A_283] : memref<20000x64xf32, #tpu.memory_space<hbm>> -> memref<20000x64xf32, #tpu.memory_space<hbm>>
          tpu.enqueue_indirect_dma source(%dma_start3A_284 : memref<20000x64xf32, #tpu.memory_space<hbm>>) target(%dma_start3A_278 : memref<80x64xf32, #tpu.memory_space<vmem>>) offsets(%dma_start3A_281 : memref<80xi32, #tpu.memory_space<vmem>>) semaphore(%arg13 : memref<!tpu.dma_semaphore, #tpu.memory_space<semaphore_mem>>)
        } else {
        }
      } else {
      }
      %mul3A_197 = arith.constant 4 : i32
      %mul3A_198 = arith.muli %scan3A_178, %mul3A_197 : i32
      %add3A_199 = arith.constant 1 : i32
      %add3A_200 = arith.addi %mul3A_198, %add3A_199 : i32
      %add3A_201 = arith.constant 2 : i32
      %add3A_202 = arith.addi %add3A_200, %add3A_201 : i32
      %lt3A_203 = arith.constant 250 : i32
      %lt3A_204 = arith.cmpi slt, %add3A_202, %lt3A_203 : i32
      %convert_element_type3A_205 = arith.extui %lt3A_204 : i1 to i32
      %cond3A_206 = arith.constant 0 : i32
      %cond3A_207 = arith.cmpi ne, %convert_element_type3A_205, %cond3A_206 : i32
      scf.if %cond3A_207 {
        %dma_wait3A_252 = arith.constant 3 : i32
        %dma_wait3A_253 = arith.constant 0 : i32
        %dma_wait3A_254 = arith.constant 0 : i32
        %dma_wait3A_255 = tpu.memref_slice %arg10[%dma_wait3A_252, %dma_wait3A_253, %dma_wait3A_254] : memref<4x80x64xf32, #tpu.memory_space<vmem>> -> memref<1x80x64xf32, #tpu.memory_space<vmem>>
        %dma_wait3A_256 = tpu.memref_squeeze %dma_wait3A_255 : memref<1x80x64xf32, #tpu.memory_space<vmem>> -> memref<80x64xf32, #tpu.memory_space<vmem>>
        %dma_wait3A_257 = arith.constant 0 : i32
        %dma_wait3A_258 = tpu.memref_slice %arg8[%add3A_202, %dma_wait3A_257] : memref<250x80xi32, #tpu.memory_space<vmem>> -> memref<1x80xi32, #tpu.memory_space<vmem>>
        %dma_wait3A_259 = tpu.memref_squeeze %dma_wait3A_258 : memref<1x80xi32, #tpu.memory_space<vmem>> -> memref<80xi32, #tpu.memory_space<vmem>>
        %dma_wait3A_260 = arith.constant 0 : i32
        %dma_wait3A_261 = arith.constant 0 : i32
        %dma_wait3A_262 = tpu.memref_slice %arg2[%dma_wait3A_260, %dma_wait3A_261] : memref<20000x64xf32, #tpu.memory_space<hbm>> -> memref<20000x64xf32, #tpu.memory_space<hbm>>
        tpu.wait_indirect_dma semaphore(%arg16 : memref<!tpu.dma_semaphore, #tpu.memory_space<semaphore_mem>>) src(%dma_wait3A_262 : memref<20000x64xf32, #tpu.memory_space<hbm>>) dst(%dma_wait3A_256 : memref<80x64xf32, #tpu.memory_space<vmem>>)
        %dma_start3A_263 = arith.constant 3 : i32
        %dma_start3A_264 = arith.constant 0 : i32
        %dma_start3A_265 = arith.constant 0 : i32
        %dma_start3A_266 = tpu.memref_slice %arg10[%dma_start3A_263, %dma_start3A_264, %dma_start3A_265] : memref<4x80x64xf32, #tpu.memory_space<vmem>> -> memref<1x80x64xf32, #tpu.memory_space<vmem>>
        %dma_start3A_267 = tpu.memref_squeeze %dma_start3A_266 : memref<1x80x64xf32, #tpu.memory_space<vmem>> -> memref<80x64xf32, #tpu.memory_space<vmem>>
        %dma_start3A_268 = arith.constant 0 : i32
        %dma_start3A_269 = tpu.memref_slice %arg9[%add3A_202, %dma_start3A_268] : memref<250x80xi32, #tpu.memory_space<vmem>> -> memref<1x80xi32, #tpu.memory_space<vmem>>
        %dma_start3A_270 = tpu.memref_squeeze %dma_start3A_269 : memref<1x80xi32, #tpu.memory_space<vmem>> -> memref<80xi32, #tpu.memory_space<vmem>>
        %dma_start3A_271 = arith.constant 0 : i32
        %dma_start3A_272 = arith.constant 0 : i32
        %dma_start3A_273 = tpu.memref_slice %arg12[%dma_start3A_271, %dma_start3A_272] : memref<10000x64xf32, #tpu.memory_space<vmem_shared>> -> memref<10000x64xf32, #tpu.memory_space<vmem_shared>>
        tpu.enqueue_indirect_dma source(%dma_start3A_267 : memref<80x64xf32, #tpu.memory_space<vmem>>) target(%dma_start3A_273 : memref<10000x64xf32, #tpu.memory_space<vmem_shared>>) offsets(%dma_start3A_270 : memref<80xi32, #tpu.memory_space<vmem>>) semaphore(%arg20 : memref<!tpu.dma_semaphore, #tpu.memory_space<semaphore_mem>>) {add = true}
        %eq3A_274 = arith.constant 0 : i32
        %eq3A_275 = arith.cmpi eq, %arg0, %eq3A_274 : i32
        %convert_element_type3A_276 = arith.extui %eq3A_275 : i1 to i32
        %cond3A_277 = arith.constant 0 : i32
        %cond3A_278 = arith.cmpi ne, %convert_element_type3A_276, %cond3A_277 : i32
        scf.if %cond3A_278 {
          %get3A = arith.index_cast %add3A_202 : i32 to index
          %get3A_279 = arith.constant 0 : index
          %get3A_280 = tpu.vector_load %arg9[%get3A, %get3A_279] {strides = array<i32>} : memref<250x80xi32, #tpu.memory_space<vmem>>, vector<16xi32>,
          tpu.vector_store_idx %arg11[%get3A_280], %broadcast_in_dim3A_56 {add = true} : memref<10000xf32, #tpu.memory_space<vmem>>[vector<16xi32>], vector<16xf32>,
          %get3A_281 = arith.index_cast %add3A_202 : i32 to index
          %get3A_282 = arith.constant 16 : index
          %get3A_283 = tpu.vector_load %arg9[%get3A_281, %get3A_282] {strides = array<i32>} : memref<250x80xi32, #tpu.memory_space<vmem>>, vector<16xi32>,
          tpu.vector_store_idx %arg11[%get3A_283], %broadcast_in_dim3A_56 {add = true} : memref<10000xf32, #tpu.memory_space<vmem>>[vector<16xi32>], vector<16xf32>,
          %get3A_284 = arith.index_cast %add3A_202 : i32 to index
          %get3A_285 = arith.constant 32 : index
          %get3A_286 = tpu.vector_load %arg9[%get3A_284, %get3A_285] {strides = array<i32>} : memref<250x80xi32, #tpu.memory_space<vmem>>, vector<16xi32>,
          tpu.vector_store_idx %arg11[%get3A_286], %broadcast_in_dim3A_56 {add = true} : memref<10000xf32, #tpu.memory_space<vmem>>[vector<16xi32>], vector<16xf32>,
          %get3A_287 = arith.index_cast %add3A_202 : i32 to index
          %get3A_288 = arith.constant 48 : index
          %get3A_289 = tpu.vector_load %arg9[%get3A_287, %get3A_288] {strides = array<i32>} : memref<250x80xi32, #tpu.memory_space<vmem>>, vector<16xi32>,
          tpu.vector_store_idx %arg11[%get3A_289], %broadcast_in_dim3A_56 {add = true} : memref<10000xf32, #tpu.memory_space<vmem>>[vector<16xi32>], vector<16xf32>,
          %get3A_290 = arith.index_cast %add3A_202 : i32 to index
          %get3A_291 = arith.constant 64 : index
          %get3A_292 = tpu.vector_load %arg9[%get3A_290, %get3A_291] {strides = array<i32>} : memref<250x80xi32, #tpu.memory_space<vmem>>, vector<16xi32>,
          tpu.vector_store_idx %arg11[%get3A_292], %broadcast_in_dim3A_56 {add = true} : memref<10000xf32, #tpu.memory_space<vmem>>[vector<16xi32>], vector<16xf32>,
        } else {
        }
      } else {
      }
      %sub3A_208 = arith.constant 2 : i32
      %sub3A_209 = arith.subi %add3A_202, %sub3A_208 : i32
      %lt3A_210 = arith.constant 250 : i32
      %lt3A_211 = arith.cmpi slt, %sub3A_209, %lt3A_210 : i32
      %convert_element_type3A_212 = arith.extui %lt3A_211 : i1 to i32
      %cond3A_213 = arith.constant 0 : i32
      %cond3A_214 = arith.cmpi ne, %convert_element_type3A_212, %cond3A_213 : i32
      scf.if %cond3A_214 {
        %sub3A_252 = arith.constant 2 : i32
        %sub3A_253 = arith.subi %add3A_202, %sub3A_252 : i32
        %dma_wait3A_254 = arith.constant 1 : i32
        %dma_wait3A_255 = arith.constant 0 : i32
        %dma_wait3A_256 = arith.constant 0 : i32
        %dma_wait3A_257 = tpu.memref_slice %arg10[%dma_wait3A_254, %dma_wait3A_255, %dma_wait3A_256] : memref<4x80x64xf32, #tpu.memory_space<vmem>> -> memref<1x80x64xf32, #tpu.memory_space<vmem>>
        %dma_wait3A_258 = tpu.memref_squeeze %dma_wait3A_257 : memref<1x80x64xf32, #tpu.memory_space<vmem>> -> memref<80x64xf32, #tpu.memory_space<vmem>>
        %dma_wait3A_259 = arith.constant 0 : i32
        %dma_wait3A_260 = tpu.memref_slice %arg9[%sub3A_253, %dma_wait3A_259] : memref<250x80xi32, #tpu.memory_space<vmem>> -> memref<1x80xi32, #tpu.memory_space<vmem>>
        %dma_wait3A_261 = tpu.memref_squeeze %dma_wait3A_260 : memref<1x80xi32, #tpu.memory_space<vmem>> -> memref<80xi32, #tpu.memory_space<vmem>>
        %dma_wait3A_262 = arith.constant 0 : i32
        %dma_wait3A_263 = arith.constant 0 : i32
        %dma_wait3A_264 = tpu.memref_slice %arg12[%dma_wait3A_262, %dma_wait3A_263] : memref<10000x64xf32, #tpu.memory_space<vmem_shared>> -> memref<10000x64xf32, #tpu.memory_space<vmem_shared>>
        tpu.wait_indirect_dma semaphore(%arg18 : memref<!tpu.dma_semaphore, #tpu.memory_space<semaphore_mem>>) src(%dma_wait3A_258 : memref<80x64xf32, #tpu.memory_space<vmem>>) dst(%dma_wait3A_264 : memref<10000x64xf32, #tpu.memory_space<vmem_shared>>)
        %add3A_265 = arith.constant 2 : i32
        %add3A_266 = arith.addi %add3A_202, %add3A_265 : i32
        %lt3A_267 = arith.constant 250 : i32
        %lt3A_268 = arith.cmpi slt, %add3A_266, %lt3A_267 : i32
        %convert_element_type3A_269 = arith.extui %lt3A_268 : i1 to i32
        %cond3A_270 = arith.constant 0 : i32
        %cond3A_271 = arith.cmpi ne, %convert_element_type3A_269, %cond3A_270 : i32
        scf.if %cond3A_271 {
          %add3A_272 = arith.constant 2 : i32
          %add3A_273 = arith.addi %add3A_202, %add3A_272 : i32
          %dma_start3A_274 = arith.constant 1 : i32
          %dma_start3A_275 = arith.constant 0 : i32
          %dma_start3A_276 = arith.constant 0 : i32
          %dma_start3A_277 = tpu.memref_slice %arg10[%dma_start3A_274, %dma_start3A_275, %dma_start3A_276] : memref<4x80x64xf32, #tpu.memory_space<vmem>> -> memref<1x80x64xf32, #tpu.memory_space<vmem>>
          %dma_start3A_278 = tpu.memref_squeeze %dma_start3A_277 : memref<1x80x64xf32, #tpu.memory_space<vmem>> -> memref<80x64xf32, #tpu.memory_space<vmem>>
          %dma_start3A_279 = arith.constant 0 : i32
          %dma_start3A_280 = tpu.memref_slice %arg8[%add3A_273, %dma_start3A_279] : memref<250x80xi32, #tpu.memory_space<vmem>> -> memref<1x80xi32, #tpu.memory_space<vmem>>
          %dma_start3A_281 = tpu.memref_squeeze %dma_start3A_280 : memref<1x80xi32, #tpu.memory_space<vmem>> -> memref<80xi32, #tpu.memory_space<vmem>>
          %dma_start3A_282 = arith.constant 0 : i32
          %dma_start3A_283 = arith.constant 0 : i32
          %dma_start3A_284 = tpu.memref_slice %arg2[%dma_start3A_282, %dma_start3A_283] : memref<20000x64xf32, #tpu.memory_space<hbm>> -> memref<20000x64xf32, #tpu.memory_space<hbm>>
          tpu.enqueue_indirect_dma source(%dma_start3A_284 : memref<20000x64xf32, #tpu.memory_space<hbm>>) target(%dma_start3A_278 : memref<80x64xf32, #tpu.memory_space<vmem>>) offsets(%dma_start3A_281 : memref<80xi32, #tpu.memory_space<vmem>>) semaphore(%arg14 : memref<!tpu.dma_semaphore, #tpu.memory_space<semaphore_mem>>)
        } else {
        }
      } else {
      }
      %mul3A_215 = arith.constant 4 : i32
      %mul3A_216 = arith.muli %scan3A_178, %mul3A_215 : i32
      %add3A_217 = arith.constant 2 : i32
      %add3A_218 = arith.addi %mul3A_216, %add3A_217 : i32
      %add3A_219 = arith.constant 2 : i32
      %add3A_220 = arith.addi %add3A_218, %add3A_219 : i32
      %lt3A_221 = arith.constant 250 : i32
      %lt3A_222 = arith.cmpi slt, %add3A_220, %lt3A_221 : i32
      %convert_element_type3A_223 = arith.extui %lt3A_222 : i1 to i32
      %cond3A_224 = arith.constant 0 : i32
      %cond3A_225 = arith.cmpi ne, %convert_element_type3A_223, %cond3A_224 : i32
      scf.if %cond3A_225 {
        %dma_wait3A_252 = arith.constant 0 : i32
        %dma_wait3A_253 = arith.constant 0 : i32
        %dma_wait3A_254 = arith.constant 0 : i32
        %dma_wait3A_255 = tpu.memref_slice %arg10[%dma_wait3A_252, %dma_wait3A_253, %dma_wait3A_254] : memref<4x80x64xf32, #tpu.memory_space<vmem>> -> memref<1x80x64xf32, #tpu.memory_space<vmem>>
        %dma_wait3A_256 = tpu.memref_squeeze %dma_wait3A_255 : memref<1x80x64xf32, #tpu.memory_space<vmem>> -> memref<80x64xf32, #tpu.memory_space<vmem>>
        %dma_wait3A_257 = arith.constant 0 : i32
        %dma_wait3A_258 = tpu.memref_slice %arg8[%add3A_220, %dma_wait3A_257] : memref<250x80xi32, #tpu.memory_space<vmem>> -> memref<1x80xi32, #tpu.memory_space<vmem>>
        %dma_wait3A_259 = tpu.memref_squeeze %dma_wait3A_258 : memref<1x80xi32, #tpu.memory_space<vmem>> -> memref<80xi32, #tpu.memory_space<vmem>>
        %dma_wait3A_260 = arith.constant 0 : i32
        %dma_wait3A_261 = arith.constant 0 : i32
        %dma_wait3A_262 = tpu.memref_slice %arg2[%dma_wait3A_260, %dma_wait3A_261] : memref<20000x64xf32, #tpu.memory_space<hbm>> -> memref<20000x64xf32, #tpu.memory_space<hbm>>
        tpu.wait_indirect_dma semaphore(%arg13 : memref<!tpu.dma_semaphore, #tpu.memory_space<semaphore_mem>>) src(%dma_wait3A_262 : memref<20000x64xf32, #tpu.memory_space<hbm>>) dst(%dma_wait3A_256 : memref<80x64xf32, #tpu.memory_space<vmem>>)
        %dma_start3A_263 = arith.constant 0 : i32
        %dma_start3A_264 = arith.constant 0 : i32
        %dma_start3A_265 = arith.constant 0 : i32
        %dma_start3A_266 = tpu.memref_slice %arg10[%dma_start3A_263, %dma_start3A_264, %dma_start3A_265] : memref<4x80x64xf32, #tpu.memory_space<vmem>> -> memref<1x80x64xf32, #tpu.memory_space<vmem>>
        %dma_start3A_267 = tpu.memref_squeeze %dma_start3A_266 : memref<1x80x64xf32, #tpu.memory_space<vmem>> -> memref<80x64xf32, #tpu.memory_space<vmem>>
        %dma_start3A_268 = arith.constant 0 : i32
        %dma_start3A_269 = tpu.memref_slice %arg9[%add3A_220, %dma_start3A_268] : memref<250x80xi32, #tpu.memory_space<vmem>> -> memref<1x80xi32, #tpu.memory_space<vmem>>
        %dma_start3A_270 = tpu.memref_squeeze %dma_start3A_269 : memref<1x80xi32, #tpu.memory_space<vmem>> -> memref<80xi32, #tpu.memory_space<vmem>>
        %dma_start3A_271 = arith.constant 0 : i32
        %dma_start3A_272 = arith.constant 0 : i32
        %dma_start3A_273 = tpu.memref_slice %arg12[%dma_start3A_271, %dma_start3A_272] : memref<10000x64xf32, #tpu.memory_space<vmem_shared>> -> memref<10000x64xf32, #tpu.memory_space<vmem_shared>>
        tpu.enqueue_indirect_dma source(%dma_start3A_267 : memref<80x64xf32, #tpu.memory_space<vmem>>) target(%dma_start3A_273 : memref<10000x64xf32, #tpu.memory_space<vmem_shared>>) offsets(%dma_start3A_270 : memref<80xi32, #tpu.memory_space<vmem>>) semaphore(%arg17 : memref<!tpu.dma_semaphore, #tpu.memory_space<semaphore_mem>>) {add = true}
        %eq3A_274 = arith.constant 0 : i32
        %eq3A_275 = arith.cmpi eq, %arg0, %eq3A_274 : i32
        %convert_element_type3A_276 = arith.extui %eq3A_275 : i1 to i32
        %cond3A_277 = arith.constant 0 : i32
        %cond3A_278 = arith.cmpi ne, %convert_element_type3A_276, %cond3A_277 : i32
        scf.if %cond3A_278 {
          %get3A = arith.index_cast %add3A_220 : i32 to index
          %get3A_279 = arith.constant 0 : index
          %get3A_280 = tpu.vector_load %arg9[%get3A, %get3A_279] {strides = array<i32>} : memref<250x80xi32, #tpu.memory_space<vmem>>, vector<16xi32>,
          tpu.vector_store_idx %arg11[%get3A_280], %broadcast_in_dim3A_56 {add = true} : memref<10000xf32, #tpu.memory_space<vmem>>[vector<16xi32>], vector<16xf32>,
          %get3A_281 = arith.index_cast %add3A_220 : i32 to index
          %get3A_282 = arith.constant 16 : index
          %get3A_283 = tpu.vector_load %arg9[%get3A_281, %get3A_282] {strides = array<i32>} : memref<250x80xi32, #tpu.memory_space<vmem>>, vector<16xi32>,
          tpu.vector_store_idx %arg11[%get3A_283], %broadcast_in_dim3A_56 {add = true} : memref<10000xf32, #tpu.memory_space<vmem>>[vector<16xi32>], vector<16xf32>,
          %get3A_284 = arith.index_cast %add3A_220 : i32 to index
          %get3A_285 = arith.constant 32 : index
          %get3A_286 = tpu.vector_load %arg9[%get3A_284, %get3A_285] {strides = array<i32>} : memref<250x80xi32, #tpu.memory_space<vmem>>, vector<16xi32>,
          tpu.vector_store_idx %arg11[%get3A_286], %broadcast_in_dim3A_56 {add = true} : memref<10000xf32, #tpu.memory_space<vmem>>[vector<16xi32>], vector<16xf32>,
          %get3A_287 = arith.index_cast %add3A_220 : i32 to index
          %get3A_288 = arith.constant 48 : index
          %get3A_289 = tpu.vector_load %arg9[%get3A_287, %get3A_288] {strides = array<i32>} : memref<250x80xi32, #tpu.memory_space<vmem>>, vector<16xi32>,
          tpu.vector_store_idx %arg11[%get3A_289], %broadcast_in_dim3A_56 {add = true} : memref<10000xf32, #tpu.memory_space<vmem>>[vector<16xi32>], vector<16xf32>,
          %get3A_290 = arith.index_cast %add3A_220 : i32 to index
          %get3A_291 = arith.constant 64 : index
          %get3A_292 = tpu.vector_load %arg9[%get3A_290, %get3A_291] {strides = array<i32>} : memref<250x80xi32, #tpu.memory_space<vmem>>, vector<16xi32>,
          tpu.vector_store_idx %arg11[%get3A_292], %broadcast_in_dim3A_56 {add = true} : memref<10000xf32, #tpu.memory_space<vmem>>[vector<16xi32>], vector<16xf32>,
        } else {
        }
      } else {
      }
      %sub3A_226 = arith.constant 2 : i32
      %sub3A_227 = arith.subi %add3A_220, %sub3A_226 : i32
      %lt3A_228 = arith.constant 250 : i32
      %lt3A_229 = arith.cmpi slt, %sub3A_227, %lt3A_228 : i32
      %convert_element_type3A_230 = arith.extui %lt3A_229 : i1 to i32
      %cond3A_231 = arith.constant 0 : i32
      %cond3A_232 = arith.cmpi ne, %convert_element_type3A_230, %cond3A_231 : i32
      scf.if %cond3A_232 {
        %sub3A_252 = arith.constant 2 : i32
        %sub3A_253 = arith.subi %add3A_220, %sub3A_252 : i32
        %dma_wait3A_254 = arith.constant 2 : i32
        %dma_wait3A_255 = arith.constant 0 : i32
        %dma_wait3A_256 = arith.constant 0 : i32
        %dma_wait3A_257 = tpu.memref_slice %arg10[%dma_wait3A_254, %dma_wait3A_255, %dma_wait3A_256] : memref<4x80x64xf32, #tpu.memory_space<vmem>> -> memref<1x80x64xf32, #tpu.memory_space<vmem>>
        %dma_wait3A_258 = tpu.memref_squeeze %dma_wait3A_257 : memref<1x80x64xf32, #tpu.memory_space<vmem>> -> memref<80x64xf32, #tpu.memory_space<vmem>>
        %dma_wait3A_259 = arith.constant 0 : i32
        %dma_wait3A_260 = tpu.memref_slice %arg9[%sub3A_253, %dma_wait3A_259] : memref<250x80xi32, #tpu.memory_space<vmem>> -> memref<1x80xi32, #tpu.memory_space<vmem>>
        %dma_wait3A_261 = tpu.memref_squeeze %dma_wait3A_260 : memref<1x80xi32, #tpu.memory_space<vmem>> -> memref<80xi32, #tpu.memory_space<vmem>>
        %dma_wait3A_262 = arith.constant 0 : i32
        %dma_wait3A_263 = arith.constant 0 : i32
        %dma_wait3A_264 = tpu.memref_slice %arg12[%dma_wait3A_262, %dma_wait3A_263] : memref<10000x64xf32, #tpu.memory_space<vmem_shared>> -> memref<10000x64xf32, #tpu.memory_space<vmem_shared>>
        tpu.wait_indirect_dma semaphore(%arg19 : memref<!tpu.dma_semaphore, #tpu.memory_space<semaphore_mem>>) src(%dma_wait3A_258 : memref<80x64xf32, #tpu.memory_space<vmem>>) dst(%dma_wait3A_264 : memref<10000x64xf32, #tpu.memory_space<vmem_shared>>)
        %add3A_265 = arith.constant 2 : i32
        %add3A_266 = arith.addi %add3A_220, %add3A_265 : i32
        %lt3A_267 = arith.constant 250 : i32
        %lt3A_268 = arith.cmpi slt, %add3A_266, %lt3A_267 : i32
        %convert_element_type3A_269 = arith.extui %lt3A_268 : i1 to i32
        %cond3A_270 = arith.constant 0 : i32
        %cond3A_271 = arith.cmpi ne, %convert_element_type3A_269, %cond3A_270 : i32
        scf.if %cond3A_271 {
          %add3A_272 = arith.constant 2 : i32
          %add3A_273 = arith.addi %add3A_220, %add3A_272 : i32
          %dma_start3A_274 = arith.constant 2 : i32
          %dma_start3A_275 = arith.constant 0 : i32
          %dma_start3A_276 = arith.constant 0 : i32
          %dma_start3A_277 = tpu.memref_slice %arg10[%dma_start3A_274, %dma_start3A_275, %dma_start3A_276] : memref<4x80x64xf32, #tpu.memory_space<vmem>> -> memref<1x80x64xf32, #tpu.memory_space<vmem>>
          %dma_start3A_278 = tpu.memref_squeeze %dma_start3A_277 : memref<1x80x64xf32, #tpu.memory_space<vmem>> -> memref<80x64xf32, #tpu.memory_space<vmem>>
          %dma_start3A_279 = arith.constant 0 : i32
          %dma_start3A_280 = tpu.memref_slice %arg8[%add3A_273, %dma_start3A_279] : memref<250x80xi32, #tpu.memory_space<vmem>> -> memref<1x80xi32, #tpu.memory_space<vmem>>
          %dma_start3A_281 = tpu.memref_squeeze %dma_start3A_280 : memref<1x80xi32, #tpu.memory_space<vmem>> -> memref<80xi32, #tpu.memory_space<vmem>>
          %dma_start3A_282 = arith.constant 0 : i32
          %dma_start3A_283 = arith.constant 0 : i32
          %dma_start3A_284 = tpu.memref_slice %arg2[%dma_start3A_282, %dma_start3A_283] : memref<20000x64xf32, #tpu.memory_space<hbm>> -> memref<20000x64xf32, #tpu.memory_space<hbm>>
          tpu.enqueue_indirect_dma source(%dma_start3A_284 : memref<20000x64xf32, #tpu.memory_space<hbm>>) target(%dma_start3A_278 : memref<80x64xf32, #tpu.memory_space<vmem>>) offsets(%dma_start3A_281 : memref<80xi32, #tpu.memory_space<vmem>>) semaphore(%arg15 : memref<!tpu.dma_semaphore, #tpu.memory_space<semaphore_mem>>)
        } else {
        }
      } else {
      }
      %mul3A_233 = arith.constant 4 : i32
      %mul3A_234 = arith.muli %scan3A_178, %mul3A_233 : i32
      %add3A_235 = arith.constant 3 : i32
      %add3A_236 = arith.addi %mul3A_234, %add3A_235 : i32
      %add3A_237 = arith.constant 2 : i32
      %add3A_238 = arith.addi %add3A_236, %add3A_237 : i32
      %lt3A_239 = arith.constant 250 : i32
      %lt3A_240 = arith.cmpi slt, %add3A_238, %lt3A_239 : i32
      %convert_element_type3A_241 = arith.extui %lt3A_240 : i1 to i32
      %cond3A_242 = arith.constant 0 : i32
      %cond3A_243 = arith.cmpi ne, %convert_element_type3A_241, %cond3A_242 : i32
      scf.if %cond3A_243 {
        %dma_wait3A_252 = arith.constant 1 : i32
        %dma_wait3A_253 = arith.constant 0 : i32
        %dma_wait3A_254 = arith.constant 0 : i32
        %dma_wait3A_255 = tpu.memref_slice %arg10[%dma_wait3A_252, %dma_wait3A_253, %dma_wait3A_254] : memref<4x80x64xf32, #tpu.memory_space<vmem>> -> memref<1x80x64xf32, #tpu.memory_space<vmem>>
        %dma_wait3A_256 = tpu.memref_squeeze %dma_wait3A_255 : memref<1x80x64xf32, #tpu.memory_space<vmem>> -> memref<80x64xf32, #tpu.memory_space<vmem>>
        %dma_wait3A_257 = arith.constant 0 : i32
        %dma_wait3A_258 = tpu.memref_slice %arg8[%add3A_238, %dma_wait3A_257] : memref<250x80xi32, #tpu.memory_space<vmem>> -> memref<1x80xi32, #tpu.memory_space<vmem>>
        %dma_wait3A_259 = tpu.memref_squeeze %dma_wait3A_258 : memref<1x80xi32, #tpu.memory_space<vmem>> -> memref<80xi32, #tpu.memory_space<vmem>>
        %dma_wait3A_260 = arith.constant 0 : i32
        %dma_wait3A_261 = arith.constant 0 : i32
        %dma_wait3A_262 = tpu.memref_slice %arg2[%dma_wait3A_260, %dma_wait3A_261] : memref<20000x64xf32, #tpu.memory_space<hbm>> -> memref<20000x64xf32, #tpu.memory_space<hbm>>
        tpu.wait_indirect_dma semaphore(%arg14 : memref<!tpu.dma_semaphore, #tpu.memory_space<semaphore_mem>>) src(%dma_wait3A_262 : memref<20000x64xf32, #tpu.memory_space<hbm>>) dst(%dma_wait3A_256 : memref<80x64xf32, #tpu.memory_space<vmem>>)
        %dma_start3A_263 = arith.constant 1 : i32
        %dma_start3A_264 = arith.constant 0 : i32
        %dma_start3A_265 = arith.constant 0 : i32
        %dma_start3A_266 = tpu.memref_slice %arg10[%dma_start3A_263, %dma_start3A_264, %dma_start3A_265] : memref<4x80x64xf32, #tpu.memory_space<vmem>> -> memref<1x80x64xf32, #tpu.memory_space<vmem>>
        %dma_start3A_267 = tpu.memref_squeeze %dma_start3A_266 : memref<1x80x64xf32, #tpu.memory_space<vmem>> -> memref<80x64xf32, #tpu.memory_space<vmem>>
        %dma_start3A_268 = arith.constant 0 : i32
        %dma_start3A_269 = tpu.memref_slice %arg9[%add3A_238, %dma_start3A_268] : memref<250x80xi32, #tpu.memory_space<vmem>> -> memref<1x80xi32, #tpu.memory_space<vmem>>
        %dma_start3A_270 = tpu.memref_squeeze %dma_start3A_269 : memref<1x80xi32, #tpu.memory_space<vmem>> -> memref<80xi32, #tpu.memory_space<vmem>>
        %dma_start3A_271 = arith.constant 0 : i32
        %dma_start3A_272 = arith.constant 0 : i32
        %dma_start3A_273 = tpu.memref_slice %arg12[%dma_start3A_271, %dma_start3A_272] : memref<10000x64xf32, #tpu.memory_space<vmem_shared>> -> memref<10000x64xf32, #tpu.memory_space<vmem_shared>>
        tpu.enqueue_indirect_dma source(%dma_start3A_267 : memref<80x64xf32, #tpu.memory_space<vmem>>) target(%dma_start3A_273 : memref<10000x64xf32, #tpu.memory_space<vmem_shared>>) offsets(%dma_start3A_270 : memref<80xi32, #tpu.memory_space<vmem>>) semaphore(%arg18 : memref<!tpu.dma_semaphore, #tpu.memory_space<semaphore_mem>>) {add = true}
        %eq3A_274 = arith.constant 0 : i32
        %eq3A_275 = arith.cmpi eq, %arg0, %eq3A_274 : i32
        %convert_element_type3A_276 = arith.extui %eq3A_275 : i1 to i32
        %cond3A_277 = arith.constant 0 : i32
        %cond3A_278 = arith.cmpi ne, %convert_element_type3A_276, %cond3A_277 : i32
        scf.if %cond3A_278 {
          %get3A = arith.index_cast %add3A_238 : i32 to index
          %get3A_279 = arith.constant 0 : index
          %get3A_280 = tpu.vector_load %arg9[%get3A, %get3A_279] {strides = array<i32>} : memref<250x80xi32, #tpu.memory_space<vmem>>, vector<16xi32>,
          tpu.vector_store_idx %arg11[%get3A_280], %broadcast_in_dim3A_56 {add = true} : memref<10000xf32, #tpu.memory_space<vmem>>[vector<16xi32>], vector<16xf32>,
          %get3A_281 = arith.index_cast %add3A_238 : i32 to index
          %get3A_282 = arith.constant 16 : index
          %get3A_283 = tpu.vector_load %arg9[%get3A_281, %get3A_282] {strides = array<i32>} : memref<250x80xi32, #tpu.memory_space<vmem>>, vector<16xi32>,
          tpu.vector_store_idx %arg11[%get3A_283], %broadcast_in_dim3A_56 {add = true} : memref<10000xf32, #tpu.memory_space<vmem>>[vector<16xi32>], vector<16xf32>,
          %get3A_284 = arith.index_cast %add3A_238 : i32 to index
          %get3A_285 = arith.constant 32 : index
          %get3A_286 = tpu.vector_load %arg9[%get3A_284, %get3A_285] {strides = array<i32>} : memref<250x80xi32, #tpu.memory_space<vmem>>, vector<16xi32>,
          tpu.vector_store_idx %arg11[%get3A_286], %broadcast_in_dim3A_56 {add = true} : memref<10000xf32, #tpu.memory_space<vmem>>[vector<16xi32>], vector<16xf32>,
          %get3A_287 = arith.index_cast %add3A_238 : i32 to index
          %get3A_288 = arith.constant 48 : index
          %get3A_289 = tpu.vector_load %arg9[%get3A_287, %get3A_288] {strides = array<i32>} : memref<250x80xi32, #tpu.memory_space<vmem>>, vector<16xi32>,
          tpu.vector_store_idx %arg11[%get3A_289], %broadcast_in_dim3A_56 {add = true} : memref<10000xf32, #tpu.memory_space<vmem>>[vector<16xi32>], vector<16xf32>,
          %get3A_290 = arith.index_cast %add3A_238 : i32 to index
          %get3A_291 = arith.constant 64 : index
          %get3A_292 = tpu.vector_load %arg9[%get3A_290, %get3A_291] {strides = array<i32>} : memref<250x80xi32, #tpu.memory_space<vmem>>, vector<16xi32>,
          tpu.vector_store_idx %arg11[%get3A_292], %broadcast_in_dim3A_56 {add = true} : memref<10000xf32, #tpu.memory_space<vmem>>[vector<16xi32>], vector<16xf32>,
        } else {
        }
      } else {
      }
      %sub3A_244 = arith.constant 2 : i32
      %sub3A_245 = arith.subi %add3A_238, %sub3A_244 : i32
      %lt3A_246 = arith.constant 250 : i32
      %lt3A_247 = arith.cmpi slt, %sub3A_245, %lt3A_246 : i32
      %convert_element_type3A_248 = arith.extui %lt3A_247 : i1 to i32
      %cond3A_249 = arith.constant 0 : i32
      %cond3A_250 = arith.cmpi ne, %convert_element_type3A_248, %cond3A_249 : i32
      scf.if %cond3A_250 {
        %sub3A_252 = arith.constant 2 : i32
        %sub3A_253 = arith.subi %add3A_238, %sub3A_252 : i32
        %dma_wait3A_254 = arith.constant 3 : i32
        %dma_wait3A_255 = arith.constant 0 : i32
        %dma_wait3A_256 = arith.constant 0 : i32
        %dma_wait3A_257 = tpu.memref_slice %arg10[%dma_wait3A_254, %dma_wait3A_255, %dma_wait3A_256] : memref<4x80x64xf32, #tpu.memory_space<vmem>> -> memref<1x80x64xf32, #tpu.memory_space<vmem>>
        %dma_wait3A_258 = tpu.memref_squeeze %dma_wait3A_257 : memref<1x80x64xf32, #tpu.memory_space<vmem>> -> memref<80x64xf32, #tpu.memory_space<vmem>>
        %dma_wait3A_259 = arith.constant 0 : i32
        %dma_wait3A_260 = tpu.memref_slice %arg9[%sub3A_253, %dma_wait3A_259] : memref<250x80xi32, #tpu.memory_space<vmem>> -> memref<1x80xi32, #tpu.memory_space<vmem>>
        %dma_wait3A_261 = tpu.memref_squeeze %dma_wait3A_260 : memref<1x80xi32, #tpu.memory_space<vmem>> -> memref<80xi32, #tpu.memory_space<vmem>>
        %dma_wait3A_262 = arith.constant 0 : i32
        %dma_wait3A_263 = arith.constant 0 : i32
        %dma_wait3A_264 = tpu.memref_slice %arg12[%dma_wait3A_262, %dma_wait3A_263] : memref<10000x64xf32, #tpu.memory_space<vmem_shared>> -> memref<10000x64xf32, #tpu.memory_space<vmem_shared>>
        tpu.wait_indirect_dma semaphore(%arg20 : memref<!tpu.dma_semaphore, #tpu.memory_space<semaphore_mem>>) src(%dma_wait3A_258 : memref<80x64xf32, #tpu.memory_space<vmem>>) dst(%dma_wait3A_264 : memref<10000x64xf32, #tpu.memory_space<vmem_shared>>)
        %add3A_265 = arith.constant 2 : i32
        %add3A_266 = arith.addi %add3A_238, %add3A_265 : i32
        %lt3A_267 = arith.constant 250 : i32
        %lt3A_268 = arith.cmpi slt, %add3A_266, %lt3A_267 : i32
        %convert_element_type3A_269 = arith.extui %lt3A_268 : i1 to i32
        %cond3A_270 = arith.constant 0 : i32
        %cond3A_271 = arith.cmpi ne, %convert_element_type3A_269, %cond3A_270 : i32
        scf.if %cond3A_271 {
          %add3A_272 = arith.constant 2 : i32
          %add3A_273 = arith.addi %add3A_238, %add3A_272 : i32
          %dma_start3A_274 = arith.constant 3 : i32
          %dma_start3A_275 = arith.constant 0 : i32
          %dma_start3A_276 = arith.constant 0 : i32
          %dma_start3A_277 = tpu.memref_slice %arg10[%dma_start3A_274, %dma_start3A_275, %dma_start3A_276] : memref<4x80x64xf32, #tpu.memory_space<vmem>> -> memref<1x80x64xf32, #tpu.memory_space<vmem>>
          %dma_start3A_278 = tpu.memref_squeeze %dma_start3A_277 : memref<1x80x64xf32, #tpu.memory_space<vmem>> -> memref<80x64xf32, #tpu.memory_space<vmem>>
          %dma_start3A_279 = arith.constant 0 : i32
          %dma_start3A_280 = tpu.memref_slice %arg8[%add3A_273, %dma_start3A_279] : memref<250x80xi32, #tpu.memory_space<vmem>> -> memref<1x80xi32, #tpu.memory_space<vmem>>
          %dma_start3A_281 = tpu.memref_squeeze %dma_start3A_280 : memref<1x80xi32, #tpu.memory_space<vmem>> -> memref<80xi32, #tpu.memory_space<vmem>>
          %dma_start3A_282 = arith.constant 0 : i32
          %dma_start3A_283 = arith.constant 0 : i32
          %dma_start3A_284 = tpu.memref_slice %arg2[%dma_start3A_282, %dma_start3A_283] : memref<20000x64xf32, #tpu.memory_space<hbm>> -> memref<20000x64xf32, #tpu.memory_space<hbm>>
          tpu.enqueue_indirect_dma source(%dma_start3A_284 : memref<20000x64xf32, #tpu.memory_space<hbm>>) target(%dma_start3A_278 : memref<80x64xf32, #tpu.memory_space<vmem>>) offsets(%dma_start3A_281 : memref<80xi32, #tpu.memory_space<vmem>>) semaphore(%arg16 : memref<!tpu.dma_semaphore, #tpu.memory_space<semaphore_mem>>)
        } else {
        }
      } else {
      }
      %scan3A_251 = arith.constant 0 : i32
      scf.yield %scan3A_251 : i32
    }
    %scan3A_167 = arith.constant 63 : i32
    %barrier3A_168 = arith.constant 0 : index
    tpu.barrier barrier_id(%barrier3A_168)
    %mul3A_169 = arith.constant 625 : i32
    %mul3A_170 = arith.muli %arg1, %mul3A_169 : i32
    %mul3A_171 = arith.constant 625 : i32
    %mul3A_172 = arith.muli %arg1, %mul3A_171 : i32
    "tpu.region"() ({
      %run_scoped3A_178 = tpu.sem_alloc : memref<!tpu.dma_semaphore, #tpu.memory_space<semaphore_mem>>
      %dma_start3A_179 = arith.constant 0 : i32
      %dma_start3A_180 = tpu.memref_slice %arg5[%arg0, %mul3A_172, %dma_start3A_179] : memref<2x10000x64xf32, #tpu.memory_space<hbm>> -> memref<1x625x64xf32, #tpu.memory_space<hbm>>
      %dma_start3A_181 = tpu.memref_squeeze %dma_start3A_180 : memref<1x625x64xf32, #tpu.memory_space<hbm>> -> memref<625x64xf32, #tpu.memory_space<hbm>>
      %dma_start3A_182 = arith.constant 0 : i32
      %dma_start3A_183 = tpu.memref_slice %arg12[%mul3A_170, %dma_start3A_182] : memref<10000x64xf32, #tpu.memory_space<vmem_shared>> -> memref<625x64xf32, #tpu.memory_space<vmem_shared>>
      tpu.enqueue_dma source(%dma_start3A_183 : memref<625x64xf32, #tpu.memory_space<vmem_shared>>) target(%dma_start3A_181 : memref<625x64xf32, #tpu.memory_space<hbm>>) target_semaphore(%run_scoped3A_178 : memref<!tpu.dma_semaphore, #tpu.memory_space<semaphore_mem>>)
      %dma_wait3A_184 = arith.constant 0 : i32
      %dma_wait3A_185 = tpu.memref_slice %arg5[%arg0, %mul3A_172, %dma_wait3A_184] : memref<2x10000x64xf32, #tpu.memory_space<hbm>> -> memref<1x625x64xf32, #tpu.memory_space<hbm>>
      %dma_wait3A_186 = tpu.memref_squeeze %dma_wait3A_185 : memref<1x625x64xf32, #tpu.memory_space<hbm>> -> memref<625x64xf32, #tpu.memory_space<hbm>>
      %dma_wait3A_187 = arith.constant 0 : i32
      %dma_wait3A_188 = tpu.memref_slice %arg12[%mul3A_170, %dma_wait3A_187] : memref<10000x64xf32, #tpu.memory_space<vmem_shared>> -> memref<625x64xf32, #tpu.memory_space<vmem_shared>>
      tpu.wait_dma2 semaphore(%run_scoped3A_178 : memref<!tpu.dma_semaphore, #tpu.memory_space<semaphore_mem>>) src(%dma_wait3A_188 : memref<625x64xf32, #tpu.memory_space<vmem_shared>>) dst(%dma_wait3A_186 : memref<625x64xf32, #tpu.memory_space<hbm>>)
      tpu.yield
    }) : () -> ()
    %eq3A_173 = arith.constant 0 : i32
    %eq3A_174 = arith.cmpi eq, %arg0, %eq3A_173 : i32
    %convert_element_type3A_175 = arith.extui %eq3A_174 : i1 to i32
    %cond3A_176 = arith.constant 0 : i32
    %cond3A_177 = arith.cmpi ne, %convert_element_type3A_175, %cond3A_176 : i32
    scf.if %cond3A_177 {
      "tpu.region"() ({
        %run_scoped3A_178 = tpu.sem_alloc : memref<!tpu.dma_semaphore, #tpu.memory_space<semaphore_mem>>
        %dma_start3A_179 = arith.constant 0 : i32
        %dma_start3A_180 = tpu.memref_slice %arg6[%arg1, %dma_start3A_179] : memref<16x10000xf32, #tpu.memory_space<hbm>> -> memref<1x10000xf32, #tpu.memory_space<hbm>>
        %dma_start3A_181 = tpu.memref_squeeze %dma_start3A_180 : memref<1x10000xf32, #tpu.memory_space<hbm>> -> memref<10000xf32, #tpu.memory_space<hbm>>
        %dma_start3A_182 = arith.constant 0 : i32
        %dma_start3A_183 = tpu.memref_slice %arg6[%arg1, %dma_start3A_182] : memref<16x10000xf32, #tpu.memory_space<hbm>> -> memref<1x10000xf32, #tpu.memory_space<hbm>>
        %dma_start3A_184 = tpu.memref_squeeze %dma_start3A_183 : memref<1x10000xf32, #tpu.memory_space<hbm>> -> memref<10000xf32, #tpu.memory_space<hbm>>
        tpu.enqueue_dma source(%arg11 : memref<10000xf32, #tpu.memory_space<vmem>>) target(%dma_start3A_184 : memref<10000xf32, #tpu.memory_space<hbm>>) target_semaphore(%run_scoped3A_178 : memref<!tpu.dma_semaphore, #tpu.memory_space<semaphore_mem>>)
        %dma_wait3A_185 = arith.constant 0 : i32
        %dma_wait3A_186 = tpu.memref_slice %arg6[%arg1, %dma_wait3A_185] : memref<16x10000xf32, #tpu.memory_space<hbm>> -> memref<1x10000xf32, #tpu.memory_space<hbm>>
        %dma_wait3A_187 = tpu.memref_squeeze %dma_wait3A_186 : memref<1x10000xf32, #tpu.memory_space<hbm>> -> memref<10000xf32, #tpu.memory_space<hbm>>
        %dma_wait3A_188 = arith.constant 0 : i32
        %dma_wait3A_189 = tpu.memref_slice %arg6[%arg1, %dma_wait3A_188] : memref<16x10000xf32, #tpu.memory_space<hbm>> -> memref<1x10000xf32, #tpu.memory_space<hbm>>
        %dma_wait3A_190 = tpu.memref_squeeze %dma_wait3A_189 : memref<1x10000xf32, #tpu.memory_space<hbm>> -> memref<10000xf32, #tpu.memory_space<hbm>>
        tpu.wait_dma2 semaphore(%run_scoped3A_178 : memref<!tpu.dma_semaphore, #tpu.memory_space<semaphore_mem>>) src(%arg11 : memref<10000xf32, #tpu.memory_space<vmem>>) dst(%dma_wait3A_190 : memref<10000xf32, #tpu.memory_space<hbm>>)
        tpu.yield
      }) : () -> ()
    } else {
    }
    return
  }
}

#map = affine_map<(d0, d1) -> (0, 0)>
#map1 = affine_map<(d0, d1) -> (0, 0, 0)>
module attributes {stable_mosaic.version = 14 : i64} {
  func.func @body(%arg0: i32, %arg1: i32, %arg2: memref<10000x64xf32, #tpu.memory_space<hbm>>, %arg3: memref<32x125x80xi32, #tpu.memory_space<hbm>>, %arg4: memref<32x125x80xi32, #tpu.memory_space<hbm>>, %arg5: memref<2x10000x64xf32, #tpu.memory_space<hbm>>, %arg6: memref<125x80xi32, #tpu.memory_space<vmem>>, %arg7: memref<125x80xi32, #tpu.memory_space<vmem>>, %arg8: memref<4x80x64xf32, #tpu.memory_space<vmem>>, %arg9: memref<10000x64xf32, #tpu.memory_space<vmem_shared>>, %arg10: memref<!tpu.dma_semaphore, #tpu.memory_space<semaphore_mem>>, %arg11: memref<!tpu.dma_semaphore, #tpu.memory_space<semaphore_mem>>, %arg12: memref<!tpu.dma_semaphore, #tpu.memory_space<semaphore_mem>>, %arg13: memref<!tpu.dma_semaphore, #tpu.memory_space<semaphore_mem>>, %arg14: memref<!tpu.dma_semaphore, #tpu.memory_space<semaphore_mem>>, %arg15: memref<!tpu.dma_semaphore, #tpu.memory_space<semaphore_mem>>, %arg16: memref<!tpu.dma_semaphore, #tpu.memory_space<semaphore_mem>>, %arg17: memref<!tpu.dma_semaphore, #tpu.memory_space<semaphore_mem>>) attributes {dimension_semantics = [#tpu.dimension_semantics<core_parallel>, #tpu.dimension_semantics<subcore_parallel>], iteration_bounds = array<i64: 2, 16>, scalar_prefetch = 0 : i64, scratch_operands = 12 : i64, tpu.core_type = #tpu.core_type<sc_vector_subcore>, window_params = [{transform_indices = #map}, {transform_indices = #map1}, {transform_indices = #map1}, {transform_indices = #map1}]} {
    %mul3A = arith.constant 2 : i32
    %mul3A_0 = arith.muli %arg1, %mul3A : i32
    %add3A = arith.addi %mul3A_0, %arg0 : i32
    "tpu.region"() ({
      %run_scoped3A_155 = tpu.sem_alloc : memref<!tpu.dma_semaphore, #tpu.memory_space<semaphore_mem>>
      %dma_start3A_156 = arith.constant 0 : i32
      %dma_start3A_157 = arith.constant 0 : i32
      %dma_start3A_158 = tpu.memref_slice %arg3[%add3A, %dma_start3A_156, %dma_start3A_157] : memref<32x125x80xi32, #tpu.memory_space<hbm>> -> memref<1x125x80xi32, #tpu.memory_space<hbm>>
      %dma_start3A_159 = tpu.memref_squeeze %dma_start3A_158 : memref<1x125x80xi32, #tpu.memory_space<hbm>> -> memref<125x80xi32, #tpu.memory_space<hbm>>
      %dma_start3A_160 = arith.constant 0 : i32
      %dma_start3A_161 = arith.constant 0 : i32
      %dma_start3A_162 = tpu.memref_slice %arg3[%add3A, %dma_start3A_160, %dma_start3A_161] : memref<32x125x80xi32, #tpu.memory_space<hbm>> -> memref<1x125x80xi32, #tpu.memory_space<hbm>>
      %dma_start3A_163 = tpu.memref_squeeze %dma_start3A_162 : memref<1x125x80xi32, #tpu.memory_space<hbm>> -> memref<125x80xi32, #tpu.memory_space<hbm>>
      tpu.enqueue_dma source(%dma_start3A_163 : memref<125x80xi32, #tpu.memory_space<hbm>>) target(%arg6 : memref<125x80xi32, #tpu.memory_space<vmem>>) target_semaphore(%run_scoped3A_155 : memref<!tpu.dma_semaphore, #tpu.memory_space<semaphore_mem>>)
      %dma_wait3A_164 = arith.constant 0 : i32
      %dma_wait3A_165 = arith.constant 0 : i32
      %dma_wait3A_166 = tpu.memref_slice %arg3[%add3A, %dma_wait3A_164, %dma_wait3A_165] : memref<32x125x80xi32, #tpu.memory_space<hbm>> -> memref<1x125x80xi32, #tpu.memory_space<hbm>>
      %dma_wait3A_167 = tpu.memref_squeeze %dma_wait3A_166 : memref<1x125x80xi32, #tpu.memory_space<hbm>> -> memref<125x80xi32, #tpu.memory_space<hbm>>
      %dma_wait3A_168 = arith.constant 0 : i32
      %dma_wait3A_169 = arith.constant 0 : i32
      %dma_wait3A_170 = tpu.memref_slice %arg3[%add3A, %dma_wait3A_168, %dma_wait3A_169] : memref<32x125x80xi32, #tpu.memory_space<hbm>> -> memref<1x125x80xi32, #tpu.memory_space<hbm>>
      %dma_wait3A_171 = tpu.memref_squeeze %dma_wait3A_170 : memref<1x125x80xi32, #tpu.memory_space<hbm>> -> memref<125x80xi32, #tpu.memory_space<hbm>>
      tpu.wait_dma2 semaphore(%run_scoped3A_155 : memref<!tpu.dma_semaphore, #tpu.memory_space<semaphore_mem>>) src(%dma_wait3A_171 : memref<125x80xi32, #tpu.memory_space<hbm>>) dst(%arg6 : memref<125x80xi32, #tpu.memory_space<vmem>>)
      tpu.yield
    }) : () -> ()
    "tpu.region"() ({
      %run_scoped3A_155 = tpu.sem_alloc : memref<!tpu.dma_semaphore, #tpu.memory_space<semaphore_mem>>
      %dma_start3A_156 = arith.constant 0 : i32
      %dma_start3A_157 = arith.constant 0 : i32
      %dma_start3A_158 = tpu.memref_slice %arg4[%add3A, %dma_start3A_156, %dma_start3A_157] : memref<32x125x80xi32, #tpu.memory_space<hbm>> -> memref<1x125x80xi32, #tpu.memory_space<hbm>>
      %dma_start3A_159 = tpu.memref_squeeze %dma_start3A_158 : memref<1x125x80xi32, #tpu.memory_space<hbm>> -> memref<125x80xi32, #tpu.memory_space<hbm>>
      %dma_start3A_160 = arith.constant 0 : i32
      %dma_start3A_161 = arith.constant 0 : i32
      %dma_start3A_162 = tpu.memref_slice %arg4[%add3A, %dma_start3A_160, %dma_start3A_161] : memref<32x125x80xi32, #tpu.memory_space<hbm>> -> memref<1x125x80xi32, #tpu.memory_space<hbm>>
      %dma_start3A_163 = tpu.memref_squeeze %dma_start3A_162 : memref<1x125x80xi32, #tpu.memory_space<hbm>> -> memref<125x80xi32, #tpu.memory_space<hbm>>
      tpu.enqueue_dma source(%dma_start3A_163 : memref<125x80xi32, #tpu.memory_space<hbm>>) target(%arg7 : memref<125x80xi32, #tpu.memory_space<vmem>>) target_semaphore(%run_scoped3A_155 : memref<!tpu.dma_semaphore, #tpu.memory_space<semaphore_mem>>)
      %dma_wait3A_164 = arith.constant 0 : i32
      %dma_wait3A_165 = arith.constant 0 : i32
      %dma_wait3A_166 = tpu.memref_slice %arg4[%add3A, %dma_wait3A_164, %dma_wait3A_165] : memref<32x125x80xi32, #tpu.memory_space<hbm>> -> memref<1x125x80xi32, #tpu.memory_space<hbm>>
      %dma_wait3A_167 = tpu.memref_squeeze %dma_wait3A_166 : memref<1x125x80xi32, #tpu.memory_space<hbm>> -> memref<125x80xi32, #tpu.memory_space<hbm>>
      %dma_wait3A_168 = arith.constant 0 : i32
      %dma_wait3A_169 = arith.constant 0 : i32
      %dma_wait3A_170 = tpu.memref_slice %arg4[%add3A, %dma_wait3A_168, %dma_wait3A_169] : memref<32x125x80xi32, #tpu.memory_space<hbm>> -> memref<1x125x80xi32, #tpu.memory_space<hbm>>
      %dma_wait3A_171 = tpu.memref_squeeze %dma_wait3A_170 : memref<1x125x80xi32, #tpu.memory_space<hbm>> -> memref<125x80xi32, #tpu.memory_space<hbm>>
      tpu.wait_dma2 semaphore(%run_scoped3A_155 : memref<!tpu.dma_semaphore, #tpu.memory_space<semaphore_mem>>) src(%dma_wait3A_171 : memref<125x80xi32, #tpu.memory_space<hbm>>) dst(%arg7 : memref<125x80xi32, #tpu.memory_space<vmem>>)
      tpu.yield
    }) : () -> ()
    %broadcast_in_dim3A = arith.constant 0.000000e+00 : f32
    %broadcast_in_dim3A_1 = vector.broadcast %broadcast_in_dim3A : f32 to vector<16xf32>
    %scan3A = arith.constant 0 : i32
    %scan3A_2 = arith.constant 0 : i32
    %scan3A_3 = arith.constant 0 : i32
    %scan3A_4 = arith.constant 80 : i32
    %scan3A_5 = arith.addi %scan3A_3, %scan3A_4 : i32
    %scan3A_6 = arith.constant 1 : i32
    %scan3A_7 = scf.for %scan3A_155 = %scan3A_3 to %scan3A_5 step %scan3A_6 iter_args(%scan3A_156 = %scan3A_2) -> (i32)  : i32 {
      %swap3A = arith.constant 0 : i32
      %swap3A_157 = arith.constant 0 : i32
      %swap3A_158 = tpu.memref_slice %arg8[%scan3A, %swap3A, %swap3A_157] : memref<4x80x64xf32, #tpu.memory_space<vmem>> -> memref<1x80x64xf32, #tpu.memory_space<vmem>>
      %swap3A_159 = tpu.memref_squeeze %swap3A_158 : memref<1x80x64xf32, #tpu.memory_space<vmem>> -> memref<80x64xf32, #tpu.memory_space<vmem>>
      %swap3A_160 = arith.index_cast %scan3A_155 : i32 to index
      %swap3A_161 = arith.constant 0 : index
      %swap3A_162 = tpu.vector_load %swap3A_159[%swap3A_160, %swap3A_161] {strides = array<i32>} : memref<80x64xf32, #tpu.memory_space<vmem>>, vector<16xf32>,
      tpu.vector_store %swap3A_159[%swap3A_160, %swap3A_161], %broadcast_in_dim3A_1 {strides = array<i32>} : memref<80x64xf32, #tpu.memory_space<vmem>>, vector<16xf32>,
      %swap3A_163 = arith.constant 0 : i32
      %swap3A_164 = arith.constant 0 : i32
      %swap3A_165 = tpu.memref_slice %arg8[%scan3A, %swap3A_163, %swap3A_164] : memref<4x80x64xf32, #tpu.memory_space<vmem>> -> memref<1x80x64xf32, #tpu.memory_space<vmem>>
      %swap3A_166 = tpu.memref_squeeze %swap3A_165 : memref<1x80x64xf32, #tpu.memory_space<vmem>> -> memref<80x64xf32, #tpu.memory_space<vmem>>
      %swap3A_167 = arith.index_cast %scan3A_155 : i32 to index
      %swap3A_168 = arith.constant 16 : index
      %swap3A_169 = tpu.vector_load %swap3A_166[%swap3A_167, %swap3A_168] {strides = array<i32>} : memref<80x64xf32, #tpu.memory_space<vmem>>, vector<16xf32>,
      tpu.vector_store %swap3A_166[%swap3A_167, %swap3A_168], %broadcast_in_dim3A_1 {strides = array<i32>} : memref<80x64xf32, #tpu.memory_space<vmem>>, vector<16xf32>,
      %swap3A_170 = arith.constant 0 : i32
      %swap3A_171 = arith.constant 0 : i32
      %swap3A_172 = tpu.memref_slice %arg8[%scan3A, %swap3A_170, %swap3A_171] : memref<4x80x64xf32, #tpu.memory_space<vmem>> -> memref<1x80x64xf32, #tpu.memory_space<vmem>>
      %swap3A_173 = tpu.memref_squeeze %swap3A_172 : memref<1x80x64xf32, #tpu.memory_space<vmem>> -> memref<80x64xf32, #tpu.memory_space<vmem>>
      %swap3A_174 = arith.index_cast %scan3A_155 : i32 to index
      %swap3A_175 = arith.constant 32 : index
      %swap3A_176 = tpu.vector_load %swap3A_173[%swap3A_174, %swap3A_175] {strides = array<i32>} : memref<80x64xf32, #tpu.memory_space<vmem>>, vector<16xf32>,
      tpu.vector_store %swap3A_173[%swap3A_174, %swap3A_175], %broadcast_in_dim3A_1 {strides = array<i32>} : memref<80x64xf32, #tpu.memory_space<vmem>>, vector<16xf32>,
      %swap3A_177 = arith.constant 0 : i32
      %swap3A_178 = arith.constant 0 : i32
      %swap3A_179 = tpu.memref_slice %arg8[%scan3A, %swap3A_177, %swap3A_178] : memref<4x80x64xf32, #tpu.memory_space<vmem>> -> memref<1x80x64xf32, #tpu.memory_space<vmem>>
      %swap3A_180 = tpu.memref_squeeze %swap3A_179 : memref<1x80x64xf32, #tpu.memory_space<vmem>> -> memref<80x64xf32, #tpu.memory_space<vmem>>
      %swap3A_181 = arith.index_cast %scan3A_155 : i32 to index
      %swap3A_182 = arith.constant 48 : index
      %swap3A_183 = tpu.vector_load %swap3A_180[%swap3A_181, %swap3A_182] {strides = array<i32>} : memref<80x64xf32, #tpu.memory_space<vmem>>, vector<16xf32>,
      tpu.vector_store %swap3A_180[%swap3A_181, %swap3A_182], %broadcast_in_dim3A_1 {strides = array<i32>} : memref<80x64xf32, #tpu.memory_space<vmem>>, vector<16xf32>,
      %scan3A_184 = arith.constant 0 : i32
      scf.yield %scan3A_184 : i32
    }
    %scan3A_8 = arith.constant 80 : i32
    %mul3A_9 = arith.constant 625 : i32
    %mul3A_10 = arith.muli %arg1, %mul3A_9 : i32
    %add3A_11 = arith.constant 0 : i32
    %add3A_12 = arith.addi %mul3A_10, %add3A_11 : i32
    %run_scoped3A = arith.constant 0 : i32
    "tpu.region"() ({
      %run_scoped3A_155 = tpu.sem_alloc : memref<!tpu.dma_semaphore, #tpu.memory_space<semaphore_mem>>
      %dma_start3A_156 = arith.constant 0 : i32
      %dma_start3A_157 = arith.constant 0 : i32
      %dma_start3A_158 = tpu.memref_slice %arg8[%run_scoped3A, %dma_start3A_156, %dma_start3A_157] : memref<4x80x64xf32, #tpu.memory_space<vmem>> -> memref<1x80x64xf32, #tpu.memory_space<vmem>>
      %dma_start3A_159 = tpu.memref_squeeze %dma_start3A_158 : memref<1x80x64xf32, #tpu.memory_space<vmem>> -> memref<80x64xf32, #tpu.memory_space<vmem>>
      %dma_start3A_160 = arith.constant 0 : i32
      %dma_start3A_161 = tpu.memref_slice %arg9[%add3A_12, %dma_start3A_160] : memref<10000x64xf32, #tpu.memory_space<vmem_shared>> -> memref<80x64xf32, #tpu.memory_space<vmem_shared>>
      %dma_start3A_162 = arith.constant 0 : i32
      %dma_start3A_163 = tpu.memref_slice %arg9[%add3A_12, %dma_start3A_162] : memref<10000x64xf32, #tpu.memory_space<vmem_shared>> -> memref<80x64xf32, #tpu.memory_space<vmem_shared>>
      %dma_start3A_164 = arith.constant 0 : i32
      %dma_start3A_165 = arith.constant 0 : i32
      %dma_start3A_166 = tpu.memref_slice %arg8[%run_scoped3A, %dma_start3A_164, %dma_start3A_165] : memref<4x80x64xf32, #tpu.memory_space<vmem>> -> memref<1x80x64xf32, #tpu.memory_space<vmem>>
      %dma_start3A_167 = tpu.memref_squeeze %dma_start3A_166 : memref<1x80x64xf32, #tpu.memory_space<vmem>> -> memref<80x64xf32, #tpu.memory_space<vmem>>
      tpu.enqueue_dma source(%dma_start3A_167 : memref<80x64xf32, #tpu.memory_space<vmem>>) target(%dma_start3A_163 : memref<80x64xf32, #tpu.memory_space<vmem_shared>>) target_semaphore(%run_scoped3A_155 : memref<!tpu.dma_semaphore, #tpu.memory_space<semaphore_mem>>)
      %dma_wait3A_168 = arith.constant 0 : i32
      %dma_wait3A_169 = arith.constant 0 : i32
      %dma_wait3A_170 = tpu.memref_slice %arg8[%run_scoped3A, %dma_wait3A_168, %dma_wait3A_169] : memref<4x80x64xf32, #tpu.memory_space<vmem>> -> memref<1x80x64xf32, #tpu.memory_space<vmem>>
      %dma_wait3A_171 = tpu.memref_squeeze %dma_wait3A_170 : memref<1x80x64xf32, #tpu.memory_space<vmem>> -> memref<80x64xf32, #tpu.memory_space<vmem>>
      %dma_wait3A_172 = arith.constant 0 : i32
      %dma_wait3A_173 = tpu.memref_slice %arg9[%add3A_12, %dma_wait3A_172] : memref<10000x64xf32, #tpu.memory_space<vmem_shared>> -> memref<80x64xf32, #tpu.memory_space<vmem_shared>>
      %dma_wait3A_174 = arith.constant 0 : i32
      %dma_wait3A_175 = tpu.memref_slice %arg9[%add3A_12, %dma_wait3A_174] : memref<10000x64xf32, #tpu.memory_space<vmem_shared>> -> memref<80x64xf32, #tpu.memory_space<vmem_shared>>
      %dma_wait3A_176 = arith.constant 0 : i32
      %dma_wait3A_177 = arith.constant 0 : i32
      %dma_wait3A_178 = tpu.memref_slice %arg8[%run_scoped3A, %dma_wait3A_176, %dma_wait3A_177] : memref<4x80x64xf32, #tpu.memory_space<vmem>> -> memref<1x80x64xf32, #tpu.memory_space<vmem>>
      %dma_wait3A_179 = tpu.memref_squeeze %dma_wait3A_178 : memref<1x80x64xf32, #tpu.memory_space<vmem>> -> memref<80x64xf32, #tpu.memory_space<vmem>>
      tpu.wait_dma2 semaphore(%run_scoped3A_155 : memref<!tpu.dma_semaphore, #tpu.memory_space<semaphore_mem>>) src(%dma_wait3A_179 : memref<80x64xf32, #tpu.memory_space<vmem>>) dst(%dma_wait3A_175 : memref<80x64xf32, #tpu.memory_space<vmem_shared>>)
      tpu.yield
    }) : () -> ()
    %mul3A_13 = arith.constant 625 : i32
    %mul3A_14 = arith.muli %arg1, %mul3A_13 : i32
    %add3A_15 = arith.constant 80 : i32
    %add3A_16 = arith.addi %mul3A_14, %add3A_15 : i32
    %run_scoped3A_17 = arith.constant 0 : i32
    "tpu.region"() ({
      %run_scoped3A_155 = tpu.sem_alloc : memref<!tpu.dma_semaphore, #tpu.memory_space<semaphore_mem>>
      %dma_start3A_156 = arith.constant 0 : i32
      %dma_start3A_157 = arith.constant 0 : i32
      %dma_start3A_158 = tpu.memref_slice %arg8[%run_scoped3A_17, %dma_start3A_156, %dma_start3A_157] : memref<4x80x64xf32, #tpu.memory_space<vmem>> -> memref<1x80x64xf32, #tpu.memory_space<vmem>>
      %dma_start3A_159 = tpu.memref_squeeze %dma_start3A_158 : memref<1x80x64xf32, #tpu.memory_space<vmem>> -> memref<80x64xf32, #tpu.memory_space<vmem>>
      %dma_start3A_160 = arith.constant 0 : i32
      %dma_start3A_161 = tpu.memref_slice %arg9[%add3A_16, %dma_start3A_160] : memref<10000x64xf32, #tpu.memory_space<vmem_shared>> -> memref<80x64xf32, #tpu.memory_space<vmem_shared>>
      %dma_start3A_162 = arith.constant 0 : i32
      %dma_start3A_163 = tpu.memref_slice %arg9[%add3A_16, %dma_start3A_162] : memref<10000x64xf32, #tpu.memory_space<vmem_shared>> -> memref<80x64xf32, #tpu.memory_space<vmem_shared>>
      %dma_start3A_164 = arith.constant 0 : i32
      %dma_start3A_165 = arith.constant 0 : i32
      %dma_start3A_166 = tpu.memref_slice %arg8[%run_scoped3A_17, %dma_start3A_164, %dma_start3A_165] : memref<4x80x64xf32, #tpu.memory_space<vmem>> -> memref<1x80x64xf32, #tpu.memory_space<vmem>>
      %dma_start3A_167 = tpu.memref_squeeze %dma_start3A_166 : memref<1x80x64xf32, #tpu.memory_space<vmem>> -> memref<80x64xf32, #tpu.memory_space<vmem>>
      tpu.enqueue_dma source(%dma_start3A_167 : memref<80x64xf32, #tpu.memory_space<vmem>>) target(%dma_start3A_163 : memref<80x64xf32, #tpu.memory_space<vmem_shared>>) target_semaphore(%run_scoped3A_155 : memref<!tpu.dma_semaphore, #tpu.memory_space<semaphore_mem>>)
      %dma_wait3A_168 = arith.constant 0 : i32
      %dma_wait3A_169 = arith.constant 0 : i32
      %dma_wait3A_170 = tpu.memref_slice %arg8[%run_scoped3A_17, %dma_wait3A_168, %dma_wait3A_169] : memref<4x80x64xf32, #tpu.memory_space<vmem>> -> memref<1x80x64xf32, #tpu.memory_space<vmem>>
      %dma_wait3A_171 = tpu.memref_squeeze %dma_wait3A_170 : memref<1x80x64xf32, #tpu.memory_space<vmem>> -> memref<80x64xf32, #tpu.memory_space<vmem>>
      %dma_wait3A_172 = arith.constant 0 : i32
      %dma_wait3A_173 = tpu.memref_slice %arg9[%add3A_16, %dma_wait3A_172] : memref<10000x64xf32, #tpu.memory_space<vmem_shared>> -> memref<80x64xf32, #tpu.memory_space<vmem_shared>>
      %dma_wait3A_174 = arith.constant 0 : i32
      %dma_wait3A_175 = tpu.memref_slice %arg9[%add3A_16, %dma_wait3A_174] : memref<10000x64xf32, #tpu.memory_space<vmem_shared>> -> memref<80x64xf32, #tpu.memory_space<vmem_shared>>
      %dma_wait3A_176 = arith.constant 0 : i32
      %dma_wait3A_177 = arith.constant 0 : i32
      %dma_wait3A_178 = tpu.memref_slice %arg8[%run_scoped3A_17, %dma_wait3A_176, %dma_wait3A_177] : memref<4x80x64xf32, #tpu.memory_space<vmem>> -> memref<1x80x64xf32, #tpu.memory_space<vmem>>
      %dma_wait3A_179 = tpu.memref_squeeze %dma_wait3A_178 : memref<1x80x64xf32, #tpu.memory_space<vmem>> -> memref<80x64xf32, #tpu.memory_space<vmem>>
      tpu.wait_dma2 semaphore(%run_scoped3A_155 : memref<!tpu.dma_semaphore, #tpu.memory_space<semaphore_mem>>) src(%dma_wait3A_179 : memref<80x64xf32, #tpu.memory_space<vmem>>) dst(%dma_wait3A_175 : memref<80x64xf32, #tpu.memory_space<vmem_shared>>)
      tpu.yield
    }) : () -> ()
    %mul3A_18 = arith.constant 625 : i32
    %mul3A_19 = arith.muli %arg1, %mul3A_18 : i32
    %add3A_20 = arith.constant 160 : i32
    %add3A_21 = arith.addi %mul3A_19, %add3A_20 : i32
    %run_scoped3A_22 = arith.constant 0 : i32
    "tpu.region"() ({
      %run_scoped3A_155 = tpu.sem_alloc : memref<!tpu.dma_semaphore, #tpu.memory_space<semaphore_mem>>
      %dma_start3A_156 = arith.constant 0 : i32
      %dma_start3A_157 = arith.constant 0 : i32
      %dma_start3A_158 = tpu.memref_slice %arg8[%run_scoped3A_22, %dma_start3A_156, %dma_start3A_157] : memref<4x80x64xf32, #tpu.memory_space<vmem>> -> memref<1x80x64xf32, #tpu.memory_space<vmem>>
      %dma_start3A_159 = tpu.memref_squeeze %dma_start3A_158 : memref<1x80x64xf32, #tpu.memory_space<vmem>> -> memref<80x64xf32, #tpu.memory_space<vmem>>
      %dma_start3A_160 = arith.constant 0 : i32
      %dma_start3A_161 = tpu.memref_slice %arg9[%add3A_21, %dma_start3A_160] : memref<10000x64xf32, #tpu.memory_space<vmem_shared>> -> memref<80x64xf32, #tpu.memory_space<vmem_shared>>
      %dma_start3A_162 = arith.constant 0 : i32
      %dma_start3A_163 = tpu.memref_slice %arg9[%add3A_21, %dma_start3A_162] : memref<10000x64xf32, #tpu.memory_space<vmem_shared>> -> memref<80x64xf32, #tpu.memory_space<vmem_shared>>
      %dma_start3A_164 = arith.constant 0 : i32
      %dma_start3A_165 = arith.constant 0 : i32
      %dma_start3A_166 = tpu.memref_slice %arg8[%run_scoped3A_22, %dma_start3A_164, %dma_start3A_165] : memref<4x80x64xf32, #tpu.memory_space<vmem>> -> memref<1x80x64xf32, #tpu.memory_space<vmem>>
      %dma_start3A_167 = tpu.memref_squeeze %dma_start3A_166 : memref<1x80x64xf32, #tpu.memory_space<vmem>> -> memref<80x64xf32, #tpu.memory_space<vmem>>
      tpu.enqueue_dma source(%dma_start3A_167 : memref<80x64xf32, #tpu.memory_space<vmem>>) target(%dma_start3A_163 : memref<80x64xf32, #tpu.memory_space<vmem_shared>>) target_semaphore(%run_scoped3A_155 : memref<!tpu.dma_semaphore, #tpu.memory_space<semaphore_mem>>)
      %dma_wait3A_168 = arith.constant 0 : i32
      %dma_wait3A_169 = arith.constant 0 : i32
      %dma_wait3A_170 = tpu.memref_slice %arg8[%run_scoped3A_22, %dma_wait3A_168, %dma_wait3A_169] : memref<4x80x64xf32, #tpu.memory_space<vmem>> -> memref<1x80x64xf32, #tpu.memory_space<vmem>>
      %dma_wait3A_171 = tpu.memref_squeeze %dma_wait3A_170 : memref<1x80x64xf32, #tpu.memory_space<vmem>> -> memref<80x64xf32, #tpu.memory_space<vmem>>
      %dma_wait3A_172 = arith.constant 0 : i32
      %dma_wait3A_173 = tpu.memref_slice %arg9[%add3A_21, %dma_wait3A_172] : memref<10000x64xf32, #tpu.memory_space<vmem_shared>> -> memref<80x64xf32, #tpu.memory_space<vmem_shared>>
      %dma_wait3A_174 = arith.constant 0 : i32
      %dma_wait3A_175 = tpu.memref_slice %arg9[%add3A_21, %dma_wait3A_174] : memref<10000x64xf32, #tpu.memory_space<vmem_shared>> -> memref<80x64xf32, #tpu.memory_space<vmem_shared>>
      %dma_wait3A_176 = arith.constant 0 : i32
      %dma_wait3A_177 = arith.constant 0 : i32
      %dma_wait3A_178 = tpu.memref_slice %arg8[%run_scoped3A_22, %dma_wait3A_176, %dma_wait3A_177] : memref<4x80x64xf32, #tpu.memory_space<vmem>> -> memref<1x80x64xf32, #tpu.memory_space<vmem>>
      %dma_wait3A_179 = tpu.memref_squeeze %dma_wait3A_178 : memref<1x80x64xf32, #tpu.memory_space<vmem>> -> memref<80x64xf32, #tpu.memory_space<vmem>>
      tpu.wait_dma2 semaphore(%run_scoped3A_155 : memref<!tpu.dma_semaphore, #tpu.memory_space<semaphore_mem>>) src(%dma_wait3A_179 : memref<80x64xf32, #tpu.memory_space<vmem>>) dst(%dma_wait3A_175 : memref<80x64xf32, #tpu.memory_space<vmem_shared>>)
      tpu.yield
    }) : () -> ()
    %mul3A_23 = arith.constant 625 : i32
    %mul3A_24 = arith.muli %arg1, %mul3A_23 : i32
    %add3A_25 = arith.constant 240 : i32
    %add3A_26 = arith.addi %mul3A_24, %add3A_25 : i32
    %run_scoped3A_27 = arith.constant 0 : i32
    "tpu.region"() ({
      %run_scoped3A_155 = tpu.sem_alloc : memref<!tpu.dma_semaphore, #tpu.memory_space<semaphore_mem>>
      %dma_start3A_156 = arith.constant 0 : i32
      %dma_start3A_157 = arith.constant 0 : i32
      %dma_start3A_158 = tpu.memref_slice %arg8[%run_scoped3A_27, %dma_start3A_156, %dma_start3A_157] : memref<4x80x64xf32, #tpu.memory_space<vmem>> -> memref<1x80x64xf32, #tpu.memory_space<vmem>>
      %dma_start3A_159 = tpu.memref_squeeze %dma_start3A_158 : memref<1x80x64xf32, #tpu.memory_space<vmem>> -> memref<80x64xf32, #tpu.memory_space<vmem>>
      %dma_start3A_160 = arith.constant 0 : i32
      %dma_start3A_161 = tpu.memref_slice %arg9[%add3A_26, %dma_start3A_160] : memref<10000x64xf32, #tpu.memory_space<vmem_shared>> -> memref<80x64xf32, #tpu.memory_space<vmem_shared>>
      %dma_start3A_162 = arith.constant 0 : i32
      %dma_start3A_163 = tpu.memref_slice %arg9[%add3A_26, %dma_start3A_162] : memref<10000x64xf32, #tpu.memory_space<vmem_shared>> -> memref<80x64xf32, #tpu.memory_space<vmem_shared>>
      %dma_start3A_164 = arith.constant 0 : i32
      %dma_start3A_165 = arith.constant 0 : i32
      %dma_start3A_166 = tpu.memref_slice %arg8[%run_scoped3A_27, %dma_start3A_164, %dma_start3A_165] : memref<4x80x64xf32, #tpu.memory_space<vmem>> -> memref<1x80x64xf32, #tpu.memory_space<vmem>>
      %dma_start3A_167 = tpu.memref_squeeze %dma_start3A_166 : memref<1x80x64xf32, #tpu.memory_space<vmem>> -> memref<80x64xf32, #tpu.memory_space<vmem>>
      tpu.enqueue_dma source(%dma_start3A_167 : memref<80x64xf32, #tpu.memory_space<vmem>>) target(%dma_start3A_163 : memref<80x64xf32, #tpu.memory_space<vmem_shared>>) target_semaphore(%run_scoped3A_155 : memref<!tpu.dma_semaphore, #tpu.memory_space<semaphore_mem>>)
      %dma_wait3A_168 = arith.constant 0 : i32
      %dma_wait3A_169 = arith.constant 0 : i32
      %dma_wait3A_170 = tpu.memref_slice %arg8[%run_scoped3A_27, %dma_wait3A_168, %dma_wait3A_169] : memref<4x80x64xf32, #tpu.memory_space<vmem>> -> memref<1x80x64xf32, #tpu.memory_space<vmem>>
      %dma_wait3A_171 = tpu.memref_squeeze %dma_wait3A_170 : memref<1x80x64xf32, #tpu.memory_space<vmem>> -> memref<80x64xf32, #tpu.memory_space<vmem>>
      %dma_wait3A_172 = arith.constant 0 : i32
      %dma_wait3A_173 = tpu.memref_slice %arg9[%add3A_26, %dma_wait3A_172] : memref<10000x64xf32, #tpu.memory_space<vmem_shared>> -> memref<80x64xf32, #tpu.memory_space<vmem_shared>>
      %dma_wait3A_174 = arith.constant 0 : i32
      %dma_wait3A_175 = tpu.memref_slice %arg9[%add3A_26, %dma_wait3A_174] : memref<10000x64xf32, #tpu.memory_space<vmem_shared>> -> memref<80x64xf32, #tpu.memory_space<vmem_shared>>
      %dma_wait3A_176 = arith.constant 0 : i32
      %dma_wait3A_177 = arith.constant 0 : i32
      %dma_wait3A_178 = tpu.memref_slice %arg8[%run_scoped3A_27, %dma_wait3A_176, %dma_wait3A_177] : memref<4x80x64xf32, #tpu.memory_space<vmem>> -> memref<1x80x64xf32, #tpu.memory_space<vmem>>
      %dma_wait3A_179 = tpu.memref_squeeze %dma_wait3A_178 : memref<1x80x64xf32, #tpu.memory_space<vmem>> -> memref<80x64xf32, #tpu.memory_space<vmem>>
      tpu.wait_dma2 semaphore(%run_scoped3A_155 : memref<!tpu.dma_semaphore, #tpu.memory_space<semaphore_mem>>) src(%dma_wait3A_179 : memref<80x64xf32, #tpu.memory_space<vmem>>) dst(%dma_wait3A_175 : memref<80x64xf32, #tpu.memory_space<vmem_shared>>)
      tpu.yield
    }) : () -> ()
    %mul3A_28 = arith.constant 625 : i32
    %mul3A_29 = arith.muli %arg1, %mul3A_28 : i32
    %add3A_30 = arith.constant 320 : i32
    %add3A_31 = arith.addi %mul3A_29, %add3A_30 : i32
    %run_scoped3A_32 = arith.constant 0 : i32
    "tpu.region"() ({
      %run_scoped3A_155 = tpu.sem_alloc : memref<!tpu.dma_semaphore, #tpu.memory_space<semaphore_mem>>
      %dma_start3A_156 = arith.constant 0 : i32
      %dma_start3A_157 = arith.constant 0 : i32
      %dma_start3A_158 = tpu.memref_slice %arg8[%run_scoped3A_32, %dma_start3A_156, %dma_start3A_157] : memref<4x80x64xf32, #tpu.memory_space<vmem>> -> memref<1x80x64xf32, #tpu.memory_space<vmem>>
      %dma_start3A_159 = tpu.memref_squeeze %dma_start3A_158 : memref<1x80x64xf32, #tpu.memory_space<vmem>> -> memref<80x64xf32, #tpu.memory_space<vmem>>
      %dma_start3A_160 = arith.constant 0 : i32
      %dma_start3A_161 = tpu.memref_slice %arg9[%add3A_31, %dma_start3A_160] : memref<10000x64xf32, #tpu.memory_space<vmem_shared>> -> memref<80x64xf32, #tpu.memory_space<vmem_shared>>
      %dma_start3A_162 = arith.constant 0 : i32
      %dma_start3A_163 = tpu.memref_slice %arg9[%add3A_31, %dma_start3A_162] : memref<10000x64xf32, #tpu.memory_space<vmem_shared>> -> memref<80x64xf32, #tpu.memory_space<vmem_shared>>
      %dma_start3A_164 = arith.constant 0 : i32
      %dma_start3A_165 = arith.constant 0 : i32
      %dma_start3A_166 = tpu.memref_slice %arg8[%run_scoped3A_32, %dma_start3A_164, %dma_start3A_165] : memref<4x80x64xf32, #tpu.memory_space<vmem>> -> memref<1x80x64xf32, #tpu.memory_space<vmem>>
      %dma_start3A_167 = tpu.memref_squeeze %dma_start3A_166 : memref<1x80x64xf32, #tpu.memory_space<vmem>> -> memref<80x64xf32, #tpu.memory_space<vmem>>
      tpu.enqueue_dma source(%dma_start3A_167 : memref<80x64xf32, #tpu.memory_space<vmem>>) target(%dma_start3A_163 : memref<80x64xf32, #tpu.memory_space<vmem_shared>>) target_semaphore(%run_scoped3A_155 : memref<!tpu.dma_semaphore, #tpu.memory_space<semaphore_mem>>)
      %dma_wait3A_168 = arith.constant 0 : i32
      %dma_wait3A_169 = arith.constant 0 : i32
      %dma_wait3A_170 = tpu.memref_slice %arg8[%run_scoped3A_32, %dma_wait3A_168, %dma_wait3A_169] : memref<4x80x64xf32, #tpu.memory_space<vmem>> -> memref<1x80x64xf32, #tpu.memory_space<vmem>>
      %dma_wait3A_171 = tpu.memref_squeeze %dma_wait3A_170 : memref<1x80x64xf32, #tpu.memory_space<vmem>> -> memref<80x64xf32, #tpu.memory_space<vmem>>
      %dma_wait3A_172 = arith.constant 0 : i32
      %dma_wait3A_173 = tpu.memref_slice %arg9[%add3A_31, %dma_wait3A_172] : memref<10000x64xf32, #tpu.memory_space<vmem_shared>> -> memref<80x64xf32, #tpu.memory_space<vmem_shared>>
      %dma_wait3A_174 = arith.constant 0 : i32
      %dma_wait3A_175 = tpu.memref_slice %arg9[%add3A_31, %dma_wait3A_174] : memref<10000x64xf32, #tpu.memory_space<vmem_shared>> -> memref<80x64xf32, #tpu.memory_space<vmem_shared>>
      %dma_wait3A_176 = arith.constant 0 : i32
      %dma_wait3A_177 = arith.constant 0 : i32
      %dma_wait3A_178 = tpu.memref_slice %arg8[%run_scoped3A_32, %dma_wait3A_176, %dma_wait3A_177] : memref<4x80x64xf32, #tpu.memory_space<vmem>> -> memref<1x80x64xf32, #tpu.memory_space<vmem>>
      %dma_wait3A_179 = tpu.memref_squeeze %dma_wait3A_178 : memref<1x80x64xf32, #tpu.memory_space<vmem>> -> memref<80x64xf32, #tpu.memory_space<vmem>>
      tpu.wait_dma2 semaphore(%run_scoped3A_155 : memref<!tpu.dma_semaphore, #tpu.memory_space<semaphore_mem>>) src(%dma_wait3A_179 : memref<80x64xf32, #tpu.memory_space<vmem>>) dst(%dma_wait3A_175 : memref<80x64xf32, #tpu.memory_space<vmem_shared>>)
      tpu.yield
    }) : () -> ()
    %mul3A_33 = arith.constant 625 : i32
    %mul3A_34 = arith.muli %arg1, %mul3A_33 : i32
    %add3A_35 = arith.constant 400 : i32
    %add3A_36 = arith.addi %mul3A_34, %add3A_35 : i32
    %run_scoped3A_37 = arith.constant 0 : i32
    "tpu.region"() ({
      %run_scoped3A_155 = tpu.sem_alloc : memref<!tpu.dma_semaphore, #tpu.memory_space<semaphore_mem>>
      %dma_start3A_156 = arith.constant 0 : i32
      %dma_start3A_157 = arith.constant 0 : i32
      %dma_start3A_158 = tpu.memref_slice %arg8[%run_scoped3A_37, %dma_start3A_156, %dma_start3A_157] : memref<4x80x64xf32, #tpu.memory_space<vmem>> -> memref<1x80x64xf32, #tpu.memory_space<vmem>>
      %dma_start3A_159 = tpu.memref_squeeze %dma_start3A_158 : memref<1x80x64xf32, #tpu.memory_space<vmem>> -> memref<80x64xf32, #tpu.memory_space<vmem>>
      %dma_start3A_160 = arith.constant 0 : i32
      %dma_start3A_161 = tpu.memref_slice %arg9[%add3A_36, %dma_start3A_160] : memref<10000x64xf32, #tpu.memory_space<vmem_shared>> -> memref<80x64xf32, #tpu.memory_space<vmem_shared>>
      %dma_start3A_162 = arith.constant 0 : i32
      %dma_start3A_163 = tpu.memref_slice %arg9[%add3A_36, %dma_start3A_162] : memref<10000x64xf32, #tpu.memory_space<vmem_shared>> -> memref<80x64xf32, #tpu.memory_space<vmem_shared>>
      %dma_start3A_164 = arith.constant 0 : i32
      %dma_start3A_165 = arith.constant 0 : i32
      %dma_start3A_166 = tpu.memref_slice %arg8[%run_scoped3A_37, %dma_start3A_164, %dma_start3A_165] : memref<4x80x64xf32, #tpu.memory_space<vmem>> -> memref<1x80x64xf32, #tpu.memory_space<vmem>>
      %dma_start3A_167 = tpu.memref_squeeze %dma_start3A_166 : memref<1x80x64xf32, #tpu.memory_space<vmem>> -> memref<80x64xf32, #tpu.memory_space<vmem>>
      tpu.enqueue_dma source(%dma_start3A_167 : memref<80x64xf32, #tpu.memory_space<vmem>>) target(%dma_start3A_163 : memref<80x64xf32, #tpu.memory_space<vmem_shared>>) target_semaphore(%run_scoped3A_155 : memref<!tpu.dma_semaphore, #tpu.memory_space<semaphore_mem>>)
      %dma_wait3A_168 = arith.constant 0 : i32
      %dma_wait3A_169 = arith.constant 0 : i32
      %dma_wait3A_170 = tpu.memref_slice %arg8[%run_scoped3A_37, %dma_wait3A_168, %dma_wait3A_169] : memref<4x80x64xf32, #tpu.memory_space<vmem>> -> memref<1x80x64xf32, #tpu.memory_space<vmem>>
      %dma_wait3A_171 = tpu.memref_squeeze %dma_wait3A_170 : memref<1x80x64xf32, #tpu.memory_space<vmem>> -> memref<80x64xf32, #tpu.memory_space<vmem>>
      %dma_wait3A_172 = arith.constant 0 : i32
      %dma_wait3A_173 = tpu.memref_slice %arg9[%add3A_36, %dma_wait3A_172] : memref<10000x64xf32, #tpu.memory_space<vmem_shared>> -> memref<80x64xf32, #tpu.memory_space<vmem_shared>>
      %dma_wait3A_174 = arith.constant 0 : i32
      %dma_wait3A_175 = tpu.memref_slice %arg9[%add3A_36, %dma_wait3A_174] : memref<10000x64xf32, #tpu.memory_space<vmem_shared>> -> memref<80x64xf32, #tpu.memory_space<vmem_shared>>
      %dma_wait3A_176 = arith.constant 0 : i32
      %dma_wait3A_177 = arith.constant 0 : i32
      %dma_wait3A_178 = tpu.memref_slice %arg8[%run_scoped3A_37, %dma_wait3A_176, %dma_wait3A_177] : memref<4x80x64xf32, #tpu.memory_space<vmem>> -> memref<1x80x64xf32, #tpu.memory_space<vmem>>
      %dma_wait3A_179 = tpu.memref_squeeze %dma_wait3A_178 : memref<1x80x64xf32, #tpu.memory_space<vmem>> -> memref<80x64xf32, #tpu.memory_space<vmem>>
      tpu.wait_dma2 semaphore(%run_scoped3A_155 : memref<!tpu.dma_semaphore, #tpu.memory_space<semaphore_mem>>) src(%dma_wait3A_179 : memref<80x64xf32, #tpu.memory_space<vmem>>) dst(%dma_wait3A_175 : memref<80x64xf32, #tpu.memory_space<vmem_shared>>)
      tpu.yield
    }) : () -> ()
    %mul3A_38 = arith.constant 625 : i32
    %mul3A_39 = arith.muli %arg1, %mul3A_38 : i32
    %add3A_40 = arith.constant 480 : i32
    %add3A_41 = arith.addi %mul3A_39, %add3A_40 : i32
    %run_scoped3A_42 = arith.constant 0 : i32
    "tpu.region"() ({
      %run_scoped3A_155 = tpu.sem_alloc : memref<!tpu.dma_semaphore, #tpu.memory_space<semaphore_mem>>
      %dma_start3A_156 = arith.constant 0 : i32
      %dma_start3A_157 = arith.constant 0 : i32
      %dma_start3A_158 = tpu.memref_slice %arg8[%run_scoped3A_42, %dma_start3A_156, %dma_start3A_157] : memref<4x80x64xf32, #tpu.memory_space<vmem>> -> memref<1x80x64xf32, #tpu.memory_space<vmem>>
      %dma_start3A_159 = tpu.memref_squeeze %dma_start3A_158 : memref<1x80x64xf32, #tpu.memory_space<vmem>> -> memref<80x64xf32, #tpu.memory_space<vmem>>
      %dma_start3A_160 = arith.constant 0 : i32
      %dma_start3A_161 = tpu.memref_slice %arg9[%add3A_41, %dma_start3A_160] : memref<10000x64xf32, #tpu.memory_space<vmem_shared>> -> memref<80x64xf32, #tpu.memory_space<vmem_shared>>
      %dma_start3A_162 = arith.constant 0 : i32
      %dma_start3A_163 = tpu.memref_slice %arg9[%add3A_41, %dma_start3A_162] : memref<10000x64xf32, #tpu.memory_space<vmem_shared>> -> memref<80x64xf32, #tpu.memory_space<vmem_shared>>
      %dma_start3A_164 = arith.constant 0 : i32
      %dma_start3A_165 = arith.constant 0 : i32
      %dma_start3A_166 = tpu.memref_slice %arg8[%run_scoped3A_42, %dma_start3A_164, %dma_start3A_165] : memref<4x80x64xf32, #tpu.memory_space<vmem>> -> memref<1x80x64xf32, #tpu.memory_space<vmem>>
      %dma_start3A_167 = tpu.memref_squeeze %dma_start3A_166 : memref<1x80x64xf32, #tpu.memory_space<vmem>> -> memref<80x64xf32, #tpu.memory_space<vmem>>
      tpu.enqueue_dma source(%dma_start3A_167 : memref<80x64xf32, #tpu.memory_space<vmem>>) target(%dma_start3A_163 : memref<80x64xf32, #tpu.memory_space<vmem_shared>>) target_semaphore(%run_scoped3A_155 : memref<!tpu.dma_semaphore, #tpu.memory_space<semaphore_mem>>)
      %dma_wait3A_168 = arith.constant 0 : i32
      %dma_wait3A_169 = arith.constant 0 : i32
      %dma_wait3A_170 = tpu.memref_slice %arg8[%run_scoped3A_42, %dma_wait3A_168, %dma_wait3A_169] : memref<4x80x64xf32, #tpu.memory_space<vmem>> -> memref<1x80x64xf32, #tpu.memory_space<vmem>>
      %dma_wait3A_171 = tpu.memref_squeeze %dma_wait3A_170 : memref<1x80x64xf32, #tpu.memory_space<vmem>> -> memref<80x64xf32, #tpu.memory_space<vmem>>
      %dma_wait3A_172 = arith.constant 0 : i32
      %dma_wait3A_173 = tpu.memref_slice %arg9[%add3A_41, %dma_wait3A_172] : memref<10000x64xf32, #tpu.memory_space<vmem_shared>> -> memref<80x64xf32, #tpu.memory_space<vmem_shared>>
      %dma_wait3A_174 = arith.constant 0 : i32
      %dma_wait3A_175 = tpu.memref_slice %arg9[%add3A_41, %dma_wait3A_174] : memref<10000x64xf32, #tpu.memory_space<vmem_shared>> -> memref<80x64xf32, #tpu.memory_space<vmem_shared>>
      %dma_wait3A_176 = arith.constant 0 : i32
      %dma_wait3A_177 = arith.constant 0 : i32
      %dma_wait3A_178 = tpu.memref_slice %arg8[%run_scoped3A_42, %dma_wait3A_176, %dma_wait3A_177] : memref<4x80x64xf32, #tpu.memory_space<vmem>> -> memref<1x80x64xf32, #tpu.memory_space<vmem>>
      %dma_wait3A_179 = tpu.memref_squeeze %dma_wait3A_178 : memref<1x80x64xf32, #tpu.memory_space<vmem>> -> memref<80x64xf32, #tpu.memory_space<vmem>>
      tpu.wait_dma2 semaphore(%run_scoped3A_155 : memref<!tpu.dma_semaphore, #tpu.memory_space<semaphore_mem>>) src(%dma_wait3A_179 : memref<80x64xf32, #tpu.memory_space<vmem>>) dst(%dma_wait3A_175 : memref<80x64xf32, #tpu.memory_space<vmem_shared>>)
      tpu.yield
    }) : () -> ()
    %mul3A_43 = arith.constant 625 : i32
    %mul3A_44 = arith.muli %arg1, %mul3A_43 : i32
    %add3A_45 = arith.constant 625 : i32
    %add3A_46 = arith.addi %mul3A_44, %add3A_45 : i32
    %sub3A = arith.constant 65 : i32
    %sub3A_47 = arith.subi %add3A_46, %sub3A : i32
    %run_scoped3A_48 = arith.constant 0 : i32
    "tpu.region"() ({
      %run_scoped3A_155 = tpu.sem_alloc : memref<!tpu.dma_semaphore, #tpu.memory_space<semaphore_mem>>
      %dma_start3A_156 = arith.constant 0 : i32
      %dma_start3A_157 = arith.constant 0 : i32
      %dma_start3A_158 = tpu.memref_slice %arg8[%run_scoped3A_48, %dma_start3A_156, %dma_start3A_157] : memref<4x80x64xf32, #tpu.memory_space<vmem>> -> memref<1x80x64xf32, #tpu.memory_space<vmem>>
      %dma_start3A_159 = tpu.memref_squeeze %dma_start3A_158 : memref<1x80x64xf32, #tpu.memory_space<vmem>> -> memref<80x64xf32, #tpu.memory_space<vmem>>
      %dma_start3A_160 = arith.constant 0 : i32
      %dma_start3A_161 = arith.constant 0 : i32
      %dma_start3A_162 = tpu.memref_slice %dma_start3A_159[%dma_start3A_160, %dma_start3A_161] : memref<80x64xf32, #tpu.memory_space<vmem>> -> memref<65x64xf32, #tpu.memory_space<vmem>>
      %dma_start3A_163 = arith.constant 0 : i32
      %dma_start3A_164 = tpu.memref_slice %arg9[%sub3A_47, %dma_start3A_163] : memref<10000x64xf32, #tpu.memory_space<vmem_shared>> -> memref<65x64xf32, #tpu.memory_space<vmem_shared>>
      %dma_start3A_165 = arith.constant 0 : i32
      %dma_start3A_166 = tpu.memref_slice %arg9[%sub3A_47, %dma_start3A_165] : memref<10000x64xf32, #tpu.memory_space<vmem_shared>> -> memref<65x64xf32, #tpu.memory_space<vmem_shared>>
      %dma_start3A_167 = arith.constant 0 : i32
      %dma_start3A_168 = arith.constant 0 : i32
      %dma_start3A_169 = tpu.memref_slice %arg8[%run_scoped3A_48, %dma_start3A_167, %dma_start3A_168] : memref<4x80x64xf32, #tpu.memory_space<vmem>> -> memref<1x80x64xf32, #tpu.memory_space<vmem>>
      %dma_start3A_170 = tpu.memref_squeeze %dma_start3A_169 : memref<1x80x64xf32, #tpu.memory_space<vmem>> -> memref<80x64xf32, #tpu.memory_space<vmem>>
      %dma_start3A_171 = arith.constant 0 : i32
      %dma_start3A_172 = arith.constant 0 : i32
      %dma_start3A_173 = tpu.memref_slice %dma_start3A_170[%dma_start3A_171, %dma_start3A_172] : memref<80x64xf32, #tpu.memory_space<vmem>> -> memref<65x64xf32, #tpu.memory_space<vmem>>
      tpu.enqueue_dma source(%dma_start3A_173 : memref<65x64xf32, #tpu.memory_space<vmem>>) target(%dma_start3A_166 : memref<65x64xf32, #tpu.memory_space<vmem_shared>>) target_semaphore(%run_scoped3A_155 : memref<!tpu.dma_semaphore, #tpu.memory_space<semaphore_mem>>)
      %dma_wait3A_174 = arith.constant 0 : i32
      %dma_wait3A_175 = arith.constant 0 : i32
      %dma_wait3A_176 = tpu.memref_slice %arg8[%run_scoped3A_48, %dma_wait3A_174, %dma_wait3A_175] : memref<4x80x64xf32, #tpu.memory_space<vmem>> -> memref<1x80x64xf32, #tpu.memory_space<vmem>>
      %dma_wait3A_177 = tpu.memref_squeeze %dma_wait3A_176 : memref<1x80x64xf32, #tpu.memory_space<vmem>> -> memref<80x64xf32, #tpu.memory_space<vmem>>
      %dma_wait3A_178 = arith.constant 0 : i32
      %dma_wait3A_179 = arith.constant 0 : i32
      %dma_wait3A_180 = tpu.memref_slice %dma_wait3A_177[%dma_wait3A_178, %dma_wait3A_179] : memref<80x64xf32, #tpu.memory_space<vmem>> -> memref<65x64xf32, #tpu.memory_space<vmem>>
      %dma_wait3A_181 = arith.constant 0 : i32
      %dma_wait3A_182 = tpu.memref_slice %arg9[%sub3A_47, %dma_wait3A_181] : memref<10000x64xf32, #tpu.memory_space<vmem_shared>> -> memref<65x64xf32, #tpu.memory_space<vmem_shared>>
      %dma_wait3A_183 = arith.constant 0 : i32
      %dma_wait3A_184 = tpu.memref_slice %arg9[%sub3A_47, %dma_wait3A_183] : memref<10000x64xf32, #tpu.memory_space<vmem_shared>> -> memref<65x64xf32, #tpu.memory_space<vmem_shared>>
      %dma_wait3A_185 = arith.constant 0 : i32
      %dma_wait3A_186 = arith.constant 0 : i32
      %dma_wait3A_187 = tpu.memref_slice %arg8[%run_scoped3A_48, %dma_wait3A_185, %dma_wait3A_186] : memref<4x80x64xf32, #tpu.memory_space<vmem>> -> memref<1x80x64xf32, #tpu.memory_space<vmem>>
      %dma_wait3A_188 = tpu.memref_squeeze %dma_wait3A_187 : memref<1x80x64xf32, #tpu.memory_space<vmem>> -> memref<80x64xf32, #tpu.memory_space<vmem>>
      %dma_wait3A_189 = arith.constant 0 : i32
      %dma_wait3A_190 = arith.constant 0 : i32
      %dma_wait3A_191 = tpu.memref_slice %dma_wait3A_188[%dma_wait3A_189, %dma_wait3A_190] : memref<80x64xf32, #tpu.memory_space<vmem>> -> memref<65x64xf32, #tpu.memory_space<vmem>>
      tpu.wait_dma2 semaphore(%run_scoped3A_155 : memref<!tpu.dma_semaphore, #tpu.memory_space<semaphore_mem>>) src(%dma_wait3A_191 : memref<65x64xf32, #tpu.memory_space<vmem>>) dst(%dma_wait3A_184 : memref<65x64xf32, #tpu.memory_space<vmem_shared>>)
      tpu.yield
    }) : () -> ()
    %barrier3A = arith.constant 0 : index
    tpu.barrier barrier_id(%barrier3A)
    %dma_start3A = arith.constant 0 : i32
    %dma_start3A_49 = arith.constant 0 : i32
    %dma_start3A_50 = arith.constant 0 : i32
    %dma_start3A_51 = arith.constant 0 : i32
    %dma_start3A_52 = tpu.memref_slice %arg8[%dma_start3A_49, %dma_start3A_50, %dma_start3A_51] : memref<4x80x64xf32, #tpu.memory_space<vmem>> -> memref<1x80x64xf32, #tpu.memory_space<vmem>>
    %dma_start3A_53 = tpu.memref_squeeze %dma_start3A_52 : memref<1x80x64xf32, #tpu.memory_space<vmem>> -> memref<80x64xf32, #tpu.memory_space<vmem>>
    %dma_start3A_54 = arith.constant 0 : i32
    %dma_start3A_55 = tpu.memref_slice %arg6[%dma_start3A, %dma_start3A_54] : memref<125x80xi32, #tpu.memory_space<vmem>> -> memref<1x80xi32, #tpu.memory_space<vmem>>
    %dma_start3A_56 = tpu.memref_squeeze %dma_start3A_55 : memref<1x80xi32, #tpu.memory_space<vmem>> -> memref<80xi32, #tpu.memory_space<vmem>>
    %dma_start3A_57 = arith.constant 0 : i32
    %dma_start3A_58 = arith.constant 0 : i32
    %dma_start3A_59 = tpu.memref_slice %arg2[%dma_start3A_57, %dma_start3A_58] : memref<10000x64xf32, #tpu.memory_space<hbm>> -> memref<10000x64xf32, #tpu.memory_space<hbm>>
    tpu.enqueue_indirect_dma source(%dma_start3A_59 : memref<10000x64xf32, #tpu.memory_space<hbm>>) target(%dma_start3A_53 : memref<80x64xf32, #tpu.memory_space<vmem>>) offsets(%dma_start3A_56 : memref<80xi32, #tpu.memory_space<vmem>>) semaphore(%arg10 : memref<!tpu.dma_semaphore, #tpu.memory_space<semaphore_mem>>)
    %dma_start3A_60 = arith.constant 1 : i32
    %dma_start3A_61 = arith.constant 1 : i32
    %dma_start3A_62 = arith.constant 0 : i32
    %dma_start3A_63 = arith.constant 0 : i32
    %dma_start3A_64 = tpu.memref_slice %arg8[%dma_start3A_61, %dma_start3A_62, %dma_start3A_63] : memref<4x80x64xf32, #tpu.memory_space<vmem>> -> memref<1x80x64xf32, #tpu.memory_space<vmem>>
    %dma_start3A_65 = tpu.memref_squeeze %dma_start3A_64 : memref<1x80x64xf32, #tpu.memory_space<vmem>> -> memref<80x64xf32, #tpu.memory_space<vmem>>
    %dma_start3A_66 = arith.constant 0 : i32
    %dma_start3A_67 = tpu.memref_slice %arg6[%dma_start3A_60, %dma_start3A_66] : memref<125x80xi32, #tpu.memory_space<vmem>> -> memref<1x80xi32, #tpu.memory_space<vmem>>
    %dma_start3A_68 = tpu.memref_squeeze %dma_start3A_67 : memref<1x80xi32, #tpu.memory_space<vmem>> -> memref<80xi32, #tpu.memory_space<vmem>>
    %dma_start3A_69 = arith.constant 0 : i32
    %dma_start3A_70 = arith.constant 0 : i32
    %dma_start3A_71 = tpu.memref_slice %arg2[%dma_start3A_69, %dma_start3A_70] : memref<10000x64xf32, #tpu.memory_space<hbm>> -> memref<10000x64xf32, #tpu.memory_space<hbm>>
    tpu.enqueue_indirect_dma source(%dma_start3A_71 : memref<10000x64xf32, #tpu.memory_space<hbm>>) target(%dma_start3A_65 : memref<80x64xf32, #tpu.memory_space<vmem>>) offsets(%dma_start3A_68 : memref<80xi32, #tpu.memory_space<vmem>>) semaphore(%arg11 : memref<!tpu.dma_semaphore, #tpu.memory_space<semaphore_mem>>)
    %dma_wait3A = arith.constant 0 : i32
    %dma_wait3A_72 = arith.constant 0 : i32
    %dma_wait3A_73 = arith.constant 0 : i32
    %dma_wait3A_74 = arith.constant 0 : i32
    %dma_wait3A_75 = tpu.memref_slice %arg8[%dma_wait3A_72, %dma_wait3A_73, %dma_wait3A_74] : memref<4x80x64xf32, #tpu.memory_space<vmem>> -> memref<1x80x64xf32, #tpu.memory_space<vmem>>
    %dma_wait3A_76 = tpu.memref_squeeze %dma_wait3A_75 : memref<1x80x64xf32, #tpu.memory_space<vmem>> -> memref<80x64xf32, #tpu.memory_space<vmem>>
    %dma_wait3A_77 = arith.constant 0 : i32
    %dma_wait3A_78 = tpu.memref_slice %arg6[%dma_wait3A, %dma_wait3A_77] : memref<125x80xi32, #tpu.memory_space<vmem>> -> memref<1x80xi32, #tpu.memory_space<vmem>>
    %dma_wait3A_79 = tpu.memref_squeeze %dma_wait3A_78 : memref<1x80xi32, #tpu.memory_space<vmem>> -> memref<80xi32, #tpu.memory_space<vmem>>
    %dma_wait3A_80 = arith.constant 0 : i32
    %dma_wait3A_81 = arith.constant 0 : i32
    %dma_wait3A_82 = tpu.memref_slice %arg2[%dma_wait3A_80, %dma_wait3A_81] : memref<10000x64xf32, #tpu.memory_space<hbm>> -> memref<10000x64xf32, #tpu.memory_space<hbm>>
    tpu.wait_indirect_dma semaphore(%arg10 : memref<!tpu.dma_semaphore, #tpu.memory_space<semaphore_mem>>) src(%dma_wait3A_82 : memref<10000x64xf32, #tpu.memory_space<hbm>>) dst(%dma_wait3A_76 : memref<80x64xf32, #tpu.memory_space<vmem>>)
    %dma_start3A_83 = arith.constant 0 : i32
    %dma_start3A_84 = arith.constant 0 : i32
    %dma_start3A_85 = arith.constant 0 : i32
    %dma_start3A_86 = arith.constant 0 : i32
    %dma_start3A_87 = tpu.memref_slice %arg8[%dma_start3A_83, %dma_start3A_85, %dma_start3A_86] : memref<4x80x64xf32, #tpu.memory_space<vmem>> -> memref<1x80x64xf32, #tpu.memory_space<vmem>>
    %dma_start3A_88 = tpu.memref_squeeze %dma_start3A_87 : memref<1x80x64xf32, #tpu.memory_space<vmem>> -> memref<80x64xf32, #tpu.memory_space<vmem>>
    %dma_start3A_89 = arith.constant 0 : i32
    %dma_start3A_90 = tpu.memref_slice %arg7[%dma_start3A_84, %dma_start3A_89] : memref<125x80xi32, #tpu.memory_space<vmem>> -> memref<1x80xi32, #tpu.memory_space<vmem>>
    %dma_start3A_91 = tpu.memref_squeeze %dma_start3A_90 : memref<1x80xi32, #tpu.memory_space<vmem>> -> memref<80xi32, #tpu.memory_space<vmem>>
    %dma_start3A_92 = arith.constant 0 : i32
    %dma_start3A_93 = arith.constant 0 : i32
    %dma_start3A_94 = tpu.memref_slice %arg9[%dma_start3A_92, %dma_start3A_93] : memref<10000x64xf32, #tpu.memory_space<vmem_shared>> -> memref<10000x64xf32, #tpu.memory_space<vmem_shared>>
    tpu.enqueue_indirect_dma source(%dma_start3A_88 : memref<80x64xf32, #tpu.memory_space<vmem>>) target(%dma_start3A_94 : memref<10000x64xf32, #tpu.memory_space<vmem_shared>>) offsets(%dma_start3A_91 : memref<80xi32, #tpu.memory_space<vmem>>) semaphore(%arg14 : memref<!tpu.dma_semaphore, #tpu.memory_space<semaphore_mem>>) {add = true}
    %dma_start3A_95 = arith.constant 2 : i32
    %dma_start3A_96 = arith.constant 2 : i32
    %dma_start3A_97 = arith.constant 0 : i32
    %dma_start3A_98 = arith.constant 0 : i32
    %dma_start3A_99 = tpu.memref_slice %arg8[%dma_start3A_96, %dma_start3A_97, %dma_start3A_98] : memref<4x80x64xf32, #tpu.memory_space<vmem>> -> memref<1x80x64xf32, #tpu.memory_space<vmem>>
    %dma_start3A_100 = tpu.memref_squeeze %dma_start3A_99 : memref<1x80x64xf32, #tpu.memory_space<vmem>> -> memref<80x64xf32, #tpu.memory_space<vmem>>
    %dma_start3A_101 = arith.constant 0 : i32
    %dma_start3A_102 = tpu.memref_slice %arg6[%dma_start3A_95, %dma_start3A_101] : memref<125x80xi32, #tpu.memory_space<vmem>> -> memref<1x80xi32, #tpu.memory_space<vmem>>
    %dma_start3A_103 = tpu.memref_squeeze %dma_start3A_102 : memref<1x80xi32, #tpu.memory_space<vmem>> -> memref<80xi32, #tpu.memory_space<vmem>>
    %dma_start3A_104 = arith.constant 0 : i32
    %dma_start3A_105 = arith.constant 0 : i32
    %dma_start3A_106 = tpu.memref_slice %arg2[%dma_start3A_104, %dma_start3A_105] : memref<10000x64xf32, #tpu.memory_space<hbm>> -> memref<10000x64xf32, #tpu.memory_space<hbm>>
    tpu.enqueue_indirect_dma source(%dma_start3A_106 : memref<10000x64xf32, #tpu.memory_space<hbm>>) target(%dma_start3A_100 : memref<80x64xf32, #tpu.memory_space<vmem>>) offsets(%dma_start3A_103 : memref<80xi32, #tpu.memory_space<vmem>>) semaphore(%arg12 : memref<!tpu.dma_semaphore, #tpu.memory_space<semaphore_mem>>)
    %dma_wait3A_107 = arith.constant 1 : i32
    %dma_wait3A_108 = arith.constant 1 : i32
    %dma_wait3A_109 = arith.constant 0 : i32
    %dma_wait3A_110 = arith.constant 0 : i32
    %dma_wait3A_111 = tpu.memref_slice %arg8[%dma_wait3A_108, %dma_wait3A_109, %dma_wait3A_110] : memref<4x80x64xf32, #tpu.memory_space<vmem>> -> memref<1x80x64xf32, #tpu.memory_space<vmem>>
    %dma_wait3A_112 = tpu.memref_squeeze %dma_wait3A_111 : memref<1x80x64xf32, #tpu.memory_space<vmem>> -> memref<80x64xf32, #tpu.memory_space<vmem>>
    %dma_wait3A_113 = arith.constant 0 : i32
    %dma_wait3A_114 = tpu.memref_slice %arg6[%dma_wait3A_107, %dma_wait3A_113] : memref<125x80xi32, #tpu.memory_space<vmem>> -> memref<1x80xi32, #tpu.memory_space<vmem>>
    %dma_wait3A_115 = tpu.memref_squeeze %dma_wait3A_114 : memref<1x80xi32, #tpu.memory_space<vmem>> -> memref<80xi32, #tpu.memory_space<vmem>>
    %dma_wait3A_116 = arith.constant 0 : i32
    %dma_wait3A_117 = arith.constant 0 : i32
    %dma_wait3A_118 = tpu.memref_slice %arg2[%dma_wait3A_116, %dma_wait3A_117] : memref<10000x64xf32, #tpu.memory_space<hbm>> -> memref<10000x64xf32, #tpu.memory_space<hbm>>
    tpu.wait_indirect_dma semaphore(%arg11 : memref<!tpu.dma_semaphore, #tpu.memory_space<semaphore_mem>>) src(%dma_wait3A_118 : memref<10000x64xf32, #tpu.memory_space<hbm>>) dst(%dma_wait3A_112 : memref<80x64xf32, #tpu.memory_space<vmem>>)
    %dma_start3A_119 = arith.constant 1 : i32
    %dma_start3A_120 = arith.constant 1 : i32
    %dma_start3A_121 = arith.constant 0 : i32
    %dma_start3A_122 = arith.constant 0 : i32
    %dma_start3A_123 = tpu.memref_slice %arg8[%dma_start3A_119, %dma_start3A_121, %dma_start3A_122] : memref<4x80x64xf32, #tpu.memory_space<vmem>> -> memref<1x80x64xf32, #tpu.memory_space<vmem>>
    %dma_start3A_124 = tpu.memref_squeeze %dma_start3A_123 : memref<1x80x64xf32, #tpu.memory_space<vmem>> -> memref<80x64xf32, #tpu.memory_space<vmem>>
    %dma_start3A_125 = arith.constant 0 : i32
    %dma_start3A_126 = tpu.memref_slice %arg7[%dma_start3A_120, %dma_start3A_125] : memref<125x80xi32, #tpu.memory_space<vmem>> -> memref<1x80xi32, #tpu.memory_space<vmem>>
    %dma_start3A_127 = tpu.memref_squeeze %dma_start3A_126 : memref<1x80xi32, #tpu.memory_space<vmem>> -> memref<80xi32, #tpu.memory_space<vmem>>
    %dma_start3A_128 = arith.constant 0 : i32
    %dma_start3A_129 = arith.constant 0 : i32
    %dma_start3A_130 = tpu.memref_slice %arg9[%dma_start3A_128, %dma_start3A_129] : memref<10000x64xf32, #tpu.memory_space<vmem_shared>> -> memref<10000x64xf32, #tpu.memory_space<vmem_shared>>
    tpu.enqueue_indirect_dma source(%dma_start3A_124 : memref<80x64xf32, #tpu.memory_space<vmem>>) target(%dma_start3A_130 : memref<10000x64xf32, #tpu.memory_space<vmem_shared>>) offsets(%dma_start3A_127 : memref<80xi32, #tpu.memory_space<vmem>>) semaphore(%arg15 : memref<!tpu.dma_semaphore, #tpu.memory_space<semaphore_mem>>) {add = true}
    %dma_start3A_131 = arith.constant 3 : i32
    %dma_start3A_132 = arith.constant 3 : i32
    %dma_start3A_133 = arith.constant 0 : i32
    %dma_start3A_134 = arith.constant 0 : i32
    %dma_start3A_135 = tpu.memref_slice %arg8[%dma_start3A_132, %dma_start3A_133, %dma_start3A_134] : memref<4x80x64xf32, #tpu.memory_space<vmem>> -> memref<1x80x64xf32, #tpu.memory_space<vmem>>
    %dma_start3A_136 = tpu.memref_squeeze %dma_start3A_135 : memref<1x80x64xf32, #tpu.memory_space<vmem>> -> memref<80x64xf32, #tpu.memory_space<vmem>>
    %dma_start3A_137 = arith.constant 0 : i32
    %dma_start3A_138 = tpu.memref_slice %arg6[%dma_start3A_131, %dma_start3A_137] : memref<125x80xi32, #tpu.memory_space<vmem>> -> memref<1x80xi32, #tpu.memory_space<vmem>>
    %dma_start3A_139 = tpu.memref_squeeze %dma_start3A_138 : memref<1x80xi32, #tpu.memory_space<vmem>> -> memref<80xi32, #tpu.memory_space<vmem>>
    %dma_start3A_140 = arith.constant 0 : i32
    %dma_start3A_141 = arith.constant 0 : i32
    %dma_start3A_142 = tpu.memref_slice %arg2[%dma_start3A_140, %dma_start3A_141] : memref<10000x64xf32, #tpu.memory_space<hbm>> -> memref<10000x64xf32, #tpu.memory_space<hbm>>
    tpu.enqueue_indirect_dma source(%dma_start3A_142 : memref<10000x64xf32, #tpu.memory_space<hbm>>) target(%dma_start3A_136 : memref<80x64xf32, #tpu.memory_space<vmem>>) offsets(%dma_start3A_139 : memref<80xi32, #tpu.memory_space<vmem>>) semaphore(%arg13 : memref<!tpu.dma_semaphore, #tpu.memory_space<semaphore_mem>>)
    %scan3A_143 = arith.constant 0 : i32
    %scan3A_144 = arith.constant 0 : i32
    %scan3A_145 = arith.constant 32 : i32
    %scan3A_146 = arith.addi %scan3A_144, %scan3A_145 : i32
    %scan3A_147 = arith.constant 1 : i32
    %scan3A_148 = scf.for %scan3A_155 = %scan3A_144 to %scan3A_146 step %scan3A_147 iter_args(%scan3A_156 = %scan3A_143) -> (i32)  : i32 {
      %mul3A_157 = arith.constant 4 : i32
      %mul3A_158 = arith.muli %scan3A_155, %mul3A_157 : i32
      %add3A_159 = arith.constant 0 : i32
      %add3A_160 = arith.addi %mul3A_158, %add3A_159 : i32
      %add3A_161 = arith.constant 2 : i32
      %add3A_162 = arith.addi %add3A_160, %add3A_161 : i32
      %lt3A = arith.constant 125 : i32
      %lt3A_163 = arith.cmpi slt, %add3A_162, %lt3A : i32
      %convert_element_type3A = arith.extui %lt3A_163 : i1 to i32
      %cond3A = arith.constant 0 : i32
      %cond3A_164 = arith.cmpi ne, %convert_element_type3A, %cond3A : i32
      scf.if %cond3A_164 {
        %dma_wait3A_227 = arith.constant 2 : i32
        %dma_wait3A_228 = arith.constant 0 : i32
        %dma_wait3A_229 = arith.constant 0 : i32
        %dma_wait3A_230 = tpu.memref_slice %arg8[%dma_wait3A_227, %dma_wait3A_228, %dma_wait3A_229] : memref<4x80x64xf32, #tpu.memory_space<vmem>> -> memref<1x80x64xf32, #tpu.memory_space<vmem>>
        %dma_wait3A_231 = tpu.memref_squeeze %dma_wait3A_230 : memref<1x80x64xf32, #tpu.memory_space<vmem>> -> memref<80x64xf32, #tpu.memory_space<vmem>>
        %dma_wait3A_232 = arith.constant 0 : i32
        %dma_wait3A_233 = tpu.memref_slice %arg6[%add3A_162, %dma_wait3A_232] : memref<125x80xi32, #tpu.memory_space<vmem>> -> memref<1x80xi32, #tpu.memory_space<vmem>>
        %dma_wait3A_234 = tpu.memref_squeeze %dma_wait3A_233 : memref<1x80xi32, #tpu.memory_space<vmem>> -> memref<80xi32, #tpu.memory_space<vmem>>
        %dma_wait3A_235 = arith.constant 0 : i32
        %dma_wait3A_236 = arith.constant 0 : i32
        %dma_wait3A_237 = tpu.memref_slice %arg2[%dma_wait3A_235, %dma_wait3A_236] : memref<10000x64xf32, #tpu.memory_space<hbm>> -> memref<10000x64xf32, #tpu.memory_space<hbm>>
        tpu.wait_indirect_dma semaphore(%arg12 : memref<!tpu.dma_semaphore, #tpu.memory_space<semaphore_mem>>) src(%dma_wait3A_237 : memref<10000x64xf32, #tpu.memory_space<hbm>>) dst(%dma_wait3A_231 : memref<80x64xf32, #tpu.memory_space<vmem>>)
        %dma_start3A_238 = arith.constant 2 : i32
        %dma_start3A_239 = arith.constant 0 : i32
        %dma_start3A_240 = arith.constant 0 : i32
        %dma_start3A_241 = tpu.memref_slice %arg8[%dma_start3A_238, %dma_start3A_239, %dma_start3A_240] : memref<4x80x64xf32, #tpu.memory_space<vmem>> -> memref<1x80x64xf32, #tpu.memory_space<vmem>>
        %dma_start3A_242 = tpu.memref_squeeze %dma_start3A_241 : memref<1x80x64xf32, #tpu.memory_space<vmem>> -> memref<80x64xf32, #tpu.memory_space<vmem>>
        %dma_start3A_243 = arith.constant 0 : i32
        %dma_start3A_244 = tpu.memref_slice %arg7[%add3A_162, %dma_start3A_243] : memref<125x80xi32, #tpu.memory_space<vmem>> -> memref<1x80xi32, #tpu.memory_space<vmem>>
        %dma_start3A_245 = tpu.memref_squeeze %dma_start3A_244 : memref<1x80xi32, #tpu.memory_space<vmem>> -> memref<80xi32, #tpu.memory_space<vmem>>
        %dma_start3A_246 = arith.constant 0 : i32
        %dma_start3A_247 = arith.constant 0 : i32
        %dma_start3A_248 = tpu.memref_slice %arg9[%dma_start3A_246, %dma_start3A_247] : memref<10000x64xf32, #tpu.memory_space<vmem_shared>> -> memref<10000x64xf32, #tpu.memory_space<vmem_shared>>
        tpu.enqueue_indirect_dma source(%dma_start3A_242 : memref<80x64xf32, #tpu.memory_space<vmem>>) target(%dma_start3A_248 : memref<10000x64xf32, #tpu.memory_space<vmem_shared>>) offsets(%dma_start3A_245 : memref<80xi32, #tpu.memory_space<vmem>>) semaphore(%arg16 : memref<!tpu.dma_semaphore, #tpu.memory_space<semaphore_mem>>) {add = true}
      } else {
      }
      %sub3A_165 = arith.constant 2 : i32
      %sub3A_166 = arith.subi %add3A_162, %sub3A_165 : i32
      %lt3A_167 = arith.constant 125 : i32
      %lt3A_168 = arith.cmpi slt, %sub3A_166, %lt3A_167 : i32
      %convert_element_type3A_169 = arith.extui %lt3A_168 : i1 to i32
      %cond3A_170 = arith.constant 0 : i32
      %cond3A_171 = arith.cmpi ne, %convert_element_type3A_169, %cond3A_170 : i32
      scf.if %cond3A_171 {
        %sub3A_227 = arith.constant 2 : i32
        %sub3A_228 = arith.subi %add3A_162, %sub3A_227 : i32
        %dma_wait3A_229 = arith.constant 0 : i32
        %dma_wait3A_230 = arith.constant 0 : i32
        %dma_wait3A_231 = arith.constant 0 : i32
        %dma_wait3A_232 = tpu.memref_slice %arg8[%dma_wait3A_229, %dma_wait3A_230, %dma_wait3A_231] : memref<4x80x64xf32, #tpu.memory_space<vmem>> -> memref<1x80x64xf32, #tpu.memory_space<vmem>>
        %dma_wait3A_233 = tpu.memref_squeeze %dma_wait3A_232 : memref<1x80x64xf32, #tpu.memory_space<vmem>> -> memref<80x64xf32, #tpu.memory_space<vmem>>
        %dma_wait3A_234 = arith.constant 0 : i32
        %dma_wait3A_235 = tpu.memref_slice %arg7[%sub3A_228, %dma_wait3A_234] : memref<125x80xi32, #tpu.memory_space<vmem>> -> memref<1x80xi32, #tpu.memory_space<vmem>>
        %dma_wait3A_236 = tpu.memref_squeeze %dma_wait3A_235 : memref<1x80xi32, #tpu.memory_space<vmem>> -> memref<80xi32, #tpu.memory_space<vmem>>
        %dma_wait3A_237 = arith.constant 0 : i32
        %dma_wait3A_238 = arith.constant 0 : i32
        %dma_wait3A_239 = tpu.memref_slice %arg9[%dma_wait3A_237, %dma_wait3A_238] : memref<10000x64xf32, #tpu.memory_space<vmem_shared>> -> memref<10000x64xf32, #tpu.memory_space<vmem_shared>>
        tpu.wait_indirect_dma semaphore(%arg14 : memref<!tpu.dma_semaphore, #tpu.memory_space<semaphore_mem>>) src(%dma_wait3A_233 : memref<80x64xf32, #tpu.memory_space<vmem>>) dst(%dma_wait3A_239 : memref<10000x64xf32, #tpu.memory_space<vmem_shared>>)
        %add3A_240 = arith.constant 2 : i32
        %add3A_241 = arith.addi %add3A_162, %add3A_240 : i32
        %lt3A_242 = arith.constant 125 : i32
        %lt3A_243 = arith.cmpi slt, %add3A_241, %lt3A_242 : i32
        %convert_element_type3A_244 = arith.extui %lt3A_243 : i1 to i32
        %cond3A_245 = arith.constant 0 : i32
        %cond3A_246 = arith.cmpi ne, %convert_element_type3A_244, %cond3A_245 : i32
        scf.if %cond3A_246 {
          %add3A_247 = arith.constant 2 : i32
          %add3A_248 = arith.addi %add3A_162, %add3A_247 : i32
          %dma_start3A_249 = arith.constant 0 : i32
          %dma_start3A_250 = arith.constant 0 : i32
          %dma_start3A_251 = arith.constant 0 : i32
          %dma_start3A_252 = tpu.memref_slice %arg8[%dma_start3A_249, %dma_start3A_250, %dma_start3A_251] : memref<4x80x64xf32, #tpu.memory_space<vmem>> -> memref<1x80x64xf32, #tpu.memory_space<vmem>>
          %dma_start3A_253 = tpu.memref_squeeze %dma_start3A_252 : memref<1x80x64xf32, #tpu.memory_space<vmem>> -> memref<80x64xf32, #tpu.memory_space<vmem>>
          %dma_start3A_254 = arith.constant 0 : i32
          %dma_start3A_255 = tpu.memref_slice %arg6[%add3A_248, %dma_start3A_254] : memref<125x80xi32, #tpu.memory_space<vmem>> -> memref<1x80xi32, #tpu.memory_space<vmem>>
          %dma_start3A_256 = tpu.memref_squeeze %dma_start3A_255 : memref<1x80xi32, #tpu.memory_space<vmem>> -> memref<80xi32, #tpu.memory_space<vmem>>
          %dma_start3A_257 = arith.constant 0 : i32
          %dma_start3A_258 = arith.constant 0 : i32
          %dma_start3A_259 = tpu.memref_slice %arg2[%dma_start3A_257, %dma_start3A_258] : memref<10000x64xf32, #tpu.memory_space<hbm>> -> memref<10000x64xf32, #tpu.memory_space<hbm>>
          tpu.enqueue_indirect_dma source(%dma_start3A_259 : memref<10000x64xf32, #tpu.memory_space<hbm>>) target(%dma_start3A_253 : memref<80x64xf32, #tpu.memory_space<vmem>>) offsets(%dma_start3A_256 : memref<80xi32, #tpu.memory_space<vmem>>) semaphore(%arg10 : memref<!tpu.dma_semaphore, #tpu.memory_space<semaphore_mem>>)
        } else {
        }
      } else {
      }
      %mul3A_172 = arith.constant 4 : i32
      %mul3A_173 = arith.muli %scan3A_155, %mul3A_172 : i32
      %add3A_174 = arith.constant 1 : i32
      %add3A_175 = arith.addi %mul3A_173, %add3A_174 : i32
      %add3A_176 = arith.constant 2 : i32
      %add3A_177 = arith.addi %add3A_175, %add3A_176 : i32
      %lt3A_178 = arith.constant 125 : i32
      %lt3A_179 = arith.cmpi slt, %add3A_177, %lt3A_178 : i32
      %convert_element_type3A_180 = arith.extui %lt3A_179 : i1 to i32
      %cond3A_181 = arith.constant 0 : i32
      %cond3A_182 = arith.cmpi ne, %convert_element_type3A_180, %cond3A_181 : i32
      scf.if %cond3A_182 {
        %dma_wait3A_227 = arith.constant 3 : i32
        %dma_wait3A_228 = arith.constant 0 : i32
        %dma_wait3A_229 = arith.constant 0 : i32
        %dma_wait3A_230 = tpu.memref_slice %arg8[%dma_wait3A_227, %dma_wait3A_228, %dma_wait3A_229] : memref<4x80x64xf32, #tpu.memory_space<vmem>> -> memref<1x80x64xf32, #tpu.memory_space<vmem>>
        %dma_wait3A_231 = tpu.memref_squeeze %dma_wait3A_230 : memref<1x80x64xf32, #tpu.memory_space<vmem>> -> memref<80x64xf32, #tpu.memory_space<vmem>>
        %dma_wait3A_232 = arith.constant 0 : i32
        %dma_wait3A_233 = tpu.memref_slice %arg6[%add3A_177, %dma_wait3A_232] : memref<125x80xi32, #tpu.memory_space<vmem>> -> memref<1x80xi32, #tpu.memory_space<vmem>>
        %dma_wait3A_234 = tpu.memref_squeeze %dma_wait3A_233 : memref<1x80xi32, #tpu.memory_space<vmem>> -> memref<80xi32, #tpu.memory_space<vmem>>
        %dma_wait3A_235 = arith.constant 0 : i32
        %dma_wait3A_236 = arith.constant 0 : i32
        %dma_wait3A_237 = tpu.memref_slice %arg2[%dma_wait3A_235, %dma_wait3A_236] : memref<10000x64xf32, #tpu.memory_space<hbm>> -> memref<10000x64xf32, #tpu.memory_space<hbm>>
        tpu.wait_indirect_dma semaphore(%arg13 : memref<!tpu.dma_semaphore, #tpu.memory_space<semaphore_mem>>) src(%dma_wait3A_237 : memref<10000x64xf32, #tpu.memory_space<hbm>>) dst(%dma_wait3A_231 : memref<80x64xf32, #tpu.memory_space<vmem>>)
        %dma_start3A_238 = arith.constant 3 : i32
        %dma_start3A_239 = arith.constant 0 : i32
        %dma_start3A_240 = arith.constant 0 : i32
        %dma_start3A_241 = tpu.memref_slice %arg8[%dma_start3A_238, %dma_start3A_239, %dma_start3A_240] : memref<4x80x64xf32, #tpu.memory_space<vmem>> -> memref<1x80x64xf32, #tpu.memory_space<vmem>>
        %dma_start3A_242 = tpu.memref_squeeze %dma_start3A_241 : memref<1x80x64xf32, #tpu.memory_space<vmem>> -> memref<80x64xf32, #tpu.memory_space<vmem>>
        %dma_start3A_243 = arith.constant 0 : i32
        %dma_start3A_244 = tpu.memref_slice %arg7[%add3A_177, %dma_start3A_243] : memref<125x80xi32, #tpu.memory_space<vmem>> -> memref<1x80xi32, #tpu.memory_space<vmem>>
        %dma_start3A_245 = tpu.memref_squeeze %dma_start3A_244 : memref<1x80xi32, #tpu.memory_space<vmem>> -> memref<80xi32, #tpu.memory_space<vmem>>
        %dma_start3A_246 = arith.constant 0 : i32
        %dma_start3A_247 = arith.constant 0 : i32
        %dma_start3A_248 = tpu.memref_slice %arg9[%dma_start3A_246, %dma_start3A_247] : memref<10000x64xf32, #tpu.memory_space<vmem_shared>> -> memref<10000x64xf32, #tpu.memory_space<vmem_shared>>
        tpu.enqueue_indirect_dma source(%dma_start3A_242 : memref<80x64xf32, #tpu.memory_space<vmem>>) target(%dma_start3A_248 : memref<10000x64xf32, #tpu.memory_space<vmem_shared>>) offsets(%dma_start3A_245 : memref<80xi32, #tpu.memory_space<vmem>>) semaphore(%arg17 : memref<!tpu.dma_semaphore, #tpu.memory_space<semaphore_mem>>) {add = true}
      } else {
      }
      %sub3A_183 = arith.constant 2 : i32
      %sub3A_184 = arith.subi %add3A_177, %sub3A_183 : i32
      %lt3A_185 = arith.constant 125 : i32
      %lt3A_186 = arith.cmpi slt, %sub3A_184, %lt3A_185 : i32
      %convert_element_type3A_187 = arith.extui %lt3A_186 : i1 to i32
      %cond3A_188 = arith.constant 0 : i32
      %cond3A_189 = arith.cmpi ne, %convert_element_type3A_187, %cond3A_188 : i32
      scf.if %cond3A_189 {
        %sub3A_227 = arith.constant 2 : i32
        %sub3A_228 = arith.subi %add3A_177, %sub3A_227 : i32
        %dma_wait3A_229 = arith.constant 1 : i32
        %dma_wait3A_230 = arith.constant 0 : i32
        %dma_wait3A_231 = arith.constant 0 : i32
        %dma_wait3A_232 = tpu.memref_slice %arg8[%dma_wait3A_229, %dma_wait3A_230, %dma_wait3A_231] : memref<4x80x64xf32, #tpu.memory_space<vmem>> -> memref<1x80x64xf32, #tpu.memory_space<vmem>>
        %dma_wait3A_233 = tpu.memref_squeeze %dma_wait3A_232 : memref<1x80x64xf32, #tpu.memory_space<vmem>> -> memref<80x64xf32, #tpu.memory_space<vmem>>
        %dma_wait3A_234 = arith.constant 0 : i32
        %dma_wait3A_235 = tpu.memref_slice %arg7[%sub3A_228, %dma_wait3A_234] : memref<125x80xi32, #tpu.memory_space<vmem>> -> memref<1x80xi32, #tpu.memory_space<vmem>>
        %dma_wait3A_236 = tpu.memref_squeeze %dma_wait3A_235 : memref<1x80xi32, #tpu.memory_space<vmem>> -> memref<80xi32, #tpu.memory_space<vmem>>
        %dma_wait3A_237 = arith.constant 0 : i32
        %dma_wait3A_238 = arith.constant 0 : i32
        %dma_wait3A_239 = tpu.memref_slice %arg9[%dma_wait3A_237, %dma_wait3A_238] : memref<10000x64xf32, #tpu.memory_space<vmem_shared>> -> memref<10000x64xf32, #tpu.memory_space<vmem_shared>>
        tpu.wait_indirect_dma semaphore(%arg15 : memref<!tpu.dma_semaphore, #tpu.memory_space<semaphore_mem>>) src(%dma_wait3A_233 : memref<80x64xf32, #tpu.memory_space<vmem>>) dst(%dma_wait3A_239 : memref<10000x64xf32, #tpu.memory_space<vmem_shared>>)
        %add3A_240 = arith.constant 2 : i32
        %add3A_241 = arith.addi %add3A_177, %add3A_240 : i32
        %lt3A_242 = arith.constant 125 : i32
        %lt3A_243 = arith.cmpi slt, %add3A_241, %lt3A_242 : i32
        %convert_element_type3A_244 = arith.extui %lt3A_243 : i1 to i32
        %cond3A_245 = arith.constant 0 : i32
        %cond3A_246 = arith.cmpi ne, %convert_element_type3A_244, %cond3A_245 : i32
        scf.if %cond3A_246 {
          %add3A_247 = arith.constant 2 : i32
          %add3A_248 = arith.addi %add3A_177, %add3A_247 : i32
          %dma_start3A_249 = arith.constant 1 : i32
          %dma_start3A_250 = arith.constant 0 : i32
          %dma_start3A_251 = arith.constant 0 : i32
          %dma_start3A_252 = tpu.memref_slice %arg8[%dma_start3A_249, %dma_start3A_250, %dma_start3A_251] : memref<4x80x64xf32, #tpu.memory_space<vmem>> -> memref<1x80x64xf32, #tpu.memory_space<vmem>>
          %dma_start3A_253 = tpu.memref_squeeze %dma_start3A_252 : memref<1x80x64xf32, #tpu.memory_space<vmem>> -> memref<80x64xf32, #tpu.memory_space<vmem>>
          %dma_start3A_254 = arith.constant 0 : i32
          %dma_start3A_255 = tpu.memref_slice %arg6[%add3A_248, %dma_start3A_254] : memref<125x80xi32, #tpu.memory_space<vmem>> -> memref<1x80xi32, #tpu.memory_space<vmem>>
          %dma_start3A_256 = tpu.memref_squeeze %dma_start3A_255 : memref<1x80xi32, #tpu.memory_space<vmem>> -> memref<80xi32, #tpu.memory_space<vmem>>
          %dma_start3A_257 = arith.constant 0 : i32
          %dma_start3A_258 = arith.constant 0 : i32
          %dma_start3A_259 = tpu.memref_slice %arg2[%dma_start3A_257, %dma_start3A_258] : memref<10000x64xf32, #tpu.memory_space<hbm>> -> memref<10000x64xf32, #tpu.memory_space<hbm>>
          tpu.enqueue_indirect_dma source(%dma_start3A_259 : memref<10000x64xf32, #tpu.memory_space<hbm>>) target(%dma_start3A_253 : memref<80x64xf32, #tpu.memory_space<vmem>>) offsets(%dma_start3A_256 : memref<80xi32, #tpu.memory_space<vmem>>) semaphore(%arg11 : memref<!tpu.dma_semaphore, #tpu.memory_space<semaphore_mem>>)
        } else {
        }
      } else {
      }
      %mul3A_190 = arith.constant 4 : i32
      %mul3A_191 = arith.muli %scan3A_155, %mul3A_190 : i32
      %add3A_192 = arith.constant 2 : i32
      %add3A_193 = arith.addi %mul3A_191, %add3A_192 : i32
      %add3A_194 = arith.constant 2 : i32
      %add3A_195 = arith.addi %add3A_193, %add3A_194 : i32
      %lt3A_196 = arith.constant 125 : i32
      %lt3A_197 = arith.cmpi slt, %add3A_195, %lt3A_196 : i32
      %convert_element_type3A_198 = arith.extui %lt3A_197 : i1 to i32
      %cond3A_199 = arith.constant 0 : i32
      %cond3A_200 = arith.cmpi ne, %convert_element_type3A_198, %cond3A_199 : i32
      scf.if %cond3A_200 {
        %dma_wait3A_227 = arith.constant 0 : i32
        %dma_wait3A_228 = arith.constant 0 : i32
        %dma_wait3A_229 = arith.constant 0 : i32
        %dma_wait3A_230 = tpu.memref_slice %arg8[%dma_wait3A_227, %dma_wait3A_228, %dma_wait3A_229] : memref<4x80x64xf32, #tpu.memory_space<vmem>> -> memref<1x80x64xf32, #tpu.memory_space<vmem>>
        %dma_wait3A_231 = tpu.memref_squeeze %dma_wait3A_230 : memref<1x80x64xf32, #tpu.memory_space<vmem>> -> memref<80x64xf32, #tpu.memory_space<vmem>>
        %dma_wait3A_232 = arith.constant 0 : i32
        %dma_wait3A_233 = tpu.memref_slice %arg6[%add3A_195, %dma_wait3A_232] : memref<125x80xi32, #tpu.memory_space<vmem>> -> memref<1x80xi32, #tpu.memory_space<vmem>>
        %dma_wait3A_234 = tpu.memref_squeeze %dma_wait3A_233 : memref<1x80xi32, #tpu.memory_space<vmem>> -> memref<80xi32, #tpu.memory_space<vmem>>
        %dma_wait3A_235 = arith.constant 0 : i32
        %dma_wait3A_236 = arith.constant 0 : i32
        %dma_wait3A_237 = tpu.memref_slice %arg2[%dma_wait3A_235, %dma_wait3A_236] : memref<10000x64xf32, #tpu.memory_space<hbm>> -> memref<10000x64xf32, #tpu.memory_space<hbm>>
        tpu.wait_indirect_dma semaphore(%arg10 : memref<!tpu.dma_semaphore, #tpu.memory_space<semaphore_mem>>) src(%dma_wait3A_237 : memref<10000x64xf32, #tpu.memory_space<hbm>>) dst(%dma_wait3A_231 : memref<80x64xf32, #tpu.memory_space<vmem>>)
        %dma_start3A_238 = arith.constant 0 : i32
        %dma_start3A_239 = arith.constant 0 : i32
        %dma_start3A_240 = arith.constant 0 : i32
        %dma_start3A_241 = tpu.memref_slice %arg8[%dma_start3A_238, %dma_start3A_239, %dma_start3A_240] : memref<4x80x64xf32, #tpu.memory_space<vmem>> -> memref<1x80x64xf32, #tpu.memory_space<vmem>>
        %dma_start3A_242 = tpu.memref_squeeze %dma_start3A_241 : memref<1x80x64xf32, #tpu.memory_space<vmem>> -> memref<80x64xf32, #tpu.memory_space<vmem>>
        %dma_start3A_243 = arith.constant 0 : i32
        %dma_start3A_244 = tpu.memref_slice %arg7[%add3A_195, %dma_start3A_243] : memref<125x80xi32, #tpu.memory_space<vmem>> -> memref<1x80xi32, #tpu.memory_space<vmem>>
        %dma_start3A_245 = tpu.memref_squeeze %dma_start3A_244 : memref<1x80xi32, #tpu.memory_space<vmem>> -> memref<80xi32, #tpu.memory_space<vmem>>
        %dma_start3A_246 = arith.constant 0 : i32
        %dma_start3A_247 = arith.constant 0 : i32
        %dma_start3A_248 = tpu.memref_slice %arg9[%dma_start3A_246, %dma_start3A_247] : memref<10000x64xf32, #tpu.memory_space<vmem_shared>> -> memref<10000x64xf32, #tpu.memory_space<vmem_shared>>
        tpu.enqueue_indirect_dma source(%dma_start3A_242 : memref<80x64xf32, #tpu.memory_space<vmem>>) target(%dma_start3A_248 : memref<10000x64xf32, #tpu.memory_space<vmem_shared>>) offsets(%dma_start3A_245 : memref<80xi32, #tpu.memory_space<vmem>>) semaphore(%arg14 : memref<!tpu.dma_semaphore, #tpu.memory_space<semaphore_mem>>) {add = true}
      } else {
      }
      %sub3A_201 = arith.constant 2 : i32
      %sub3A_202 = arith.subi %add3A_195, %sub3A_201 : i32
      %lt3A_203 = arith.constant 125 : i32
      %lt3A_204 = arith.cmpi slt, %sub3A_202, %lt3A_203 : i32
      %convert_element_type3A_205 = arith.extui %lt3A_204 : i1 to i32
      %cond3A_206 = arith.constant 0 : i32
      %cond3A_207 = arith.cmpi ne, %convert_element_type3A_205, %cond3A_206 : i32
      scf.if %cond3A_207 {
        %sub3A_227 = arith.constant 2 : i32
        %sub3A_228 = arith.subi %add3A_195, %sub3A_227 : i32
        %dma_wait3A_229 = arith.constant 2 : i32
        %dma_wait3A_230 = arith.constant 0 : i32
        %dma_wait3A_231 = arith.constant 0 : i32
        %dma_wait3A_232 = tpu.memref_slice %arg8[%dma_wait3A_229, %dma_wait3A_230, %dma_wait3A_231] : memref<4x80x64xf32, #tpu.memory_space<vmem>> -> memref<1x80x64xf32, #tpu.memory_space<vmem>>
        %dma_wait3A_233 = tpu.memref_squeeze %dma_wait3A_232 : memref<1x80x64xf32, #tpu.memory_space<vmem>> -> memref<80x64xf32, #tpu.memory_space<vmem>>
        %dma_wait3A_234 = arith.constant 0 : i32
        %dma_wait3A_235 = tpu.memref_slice %arg7[%sub3A_228, %dma_wait3A_234] : memref<125x80xi32, #tpu.memory_space<vmem>> -> memref<1x80xi32, #tpu.memory_space<vmem>>
        %dma_wait3A_236 = tpu.memref_squeeze %dma_wait3A_235 : memref<1x80xi32, #tpu.memory_space<vmem>> -> memref<80xi32, #tpu.memory_space<vmem>>
        %dma_wait3A_237 = arith.constant 0 : i32
        %dma_wait3A_238 = arith.constant 0 : i32
        %dma_wait3A_239 = tpu.memref_slice %arg9[%dma_wait3A_237, %dma_wait3A_238] : memref<10000x64xf32, #tpu.memory_space<vmem_shared>> -> memref<10000x64xf32, #tpu.memory_space<vmem_shared>>
        tpu.wait_indirect_dma semaphore(%arg16 : memref<!tpu.dma_semaphore, #tpu.memory_space<semaphore_mem>>) src(%dma_wait3A_233 : memref<80x64xf32, #tpu.memory_space<vmem>>) dst(%dma_wait3A_239 : memref<10000x64xf32, #tpu.memory_space<vmem_shared>>)
        %add3A_240 = arith.constant 2 : i32
        %add3A_241 = arith.addi %add3A_195, %add3A_240 : i32
        %lt3A_242 = arith.constant 125 : i32
        %lt3A_243 = arith.cmpi slt, %add3A_241, %lt3A_242 : i32
        %convert_element_type3A_244 = arith.extui %lt3A_243 : i1 to i32
        %cond3A_245 = arith.constant 0 : i32
        %cond3A_246 = arith.cmpi ne, %convert_element_type3A_244, %cond3A_245 : i32
        scf.if %cond3A_246 {
          %add3A_247 = arith.constant 2 : i32
          %add3A_248 = arith.addi %add3A_195, %add3A_247 : i32
          %dma_start3A_249 = arith.constant 2 : i32
          %dma_start3A_250 = arith.constant 0 : i32
          %dma_start3A_251 = arith.constant 0 : i32
          %dma_start3A_252 = tpu.memref_slice %arg8[%dma_start3A_249, %dma_start3A_250, %dma_start3A_251] : memref<4x80x64xf32, #tpu.memory_space<vmem>> -> memref<1x80x64xf32, #tpu.memory_space<vmem>>
          %dma_start3A_253 = tpu.memref_squeeze %dma_start3A_252 : memref<1x80x64xf32, #tpu.memory_space<vmem>> -> memref<80x64xf32, #tpu.memory_space<vmem>>
          %dma_start3A_254 = arith.constant 0 : i32
          %dma_start3A_255 = tpu.memref_slice %arg6[%add3A_248, %dma_start3A_254] : memref<125x80xi32, #tpu.memory_space<vmem>> -> memref<1x80xi32, #tpu.memory_space<vmem>>
          %dma_start3A_256 = tpu.memref_squeeze %dma_start3A_255 : memref<1x80xi32, #tpu.memory_space<vmem>> -> memref<80xi32, #tpu.memory_space<vmem>>
          %dma_start3A_257 = arith.constant 0 : i32
          %dma_start3A_258 = arith.constant 0 : i32
          %dma_start3A_259 = tpu.memref_slice %arg2[%dma_start3A_257, %dma_start3A_258] : memref<10000x64xf32, #tpu.memory_space<hbm>> -> memref<10000x64xf32, #tpu.memory_space<hbm>>
          tpu.enqueue_indirect_dma source(%dma_start3A_259 : memref<10000x64xf32, #tpu.memory_space<hbm>>) target(%dma_start3A_253 : memref<80x64xf32, #tpu.memory_space<vmem>>) offsets(%dma_start3A_256 : memref<80xi32, #tpu.memory_space<vmem>>) semaphore(%arg12 : memref<!tpu.dma_semaphore, #tpu.memory_space<semaphore_mem>>)
        } else {
        }
      } else {
      }
      %mul3A_208 = arith.constant 4 : i32
      %mul3A_209 = arith.muli %scan3A_155, %mul3A_208 : i32
      %add3A_210 = arith.constant 3 : i32
      %add3A_211 = arith.addi %mul3A_209, %add3A_210 : i32
      %add3A_212 = arith.constant 2 : i32
      %add3A_213 = arith.addi %add3A_211, %add3A_212 : i32
      %lt3A_214 = arith.constant 125 : i32
      %lt3A_215 = arith.cmpi slt, %add3A_213, %lt3A_214 : i32
      %convert_element_type3A_216 = arith.extui %lt3A_215 : i1 to i32
      %cond3A_217 = arith.constant 0 : i32
      %cond3A_218 = arith.cmpi ne, %convert_element_type3A_216, %cond3A_217 : i32
      scf.if %cond3A_218 {
        %dma_wait3A_227 = arith.constant 1 : i32
        %dma_wait3A_228 = arith.constant 0 : i32
        %dma_wait3A_229 = arith.constant 0 : i32
        %dma_wait3A_230 = tpu.memref_slice %arg8[%dma_wait3A_227, %dma_wait3A_228, %dma_wait3A_229] : memref<4x80x64xf32, #tpu.memory_space<vmem>> -> memref<1x80x64xf32, #tpu.memory_space<vmem>>
        %dma_wait3A_231 = tpu.memref_squeeze %dma_wait3A_230 : memref<1x80x64xf32, #tpu.memory_space<vmem>> -> memref<80x64xf32, #tpu.memory_space<vmem>>
        %dma_wait3A_232 = arith.constant 0 : i32
        %dma_wait3A_233 = tpu.memref_slice %arg6[%add3A_213, %dma_wait3A_232] : memref<125x80xi32, #tpu.memory_space<vmem>> -> memref<1x80xi32, #tpu.memory_space<vmem>>
        %dma_wait3A_234 = tpu.memref_squeeze %dma_wait3A_233 : memref<1x80xi32, #tpu.memory_space<vmem>> -> memref<80xi32, #tpu.memory_space<vmem>>
        %dma_wait3A_235 = arith.constant 0 : i32
        %dma_wait3A_236 = arith.constant 0 : i32
        %dma_wait3A_237 = tpu.memref_slice %arg2[%dma_wait3A_235, %dma_wait3A_236] : memref<10000x64xf32, #tpu.memory_space<hbm>> -> memref<10000x64xf32, #tpu.memory_space<hbm>>
        tpu.wait_indirect_dma semaphore(%arg11 : memref<!tpu.dma_semaphore, #tpu.memory_space<semaphore_mem>>) src(%dma_wait3A_237 : memref<10000x64xf32, #tpu.memory_space<hbm>>) dst(%dma_wait3A_231 : memref<80x64xf32, #tpu.memory_space<vmem>>)
        %dma_start3A_238 = arith.constant 1 : i32
        %dma_start3A_239 = arith.constant 0 : i32
        %dma_start3A_240 = arith.constant 0 : i32
        %dma_start3A_241 = tpu.memref_slice %arg8[%dma_start3A_238, %dma_start3A_239, %dma_start3A_240] : memref<4x80x64xf32, #tpu.memory_space<vmem>> -> memref<1x80x64xf32, #tpu.memory_space<vmem>>
        %dma_start3A_242 = tpu.memref_squeeze %dma_start3A_241 : memref<1x80x64xf32, #tpu.memory_space<vmem>> -> memref<80x64xf32, #tpu.memory_space<vmem>>
        %dma_start3A_243 = arith.constant 0 : i32
        %dma_start3A_244 = tpu.memref_slice %arg7[%add3A_213, %dma_start3A_243] : memref<125x80xi32, #tpu.memory_space<vmem>> -> memref<1x80xi32, #tpu.memory_space<vmem>>
        %dma_start3A_245 = tpu.memref_squeeze %dma_start3A_244 : memref<1x80xi32, #tpu.memory_space<vmem>> -> memref<80xi32, #tpu.memory_space<vmem>>
        %dma_start3A_246 = arith.constant 0 : i32
        %dma_start3A_247 = arith.constant 0 : i32
        %dma_start3A_248 = tpu.memref_slice %arg9[%dma_start3A_246, %dma_start3A_247] : memref<10000x64xf32, #tpu.memory_space<vmem_shared>> -> memref<10000x64xf32, #tpu.memory_space<vmem_shared>>
        tpu.enqueue_indirect_dma source(%dma_start3A_242 : memref<80x64xf32, #tpu.memory_space<vmem>>) target(%dma_start3A_248 : memref<10000x64xf32, #tpu.memory_space<vmem_shared>>) offsets(%dma_start3A_245 : memref<80xi32, #tpu.memory_space<vmem>>) semaphore(%arg15 : memref<!tpu.dma_semaphore, #tpu.memory_space<semaphore_mem>>) {add = true}
      } else {
      }
      %sub3A_219 = arith.constant 2 : i32
      %sub3A_220 = arith.subi %add3A_213, %sub3A_219 : i32
      %lt3A_221 = arith.constant 125 : i32
      %lt3A_222 = arith.cmpi slt, %sub3A_220, %lt3A_221 : i32
      %convert_element_type3A_223 = arith.extui %lt3A_222 : i1 to i32
      %cond3A_224 = arith.constant 0 : i32
      %cond3A_225 = arith.cmpi ne, %convert_element_type3A_223, %cond3A_224 : i32
      scf.if %cond3A_225 {
        %sub3A_227 = arith.constant 2 : i32
        %sub3A_228 = arith.subi %add3A_213, %sub3A_227 : i32
        %dma_wait3A_229 = arith.constant 3 : i32
        %dma_wait3A_230 = arith.constant 0 : i32
        %dma_wait3A_231 = arith.constant 0 : i32
        %dma_wait3A_232 = tpu.memref_slice %arg8[%dma_wait3A_229, %dma_wait3A_230, %dma_wait3A_231] : memref<4x80x64xf32, #tpu.memory_space<vmem>> -> memref<1x80x64xf32, #tpu.memory_space<vmem>>
        %dma_wait3A_233 = tpu.memref_squeeze %dma_wait3A_232 : memref<1x80x64xf32, #tpu.memory_space<vmem>> -> memref<80x64xf32, #tpu.memory_space<vmem>>
        %dma_wait3A_234 = arith.constant 0 : i32
        %dma_wait3A_235 = tpu.memref_slice %arg7[%sub3A_228, %dma_wait3A_234] : memref<125x80xi32, #tpu.memory_space<vmem>> -> memref<1x80xi32, #tpu.memory_space<vmem>>
        %dma_wait3A_236 = tpu.memref_squeeze %dma_wait3A_235 : memref<1x80xi32, #tpu.memory_space<vmem>> -> memref<80xi32, #tpu.memory_space<vmem>>
        %dma_wait3A_237 = arith.constant 0 : i32
        %dma_wait3A_238 = arith.constant 0 : i32
        %dma_wait3A_239 = tpu.memref_slice %arg9[%dma_wait3A_237, %dma_wait3A_238] : memref<10000x64xf32, #tpu.memory_space<vmem_shared>> -> memref<10000x64xf32, #tpu.memory_space<vmem_shared>>
        tpu.wait_indirect_dma semaphore(%arg17 : memref<!tpu.dma_semaphore, #tpu.memory_space<semaphore_mem>>) src(%dma_wait3A_233 : memref<80x64xf32, #tpu.memory_space<vmem>>) dst(%dma_wait3A_239 : memref<10000x64xf32, #tpu.memory_space<vmem_shared>>)
        %add3A_240 = arith.constant 2 : i32
        %add3A_241 = arith.addi %add3A_213, %add3A_240 : i32
        %lt3A_242 = arith.constant 125 : i32
        %lt3A_243 = arith.cmpi slt, %add3A_241, %lt3A_242 : i32
        %convert_element_type3A_244 = arith.extui %lt3A_243 : i1 to i32
        %cond3A_245 = arith.constant 0 : i32
        %cond3A_246 = arith.cmpi ne, %convert_element_type3A_244, %cond3A_245 : i32
        scf.if %cond3A_246 {
          %add3A_247 = arith.constant 2 : i32
          %add3A_248 = arith.addi %add3A_213, %add3A_247 : i32
          %dma_start3A_249 = arith.constant 3 : i32
          %dma_start3A_250 = arith.constant 0 : i32
          %dma_start3A_251 = arith.constant 0 : i32
          %dma_start3A_252 = tpu.memref_slice %arg8[%dma_start3A_249, %dma_start3A_250, %dma_start3A_251] : memref<4x80x64xf32, #tpu.memory_space<vmem>> -> memref<1x80x64xf32, #tpu.memory_space<vmem>>
          %dma_start3A_253 = tpu.memref_squeeze %dma_start3A_252 : memref<1x80x64xf32, #tpu.memory_space<vmem>> -> memref<80x64xf32, #tpu.memory_space<vmem>>
          %dma_start3A_254 = arith.constant 0 : i32
          %dma_start3A_255 = tpu.memref_slice %arg6[%add3A_248, %dma_start3A_254] : memref<125x80xi32, #tpu.memory_space<vmem>> -> memref<1x80xi32, #tpu.memory_space<vmem>>
          %dma_start3A_256 = tpu.memref_squeeze %dma_start3A_255 : memref<1x80xi32, #tpu.memory_space<vmem>> -> memref<80xi32, #tpu.memory_space<vmem>>
          %dma_start3A_257 = arith.constant 0 : i32
          %dma_start3A_258 = arith.constant 0 : i32
          %dma_start3A_259 = tpu.memref_slice %arg2[%dma_start3A_257, %dma_start3A_258] : memref<10000x64xf32, #tpu.memory_space<hbm>> -> memref<10000x64xf32, #tpu.memory_space<hbm>>
          tpu.enqueue_indirect_dma source(%dma_start3A_259 : memref<10000x64xf32, #tpu.memory_space<hbm>>) target(%dma_start3A_253 : memref<80x64xf32, #tpu.memory_space<vmem>>) offsets(%dma_start3A_256 : memref<80xi32, #tpu.memory_space<vmem>>) semaphore(%arg13 : memref<!tpu.dma_semaphore, #tpu.memory_space<semaphore_mem>>)
        } else {
        }
      } else {
      }
      %scan3A_226 = arith.constant 0 : i32
      scf.yield %scan3A_226 : i32
    }
    %scan3A_149 = arith.constant 32 : i32
    %barrier3A_150 = arith.constant 0 : index
    tpu.barrier barrier_id(%barrier3A_150)
    %mul3A_151 = arith.constant 625 : i32
    %mul3A_152 = arith.muli %arg1, %mul3A_151 : i32
    %mul3A_153 = arith.constant 625 : i32
    %mul3A_154 = arith.muli %arg1, %mul3A_153 : i32
    "tpu.region"() ({
      %run_scoped3A_155 = tpu.sem_alloc : memref<!tpu.dma_semaphore, #tpu.memory_space<semaphore_mem>>
      %dma_start3A_156 = arith.constant 0 : i32
      %dma_start3A_157 = tpu.memref_slice %arg5[%arg0, %mul3A_154, %dma_start3A_156] : memref<2x10000x64xf32, #tpu.memory_space<hbm>> -> memref<1x625x64xf32, #tpu.memory_space<hbm>>
      %dma_start3A_158 = tpu.memref_squeeze %dma_start3A_157 : memref<1x625x64xf32, #tpu.memory_space<hbm>> -> memref<625x64xf32, #tpu.memory_space<hbm>>
      %dma_start3A_159 = arith.constant 0 : i32
      %dma_start3A_160 = tpu.memref_slice %arg9[%mul3A_152, %dma_start3A_159] : memref<10000x64xf32, #tpu.memory_space<vmem_shared>> -> memref<625x64xf32, #tpu.memory_space<vmem_shared>>
      tpu.enqueue_dma source(%dma_start3A_160 : memref<625x64xf32, #tpu.memory_space<vmem_shared>>) target(%dma_start3A_158 : memref<625x64xf32, #tpu.memory_space<hbm>>) target_semaphore(%run_scoped3A_155 : memref<!tpu.dma_semaphore, #tpu.memory_space<semaphore_mem>>)
      %dma_wait3A_161 = arith.constant 0 : i32
      %dma_wait3A_162 = tpu.memref_slice %arg5[%arg0, %mul3A_154, %dma_wait3A_161] : memref<2x10000x64xf32, #tpu.memory_space<hbm>> -> memref<1x625x64xf32, #tpu.memory_space<hbm>>
      %dma_wait3A_163 = tpu.memref_squeeze %dma_wait3A_162 : memref<1x625x64xf32, #tpu.memory_space<hbm>> -> memref<625x64xf32, #tpu.memory_space<hbm>>
      %dma_wait3A_164 = arith.constant 0 : i32
      %dma_wait3A_165 = tpu.memref_slice %arg9[%mul3A_152, %dma_wait3A_164] : memref<10000x64xf32, #tpu.memory_space<vmem_shared>> -> memref<625x64xf32, #tpu.memory_space<vmem_shared>>
      tpu.wait_dma2 semaphore(%run_scoped3A_155 : memref<!tpu.dma_semaphore, #tpu.memory_space<semaphore_mem>>) src(%dma_wait3A_165 : memref<625x64xf32, #tpu.memory_space<vmem_shared>>) dst(%dma_wait3A_163 : memref<625x64xf32, #tpu.memory_space<hbm>>)
      tpu.yield
    }) : () -> ()
    return
  }
}

module attributes {stable_mosaic.version = 14 : i64} {
  func.func @_k1_body(%arg0: i32, %arg1: memref<512x128xf32, #tpu.memory_space<vmem>>, %arg2: memref<512x64xf32, #tpu.memory_space<vmem>>, %arg3: memref<512x64xf32, #tpu.memory_space<vmem>>, %arg4: memref<16x512xf32, #tpu.memory_space<vmem>>, %arg5: memref<128x704xbf16, #tpu.memory_space<vmem>>, %arg6: memref<1x704xf32, #tpu.memory_space<vmem>>, %arg7: memref<512x64xf32, #tpu.memory_space<vmem>>, %arg8: memref<2x64xf32, #tpu.memory_space<vmem>>) attributes {dimension_semantics = [#tpu.dimension_semantics<arbitrary>], iteration_bounds = array<i64: 20>, scalar_prefetch = 0 : i64, scratch_operands = 0 : i64, tpu.core_type = #tpu.core_type<tc>, window_params = [{transform_indices = @transform_0, window_bounds = array<i64: 512, 128>}, {transform_indices = @transform_1, window_bounds = array<i64: 512, 64>}, {transform_indices = @transform_2, window_bounds = array<i64: 512, 64>}, {transform_indices = @transform_3, window_bounds = array<i64: 16, 512>}, {pipeline_mode = #tpu.pipeline_mode<synchronous>, transform_indices = @transform_4, window_bounds = array<i64: 128, 704>}, {pipeline_mode = #tpu.pipeline_mode<synchronous>, transform_indices = @transform_5, window_bounds = array<i64: 1, 704>}, {transform_indices = @transform_6, window_bounds = array<i64: 512, 64>}, {pipeline_mode = #tpu.pipeline_mode<synchronous>, transform_indices = @transform_7, window_bounds = array<i64: 2, 64>}]} {
    %get3A = arith.constant 0 : index
    %get3A_0 = arith.constant 0 : index
    %get3A_1 = vector.load %arg1[%get3A, %get3A_0] : memref<512x128xf32, #tpu.memory_space<vmem>>, vector<512x128xf32>
    %get3A_2 = arith.constant 0 : index
    %get3A_3 = arith.constant 0 : index
    %get3A_4 = vector.load %arg2[%get3A_2, %get3A_3] : memref<512x64xf32, #tpu.memory_space<vmem>>, vector<512x64xf32>
    %get3A_5 = arith.constant 0 : index
    %get3A_6 = arith.constant 0 : index
    %get3A_7 = vector.load %arg3[%get3A_5, %get3A_6] : memref<512x64xf32, #tpu.memory_space<vmem>>, vector<512x64xf32>
    %concatenate3A = tpu.concatenate %get3A_4, %get3A_7 in 1 : vector<512x64xf32>, vector<512x64xf32> -> vector<512x128xf32>
    %add3A = arith.addf %get3A_1, %concatenate3A : vector<512x128xf32>
    %get3A_8 = arith.constant 0 : index
    %get3A_9 = arith.constant 0 : index
    %get3A_10 = vector.load %arg4[%get3A_8, %get3A_9] : memref<16x512xf32, #tpu.memory_space<vmem>>, vector<16x512xf32>
    %broadcast_in_dim3A = arith.constant 1.000000e+00 : f32
    %broadcast_in_dim3A_11 = vector.broadcast %broadcast_in_dim3A : f32 to vector<16x1xf32>
    %dot_general3A = arith.constant dense<0.000000e+00> : vector<512x1xf32>
    %dot_general3A_12 = tpu.matmul %get3A_10, %broadcast_in_dim3A_11, %dot_general3A {dimension_numbers = #tpu.dot_dimension_numbers<[0], [0], [1], [1], [0, 1, 1, 1], [], []>, transpose_lhs_hint = false} : vector<16x512xf32>, vector<16x1xf32>, vector<512x1xf32> -> vector<512x1xf32>
    %convert_element_type3A = arith.truncf %add3A : vector<512x128xf32> to vector<512x128xbf16>
    %get3A_13 = arith.constant 0 : index
    %get3A_14 = arith.constant 0 : index
    %get3A_15 = vector.load %arg5[%get3A_13, %get3A_14] : memref<128x704xbf16, #tpu.memory_space<vmem>>, vector<128x704xbf16>
    %dot_general3A_16 = arith.constant dense<0.000000e+00> : vector<512x704xf32>
    %dot_general3A_17 = tpu.matmul %convert_element_type3A, %get3A_15, %dot_general3A_16 {dimension_numbers = #tpu.dot_dimension_numbers<[1], [0], [0], [1], [0, 0, 1, 1], [], []>, transpose_lhs_hint = false} : vector<512x128xbf16>, vector<128x704xbf16>, vector<512x704xf32> -> vector<512x704xf32>
    %get3A_18 = arith.constant 0 : index
    %get3A_19 = arith.constant 0 : index
    %get3A_20 = vector.load %arg6[%get3A_18, %get3A_19] : memref<1x704xf32, #tpu.memory_space<vmem>>, vector<1x704xf32>
    %add3A_21 = vector.broadcast %get3A_20 : vector<1x704xf32> to vector<512x704xf32>
    %add3A_22 = arith.addf %dot_general3A_17, %add3A_21 : vector<512x704xf32>
    %min3A = arith.constant 1.000000e+01 : f32
    %min3A_23 = vector.broadcast %min3A : f32 to vector<512x1xf32>
    %min3A_24 = arith.minimumf %dot_general3A_12, %min3A_23 : vector<512x1xf32>
    %broadcast_in_dim3A_25 = arith.constant 0.000000e+00 : f32
    %broadcast_in_dim3A_26 = vector.broadcast %broadcast_in_dim3A_25 : f32 to vector<512x64xf32>
    %eq3A = arith.constant 0.000000e+00 : f32
    %eq3A_27 = vector.broadcast %eq3A : f32 to vector<512x1xf32>
    %eq3A_28 = arith.cmpf oeq, %min3A_24, %eq3A_27 : vector<512x1xf32>
    %slice3A = vector.extract_strided_slice %add3A_22 {offsets = [0, 0], sizes = [512, 64], strides = [1, 1]} : vector<512x704xf32> to vector<512x64xf32>
    %jit3A = arith.constant 0.000000e+00 : f32
    %broadcast_in_dim3A_29 = vector.shape_cast %eq3A_28 : vector<512x1xi1> to vector<512x1xi1>
    %broadcast_in_dim3A_30 = vector.broadcast %broadcast_in_dim3A_29 : vector<512x1xi1> to vector<512x64xi1>
    %broadcast_in_dim3A_31 = vector.broadcast %jit3A : f32 to vector<512x64xf32>
    %select_n3A = arith.select %broadcast_in_dim3A_30, %slice3A, %broadcast_in_dim3A_31 : vector<512x64xi1>, vector<512x64xf32>
    %add3A_32 = arith.addf %broadcast_in_dim3A_26, %select_n3A : vector<512x64xf32>
    %eq3A_33 = arith.constant 1.000000e+00 : f32
    %eq3A_34 = vector.broadcast %eq3A_33 : f32 to vector<512x1xf32>
    %eq3A_35 = arith.cmpf oeq, %min3A_24, %eq3A_34 : vector<512x1xf32>
    %slice3A_36 = vector.extract_strided_slice %add3A_22 {offsets = [0, 64], sizes = [512, 64], strides = [1, 1]} : vector<512x704xf32> to vector<512x64xf32>
    %jit3A_37 = arith.constant 0.000000e+00 : f32
    %broadcast_in_dim3A_38 = vector.shape_cast %eq3A_35 : vector<512x1xi1> to vector<512x1xi1>
    %broadcast_in_dim3A_39 = vector.broadcast %broadcast_in_dim3A_38 : vector<512x1xi1> to vector<512x64xi1>
    %broadcast_in_dim3A_40 = vector.broadcast %jit3A_37 : f32 to vector<512x64xf32>
    %select_n3A_41 = arith.select %broadcast_in_dim3A_39, %slice3A_36, %broadcast_in_dim3A_40 : vector<512x64xi1>, vector<512x64xf32>
    %add3A_42 = arith.addf %add3A_32, %select_n3A_41 : vector<512x64xf32>
    %eq3A_43 = arith.constant 2.000000e+00 : f32
    %eq3A_44 = vector.broadcast %eq3A_43 : f32 to vector<512x1xf32>
    %eq3A_45 = arith.cmpf oeq, %min3A_24, %eq3A_44 : vector<512x1xf32>
    %slice3A_46 = vector.extract_strided_slice %add3A_22 {offsets = [0, 128], sizes = [512, 64], strides = [1, 1]} : vector<512x704xf32> to vector<512x64xf32>
    %jit3A_47 = arith.constant 0.000000e+00 : f32
    %broadcast_in_dim3A_48 = vector.shape_cast %eq3A_45 : vector<512x1xi1> to vector<512x1xi1>
    %broadcast_in_dim3A_49 = vector.broadcast %broadcast_in_dim3A_48 : vector<512x1xi1> to vector<512x64xi1>
    %broadcast_in_dim3A_50 = vector.broadcast %jit3A_47 : f32 to vector<512x64xf32>
    %select_n3A_51 = arith.select %broadcast_in_dim3A_49, %slice3A_46, %broadcast_in_dim3A_50 : vector<512x64xi1>, vector<512x64xf32>
    %add3A_52 = arith.addf %add3A_42, %select_n3A_51 : vector<512x64xf32>
    %eq3A_53 = arith.constant 3.000000e+00 : f32
    %eq3A_54 = vector.broadcast %eq3A_53 : f32 to vector<512x1xf32>
    %eq3A_55 = arith.cmpf oeq, %min3A_24, %eq3A_54 : vector<512x1xf32>
    %slice3A_56 = vector.extract_strided_slice %add3A_22 {offsets = [0, 192], sizes = [512, 64], strides = [1, 1]} : vector<512x704xf32> to vector<512x64xf32>
    %jit3A_57 = arith.constant 0.000000e+00 : f32
    %broadcast_in_dim3A_58 = vector.shape_cast %eq3A_55 : vector<512x1xi1> to vector<512x1xi1>
    %broadcast_in_dim3A_59 = vector.broadcast %broadcast_in_dim3A_58 : vector<512x1xi1> to vector<512x64xi1>
    %broadcast_in_dim3A_60 = vector.broadcast %jit3A_57 : f32 to vector<512x64xf32>
    %select_n3A_61 = arith.select %broadcast_in_dim3A_59, %slice3A_56, %broadcast_in_dim3A_60 : vector<512x64xi1>, vector<512x64xf32>
    %add3A_62 = arith.addf %add3A_52, %select_n3A_61 : vector<512x64xf32>
    %eq3A_63 = arith.constant 4.000000e+00 : f32
    %eq3A_64 = vector.broadcast %eq3A_63 : f32 to vector<512x1xf32>
    %eq3A_65 = arith.cmpf oeq, %min3A_24, %eq3A_64 : vector<512x1xf32>
    %slice3A_66 = vector.extract_strided_slice %add3A_22 {offsets = [0, 256], sizes = [512, 64], strides = [1, 1]} : vector<512x704xf32> to vector<512x64xf32>
    %jit3A_67 = arith.constant 0.000000e+00 : f32
    %broadcast_in_dim3A_68 = vector.shape_cast %eq3A_65 : vector<512x1xi1> to vector<512x1xi1>
    %broadcast_in_dim3A_69 = vector.broadcast %broadcast_in_dim3A_68 : vector<512x1xi1> to vector<512x64xi1>
    %broadcast_in_dim3A_70 = vector.broadcast %jit3A_67 : f32 to vector<512x64xf32>
    %select_n3A_71 = arith.select %broadcast_in_dim3A_69, %slice3A_66, %broadcast_in_dim3A_70 : vector<512x64xi1>, vector<512x64xf32>
    %add3A_72 = arith.addf %add3A_62, %select_n3A_71 : vector<512x64xf32>
    %eq3A_73 = arith.constant 5.000000e+00 : f32
    %eq3A_74 = vector.broadcast %eq3A_73 : f32 to vector<512x1xf32>
    %eq3A_75 = arith.cmpf oeq, %min3A_24, %eq3A_74 : vector<512x1xf32>
    %slice3A_76 = vector.extract_strided_slice %add3A_22 {offsets = [0, 320], sizes = [512, 64], strides = [1, 1]} : vector<512x704xf32> to vector<512x64xf32>
    %jit3A_77 = arith.constant 0.000000e+00 : f32
    %broadcast_in_dim3A_78 = vector.shape_cast %eq3A_75 : vector<512x1xi1> to vector<512x1xi1>
    %broadcast_in_dim3A_79 = vector.broadcast %broadcast_in_dim3A_78 : vector<512x1xi1> to vector<512x64xi1>
    %broadcast_in_dim3A_80 = vector.broadcast %jit3A_77 : f32 to vector<512x64xf32>
    %select_n3A_81 = arith.select %broadcast_in_dim3A_79, %slice3A_76, %broadcast_in_dim3A_80 : vector<512x64xi1>, vector<512x64xf32>
    %add3A_82 = arith.addf %add3A_72, %select_n3A_81 : vector<512x64xf32>
    %eq3A_83 = arith.constant 6.000000e+00 : f32
    %eq3A_84 = vector.broadcast %eq3A_83 : f32 to vector<512x1xf32>
    %eq3A_85 = arith.cmpf oeq, %min3A_24, %eq3A_84 : vector<512x1xf32>
    %slice3A_86 = vector.extract_strided_slice %add3A_22 {offsets = [0, 384], sizes = [512, 64], strides = [1, 1]} : vector<512x704xf32> to vector<512x64xf32>
    %jit3A_87 = arith.constant 0.000000e+00 : f32
    %broadcast_in_dim3A_88 = vector.shape_cast %eq3A_85 : vector<512x1xi1> to vector<512x1xi1>
    %broadcast_in_dim3A_89 = vector.broadcast %broadcast_in_dim3A_88 : vector<512x1xi1> to vector<512x64xi1>
    %broadcast_in_dim3A_90 = vector.broadcast %jit3A_87 : f32 to vector<512x64xf32>
    %select_n3A_91 = arith.select %broadcast_in_dim3A_89, %slice3A_86, %broadcast_in_dim3A_90 : vector<512x64xi1>, vector<512x64xf32>
    %add3A_92 = arith.addf %add3A_82, %select_n3A_91 : vector<512x64xf32>
    %eq3A_93 = arith.constant 7.000000e+00 : f32
    %eq3A_94 = vector.broadcast %eq3A_93 : f32 to vector<512x1xf32>
    %eq3A_95 = arith.cmpf oeq, %min3A_24, %eq3A_94 : vector<512x1xf32>
    %slice3A_96 = vector.extract_strided_slice %add3A_22 {offsets = [0, 448], sizes = [512, 64], strides = [1, 1]} : vector<512x704xf32> to vector<512x64xf32>
    %jit3A_97 = arith.constant 0.000000e+00 : f32
    %broadcast_in_dim3A_98 = vector.shape_cast %eq3A_95 : vector<512x1xi1> to vector<512x1xi1>
    %broadcast_in_dim3A_99 = vector.broadcast %broadcast_in_dim3A_98 : vector<512x1xi1> to vector<512x64xi1>
    %broadcast_in_dim3A_100 = vector.broadcast %jit3A_97 : f32 to vector<512x64xf32>
    %select_n3A_101 = arith.select %broadcast_in_dim3A_99, %slice3A_96, %broadcast_in_dim3A_100 : vector<512x64xi1>, vector<512x64xf32>
    %add3A_102 = arith.addf %add3A_92, %select_n3A_101 : vector<512x64xf32>
    %eq3A_103 = arith.constant 8.000000e+00 : f32
    %eq3A_104 = vector.broadcast %eq3A_103 : f32 to vector<512x1xf32>
    %eq3A_105 = arith.cmpf oeq, %min3A_24, %eq3A_104 : vector<512x1xf32>
    %slice3A_106 = vector.extract_strided_slice %add3A_22 {offsets = [0, 512], sizes = [512, 64], strides = [1, 1]} : vector<512x704xf32> to vector<512x64xf32>
    %jit3A_107 = arith.constant 0.000000e+00 : f32
    %broadcast_in_dim3A_108 = vector.shape_cast %eq3A_105 : vector<512x1xi1> to vector<512x1xi1>
    %broadcast_in_dim3A_109 = vector.broadcast %broadcast_in_dim3A_108 : vector<512x1xi1> to vector<512x64xi1>
    %broadcast_in_dim3A_110 = vector.broadcast %jit3A_107 : f32 to vector<512x64xf32>
    %select_n3A_111 = arith.select %broadcast_in_dim3A_109, %slice3A_106, %broadcast_in_dim3A_110 : vector<512x64xi1>, vector<512x64xf32>
    %add3A_112 = arith.addf %add3A_102, %select_n3A_111 : vector<512x64xf32>
    %eq3A_113 = arith.constant 9.000000e+00 : f32
    %eq3A_114 = vector.broadcast %eq3A_113 : f32 to vector<512x1xf32>
    %eq3A_115 = arith.cmpf oeq, %min3A_24, %eq3A_114 : vector<512x1xf32>
    %slice3A_116 = vector.extract_strided_slice %add3A_22 {offsets = [0, 576], sizes = [512, 64], strides = [1, 1]} : vector<512x704xf32> to vector<512x64xf32>
    %jit3A_117 = arith.constant 0.000000e+00 : f32
    %broadcast_in_dim3A_118 = vector.shape_cast %eq3A_115 : vector<512x1xi1> to vector<512x1xi1>
    %broadcast_in_dim3A_119 = vector.broadcast %broadcast_in_dim3A_118 : vector<512x1xi1> to vector<512x64xi1>
    %broadcast_in_dim3A_120 = vector.broadcast %jit3A_117 : f32 to vector<512x64xf32>
    %select_n3A_121 = arith.select %broadcast_in_dim3A_119, %slice3A_116, %broadcast_in_dim3A_120 : vector<512x64xi1>, vector<512x64xf32>
    %add3A_122 = arith.addf %add3A_112, %select_n3A_121 : vector<512x64xf32>
    %eq3A_123 = arith.constant 1.000000e+01 : f32
    %eq3A_124 = vector.broadcast %eq3A_123 : f32 to vector<512x1xf32>
    %eq3A_125 = arith.cmpf oeq, %min3A_24, %eq3A_124 : vector<512x1xf32>
    %slice3A_126 = vector.extract_strided_slice %add3A_22 {offsets = [0, 640], sizes = [512, 64], strides = [1, 1]} : vector<512x704xf32> to vector<512x64xf32>
    %jit3A_127 = arith.constant 0.000000e+00 : f32
    %broadcast_in_dim3A_128 = vector.shape_cast %eq3A_125 : vector<512x1xi1> to vector<512x1xi1>
    %broadcast_in_dim3A_129 = vector.broadcast %broadcast_in_dim3A_128 : vector<512x1xi1> to vector<512x64xi1>
    %broadcast_in_dim3A_130 = vector.broadcast %jit3A_127 : f32 to vector<512x64xf32>
    %select_n3A_131 = arith.select %broadcast_in_dim3A_129, %slice3A_126, %broadcast_in_dim3A_130 : vector<512x64xi1>, vector<512x64xf32>
    %add3A_132 = arith.addf %add3A_122, %select_n3A_131 : vector<512x64xf32>
    %max3A = arith.constant 0.000000e+00 : f32
    %max3A_133 = vector.broadcast %max3A : f32 to vector<512x64xf32>
    %max3A_134 = arith.maximumf %add3A_132, %max3A_133 : vector<512x64xf32>
    %mul3A = arith.constant 512 : i32
    %mul3A_135 = arith.muli %arg0, %mul3A : i32
    %iota3A = tpu.iota {dimensions = array<i32: 0>} : vector<512x1xi32>
    %add3A_136 = vector.broadcast %mul3A_135 : i32 to vector<512x1xi32>
    %add3A_137 = arith.addi %add3A_136, %iota3A : vector<512x1xi32>
    %lt3A = arith.constant 10000 : i32
    %lt3A_138 = vector.broadcast %lt3A : i32 to vector<512x1xi32>
    %lt3A_139 = arith.cmpi slt, %add3A_137, %lt3A_138 : vector<512x1xi32>
    %jit3A_140 = arith.constant 0.000000e+00 : f32
    %broadcast_in_dim3A_141 = vector.shape_cast %lt3A_139 : vector<512x1xi1> to vector<512x1xi1>
    %broadcast_in_dim3A_142 = vector.broadcast %broadcast_in_dim3A_141 : vector<512x1xi1> to vector<512x64xi1>
    %broadcast_in_dim3A_143 = vector.broadcast %jit3A_140 : f32 to vector<512x64xf32>
    %select_n3A_144 = arith.select %broadcast_in_dim3A_142, %max3A_134, %broadcast_in_dim3A_143 : vector<512x64xi1>, vector<512x64xf32>
    %swap3A = arith.constant 0 : index
    %swap3A_145 = arith.constant 0 : index
    %swap3A_146 = vector.load %arg7[%swap3A, %swap3A_145] : memref<512x64xf32, #tpu.memory_space<vmem>>, vector<512x64xf32>
    tpu.vector_store %arg7[%swap3A, %swap3A_145], %max3A_134 {strides = array<i32>} : memref<512x64xf32, #tpu.memory_space<vmem>>, vector<512x64xf32>,
    %eq3A_147 = arith.constant 0 : i32
    %eq3A_148 = arith.cmpi eq, %arg0, %eq3A_147 : i32
    %convert_element_type3A_149 = arith.extui %eq3A_148 : i1 to i32
    %cond3A = arith.constant 0 : i32
    %cond3A_150 = arith.cmpi ne, %convert_element_type3A_149, %cond3A : i32
    scf.if %cond3A_150 {
      %broadcast_in_dim3A_170 = arith.constant 0.000000e+00 : f32
      %broadcast_in_dim3A_171 = vector.broadcast %broadcast_in_dim3A_170 : f32 to vector<2x64xf32>
      %swap3A_172 = arith.constant 0 : index
      %swap3A_173 = arith.constant 0 : index
      %swap3A_174 = vector.load %arg8[%swap3A_172, %swap3A_173] : memref<2x64xf32, #tpu.memory_space<vmem>>, vector<2x64xf32>
      tpu.vector_store %arg8[%swap3A_172, %swap3A_173], %broadcast_in_dim3A_171 {strides = array<i32>} : memref<2x64xf32, #tpu.memory_space<vmem>>, vector<2x64xf32>,
    } else {
    }
    %get3A_151 = arith.constant 0 : index
    %get3A_152 = arith.constant 0 : index
    %get3A_153 = vector.load %arg8[%get3A_151, %get3A_152] : memref<2x64xf32, #tpu.memory_space<vmem>>, vector<2x64xf32>
    %reduce_sum3A = arith.constant dense<0.000000e+00> : vector<64xf32>
    %reduce_sum3A_154 = vector.multi_reduction <add>, %select_n3A_144, %reduce_sum3A [0] : vector<512x64xf32> to vector<64xf32>
    %broadcast_in_dim3A_155 = vector.shape_cast %reduce_sum3A_154 : vector<64xf32> to vector<1x64xf32>
    %mul3A_156 = arith.mulf %max3A_134, %max3A_134 : vector<512x64xf32>
    %jit3A_157 = arith.constant 0.000000e+00 : f32
    %broadcast_in_dim3A_158 = vector.shape_cast %lt3A_139 : vector<512x1xi1> to vector<512x1xi1>
    %broadcast_in_dim3A_159 = vector.broadcast %broadcast_in_dim3A_158 : vector<512x1xi1> to vector<512x64xi1>
    %broadcast_in_dim3A_160 = vector.broadcast %jit3A_157 : f32 to vector<512x64xf32>
    %select_n3A_161 = arith.select %broadcast_in_dim3A_159, %mul3A_156, %broadcast_in_dim3A_160 : vector<512x64xi1>, vector<512x64xf32>
    %reduce_sum3A_162 = arith.constant dense<0.000000e+00> : vector<64xf32>
    %reduce_sum3A_163 = vector.multi_reduction <add>, %select_n3A_161, %reduce_sum3A_162 [0] : vector<512x64xf32> to vector<64xf32>
    %broadcast_in_dim3A_164 = vector.shape_cast %reduce_sum3A_163 : vector<64xf32> to vector<1x64xf32>
    %concatenate3A_165 = tpu.concatenate %broadcast_in_dim3A_155, %broadcast_in_dim3A_164 in 0 : vector<1x64xf32>, vector<1x64xf32> -> vector<2x64xf32>
    %add3A_166 = arith.addf %get3A_153, %concatenate3A_165 : vector<2x64xf32>
    %swap3A_167 = arith.constant 0 : index
    %swap3A_168 = arith.constant 0 : index
    %swap3A_169 = vector.load %arg8[%swap3A_167, %swap3A_168] : memref<2x64xf32, #tpu.memory_space<vmem>>, vector<2x64xf32>
    tpu.vector_store %arg8[%swap3A_167, %swap3A_168], %add3A_166 {strides = array<i32>} : memref<2x64xf32, #tpu.memory_space<vmem>>, vector<2x64xf32>,
    return
  }
  func.func @transform_0(%arg0: i32) -> (i32, i32) {
    %c0_i32 = arith.constant 0 : i32
    %c0_i32_0 = arith.constant 0 : i32
    return %arg0, %c0_i32 : i32, i32
  }
  func.func @transform_1(%arg0: i32) -> (i32, i32) {
    %c0_i32 = arith.constant 0 : i32
    %c0_i32_0 = arith.constant 0 : i32
    return %arg0, %c0_i32 : i32, i32
  }
  func.func @transform_2(%arg0: i32) -> (i32, i32) {
    %c0_i32 = arith.constant 0 : i32
    %c0_i32_0 = arith.constant 0 : i32
    return %arg0, %c0_i32 : i32, i32
  }
  func.func @transform_3(%arg0: i32) -> (i32, i32) {
    %c0_i32 = arith.constant 0 : i32
    %c0_i32_0 = arith.constant 0 : i32
    return %c0_i32, %arg0 : i32, i32
  }
  func.func @transform_4(%arg0: i32) -> (i32, i32) {
    %c0_i32 = arith.constant 0 : i32
    %c0_i32_0 = arith.constant 0 : i32
    %c0_i32_1 = arith.constant 0 : i32
    return %c0_i32, %c0_i32_0 : i32, i32
  }
  func.func @transform_5(%arg0: i32) -> (i32, i32) {
    %c0_i32 = arith.constant 0 : i32
    %c0_i32_0 = arith.constant 0 : i32
    %c0_i32_1 = arith.constant 0 : i32
    return %c0_i32, %c0_i32_0 : i32, i32
  }
  func.func @transform_6(%arg0: i32) -> (i32, i32) {
    %c0_i32 = arith.constant 0 : i32
    %c0_i32_0 = arith.constant 0 : i32
    return %arg0, %c0_i32 : i32, i32
  }
  func.func @transform_7(%arg0: i32) -> (i32, i32) {
    %c0_i32 = arith.constant 0 : i32
    %c0_i32_0 = arith.constant 0 : i32
    %c0_i32_1 = arith.constant 0 : i32
    return %c0_i32, %c0_i32_0 : i32, i32
  }
}

module attributes {stable_mosaic.version = 14 : i64} {
  func.func @_k2_body(%arg0: i32, %arg1: memref<512x64xf32, #tpu.memory_space<vmem>>, %arg2: memref<512x64xf32, #tpu.memory_space<vmem>>, %arg3: memref<512x64xf32, #tpu.memory_space<vmem>>, %arg4: memref<16x512xf32, #tpu.memory_space<vmem>>, %arg5: memref<2x64xf32, #tpu.memory_space<vmem>>, %arg6: memref<1x64xf32, #tpu.memory_space<vmem>>, %arg7: memref<1x64xf32, #tpu.memory_space<vmem>>, %arg8: memref<64x704xbf16, #tpu.memory_space<vmem>>, %arg9: memref<1x704xf32, #tpu.memory_space<vmem>>, %arg10: memref<512x64xf32, #tpu.memory_space<vmem>>, %arg11: memref<2x64xf32, #tpu.memory_space<vmem>>) attributes {dimension_semantics = [#tpu.dimension_semantics<arbitrary>], iteration_bounds = array<i64: 20>, scalar_prefetch = 0 : i64, scratch_operands = 0 : i64, tpu.core_type = #tpu.core_type<tc>, window_params = [{transform_indices = @transform_0, window_bounds = array<i64: 512, 64>}, {transform_indices = @transform_1, window_bounds = array<i64: 512, 64>}, {transform_indices = @transform_2, window_bounds = array<i64: 512, 64>}, {transform_indices = @transform_3, window_bounds = array<i64: 16, 512>}, {pipeline_mode = #tpu.pipeline_mode<synchronous>, transform_indices = @transform_4, window_bounds = array<i64: 2, 64>}, {pipeline_mode = #tpu.pipeline_mode<synchronous>, transform_indices = @transform_5, window_bounds = array<i64: 1, 64>}, {pipeline_mode = #tpu.pipeline_mode<synchronous>, transform_indices = @transform_6, window_bounds = array<i64: 1, 64>}, {pipeline_mode = #tpu.pipeline_mode<synchronous>, transform_indices = @transform_7, window_bounds = array<i64: 64, 704>}, {pipeline_mode = #tpu.pipeline_mode<synchronous>, transform_indices = @transform_8, window_bounds = array<i64: 1, 704>}, {transform_indices = @transform_9, window_bounds = array<i64: 512, 64>}, {pipeline_mode = #tpu.pipeline_mode<synchronous>, transform_indices = @transform_10, window_bounds = array<i64: 2, 64>}]} {
    %get3A = arith.constant 0 : index
    %get3A_0 = arith.constant 0 : index
    %get3A_1 = vector.load %arg5[%get3A, %get3A_0] : memref<2x64xf32, #tpu.memory_space<vmem>>, vector<2x64xf32>
    %get3A_2 = arith.constant 0 : index
    %get3A_3 = arith.constant 0 : index
    %get3A_4 = vector.load %arg6[%get3A_2, %get3A_3] : memref<1x64xf32, #tpu.memory_space<vmem>>, vector<1x64xf32>
    %get3A_5 = arith.constant 0 : index
    %get3A_6 = arith.constant 0 : index
    %get3A_7 = vector.load %arg7[%get3A_5, %get3A_6] : memref<1x64xf32, #tpu.memory_space<vmem>>, vector<1x64xf32>
    %slice3A = vector.extract_strided_slice %get3A_1 {offsets = [0, 0], sizes = [1, 64], strides = [1, 1]} : vector<2x64xf32> to vector<1x64xf32>
    %div3A = arith.constant 1.000000e+04 : f32
    %div3A_8 = vector.broadcast %div3A : f32 to vector<1x64xf32>
    %div3A_9 = arith.divf %slice3A, %div3A_8 : vector<1x64xf32>
    %slice3A_10 = vector.extract_strided_slice %get3A_1 {offsets = [1, 0], sizes = [1, 64], strides = [1, 1]} : vector<2x64xf32> to vector<1x64xf32>
    %div3A_11 = arith.constant 1.000000e+04 : f32
    %div3A_12 = vector.broadcast %div3A_11 : f32 to vector<1x64xf32>
    %div3A_13 = arith.divf %slice3A_10, %div3A_12 : vector<1x64xf32>
    %mul3A = arith.mulf %div3A_9, %div3A_9 : vector<1x64xf32>
    %sub3A = arith.subf %div3A_13, %mul3A : vector<1x64xf32>
    %add3A = arith.constant 9.99999974E-6 : f32
    %add3A_14 = vector.broadcast %add3A : f32 to vector<1x64xf32>
    %add3A_15 = arith.addf %sub3A, %add3A_14 : vector<1x64xf32>
    %rsqrt3A = math.rsqrt %add3A_15 : vector<1x64xf32>
    %mul3A_16 = arith.mulf %get3A_4, %rsqrt3A : vector<1x64xf32>
    %mul3A_17 = arith.mulf %div3A_9, %mul3A_16 : vector<1x64xf32>
    %sub3A_18 = arith.subf %get3A_7, %mul3A_17 : vector<1x64xf32>
    %get3A_19 = arith.constant 0 : index
    %get3A_20 = arith.constant 0 : index
    %get3A_21 = vector.load %arg4[%get3A_19, %get3A_20] : memref<16x512xf32, #tpu.memory_space<vmem>>, vector<16x512xf32>
    %broadcast_in_dim3A = arith.constant 1.000000e+00 : f32
    %broadcast_in_dim3A_22 = vector.broadcast %broadcast_in_dim3A : f32 to vector<16x1xf32>
    %dot_general3A = arith.constant dense<0.000000e+00> : vector<512x1xf32>
    %dot_general3A_23 = tpu.matmul %get3A_21, %broadcast_in_dim3A_22, %dot_general3A {dimension_numbers = #tpu.dot_dimension_numbers<[0], [0], [1], [1], [0, 1, 1, 1], [], []>, transpose_lhs_hint = false} : vector<16x512xf32>, vector<16x1xf32>, vector<512x1xf32> -> vector<512x1xf32>
    %get3A_24 = arith.constant 0 : index
    %get3A_25 = arith.constant 0 : index
    %get3A_26 = vector.load %arg1[%get3A_24, %get3A_25] : memref<512x64xf32, #tpu.memory_space<vmem>>, vector<512x64xf32>
    %get3A_27 = arith.constant 0 : index
    %get3A_28 = arith.constant 0 : index
    %get3A_29 = vector.load %arg2[%get3A_27, %get3A_28] : memref<512x64xf32, #tpu.memory_space<vmem>>, vector<512x64xf32>
    %add3A_30 = arith.addf %get3A_26, %get3A_29 : vector<512x64xf32>
    %get3A_31 = arith.constant 0 : index
    %get3A_32 = arith.constant 0 : index
    %get3A_33 = vector.load %arg3[%get3A_31, %get3A_32] : memref<512x64xf32, #tpu.memory_space<vmem>>, vector<512x64xf32>
    %add3A_34 = arith.addf %add3A_30, %get3A_33 : vector<512x64xf32>
    %mul3A_35 = vector.broadcast %mul3A_16 : vector<1x64xf32> to vector<512x64xf32>
    %mul3A_36 = arith.mulf %mul3A_35, %add3A_34 : vector<512x64xf32>
    %add3A_37 = arith.constant 1.000000e+00 : f32
    %add3A_38 = vector.broadcast %add3A_37 : f32 to vector<512x1xf32>
    %add3A_39 = arith.addf %add3A_38, %dot_general3A_23 : vector<512x1xf32>
    %mul3A_40 = vector.broadcast %sub3A_18 : vector<1x64xf32> to vector<512x64xf32>
    %mul3A_41 = vector.broadcast %add3A_39 : vector<512x1xf32> to vector<512x64xf32>
    %mul3A_42 = arith.mulf %mul3A_40, %mul3A_41 : vector<512x64xf32>
    %add3A_43 = arith.addf %mul3A_36, %mul3A_42 : vector<512x64xf32>
    %convert_element_type3A = arith.truncf %add3A_43 : vector<512x64xf32> to vector<512x64xbf16>
    %get3A_44 = arith.constant 0 : index
    %get3A_45 = arith.constant 0 : index
    %get3A_46 = vector.load %arg8[%get3A_44, %get3A_45] : memref<64x704xbf16, #tpu.memory_space<vmem>>, vector<64x704xbf16>
    %dot_general3A_47 = arith.constant dense<0.000000e+00> : vector<512x704xf32>
    %dot_general3A_48 = tpu.matmul %convert_element_type3A, %get3A_46, %dot_general3A_47 {dimension_numbers = #tpu.dot_dimension_numbers<[1], [0], [0], [1], [0, 0, 1, 1], [], []>, transpose_lhs_hint = false} : vector<512x64xbf16>, vector<64x704xbf16>, vector<512x704xf32> -> vector<512x704xf32>
    %get3A_49 = arith.constant 0 : index
    %get3A_50 = arith.constant 0 : index
    %get3A_51 = vector.load %arg9[%get3A_49, %get3A_50] : memref<1x704xf32, #tpu.memory_space<vmem>>, vector<1x704xf32>
    %add3A_52 = vector.broadcast %get3A_51 : vector<1x704xf32> to vector<512x704xf32>
    %add3A_53 = arith.addf %dot_general3A_48, %add3A_52 : vector<512x704xf32>
    %min3A = arith.constant 1.000000e+01 : f32
    %min3A_54 = vector.broadcast %min3A : f32 to vector<512x1xf32>
    %min3A_55 = arith.minimumf %dot_general3A_23, %min3A_54 : vector<512x1xf32>
    %broadcast_in_dim3A_56 = arith.constant 0.000000e+00 : f32
    %broadcast_in_dim3A_57 = vector.broadcast %broadcast_in_dim3A_56 : f32 to vector<512x64xf32>
    %eq3A = arith.constant 0.000000e+00 : f32
    %eq3A_58 = vector.broadcast %eq3A : f32 to vector<512x1xf32>
    %eq3A_59 = arith.cmpf oeq, %min3A_55, %eq3A_58 : vector<512x1xf32>
    %slice3A_60 = vector.extract_strided_slice %add3A_53 {offsets = [0, 0], sizes = [512, 64], strides = [1, 1]} : vector<512x704xf32> to vector<512x64xf32>
    %jit3A = arith.constant 0.000000e+00 : f32
    %broadcast_in_dim3A_61 = vector.shape_cast %eq3A_59 : vector<512x1xi1> to vector<512x1xi1>
    %broadcast_in_dim3A_62 = vector.broadcast %broadcast_in_dim3A_61 : vector<512x1xi1> to vector<512x64xi1>
    %broadcast_in_dim3A_63 = vector.broadcast %jit3A : f32 to vector<512x64xf32>
    %select_n3A = arith.select %broadcast_in_dim3A_62, %slice3A_60, %broadcast_in_dim3A_63 : vector<512x64xi1>, vector<512x64xf32>
    %add3A_64 = arith.addf %broadcast_in_dim3A_57, %select_n3A : vector<512x64xf32>
    %eq3A_65 = arith.constant 1.000000e+00 : f32
    %eq3A_66 = vector.broadcast %eq3A_65 : f32 to vector<512x1xf32>
    %eq3A_67 = arith.cmpf oeq, %min3A_55, %eq3A_66 : vector<512x1xf32>
    %slice3A_68 = vector.extract_strided_slice %add3A_53 {offsets = [0, 64], sizes = [512, 64], strides = [1, 1]} : vector<512x704xf32> to vector<512x64xf32>
    %jit3A_69 = arith.constant 0.000000e+00 : f32
    %broadcast_in_dim3A_70 = vector.shape_cast %eq3A_67 : vector<512x1xi1> to vector<512x1xi1>
    %broadcast_in_dim3A_71 = vector.broadcast %broadcast_in_dim3A_70 : vector<512x1xi1> to vector<512x64xi1>
    %broadcast_in_dim3A_72 = vector.broadcast %jit3A_69 : f32 to vector<512x64xf32>
    %select_n3A_73 = arith.select %broadcast_in_dim3A_71, %slice3A_68, %broadcast_in_dim3A_72 : vector<512x64xi1>, vector<512x64xf32>
    %add3A_74 = arith.addf %add3A_64, %select_n3A_73 : vector<512x64xf32>
    %eq3A_75 = arith.constant 2.000000e+00 : f32
    %eq3A_76 = vector.broadcast %eq3A_75 : f32 to vector<512x1xf32>
    %eq3A_77 = arith.cmpf oeq, %min3A_55, %eq3A_76 : vector<512x1xf32>
    %slice3A_78 = vector.extract_strided_slice %add3A_53 {offsets = [0, 128], sizes = [512, 64], strides = [1, 1]} : vector<512x704xf32> to vector<512x64xf32>
    %jit3A_79 = arith.constant 0.000000e+00 : f32
    %broadcast_in_dim3A_80 = vector.shape_cast %eq3A_77 : vector<512x1xi1> to vector<512x1xi1>
    %broadcast_in_dim3A_81 = vector.broadcast %broadcast_in_dim3A_80 : vector<512x1xi1> to vector<512x64xi1>
    %broadcast_in_dim3A_82 = vector.broadcast %jit3A_79 : f32 to vector<512x64xf32>
    %select_n3A_83 = arith.select %broadcast_in_dim3A_81, %slice3A_78, %broadcast_in_dim3A_82 : vector<512x64xi1>, vector<512x64xf32>
    %add3A_84 = arith.addf %add3A_74, %select_n3A_83 : vector<512x64xf32>
    %eq3A_85 = arith.constant 3.000000e+00 : f32
    %eq3A_86 = vector.broadcast %eq3A_85 : f32 to vector<512x1xf32>
    %eq3A_87 = arith.cmpf oeq, %min3A_55, %eq3A_86 : vector<512x1xf32>
    %slice3A_88 = vector.extract_strided_slice %add3A_53 {offsets = [0, 192], sizes = [512, 64], strides = [1, 1]} : vector<512x704xf32> to vector<512x64xf32>
    %jit3A_89 = arith.constant 0.000000e+00 : f32
    %broadcast_in_dim3A_90 = vector.shape_cast %eq3A_87 : vector<512x1xi1> to vector<512x1xi1>
    %broadcast_in_dim3A_91 = vector.broadcast %broadcast_in_dim3A_90 : vector<512x1xi1> to vector<512x64xi1>
    %broadcast_in_dim3A_92 = vector.broadcast %jit3A_89 : f32 to vector<512x64xf32>
    %select_n3A_93 = arith.select %broadcast_in_dim3A_91, %slice3A_88, %broadcast_in_dim3A_92 : vector<512x64xi1>, vector<512x64xf32>
    %add3A_94 = arith.addf %add3A_84, %select_n3A_93 : vector<512x64xf32>
    %eq3A_95 = arith.constant 4.000000e+00 : f32
    %eq3A_96 = vector.broadcast %eq3A_95 : f32 to vector<512x1xf32>
    %eq3A_97 = arith.cmpf oeq, %min3A_55, %eq3A_96 : vector<512x1xf32>
    %slice3A_98 = vector.extract_strided_slice %add3A_53 {offsets = [0, 256], sizes = [512, 64], strides = [1, 1]} : vector<512x704xf32> to vector<512x64xf32>
    %jit3A_99 = arith.constant 0.000000e+00 : f32
    %broadcast_in_dim3A_100 = vector.shape_cast %eq3A_97 : vector<512x1xi1> to vector<512x1xi1>
    %broadcast_in_dim3A_101 = vector.broadcast %broadcast_in_dim3A_100 : vector<512x1xi1> to vector<512x64xi1>
    %broadcast_in_dim3A_102 = vector.broadcast %jit3A_99 : f32 to vector<512x64xf32>
    %select_n3A_103 = arith.select %broadcast_in_dim3A_101, %slice3A_98, %broadcast_in_dim3A_102 : vector<512x64xi1>, vector<512x64xf32>
    %add3A_104 = arith.addf %add3A_94, %select_n3A_103 : vector<512x64xf32>
    %eq3A_105 = arith.constant 5.000000e+00 : f32
    %eq3A_106 = vector.broadcast %eq3A_105 : f32 to vector<512x1xf32>
    %eq3A_107 = arith.cmpf oeq, %min3A_55, %eq3A_106 : vector<512x1xf32>
    %slice3A_108 = vector.extract_strided_slice %add3A_53 {offsets = [0, 320], sizes = [512, 64], strides = [1, 1]} : vector<512x704xf32> to vector<512x64xf32>
    %jit3A_109 = arith.constant 0.000000e+00 : f32
    %broadcast_in_dim3A_110 = vector.shape_cast %eq3A_107 : vector<512x1xi1> to vector<512x1xi1>
    %broadcast_in_dim3A_111 = vector.broadcast %broadcast_in_dim3A_110 : vector<512x1xi1> to vector<512x64xi1>
    %broadcast_in_dim3A_112 = vector.broadcast %jit3A_109 : f32 to vector<512x64xf32>
    %select_n3A_113 = arith.select %broadcast_in_dim3A_111, %slice3A_108, %broadcast_in_dim3A_112 : vector<512x64xi1>, vector<512x64xf32>
    %add3A_114 = arith.addf %add3A_104, %select_n3A_113 : vector<512x64xf32>
    %eq3A_115 = arith.constant 6.000000e+00 : f32
    %eq3A_116 = vector.broadcast %eq3A_115 : f32 to vector<512x1xf32>
    %eq3A_117 = arith.cmpf oeq, %min3A_55, %eq3A_116 : vector<512x1xf32>
    %slice3A_118 = vector.extract_strided_slice %add3A_53 {offsets = [0, 384], sizes = [512, 64], strides = [1, 1]} : vector<512x704xf32> to vector<512x64xf32>
    %jit3A_119 = arith.constant 0.000000e+00 : f32
    %broadcast_in_dim3A_120 = vector.shape_cast %eq3A_117 : vector<512x1xi1> to vector<512x1xi1>
    %broadcast_in_dim3A_121 = vector.broadcast %broadcast_in_dim3A_120 : vector<512x1xi1> to vector<512x64xi1>
    %broadcast_in_dim3A_122 = vector.broadcast %jit3A_119 : f32 to vector<512x64xf32>
    %select_n3A_123 = arith.select %broadcast_in_dim3A_121, %slice3A_118, %broadcast_in_dim3A_122 : vector<512x64xi1>, vector<512x64xf32>
    %add3A_124 = arith.addf %add3A_114, %select_n3A_123 : vector<512x64xf32>
    %eq3A_125 = arith.constant 7.000000e+00 : f32
    %eq3A_126 = vector.broadcast %eq3A_125 : f32 to vector<512x1xf32>
    %eq3A_127 = arith.cmpf oeq, %min3A_55, %eq3A_126 : vector<512x1xf32>
    %slice3A_128 = vector.extract_strided_slice %add3A_53 {offsets = [0, 448], sizes = [512, 64], strides = [1, 1]} : vector<512x704xf32> to vector<512x64xf32>
    %jit3A_129 = arith.constant 0.000000e+00 : f32
    %broadcast_in_dim3A_130 = vector.shape_cast %eq3A_127 : vector<512x1xi1> to vector<512x1xi1>
    %broadcast_in_dim3A_131 = vector.broadcast %broadcast_in_dim3A_130 : vector<512x1xi1> to vector<512x64xi1>
    %broadcast_in_dim3A_132 = vector.broadcast %jit3A_129 : f32 to vector<512x64xf32>
    %select_n3A_133 = arith.select %broadcast_in_dim3A_131, %slice3A_128, %broadcast_in_dim3A_132 : vector<512x64xi1>, vector<512x64xf32>
    %add3A_134 = arith.addf %add3A_124, %select_n3A_133 : vector<512x64xf32>
    %eq3A_135 = arith.constant 8.000000e+00 : f32
    %eq3A_136 = vector.broadcast %eq3A_135 : f32 to vector<512x1xf32>
    %eq3A_137 = arith.cmpf oeq, %min3A_55, %eq3A_136 : vector<512x1xf32>
    %slice3A_138 = vector.extract_strided_slice %add3A_53 {offsets = [0, 512], sizes = [512, 64], strides = [1, 1]} : vector<512x704xf32> to vector<512x64xf32>
    %jit3A_139 = arith.constant 0.000000e+00 : f32
    %broadcast_in_dim3A_140 = vector.shape_cast %eq3A_137 : vector<512x1xi1> to vector<512x1xi1>
    %broadcast_in_dim3A_141 = vector.broadcast %broadcast_in_dim3A_140 : vector<512x1xi1> to vector<512x64xi1>
    %broadcast_in_dim3A_142 = vector.broadcast %jit3A_139 : f32 to vector<512x64xf32>
    %select_n3A_143 = arith.select %broadcast_in_dim3A_141, %slice3A_138, %broadcast_in_dim3A_142 : vector<512x64xi1>, vector<512x64xf32>
    %add3A_144 = arith.addf %add3A_134, %select_n3A_143 : vector<512x64xf32>
    %eq3A_145 = arith.constant 9.000000e+00 : f32
    %eq3A_146 = vector.broadcast %eq3A_145 : f32 to vector<512x1xf32>
    %eq3A_147 = arith.cmpf oeq, %min3A_55, %eq3A_146 : vector<512x1xf32>
    %slice3A_148 = vector.extract_strided_slice %add3A_53 {offsets = [0, 576], sizes = [512, 64], strides = [1, 1]} : vector<512x704xf32> to vector<512x64xf32>
    %jit3A_149 = arith.constant 0.000000e+00 : f32
    %broadcast_in_dim3A_150 = vector.shape_cast %eq3A_147 : vector<512x1xi1> to vector<512x1xi1>
    %broadcast_in_dim3A_151 = vector.broadcast %broadcast_in_dim3A_150 : vector<512x1xi1> to vector<512x64xi1>
    %broadcast_in_dim3A_152 = vector.broadcast %jit3A_149 : f32 to vector<512x64xf32>
    %select_n3A_153 = arith.select %broadcast_in_dim3A_151, %slice3A_148, %broadcast_in_dim3A_152 : vector<512x64xi1>, vector<512x64xf32>
    %add3A_154 = arith.addf %add3A_144, %select_n3A_153 : vector<512x64xf32>
    %eq3A_155 = arith.constant 1.000000e+01 : f32
    %eq3A_156 = vector.broadcast %eq3A_155 : f32 to vector<512x1xf32>
    %eq3A_157 = arith.cmpf oeq, %min3A_55, %eq3A_156 : vector<512x1xf32>
    %slice3A_158 = vector.extract_strided_slice %add3A_53 {offsets = [0, 640], sizes = [512, 64], strides = [1, 1]} : vector<512x704xf32> to vector<512x64xf32>
    %jit3A_159 = arith.constant 0.000000e+00 : f32
    %broadcast_in_dim3A_160 = vector.shape_cast %eq3A_157 : vector<512x1xi1> to vector<512x1xi1>
    %broadcast_in_dim3A_161 = vector.broadcast %broadcast_in_dim3A_160 : vector<512x1xi1> to vector<512x64xi1>
    %broadcast_in_dim3A_162 = vector.broadcast %jit3A_159 : f32 to vector<512x64xf32>
    %select_n3A_163 = arith.select %broadcast_in_dim3A_161, %slice3A_158, %broadcast_in_dim3A_162 : vector<512x64xi1>, vector<512x64xf32>
    %add3A_164 = arith.addf %add3A_154, %select_n3A_163 : vector<512x64xf32>
    %max3A = arith.constant 0.000000e+00 : f32
    %max3A_165 = vector.broadcast %max3A : f32 to vector<512x64xf32>
    %max3A_166 = arith.maximumf %add3A_164, %max3A_165 : vector<512x64xf32>
    %mul3A_167 = arith.constant 512 : i32
    %mul3A_168 = arith.muli %arg0, %mul3A_167 : i32
    %iota3A = tpu.iota {dimensions = array<i32: 0>} : vector<512x1xi32>
    %add3A_169 = vector.broadcast %mul3A_168 : i32 to vector<512x1xi32>
    %add3A_170 = arith.addi %add3A_169, %iota3A : vector<512x1xi32>
    %lt3A = arith.constant 10000 : i32
    %lt3A_171 = vector.broadcast %lt3A : i32 to vector<512x1xi32>
    %lt3A_172 = arith.cmpi slt, %add3A_170, %lt3A_171 : vector<512x1xi32>
    %jit3A_173 = arith.constant 0.000000e+00 : f32
    %broadcast_in_dim3A_174 = vector.shape_cast %lt3A_172 : vector<512x1xi1> to vector<512x1xi1>
    %broadcast_in_dim3A_175 = vector.broadcast %broadcast_in_dim3A_174 : vector<512x1xi1> to vector<512x64xi1>
    %broadcast_in_dim3A_176 = vector.broadcast %jit3A_173 : f32 to vector<512x64xf32>
    %select_n3A_177 = arith.select %broadcast_in_dim3A_175, %max3A_166, %broadcast_in_dim3A_176 : vector<512x64xi1>, vector<512x64xf32>
    %swap3A = arith.constant 0 : index
    %swap3A_178 = arith.constant 0 : index
    %swap3A_179 = vector.load %arg10[%swap3A, %swap3A_178] : memref<512x64xf32, #tpu.memory_space<vmem>>, vector<512x64xf32>
    tpu.vector_store %arg10[%swap3A, %swap3A_178], %max3A_166 {strides = array<i32>} : memref<512x64xf32, #tpu.memory_space<vmem>>, vector<512x64xf32>,
    %eq3A_180 = arith.constant 0 : i32
    %eq3A_181 = arith.cmpi eq, %arg0, %eq3A_180 : i32
    %convert_element_type3A_182 = arith.extui %eq3A_181 : i1 to i32
    %cond3A = arith.constant 0 : i32
    %cond3A_183 = arith.cmpi ne, %convert_element_type3A_182, %cond3A : i32
    scf.if %cond3A_183 {
      %broadcast_in_dim3A_202 = arith.constant 0.000000e+00 : f32
      %broadcast_in_dim3A_203 = vector.broadcast %broadcast_in_dim3A_202 : f32 to vector<2x64xf32>
      %swap3A_204 = arith.constant 0 : index
      %swap3A_205 = arith.constant 0 : index
      %swap3A_206 = vector.load %arg11[%swap3A_204, %swap3A_205] : memref<2x64xf32, #tpu.memory_space<vmem>>, vector<2x64xf32>
      tpu.vector_store %arg11[%swap3A_204, %swap3A_205], %broadcast_in_dim3A_203 {strides = array<i32>} : memref<2x64xf32, #tpu.memory_space<vmem>>, vector<2x64xf32>,
    } else {
    }
    %get3A_184 = arith.constant 0 : index
    %get3A_185 = arith.constant 0 : index
    %get3A_186 = vector.load %arg11[%get3A_184, %get3A_185] : memref<2x64xf32, #tpu.memory_space<vmem>>, vector<2x64xf32>
    %reduce_sum3A = arith.constant dense<0.000000e+00> : vector<64xf32>
    %reduce_sum3A_187 = vector.multi_reduction <add>, %select_n3A_177, %reduce_sum3A [0] : vector<512x64xf32> to vector<64xf32>
    %broadcast_in_dim3A_188 = vector.shape_cast %reduce_sum3A_187 : vector<64xf32> to vector<1x64xf32>
    %mul3A_189 = arith.mulf %max3A_166, %max3A_166 : vector<512x64xf32>
    %jit3A_190 = arith.constant 0.000000e+00 : f32
    %broadcast_in_dim3A_191 = vector.shape_cast %lt3A_172 : vector<512x1xi1> to vector<512x1xi1>
    %broadcast_in_dim3A_192 = vector.broadcast %broadcast_in_dim3A_191 : vector<512x1xi1> to vector<512x64xi1>
    %broadcast_in_dim3A_193 = vector.broadcast %jit3A_190 : f32 to vector<512x64xf32>
    %select_n3A_194 = arith.select %broadcast_in_dim3A_192, %mul3A_189, %broadcast_in_dim3A_193 : vector<512x64xi1>, vector<512x64xf32>
    %reduce_sum3A_195 = arith.constant dense<0.000000e+00> : vector<64xf32>
    %reduce_sum3A_196 = vector.multi_reduction <add>, %select_n3A_194, %reduce_sum3A_195 [0] : vector<512x64xf32> to vector<64xf32>
    %broadcast_in_dim3A_197 = vector.shape_cast %reduce_sum3A_196 : vector<64xf32> to vector<1x64xf32>
    %concatenate3A = tpu.concatenate %broadcast_in_dim3A_188, %broadcast_in_dim3A_197 in 0 : vector<1x64xf32>, vector<1x64xf32> -> vector<2x64xf32>
    %add3A_198 = arith.addf %get3A_186, %concatenate3A : vector<2x64xf32>
    %swap3A_199 = arith.constant 0 : index
    %swap3A_200 = arith.constant 0 : index
    %swap3A_201 = vector.load %arg11[%swap3A_199, %swap3A_200] : memref<2x64xf32, #tpu.memory_space<vmem>>, vector<2x64xf32>
    tpu.vector_store %arg11[%swap3A_199, %swap3A_200], %add3A_198 {strides = array<i32>} : memref<2x64xf32, #tpu.memory_space<vmem>>, vector<2x64xf32>,
    return
  }
  func.func @transform_0(%arg0: i32) -> (i32, i32) {
    %c0_i32 = arith.constant 0 : i32
    %c0_i32_0 = arith.constant 0 : i32
    return %arg0, %c0_i32 : i32, i32
  }
  func.func @transform_1(%arg0: i32) -> (i32, i32) {
    %c0_i32 = arith.constant 0 : i32
    %c0_i32_0 = arith.constant 0 : i32
    return %arg0, %c0_i32 : i32, i32
  }
  func.func @transform_2(%arg0: i32) -> (i32, i32) {
    %c0_i32 = arith.constant 0 : i32
    %c0_i32_0 = arith.constant 0 : i32
    return %arg0, %c0_i32 : i32, i32
  }
  func.func @transform_3(%arg0: i32) -> (i32, i32) {
    %c0_i32 = arith.constant 0 : i32
    %c0_i32_0 = arith.constant 0 : i32
    return %c0_i32, %arg0 : i32, i32
  }
  func.func @transform_4(%arg0: i32) -> (i32, i32) {
    %c0_i32 = arith.constant 0 : i32
    %c0_i32_0 = arith.constant 0 : i32
    %c0_i32_1 = arith.constant 0 : i32
    return %c0_i32, %c0_i32_0 : i32, i32
  }
  func.func @transform_5(%arg0: i32) -> (i32, i32) {
    %c0_i32 = arith.constant 0 : i32
    %c0_i32_0 = arith.constant 0 : i32
    %c0_i32_1 = arith.constant 0 : i32
    return %c0_i32, %c0_i32_0 : i32, i32
  }
  func.func @transform_6(%arg0: i32) -> (i32, i32) {
    %c0_i32 = arith.constant 0 : i32
    %c0_i32_0 = arith.constant 0 : i32
    %c0_i32_1 = arith.constant 0 : i32
    return %c0_i32, %c0_i32_0 : i32, i32
  }
  func.func @transform_7(%arg0: i32) -> (i32, i32) {
    %c0_i32 = arith.constant 0 : i32
    %c0_i32_0 = arith.constant 0 : i32
    %c0_i32_1 = arith.constant 0 : i32
    return %c0_i32, %c0_i32_0 : i32, i32
  }
  func.func @transform_8(%arg0: i32) -> (i32, i32) {
    %c0_i32 = arith.constant 0 : i32
    %c0_i32_0 = arith.constant 0 : i32
    %c0_i32_1 = arith.constant 0 : i32
    return %c0_i32, %c0_i32_0 : i32, i32
  }
  func.func @transform_9(%arg0: i32) -> (i32, i32) {
    %c0_i32 = arith.constant 0 : i32
    %c0_i32_0 = arith.constant 0 : i32
    return %arg0, %c0_i32 : i32, i32
  }
  func.func @transform_10(%arg0: i32) -> (i32, i32) {
    %c0_i32 = arith.constant 0 : i32
    %c0_i32_0 = arith.constant 0 : i32
    %c0_i32_1 = arith.constant 0 : i32
    return %c0_i32, %c0_i32_0 : i32, i32
  }
}

module attributes {stable_mosaic.version = 14 : i64} {
  func.func @_k3_body(%arg0: i32, %arg1: memref<512x64xf32, #tpu.memory_space<vmem>>, %arg2: memref<512x1xf32, #tpu.memory_space<vmem>>, %arg3: memref<2x64xf32, #tpu.memory_space<vmem>>, %arg4: memref<1x64xf32, #tpu.memory_space<vmem>>, %arg5: memref<1x64xf32, #tpu.memory_space<vmem>>, %arg6: memref<64x128xf32, #tpu.memory_space<vmem>>, %arg7: memref<1x128xf32, #tpu.memory_space<vmem>>, %arg8: memref<64x128xf32, #tpu.memory_space<vmem>>, %arg9: memref<64x1xf32, #tpu.memory_space<vmem>>, %arg10: memref<64x128xf32, #tpu.memory_space<vmem>>, %arg11: memref<64x128xf32, #tpu.memory_space<vmem>>, %arg12: memref<2x128xf32, #tpu.memory_space<vmem>>) attributes {dimension_semantics = [#tpu.dimension_semantics<arbitrary>], iteration_bounds = array<i64: 20>, scalar_prefetch = 0 : i64, scratch_operands = 0 : i64, tpu.core_type = #tpu.core_type<tc>, window_params = [{transform_indices = @transform_0, window_bounds = array<i64: 512, 64>}, {transform_indices = @transform_1, window_bounds = array<i64: 512, 1>}, {pipeline_mode = #tpu.pipeline_mode<synchronous>, transform_indices = @transform_2, window_bounds = array<i64: 2, 64>}, {pipeline_mode = #tpu.pipeline_mode<synchronous>, transform_indices = @transform_3, window_bounds = array<i64: 1, 64>}, {pipeline_mode = #tpu.pipeline_mode<synchronous>, transform_indices = @transform_4, window_bounds = array<i64: 1, 64>}, {pipeline_mode = #tpu.pipeline_mode<synchronous>, transform_indices = @transform_5, window_bounds = array<i64: 64, 128>}, {pipeline_mode = #tpu.pipeline_mode<synchronous>, transform_indices = @transform_6, window_bounds = array<i64: 1, 128>}, {pipeline_mode = #tpu.pipeline_mode<synchronous>, transform_indices = @transform_7, window_bounds = array<i64: 64, 128>}, {pipeline_mode = #tpu.pipeline_mode<synchronous>, transform_indices = @transform_8, window_bounds = array<i64: 64, 1>}, {pipeline_mode = #tpu.pipeline_mode<synchronous>, transform_indices = @transform_9, window_bounds = array<i64: 64, 128>}, {pipeline_mode = #tpu.pipeline_mode<synchronous>, transform_indices = @transform_10, window_bounds = array<i64: 64, 128>}, {pipeline_mode = #tpu.pipeline_mode<synchronous>, transform_indices = @transform_11, window_bounds = array<i64: 2, 128>}]} {
    %get3A = arith.constant 0 : index
    %get3A_0 = arith.constant 0 : index
    %get3A_1 = vector.load %arg3[%get3A, %get3A_0] : memref<2x64xf32, #tpu.memory_space<vmem>>, vector<2x64xf32>
    %get3A_2 = arith.constant 0 : index
    %get3A_3 = arith.constant 0 : index
    %get3A_4 = vector.load %arg4[%get3A_2, %get3A_3] : memref<1x64xf32, #tpu.memory_space<vmem>>, vector<1x64xf32>
    %get3A_5 = arith.constant 0 : index
    %get3A_6 = arith.constant 0 : index
    %get3A_7 = vector.load %arg5[%get3A_5, %get3A_6] : memref<1x64xf32, #tpu.memory_space<vmem>>, vector<1x64xf32>
    %slice3A = vector.extract_strided_slice %get3A_1 {offsets = [0, 0], sizes = [1, 64], strides = [1, 1]} : vector<2x64xf32> to vector<1x64xf32>
    %div3A = arith.constant 1.000000e+04 : f32
    %div3A_8 = vector.broadcast %div3A : f32 to vector<1x64xf32>
    %div3A_9 = arith.divf %slice3A, %div3A_8 : vector<1x64xf32>
    %slice3A_10 = vector.extract_strided_slice %get3A_1 {offsets = [1, 0], sizes = [1, 64], strides = [1, 1]} : vector<2x64xf32> to vector<1x64xf32>
    %div3A_11 = arith.constant 1.000000e+04 : f32
    %div3A_12 = vector.broadcast %div3A_11 : f32 to vector<1x64xf32>
    %div3A_13 = arith.divf %slice3A_10, %div3A_12 : vector<1x64xf32>
    %mul3A = arith.mulf %div3A_9, %div3A_9 : vector<1x64xf32>
    %sub3A = arith.subf %div3A_13, %mul3A : vector<1x64xf32>
    %add3A = arith.constant 9.99999974E-6 : f32
    %add3A_14 = vector.broadcast %add3A : f32 to vector<1x64xf32>
    %add3A_15 = arith.addf %sub3A, %add3A_14 : vector<1x64xf32>
    %rsqrt3A = math.rsqrt %add3A_15 : vector<1x64xf32>
    %mul3A_16 = arith.mulf %get3A_4, %rsqrt3A : vector<1x64xf32>
    %mul3A_17 = arith.mulf %div3A_9, %mul3A_16 : vector<1x64xf32>
    %sub3A_18 = arith.subf %get3A_7, %mul3A_17 : vector<1x64xf32>
    %get3A_19 = arith.constant 0 : index
    %get3A_20 = arith.constant 0 : index
    %get3A_21 = vector.load %arg1[%get3A_19, %get3A_20] : memref<512x64xf32, #tpu.memory_space<vmem>>, vector<512x64xf32>
    %mul3A_22 = vector.broadcast %mul3A_16 : vector<1x64xf32> to vector<512x64xf32>
    %mul3A_23 = arith.mulf %mul3A_22, %get3A_21 : vector<512x64xf32>
    %add3A_24 = vector.broadcast %sub3A_18 : vector<1x64xf32> to vector<512x64xf32>
    %add3A_25 = arith.addf %mul3A_23, %add3A_24 : vector<512x64xf32>
    %get3A_26 = arith.constant 0 : index
    %get3A_27 = arith.constant 0 : index
    %get3A_28 = vector.load %arg6[%get3A_26, %get3A_27] : memref<64x128xf32, #tpu.memory_space<vmem>>, vector<64x128xf32>
    %dot_general3A = arith.constant dense<0.000000e+00> : vector<512x128xf32>
    %dot_general3A_29 = tpu.matmul %add3A_25, %get3A_28, %dot_general3A {dimension_numbers = #tpu.dot_dimension_numbers<[1], [0], [0], [1], [0, 0, 1, 1], [], []>, transpose_lhs_hint = false} : vector<512x64xf32>, vector<64x128xf32>, vector<512x128xf32> -> vector<512x128xf32>
    %get3A_30 = arith.constant 0 : index
    %get3A_31 = arith.constant 0 : index
    %get3A_32 = vector.load %arg7[%get3A_30, %get3A_31] : memref<1x128xf32, #tpu.memory_space<vmem>>, vector<1x128xf32>
    %add3A_33 = vector.broadcast %get3A_32 : vector<1x128xf32> to vector<512x128xf32>
    %add3A_34 = arith.addf %dot_general3A_29, %add3A_33 : vector<512x128xf32>
    %mul3A_35 = arith.constant 512 : i32
    %mul3A_36 = arith.muli %arg0, %mul3A_35 : i32
    %iota3A = tpu.iota {dimensions = array<i32: 0>} : vector<512x1xi32>
    %add3A_37 = vector.broadcast %mul3A_36 : i32 to vector<512x1xi32>
    %add3A_38 = arith.addi %add3A_37, %iota3A : vector<512x1xi32>
    %lt3A = arith.constant 10000 : i32
    %lt3A_39 = vector.broadcast %lt3A : i32 to vector<512x1xi32>
    %lt3A_40 = arith.cmpi slt, %add3A_38, %lt3A_39 : vector<512x1xi32>
    %jit3A = arith.constant 0.000000e+00 : f32
    %broadcast_in_dim3A = vector.shape_cast %lt3A_40 : vector<512x1xi1> to vector<512x1xi1>
    %broadcast_in_dim3A_41 = vector.broadcast %broadcast_in_dim3A : vector<512x1xi1> to vector<512x128xi1>
    %broadcast_in_dim3A_42 = vector.broadcast %jit3A : f32 to vector<512x128xf32>
    %select_n3A = arith.select %broadcast_in_dim3A_41, %add3A_34, %broadcast_in_dim3A_42 : vector<512x128xi1>, vector<512x128xf32>
    %eq3A = arith.constant 0 : i32
    %eq3A_43 = arith.cmpi eq, %arg0, %eq3A : i32
    %convert_element_type3A = arith.extui %eq3A_43 : i1 to i32
    %cond3A = arith.constant 0 : i32
    %cond3A_44 = arith.cmpi ne, %convert_element_type3A, %cond3A : i32
    scf.if %cond3A_44 {
      %broadcast_in_dim3A_127 = arith.constant 0.000000e+00 : f32
      %broadcast_in_dim3A_128 = vector.broadcast %broadcast_in_dim3A_127 : f32 to vector<64x128xf32>
      %swap3A_129 = arith.constant 0 : index
      %swap3A_130 = arith.constant 0 : index
      %swap3A_131 = vector.load %arg8[%swap3A_129, %swap3A_130] : memref<64x128xf32, #tpu.memory_space<vmem>>, vector<64x128xf32>
      tpu.vector_store %arg8[%swap3A_129, %swap3A_130], %broadcast_in_dim3A_128 {strides = array<i32>} : memref<64x128xf32, #tpu.memory_space<vmem>>, vector<64x128xf32>,
      %broadcast_in_dim3A_132 = arith.constant 0.000000e+00 : f32
      %broadcast_in_dim3A_133 = vector.broadcast %broadcast_in_dim3A_132 : f32 to vector<64x1xf32>
      %swap3A_134 = arith.constant 0 : index
      %swap3A_135 = arith.constant 0 : index
      %swap3A_136 = vector.load %arg9[%swap3A_134, %swap3A_135] : memref<64x1xf32, #tpu.memory_space<vmem>>, vector<64x1xf32>
      tpu.vector_store %arg9[%swap3A_134, %swap3A_135], %broadcast_in_dim3A_133 {strides = array<i32>} : memref<64x1xf32, #tpu.memory_space<vmem>>, vector<64x1xf32>,
      %broadcast_in_dim3A_137 = arith.constant 0xFF800000 : f32
      %broadcast_in_dim3A_138 = vector.broadcast %broadcast_in_dim3A_137 : f32 to vector<64x128xf32>
      %swap3A_139 = arith.constant 0 : index
      %swap3A_140 = arith.constant 0 : index
      %swap3A_141 = vector.load %arg10[%swap3A_139, %swap3A_140] : memref<64x128xf32, #tpu.memory_space<vmem>>, vector<64x128xf32>
      tpu.vector_store %arg10[%swap3A_139, %swap3A_140], %broadcast_in_dim3A_138 {strides = array<i32>} : memref<64x128xf32, #tpu.memory_space<vmem>>, vector<64x128xf32>,
      %broadcast_in_dim3A_142 = arith.constant 0x7F800000 : f32
      %broadcast_in_dim3A_143 = vector.broadcast %broadcast_in_dim3A_142 : f32 to vector<64x128xf32>
      %swap3A_144 = arith.constant 0 : index
      %swap3A_145 = arith.constant 0 : index
      %swap3A_146 = vector.load %arg11[%swap3A_144, %swap3A_145] : memref<64x128xf32, #tpu.memory_space<vmem>>, vector<64x128xf32>
      tpu.vector_store %arg11[%swap3A_144, %swap3A_145], %broadcast_in_dim3A_143 {strides = array<i32>} : memref<64x128xf32, #tpu.memory_space<vmem>>, vector<64x128xf32>,
      %broadcast_in_dim3A_147 = arith.constant 0.000000e+00 : f32
      %broadcast_in_dim3A_148 = vector.broadcast %broadcast_in_dim3A_147 : f32 to vector<2x128xf32>
      %swap3A_149 = arith.constant 0 : index
      %swap3A_150 = arith.constant 0 : index
      %swap3A_151 = vector.load %arg12[%swap3A_149, %swap3A_150] : memref<2x128xf32, #tpu.memory_space<vmem>>, vector<2x128xf32>
      tpu.vector_store %arg12[%swap3A_149, %swap3A_150], %broadcast_in_dim3A_148 {strides = array<i32>} : memref<2x128xf32, #tpu.memory_space<vmem>>, vector<2x128xf32>,
    } else {
    }
    %get3A_45 = arith.constant 0 : index
    %get3A_46 = arith.constant 0 : index
    %get3A_47 = vector.load %arg12[%get3A_45, %get3A_46] : memref<2x128xf32, #tpu.memory_space<vmem>>, vector<2x128xf32>
    %reduce_sum3A = arith.constant dense<0.000000e+00> : vector<128xf32>
    %reduce_sum3A_48 = vector.multi_reduction <add>, %select_n3A, %reduce_sum3A [0] : vector<512x128xf32> to vector<128xf32>
    %broadcast_in_dim3A_49 = vector.shape_cast %reduce_sum3A_48 : vector<128xf32> to vector<1x128xf32>
    %mul3A_50 = arith.mulf %select_n3A, %select_n3A : vector<512x128xf32>
    %jit3A_51 = arith.constant 0.000000e+00 : f32
    %broadcast_in_dim3A_52 = vector.shape_cast %lt3A_40 : vector<512x1xi1> to vector<512x1xi1>
    %broadcast_in_dim3A_53 = vector.broadcast %broadcast_in_dim3A_52 : vector<512x1xi1> to vector<512x128xi1>
    %broadcast_in_dim3A_54 = vector.broadcast %jit3A_51 : f32 to vector<512x128xf32>
    %select_n3A_55 = arith.select %broadcast_in_dim3A_53, %mul3A_50, %broadcast_in_dim3A_54 : vector<512x128xi1>, vector<512x128xf32>
    %reduce_sum3A_56 = arith.constant dense<0.000000e+00> : vector<128xf32>
    %reduce_sum3A_57 = vector.multi_reduction <add>, %select_n3A_55, %reduce_sum3A_56 [0] : vector<512x128xf32> to vector<128xf32>
    %broadcast_in_dim3A_58 = vector.shape_cast %reduce_sum3A_57 : vector<128xf32> to vector<1x128xf32>
    %concatenate3A = tpu.concatenate %broadcast_in_dim3A_49, %broadcast_in_dim3A_58 in 0 : vector<1x128xf32>, vector<1x128xf32> -> vector<2x128xf32>
    %add3A_59 = arith.addf %get3A_47, %concatenate3A : vector<2x128xf32>
    %swap3A = arith.constant 0 : index
    %swap3A_60 = arith.constant 0 : index
    %swap3A_61 = vector.load %arg12[%swap3A, %swap3A_60] : memref<2x128xf32, #tpu.memory_space<vmem>>, vector<2x128xf32>
    tpu.vector_store %arg12[%swap3A, %swap3A_60], %add3A_59 {strides = array<i32>} : memref<2x128xf32, #tpu.memory_space<vmem>>, vector<2x128xf32>,
    %get3A_62 = arith.constant 0 : index
    %get3A_63 = arith.constant 0 : index
    %get3A_64 = vector.load %arg2[%get3A_62, %get3A_63] : memref<512x1xf32, #tpu.memory_space<vmem>>, vector<512x1xf32>
    %iota3A_65 = tpu.iota {dimensions = array<i32: 1>} : vector<1x64xi32>
    %convert_element_type3A_66 = arith.sitofp %iota3A_65 : vector<1x64xi32> to vector<1x64xf32>
    %eq3A_67 = vector.broadcast %get3A_64 : vector<512x1xf32> to vector<512x64xf32>
    %eq3A_68 = vector.broadcast %convert_element_type3A_66 : vector<1x64xf32> to vector<512x64xf32>
    %eq3A_69 = arith.cmpf oeq, %eq3A_67, %eq3A_68 : vector<512x64xf32>
    %and3A = vector.broadcast %lt3A_40 : vector<512x1xi1> to vector<512x64xi1>
    %and3A_70 = arith.andi %eq3A_69, %and3A : vector<512x64xi1>
    %jit3A_71 = arith.constant 1.000000e+00 : f32
    %jit3A_72 = arith.constant 0.000000e+00 : f32
    %broadcast_in_dim3A_73 = vector.broadcast %jit3A_71 : f32 to vector<512x64xf32>
    %broadcast_in_dim3A_74 = vector.broadcast %jit3A_72 : f32 to vector<512x64xf32>
    %select_n3A_75 = arith.select %and3A_70, %broadcast_in_dim3A_73, %broadcast_in_dim3A_74 : vector<512x64xi1>, vector<512x64xf32>
    %get3A_76 = arith.constant 0 : index
    %get3A_77 = arith.constant 0 : index
    %get3A_78 = vector.load %arg8[%get3A_76, %get3A_77] : memref<64x128xf32, #tpu.memory_space<vmem>>, vector<64x128xf32>
    %dot_general3A_79 = arith.constant dense<0.000000e+00> : vector<64x128xf32>
    %dot_general3A_80 = tpu.matmul %select_n3A_75, %select_n3A, %dot_general3A_79 {dimension_numbers = #tpu.dot_dimension_numbers<[0], [0], [1], [1], [0, 1, 1, 1], [], []>, transpose_lhs_hint = false} : vector<512x64xf32>, vector<512x128xf32>, vector<64x128xf32> -> vector<64x128xf32>
    %add3A_81 = arith.addf %get3A_78, %dot_general3A_80 : vector<64x128xf32>
    %swap3A_82 = arith.constant 0 : index
    %swap3A_83 = arith.constant 0 : index
    %swap3A_84 = vector.load %arg8[%swap3A_82, %swap3A_83] : memref<64x128xf32, #tpu.memory_space<vmem>>, vector<64x128xf32>
    tpu.vector_store %arg8[%swap3A_82, %swap3A_83], %add3A_81 {strides = array<i32>} : memref<64x128xf32, #tpu.memory_space<vmem>>, vector<64x128xf32>,
    %get3A_85 = arith.constant 0 : index
    %get3A_86 = arith.constant 0 : index
    %get3A_87 = vector.load %arg9[%get3A_85, %get3A_86] : memref<64x1xf32, #tpu.memory_space<vmem>>, vector<64x1xf32>
    %jit3A_88 = arith.constant 1.000000e+00 : f32
    %jit3A_89 = arith.constant 0.000000e+00 : f32
    %broadcast_in_dim3A_90 = vector.broadcast %jit3A_88 : f32 to vector<512x1xf32>
    %broadcast_in_dim3A_91 = vector.broadcast %jit3A_89 : f32 to vector<512x1xf32>
    %select_n3A_92 = arith.select %lt3A_40, %broadcast_in_dim3A_90, %broadcast_in_dim3A_91 : vector<512x1xi1>, vector<512x1xf32>
    %dot_general3A_93 = arith.constant dense<0.000000e+00> : vector<64x1xf32>
    %dot_general3A_94 = tpu.matmul %select_n3A_75, %select_n3A_92, %dot_general3A_93 {dimension_numbers = #tpu.dot_dimension_numbers<[0], [0], [1], [1], [0, 1, 1, 1], [], []>, transpose_lhs_hint = false} : vector<512x64xf32>, vector<512x1xf32>, vector<64x1xf32> -> vector<64x1xf32>
    %add3A_95 = arith.addf %get3A_87, %dot_general3A_94 : vector<64x1xf32>
    %swap3A_96 = arith.constant 0 : index
    %swap3A_97 = arith.constant 0 : index
    %swap3A_98 = vector.load %arg9[%swap3A_96, %swap3A_97] : memref<64x1xf32, #tpu.memory_space<vmem>>, vector<64x1xf32>
    tpu.vector_store %arg9[%swap3A_96, %swap3A_97], %add3A_95 {strides = array<i32>} : memref<64x1xf32, #tpu.memory_space<vmem>>, vector<64x1xf32>,
    %jit3A_99 = arith.constant 6.400000e+01 : f32
    %broadcast_in_dim3A_100 = vector.broadcast %jit3A_99 : f32 to vector<512x1xf32>
    %select_n3A_101 = arith.select %lt3A_40, %get3A_64, %broadcast_in_dim3A_100 : vector<512x1xi1>, vector<512x1xf32>
    %reduce_min3A = vector.shape_cast %select_n3A_101 : vector<512x1xf32> to vector<1x512x1xf32>
    %reduce_min3A_102 = arith.constant dense<0x7F800000> : vector<1xf32>
    %reduce_min3A_103 = vector.multi_reduction <minimumf>, %reduce_min3A, %reduce_min3A_102 [1, 2] : vector<1x512x1xf32> to vector<1xf32>
    %reduce_min3A_104 = vector.shape_cast %reduce_min3A_103 : vector<1xf32> to vector<1x1x1xf32>
    %reduce_min3A_105 = vector.extract %reduce_min3A_104[0, 0, 0] : f32 from vector<1x1x1xf32>
    %convert_element_type3A_106 = arith.fptosi %reduce_min3A_105 : f32 to i32
    %jit3A_107 = arith.constant -1.000000e+00 : f32
    %broadcast_in_dim3A_108 = vector.broadcast %jit3A_107 : f32 to vector<512x1xf32>
    %select_n3A_109 = arith.select %lt3A_40, %get3A_64, %broadcast_in_dim3A_108 : vector<512x1xi1>, vector<512x1xf32>
    %reduce_max3A = vector.shape_cast %select_n3A_109 : vector<512x1xf32> to vector<1x512x1xf32>
    %reduce_max3A_110 = arith.constant dense<0xFF800000> : vector<1xf32>
    %reduce_max3A_111 = vector.multi_reduction <maximumf>, %reduce_max3A, %reduce_max3A_110 [1, 2] : vector<1x512x1xf32> to vector<1xf32>
    %reduce_max3A_112 = vector.shape_cast %reduce_max3A_111 : vector<1xf32> to vector<1x1x1xf32>
    %reduce_max3A_113 = vector.extract %reduce_max3A_112[0, 0, 0] : f32 from vector<1x1x1xf32>
    %convert_element_type3A_114 = arith.fptosi %reduce_max3A_113 : f32 to i32
    %add3A_115 = arith.constant 1 : i32
    %add3A_116 = arith.addi %convert_element_type3A_114, %add3A_115 : i32
    %while3A = arith.constant 0 : i32
    %while3A_117 = arith.subi %add3A_116, %convert_element_type3A_106 : i32
    %while3A_118 = arith.addi %convert_element_type3A_106, %while3A_117 : i32
    %while3A_119 = arith.constant 1 : i32
    %while3A_120 = arith.divsi %while3A_117, %while3A_119 : i32
    %while3A_121 = arith.muli %while3A_120, %while3A_119 : i32
    %while3A_122 = arith.addi %convert_element_type3A_106, %while3A_121 : i32
    %while3A_123 = arith.constant 1 : i32
    %while3A_124 = scf.for %while3A_127 = %convert_element_type3A_106 to %while3A_122 step %while3A_123 iter_args(%while3A_128 = %while3A) -> (i32)  : i32 {
      %convert_element_type3A_129 = arith.sitofp %while3A_127 : i32 to f32
      %eq3A_130 = vector.broadcast %convert_element_type3A_129 : f32 to vector<512x1xf32>
      %eq3A_131 = arith.cmpf oeq, %get3A_64, %eq3A_130 : vector<512x1xf32>
      %and3A_132 = arith.andi %eq3A_131, %lt3A_40 : vector<512x1xi1>
      %iota3A_133 = tpu.iota {dimensions = array<i32: 0>} : vector<64x1xi32>
      %eq3A_134 = vector.broadcast %while3A_127 : i32 to vector<64x1xi32>
      %eq3A_135 = arith.cmpi eq, %iota3A_133, %eq3A_134 : vector<64x1xi32>
      %jit3A_136 = arith.constant 0xFF800000 : f32
      %broadcast_in_dim3A_137 = vector.shape_cast %and3A_132 : vector<512x1xi1> to vector<512x1xi1>
      %broadcast_in_dim3A_138 = vector.broadcast %broadcast_in_dim3A_137 : vector<512x1xi1> to vector<512x128xi1>
      %broadcast_in_dim3A_139 = vector.broadcast %jit3A_136 : f32 to vector<512x128xf32>
      %select_n3A_140 = arith.select %broadcast_in_dim3A_138, %select_n3A, %broadcast_in_dim3A_139 : vector<512x128xi1>, vector<512x128xf32>
      %reduce_max3A_141 = arith.constant dense<0xFF800000> : vector<128xf32>
      %reduce_max3A_142 = vector.multi_reduction <maximumf>, %select_n3A_140, %reduce_max3A_141 [0] : vector<512x128xf32> to vector<128xf32>
      %broadcast_in_dim3A_143 = vector.shape_cast %reduce_max3A_142 : vector<128xf32> to vector<1x128xf32>
      %jit3A_144 = arith.constant 0x7F800000 : f32
      %broadcast_in_dim3A_145 = vector.shape_cast %and3A_132 : vector<512x1xi1> to vector<512x1xi1>
      %broadcast_in_dim3A_146 = vector.broadcast %broadcast_in_dim3A_145 : vector<512x1xi1> to vector<512x128xi1>
      %broadcast_in_dim3A_147 = vector.broadcast %jit3A_144 : f32 to vector<512x128xf32>
      %select_n3A_148 = arith.select %broadcast_in_dim3A_146, %select_n3A, %broadcast_in_dim3A_147 : vector<512x128xi1>, vector<512x128xf32>
      %reduce_min3A_149 = arith.constant dense<0x7F800000> : vector<128xf32>
      %reduce_min3A_150 = vector.multi_reduction <minimumf>, %select_n3A_148, %reduce_min3A_149 [0] : vector<512x128xf32> to vector<128xf32>
      %broadcast_in_dim3A_151 = vector.shape_cast %reduce_min3A_150 : vector<128xf32> to vector<1x128xf32>
      %get3A_152 = arith.constant 0 : index
      %get3A_153 = arith.constant 0 : index
      %get3A_154 = vector.load %arg10[%get3A_152, %get3A_153] : memref<64x128xf32, #tpu.memory_space<vmem>>, vector<64x128xf32>
      %max3A = vector.broadcast %broadcast_in_dim3A_143 : vector<1x128xf32> to vector<64x128xf32>
      %max3A_155 = arith.maximumf %get3A_154, %max3A : vector<64x128xf32>
      %get3A_156 = arith.constant 0 : index
      %get3A_157 = arith.constant 0 : index
      %get3A_158 = vector.load %arg10[%get3A_156, %get3A_157] : memref<64x128xf32, #tpu.memory_space<vmem>>, vector<64x128xf32>
      %broadcast_in_dim3A_159 = vector.shape_cast %eq3A_135 : vector<64x1xi1> to vector<64x1xi1>
      %broadcast_in_dim3A_160 = vector.broadcast %broadcast_in_dim3A_159 : vector<64x1xi1> to vector<64x128xi1>
      %select_n3A_161 = arith.select %broadcast_in_dim3A_160, %max3A_155, %get3A_158 : vector<64x128xi1>, vector<64x128xf32>
      %swap3A_162 = arith.constant 0 : index
      %swap3A_163 = arith.constant 0 : index
      %swap3A_164 = vector.load %arg10[%swap3A_162, %swap3A_163] : memref<64x128xf32, #tpu.memory_space<vmem>>, vector<64x128xf32>
      tpu.vector_store %arg10[%swap3A_162, %swap3A_163], %select_n3A_161 {strides = array<i32>} : memref<64x128xf32, #tpu.memory_space<vmem>>, vector<64x128xf32>,
      %get3A_165 = arith.constant 0 : index
      %get3A_166 = arith.constant 0 : index
      %get3A_167 = vector.load %arg11[%get3A_165, %get3A_166] : memref<64x128xf32, #tpu.memory_space<vmem>>, vector<64x128xf32>
      %min3A = vector.broadcast %broadcast_in_dim3A_151 : vector<1x128xf32> to vector<64x128xf32>
      %min3A_168 = arith.minimumf %get3A_167, %min3A : vector<64x128xf32>
      %get3A_169 = arith.constant 0 : index
      %get3A_170 = arith.constant 0 : index
      %get3A_171 = vector.load %arg11[%get3A_169, %get3A_170] : memref<64x128xf32, #tpu.memory_space<vmem>>, vector<64x128xf32>
      %broadcast_in_dim3A_172 = vector.shape_cast %eq3A_135 : vector<64x1xi1> to vector<64x1xi1>
      %broadcast_in_dim3A_173 = vector.broadcast %broadcast_in_dim3A_172 : vector<64x1xi1> to vector<64x128xi1>
      %select_n3A_174 = arith.select %broadcast_in_dim3A_173, %min3A_168, %get3A_171 : vector<64x128xi1>, vector<64x128xf32>
      %swap3A_175 = arith.constant 0 : index
      %swap3A_176 = arith.constant 0 : index
      %swap3A_177 = vector.load %arg11[%swap3A_175, %swap3A_176] : memref<64x128xf32, #tpu.memory_space<vmem>>, vector<64x128xf32>
      tpu.vector_store %arg11[%swap3A_175, %swap3A_176], %select_n3A_174 {strides = array<i32>} : memref<64x128xf32, #tpu.memory_space<vmem>>, vector<64x128xf32>,
      %while3A_178 = arith.constant 0 : i32
      scf.yield %while3A_178 : i32
    }
    %while3A_125 = arith.constant 1 : i32
    %while3A_126 = scf.for %while3A_127 = %while3A_122 to %while3A_118 step %while3A_125 iter_args(%while3A_128 = %while3A_124) -> (i32)  : i32 {
      %convert_element_type3A_129 = arith.sitofp %while3A_127 : i32 to f32
      %eq3A_130 = vector.broadcast %convert_element_type3A_129 : f32 to vector<512x1xf32>
      %eq3A_131 = arith.cmpf oeq, %get3A_64, %eq3A_130 : vector<512x1xf32>
      %and3A_132 = arith.andi %eq3A_131, %lt3A_40 : vector<512x1xi1>
      %iota3A_133 = tpu.iota {dimensions = array<i32: 0>} : vector<64x1xi32>
      %eq3A_134 = vector.broadcast %while3A_127 : i32 to vector<64x1xi32>
      %eq3A_135 = arith.cmpi eq, %iota3A_133, %eq3A_134 : vector<64x1xi32>
      %jit3A_136 = arith.constant 0xFF800000 : f32
      %broadcast_in_dim3A_137 = vector.shape_cast %and3A_132 : vector<512x1xi1> to vector<512x1xi1>
      %broadcast_in_dim3A_138 = vector.broadcast %broadcast_in_dim3A_137 : vector<512x1xi1> to vector<512x128xi1>
      %broadcast_in_dim3A_139 = vector.broadcast %jit3A_136 : f32 to vector<512x128xf32>
      %select_n3A_140 = arith.select %broadcast_in_dim3A_138, %select_n3A, %broadcast_in_dim3A_139 : vector<512x128xi1>, vector<512x128xf32>
      %reduce_max3A_141 = arith.constant dense<0xFF800000> : vector<128xf32>
      %reduce_max3A_142 = vector.multi_reduction <maximumf>, %select_n3A_140, %reduce_max3A_141 [0] : vector<512x128xf32> to vector<128xf32>
      %broadcast_in_dim3A_143 = vector.shape_cast %reduce_max3A_142 : vector<128xf32> to vector<1x128xf32>
      %jit3A_144 = arith.constant 0x7F800000 : f32
      %broadcast_in_dim3A_145 = vector.shape_cast %and3A_132 : vector<512x1xi1> to vector<512x1xi1>
      %broadcast_in_dim3A_146 = vector.broadcast %broadcast_in_dim3A_145 : vector<512x1xi1> to vector<512x128xi1>
      %broadcast_in_dim3A_147 = vector.broadcast %jit3A_144 : f32 to vector<512x128xf32>
      %select_n3A_148 = arith.select %broadcast_in_dim3A_146, %select_n3A, %broadcast_in_dim3A_147 : vector<512x128xi1>, vector<512x128xf32>
      %reduce_min3A_149 = arith.constant dense<0x7F800000> : vector<128xf32>
      %reduce_min3A_150 = vector.multi_reduction <minimumf>, %select_n3A_148, %reduce_min3A_149 [0] : vector<512x128xf32> to vector<128xf32>
      %broadcast_in_dim3A_151 = vector.shape_cast %reduce_min3A_150 : vector<128xf32> to vector<1x128xf32>
      %get3A_152 = arith.constant 0 : index
      %get3A_153 = arith.constant 0 : index
      %get3A_154 = vector.load %arg10[%get3A_152, %get3A_153] : memref<64x128xf32, #tpu.memory_space<vmem>>, vector<64x128xf32>
      %max3A = vector.broadcast %broadcast_in_dim3A_143 : vector<1x128xf32> to vector<64x128xf32>
      %max3A_155 = arith.maximumf %get3A_154, %max3A : vector<64x128xf32>
      %get3A_156 = arith.constant 0 : index
      %get3A_157 = arith.constant 0 : index
      %get3A_158 = vector.load %arg10[%get3A_156, %get3A_157] : memref<64x128xf32, #tpu.memory_space<vmem>>, vector<64x128xf32>
      %broadcast_in_dim3A_159 = vector.shape_cast %eq3A_135 : vector<64x1xi1> to vector<64x1xi1>
      %broadcast_in_dim3A_160 = vector.broadcast %broadcast_in_dim3A_159 : vector<64x1xi1> to vector<64x128xi1>
      %select_n3A_161 = arith.select %broadcast_in_dim3A_160, %max3A_155, %get3A_158 : vector<64x128xi1>, vector<64x128xf32>
      %swap3A_162 = arith.constant 0 : index
      %swap3A_163 = arith.constant 0 : index
      %swap3A_164 = vector.load %arg10[%swap3A_162, %swap3A_163] : memref<64x128xf32, #tpu.memory_space<vmem>>, vector<64x128xf32>
      tpu.vector_store %arg10[%swap3A_162, %swap3A_163], %select_n3A_161 {strides = array<i32>} : memref<64x128xf32, #tpu.memory_space<vmem>>, vector<64x128xf32>,
      %get3A_165 = arith.constant 0 : index
      %get3A_166 = arith.constant 0 : index
      %get3A_167 = vector.load %arg11[%get3A_165, %get3A_166] : memref<64x128xf32, #tpu.memory_space<vmem>>, vector<64x128xf32>
      %min3A = vector.broadcast %broadcast_in_dim3A_151 : vector<1x128xf32> to vector<64x128xf32>
      %min3A_168 = arith.minimumf %get3A_167, %min3A : vector<64x128xf32>
      %get3A_169 = arith.constant 0 : index
      %get3A_170 = arith.constant 0 : index
      %get3A_171 = vector.load %arg11[%get3A_169, %get3A_170] : memref<64x128xf32, #tpu.memory_space<vmem>>, vector<64x128xf32>
      %broadcast_in_dim3A_172 = vector.shape_cast %eq3A_135 : vector<64x1xi1> to vector<64x1xi1>
      %broadcast_in_dim3A_173 = vector.broadcast %broadcast_in_dim3A_172 : vector<64x1xi1> to vector<64x128xi1>
      %select_n3A_174 = arith.select %broadcast_in_dim3A_173, %min3A_168, %get3A_171 : vector<64x128xi1>, vector<64x128xf32>
      %swap3A_175 = arith.constant 0 : index
      %swap3A_176 = arith.constant 0 : index
      %swap3A_177 = vector.load %arg11[%swap3A_175, %swap3A_176] : memref<64x128xf32, #tpu.memory_space<vmem>>, vector<64x128xf32>
      tpu.vector_store %arg11[%swap3A_175, %swap3A_176], %select_n3A_174 {strides = array<i32>} : memref<64x128xf32, #tpu.memory_space<vmem>>, vector<64x128xf32>,
      %while3A_178 = arith.constant 0 : i32
      scf.yield %while3A_178 : i32
    }
    return
  }
  func.func @transform_0(%arg0: i32) -> (i32, i32) {
    %c0_i32 = arith.constant 0 : i32
    %c0_i32_0 = arith.constant 0 : i32
    return %arg0, %c0_i32 : i32, i32
  }
  func.func @transform_1(%arg0: i32) -> (i32, i32) {
    %c0_i32 = arith.constant 0 : i32
    %c0_i32_0 = arith.constant 0 : i32
    return %arg0, %c0_i32 : i32, i32
  }
  func.func @transform_2(%arg0: i32) -> (i32, i32) {
    %c0_i32 = arith.constant 0 : i32
    %c0_i32_0 = arith.constant 0 : i32
    %c0_i32_1 = arith.constant 0 : i32
    return %c0_i32, %c0_i32_0 : i32, i32
  }
  func.func @transform_3(%arg0: i32) -> (i32, i32) {
    %c0_i32 = arith.constant 0 : i32
    %c0_i32_0 = arith.constant 0 : i32
    %c0_i32_1 = arith.constant 0 : i32
    return %c0_i32, %c0_i32_0 : i32, i32
  }
  func.func @transform_4(%arg0: i32) -> (i32, i32) {
    %c0_i32 = arith.constant 0 : i32
    %c0_i32_0 = arith.constant 0 : i32
    %c0_i32_1 = arith.constant 0 : i32
    return %c0_i32, %c0_i32_0 : i32, i32
  }
  func.func @transform_5(%arg0: i32) -> (i32, i32) {
    %c0_i32 = arith.constant 0 : i32
    %c0_i32_0 = arith.constant 0 : i32
    %c0_i32_1 = arith.constant 0 : i32
    return %c0_i32, %c0_i32_0 : i32, i32
  }
  func.func @transform_6(%arg0: i32) -> (i32, i32) {
    %c0_i32 = arith.constant 0 : i32
    %c0_i32_0 = arith.constant 0 : i32
    %c0_i32_1 = arith.constant 0 : i32
    return %c0_i32, %c0_i32_0 : i32, i32
  }
  func.func @transform_7(%arg0: i32) -> (i32, i32) {
    %c0_i32 = arith.constant 0 : i32
    %c0_i32_0 = arith.constant 0 : i32
    %c0_i32_1 = arith.constant 0 : i32
    return %c0_i32, %c0_i32_0 : i32, i32
  }
  func.func @transform_8(%arg0: i32) -> (i32, i32) {
    %c0_i32 = arith.constant 0 : i32
    %c0_i32_0 = arith.constant 0 : i32
    %c0_i32_1 = arith.constant 0 : i32
    return %c0_i32, %c0_i32_0 : i32, i32
  }
  func.func @transform_9(%arg0: i32) -> (i32, i32) {
    %c0_i32 = arith.constant 0 : i32
    %c0_i32_0 = arith.constant 0 : i32
    %c0_i32_1 = arith.constant 0 : i32
    return %c0_i32, %c0_i32_0 : i32, i32
  }
  func.func @transform_10(%arg0: i32) -> (i32, i32) {
    %c0_i32 = arith.constant 0 : i32
    %c0_i32_0 = arith.constant 0 : i32
    %c0_i32_1 = arith.constant 0 : i32
    return %c0_i32, %c0_i32_0 : i32, i32
  }
  func.func @transform_11(%arg0: i32) -> (i32, i32) {
    %c0_i32 = arith.constant 0 : i32
    %c0_i32_0 = arith.constant 0 : i32
    %c0_i32_1 = arith.constant 0 : i32
    return %c0_i32, %c0_i32_0 : i32, i32
  }
}

module attributes {stable_mosaic.version = 14 : i64} {
  func.func @_k4_body(%arg0: memref<64x128xf32, #tpu.memory_space<vmem>>, %arg1: memref<64x1xf32, #tpu.memory_space<vmem>>, %arg2: memref<64x128xf32, #tpu.memory_space<vmem>>, %arg3: memref<64x128xf32, #tpu.memory_space<vmem>>, %arg4: memref<2x128xf32, #tpu.memory_space<vmem>>, %arg5: memref<1x128xf32, #tpu.memory_space<vmem>>, %arg6: memref<1x128xf32, #tpu.memory_space<vmem>>, %arg7: memref<256x1xf32, #tpu.memory_space<vmem>>, %arg8: memref<1x1xf32, #tpu.memory_space<vmem>>, %arg9: memref<64x1xf32, #tpu.memory_space<vmem>>) attributes {dimension_semantics = [], scalar_prefetch = 0 : i64, scratch_operands = 0 : i64, tpu.core_type = #tpu.core_type<tc>} {
    %get3A = arith.constant 0 : index
    %get3A_0 = arith.constant 0 : index
    %get3A_1 = vector.load %arg4[%get3A, %get3A_0] : memref<2x128xf32, #tpu.memory_space<vmem>>, vector<2x128xf32>
    %get3A_2 = arith.constant 0 : index
    %get3A_3 = arith.constant 0 : index
    %get3A_4 = vector.load %arg5[%get3A_2, %get3A_3] : memref<1x128xf32, #tpu.memory_space<vmem>>, vector<1x128xf32>
    %get3A_5 = arith.constant 0 : index
    %get3A_6 = arith.constant 0 : index
    %get3A_7 = vector.load %arg6[%get3A_5, %get3A_6] : memref<1x128xf32, #tpu.memory_space<vmem>>, vector<1x128xf32>
    %slice3A = vector.extract_strided_slice %get3A_1 {offsets = [0, 0], sizes = [1, 128], strides = [1, 1]} : vector<2x128xf32> to vector<1x128xf32>
    %div3A = arith.constant 1.000000e+04 : f32
    %div3A_8 = vector.broadcast %div3A : f32 to vector<1x128xf32>
    %div3A_9 = arith.divf %slice3A, %div3A_8 : vector<1x128xf32>
    %slice3A_10 = vector.extract_strided_slice %get3A_1 {offsets = [1, 0], sizes = [1, 128], strides = [1, 1]} : vector<2x128xf32> to vector<1x128xf32>
    %div3A_11 = arith.constant 1.000000e+04 : f32
    %div3A_12 = vector.broadcast %div3A_11 : f32 to vector<1x128xf32>
    %div3A_13 = arith.divf %slice3A_10, %div3A_12 : vector<1x128xf32>
    %mul3A = arith.mulf %div3A_9, %div3A_9 : vector<1x128xf32>
    %sub3A = arith.subf %div3A_13, %mul3A : vector<1x128xf32>
    %add3A = arith.constant 9.99999974E-6 : f32
    %add3A_14 = vector.broadcast %add3A : f32 to vector<1x128xf32>
    %add3A_15 = arith.addf %sub3A, %add3A_14 : vector<1x128xf32>
    %rsqrt3A = math.rsqrt %add3A_15 : vector<1x128xf32>
    %mul3A_16 = arith.mulf %get3A_4, %rsqrt3A : vector<1x128xf32>
    %mul3A_17 = arith.mulf %div3A_9, %mul3A_16 : vector<1x128xf32>
    %sub3A_18 = arith.subf %get3A_7, %mul3A_17 : vector<1x128xf32>
    %get3A_19 = arith.constant 0 : index
    %get3A_20 = arith.constant 0 : index
    %get3A_21 = vector.load %arg0[%get3A_19, %get3A_20] : memref<64x128xf32, #tpu.memory_space<vmem>>, vector<64x128xf32>
    %mul3A_22 = vector.broadcast %mul3A_16 : vector<1x128xf32> to vector<64x128xf32>
    %mul3A_23 = arith.mulf %mul3A_22, %get3A_21 : vector<64x128xf32>
    %get3A_24 = arith.constant 0 : index
    %get3A_25 = arith.constant 0 : index
    %get3A_26 = vector.load %arg1[%get3A_24, %get3A_25] : memref<64x1xf32, #tpu.memory_space<vmem>>, vector<64x1xf32>
    %mul3A_27 = vector.broadcast %sub3A_18 : vector<1x128xf32> to vector<64x128xf32>
    %mul3A_28 = vector.broadcast %get3A_26 : vector<64x1xf32> to vector<64x128xf32>
    %mul3A_29 = arith.mulf %mul3A_27, %mul3A_28 : vector<64x128xf32>
    %add3A_30 = arith.addf %mul3A_23, %mul3A_29 : vector<64x128xf32>
    %ge3A = arith.constant 0.000000e+00 : f32
    %ge3A_31 = vector.broadcast %ge3A : f32 to vector<1x128xf32>
    %ge3A_32 = arith.cmpf oge, %mul3A_16, %ge3A_31 : vector<1x128xf32>
    %get3A_33 = arith.constant 0 : index
    %get3A_34 = arith.constant 0 : index
    %get3A_35 = vector.load %arg2[%get3A_33, %get3A_34] : memref<64x128xf32, #tpu.memory_space<vmem>>, vector<64x128xf32>
    %mul3A_36 = vector.broadcast %mul3A_16 : vector<1x128xf32> to vector<64x128xf32>
    %mul3A_37 = arith.mulf %mul3A_36, %get3A_35 : vector<64x128xf32>
    %add3A_38 = vector.broadcast %sub3A_18 : vector<1x128xf32> to vector<64x128xf32>
    %add3A_39 = arith.addf %mul3A_37, %add3A_38 : vector<64x128xf32>
    %get3A_40 = arith.constant 0 : index
    %get3A_41 = arith.constant 0 : index
    %get3A_42 = vector.load %arg3[%get3A_40, %get3A_41] : memref<64x128xf32, #tpu.memory_space<vmem>>, vector<64x128xf32>
    %mul3A_43 = vector.broadcast %mul3A_16 : vector<1x128xf32> to vector<64x128xf32>
    %mul3A_44 = arith.mulf %mul3A_43, %get3A_42 : vector<64x128xf32>
    %add3A_45 = vector.broadcast %sub3A_18 : vector<1x128xf32> to vector<64x128xf32>
    %add3A_46 = arith.addf %mul3A_44, %add3A_45 : vector<64x128xf32>
    %broadcast_in_dim3A = vector.shape_cast %ge3A_32 : vector<1x128xi1> to vector<1x128xi1>
    %broadcast_in_dim3A_47 = vector.broadcast %broadcast_in_dim3A : vector<1x128xi1> to vector<64x128xi1>
    %select_n3A = arith.select %broadcast_in_dim3A_47, %add3A_39, %add3A_46 : vector<64x128xi1>, vector<64x128xf32>
    %concatenate3A = tpu.concatenate %add3A_30, %select_n3A in 1 : vector<64x128xf32>, vector<64x128xf32> -> vector<64x256xf32>
    %tanh3A = math.tanh %concatenate3A : vector<64x256xf32>
    %get3A_48 = arith.constant 0 : index
    %get3A_49 = arith.constant 0 : index
    %get3A_50 = vector.load %arg7[%get3A_48, %get3A_49] : memref<256x1xf32, #tpu.memory_space<vmem>>, vector<256x1xf32>
    %dot_general3A = arith.constant dense<0.000000e+00> : vector<64x1xf32>
    %dot_general3A_51 = tpu.matmul %tanh3A, %get3A_50, %dot_general3A {dimension_numbers = #tpu.dot_dimension_numbers<[1], [0], [0], [1], [0, 0, 1, 1], [], []>, transpose_lhs_hint = false} : vector<64x256xf32>, vector<256x1xf32>, vector<64x1xf32> -> vector<64x1xf32>
    %get3A_52 = arith.constant 0 : index
    %get3A_53 = arith.constant 0 : index
    %get3A_54 = vector.load %arg8[%get3A_52, %get3A_53] : memref<1x1xf32, #tpu.memory_space<vmem>>, vector<1x1xf32>
    %add3A_55 = vector.broadcast %get3A_54 : vector<1x1xf32> to vector<64x1xf32>
    %add3A_56 = arith.addf %dot_general3A_51, %add3A_55 : vector<64x1xf32>
    %swap3A = arith.constant 0 : index
    %swap3A_57 = arith.constant 0 : index
    %swap3A_58 = vector.load %arg9[%swap3A, %swap3A_57] : memref<64x1xf32, #tpu.memory_space<vmem>>, vector<64x1xf32>
    tpu.vector_store %arg9[%swap3A, %swap3A_57], %add3A_56 {strides = array<i32>} : memref<64x1xf32, #tpu.memory_space<vmem>>, vector<64x1xf32>,
    return
  }
}

</mosaic_0001>

<sc_bundles>
// kernel: kernel.11.cloned.1.call-start
scs
__scs_entry_jumppad:
0x0: {  	(pc) =	sbr.rel $0x88, $3  }
0x1: {  	(tag) =	ssettag $0x0;
	lr =	simm.s32 $0x1  }
0x2: {  	[smem:$0x3F90] =	sst lr;
	_ =	strace $0xD0000000  }
0x3: {  	_ = 	snop  }
0x4: {  	_ = 	snop  }
0x5: {  	_ = 	snop  }
0x6: {  	_ = 	snop  }
0x7: {  	_ = 	snop  }
__scs_overlays_trampoline_lowered:
0x8: {  	[smem:$0x3F9F] =	sst s0  }
0x9: {  	[smem:$0x3FA0] =	sst s1  }
0xa: {  	[smem:$0x3FA1] =	sst s2  }
0xb: {  	[smem:$0x3FA2] =	sst s3  }
0xc: {  	[smem:$0x3FA3] =	sst s4  }
0xd: {  	[smem:$0x3FA4] =	sst s5  }
0xe: {  	[smem:$0x3FA5] =	sst s6  }
0xf: {  	[smem:$0x3FA6] =	sst s7  }
0x10: {  	[smem:$0x3FA7] =	sst s8  }
0x11: {  	[smem:$0x3FA8] =	sst s9;
	s0 =	simm.s32 @!p0 $0x0  }
0x12: {  	s1 =	sld [smem:$0x3F8E];
	s0 =	simm.s32 @p0 $0x1  }
0x13: {  	[smem:$0x3FA9] =	sst s0;
	s0 =	simm.s32 @!p1 $0x0  }
0x14: {  	s2 =	sld [smem:$0x3F8D];
	s0 =	simm.s32 @p1 $0x1  }
0x15: {  	[smem:$0x3FAA] =	sst s0;
	s0 =	simm.s32 @!p2 $0x0  }
0x16: {  	s3 =	sld [smem:$0x3FDB];
	s0 =	simm.s32 @p2 $0x1  }
0x17: {  	s4 =	simm.s32 $0x1BF5;
	[smem:$0x3FAC] =	sst s0  }
0x18: {  	s0 =	sld [smem:$0x3F8F];
	_ =	swait.ge [sflag:s4], $0x0  }
0x19: {  	s7 =	sld [smem:$0x3F90]  }
0x1a: {  	s8 =	sadd.s32 $0xFFFFE003, lr  }
0x1b: {  	s9 =	sadd.s32 $0xFFFFFEF7, lr;
	s5 =	simm.s32 $0xFFFFFFFF;
	p2 =	slt.u32 s8, $0xFFFFF086  }
0x1c: {  	p1 =	slt.u32 s9, $0xF7A;
	s5 =	simm.s32 @!p2 $0x0  }
0x1d: {  	s5 =	simm.s32 @p1 $0x1;
	p0 =	seq.s32 s7, s2  }
0x1e: {  	s7 =	smul.u32 @!p0 $0xF7A, s2;
	p2 =	seq.s32 @!p0 s5, $0x0  }
0x1f: {  	s9 =	smul.u32 $0xF7A, s1;
	s8 =	simm.s32 @!p0 $0x1BF5;
	p2 =	por !p2, p0  }
0x20: {  	[sflag:s8] =	ssyncset.s32 @!p0 $0xFFFFF086;
	s6 =	sadd.s32 @!p0 s3, s7;
	s7 =	simm.s32 @!p0 $0x108  }
0x21: {  	s3 =	sadd.s32 s3, s9;
	s6 =	sadd.s32 @!p0 $0x88, s6;
	s7 =	simm.s32 @p2 $0x1082  }
0x22: {  	[simem:s7], [sflag:s8] =	dma.local @!p0 [hbm:s6], $0xF7A  }
0x23: {  	s9 =	sor.u32 $0xD0000000, s2;
	s6 =	simm.s32 $0x108;
	_ =	swait.ge @!p0 [sflag:s8], $0x0  }
0x24: {  	s3 =	sadd.s32 $0x88, s3;
	s6 =	simm.s32 @!p1 $0x1082;
	[sflag:s4] =	ssyncset.s32 $0xFFFFF086  }
0x25: {  	[simem:s6], [sflag:s4] =	dma.local [hbm:s3], $0xF7A  }
0x26: {  	[smem:$0x3F90] =	sst s1;
	(tag) =	ssettag s2;
	_ =	strace s9  }
0x27: {  	s1 =	sld [smem:$0x3FA0]  }
0x28: {  	s2 =	sld [smem:$0x3FA1]  }
0x29: {  	s4 =	sld [smem:$0x3FA3]  }
0x2a: {  	p0 =	seq.s32 s5, $0x0;
	s5 =	sld [smem:$0x3FA4]  }
0x2b: {  	s6 =	sld [smem:$0x3FA5]  }
0x2c: {  	s7 =	sld [smem:$0x3FA6]  }
0x2d: {  	s3 =	simm.s32 $0x108;
	s8 =	sld [smem:$0x3FA7]  }
0x2e: {  	s3 =	simm.s32 @!p0 $0x1082;
	s9 =	sld [smem:$0x3FA8]  }
0x2f: {  	lr =	sadd.s32 s0, s3;
	s0 =	sld [smem:$0x3F9F]  }
0x30: {  	s3 =	sld [smem:$0x3FA2]  }
0x31: {  	[smem:$0x3FAB] =	sst s10  }
0x32: {  	s10 =	sld [smem:$0x3FA9];
	_ =	sdelay $0x3  }
0x33: {  	p0 =	seq.s32 s10, $0x1;
	s10 =	sld [smem:$0x3FAB];
	_ =	sdelay $0x3  }
0x34: {  	[smem:$0x3FAB] =	sst s10  }
0x35: {  	s10 =	sld [smem:$0x3FAA];
	_ =	sdelay $0x3  }
0x36: {  	p1 =	seq.s32 s10, $0x1;
	s10 =	sld [smem:$0x3FAB];
	_ =	sdelay $0x3  }
0x37: {  	[smem:$0x3FAB] =	sst s10  }
0x38: {  	s10 =	sld [smem:$0x3FAC]  }
0x39: {  	_ = 	snop;
	(pc) =	sbr.ind lr, $3  }
0x3a: {  	_ = 	snop  }
0x3b: {  	_ = 	snop  }
0x3c: {  	p2 =	seq.s32 s10, $0x1;
	s10 =	sld [smem:$0x3FAB]  }
0x3d: {  	_ =	shalt  }
0x3e: {  	_ =	shalt  }
0x3f: {  	_ =	shalt  }
0x40: {  	_ =	shalt  }
0x41: {  	_ =	shalt  }
0x42: {  	_ =	shalt  }
0x43: {  	_ =	shalt  }
0x44: {  	_ =	shalt  }
0x45: {  	_ =	shalt  }
0x46: {  	_ =	shalt  }
0x47: {  	_ =	shalt  }
0x48: {  	_ =	shalt  }
0x49: {  	_ =	shalt  }
0x4a: {  	_ =	shalt  }
0x4b: {  	_ =	shalt  }
0x4c: {  	_ =	shalt  }
0x4d: {  	_ =	shalt  }
0x4e: {  	_ =	shalt  }
0x4f: {  	_ =	shalt  }
0x50: {  	_ =	shalt  }
0x51: {  	_ =	shalt  }
0x52: {  	_ =	shalt  }
0x53: {  	_ =	shalt  }
0x54: {  	_ =	shalt  }
0x55: {  	_ =	shalt  }
0x56: {  	_ =	shalt  }
0x57: {  	_ =	shalt  }
0x58: {  	_ =	shalt  }
0x59: {  	_ =	shalt  }
0x5a: {  	_ =	shalt  }
0x5b: {  	_ =	shalt  }
0x5c: {  	_ =	shalt  }
0x5d: {  	_ =	shalt  }
0x5e: {  	_ =	shalt  }
0x5f: {  	_ =	shalt  }
0x60: {  	_ =	shalt  }
0x61: {  	_ =	shalt  }
0x62: {  	_ =	shalt  }
0x63: {  	_ =	shalt  }
0x64: {  	_ =	shalt  }
0x65: {  	_ =	shalt  }
0x66: {  	_ =	shalt  }
0x67: {  	_ =	shalt  }
0x68: {  	_ =	shalt  }
0x69: {  	_ =	shalt  }
0x6a: {  	_ =	shalt  }
0x6b: {  	_ =	shalt  }
0x6c: {  	_ =	shalt  }
0x6d: {  	_ =	shalt  }
0x6e: {  	_ =	shalt  }
0x6f: {  	_ =	shalt  }
0x70: {  	_ =	shalt  }
0x71: {  	_ =	shalt  }
0x72: {  	_ =	shalt  }
0x73: {  	_ =	shalt  }
0x74: {  	_ =	shalt  }
0x75: {  	_ =	shalt  }
0x76: {  	_ =	shalt  }
0x77: {  	_ =	shalt  }
0x78: {  	_ =	shalt  }
0x79: {  	_ =	shalt  }
0x7a: {  	_ =	shalt  }
0x7b: {  	_ =	shalt  }
0x7c: {  	_ =	shalt  }
0x7d: {  	_ =	shalt  }
0x7e: {  	_ =	shalt  }
0x7f: {  	_ =	shalt  }
0x80: {  	_ =	shalt  }
0x81: {  	_ =	shalt  }
0x82: {  	_ =	shalt  }
0x83: {  	_ =	shalt  }
0x84: {  	_ =	shalt  }
0x85: {  	_ =	shalt  }
0x86: {  	_ =	shalt  }
0x87: {  	_ =	shalt  }
.Lfunc_end0:
.L_simem_size_0:
called_computation.1_lowered:
.L_overlay_start_0:
0x88: {  	s2 =	sld [smem:$0x3FD9]  }
0x89: {  	s3 =	sld [smem:$0x3FFE];
	_ =	sdelay $0x1  }
0x8a: {  	s1 =	srdreg.scid  }
0x8b: {  	s0 =	sand.u32 $0x1, s1  }
0x8c: {  	s16 =	sshll.u32 s0, $0xA;
	s2 =	sadd.s32 s3, s2  }
0x8d: {  	s2 =	sadd.s32 s2, s16  }
0x8e: {  	[smem:$0x3FB7] =	sst s2  }
0x8f: {  	_ = 	snop  }
0x90: {  	(tm) =	ssettm $0x1  }
0x91: {  	s17 =	sld [smem:$0x3FFB];
	_ =	sdelay $0x3  }
0x92: {  	_ =	strace s17  }
0x93: {  	s2 =	sld [smem:$0x3FFC];
	_ =	sdelay $0x3  }
0x94: {  	_ =	strace s2  }
0x95: {  	s2 =	sld [smem:$0x3FFD];
	_ =	sdelay $0x3  }
0x96: {  	_ =	strace s2  }
0x97: {  	_ =	strace $0x8FFFFFFF  }
0x98: {  	s18 =	sld [smem:$0x3FDB];
	_ =	sdelay $0x1  }
0x99: {  	s19 =	simm.s32 $_scs_section_size  }
0x9a: {  	s4 =	simm.s32 $_size__tile_overlayer_lowered;
	s5 =	simm.s32 $_tile_overlayer_lowered  }
0x9b: {  	s22 =	simm.s32 $0x1BFF;
	s21 =	sshll.u32 s5, $0x1;
	s2 =	sadd.s32 s19, s18  }
0x9c: {  	s6 =	simm.s32 $0x0;
	s20 =	sshll.u32 s4, $0x1;
	s4 =	sadd.s32 s21, s2  }
0x9d: {  	[timem:s6], [sflag:s22] =	dma.local [hbm:s4], s20  }
0x9e: {  	_ =	swait.ge [sflag:s22], s20  }
0x9f: {  	s3 =	ssub.s32 $0x0, s20;
	[sflag:s22] =	ssyncset.done $0x0  }
0xa0: {  	[sflag:s22] =	ssyncadd.s32 s3;
	_ =	sdelay $0x1  }
0xa1: {  	s23 =	simm.s32 $0x1B8B  }
0xa2: {  	_ =	swait.ge [sflag:s23], $0x1  }
0xa3: {  	[sflag:s23] =	ssyncset.done $0x0  }
0xa4: {  	s25 =	simm.s32 $0x1B8E;
	s24 =	sld [smem:$0x3FFE];
	[sflag:s23] =	ssyncadd.s32 $0xFFFFFFFF  }
0xa5: {  	s26 =	simm.s32 $execute0_lowered;
	[smem:$0x3FD2] =	sst s25  }
0xa6: {  	s4 =	sshll.u32 s26, $0x1;
	_ =	strace $0x80000049;
	[dreg:$0x1] =	wrdreg $0xFFFFFFFF  }
0xa7: {  	s28 =	simm.s32 $_size_execute0_lowered;
	s2 =	sadd.s32 s2, s4;
	[dreg:$0x0] =	wrdreg $0x0  }
0xa8: {  	s4 =	sshll.u32 s28, $0x1;
	[dreg:$0x2] =	wrdreg s2  }
0xa9: {  	[dreg:$0x3] =	wrdreg s4  }
0xaa: {  	[dreg:$0x4] =	wrdreg $0xC0  }
0xab: {  	_ =	task [dreg:s6], $0x5FFFF  }
0xac: {  	[dreg:$0x1] =	wrdreg $0xFFFFFFFF  }
0xad: {  	[dreg:$0x0] =	wrdreg $0x60  }
0xae: {  	[dreg:$0x2] =	wrdreg s24  }
0xaf: {  	[dreg:$0x3] =	wrdreg $0x9E200  }
0xb0: {  	[dreg:$0x4] =	wrdreg $0x9  }
0xb1: {  	_ =	task.clear_ibuf [dreg:s6], $0x5FFFF;
	_ =	strace $0x90000049  }
0xb2: {  	s29 =	simm.s32 $0x9;
	_ =	strace $0x8000004B  }
0xb3: {  	_ =	swait.ge [sflag:s29], $0x1  }
0xb4: {  	[sflag:s29] =	ssyncadd.s32 $0xFFFFFFFF  }
0xb5: {  	_ =	strace $0x9000004B  }
0xb6: {  	_ =	sfence  }
0xb7: {  	s30 =	sld [smem:$0x0];
	_ =	sdelay $0x2  }
0xb8: {  	s31 =	sshll.u32 s1, $0xD;
	s1 =	sshrl.u32 s1, $0x2  }
0xb9: {  	s3 =	sand.u32 $0x4000, s31;
	s1 =	sadd.s32 s1, s30  }
0xba: {  	s0 =	sor.u32 s3, s0;
	s1 =	sshll.u32 s1, $0x11  }
0xbb: {  	s0 =	sor.u32 s1, s0  }
0xbc: {  	s0 =	sadd.s32 $0x8F2B, s0  }
0xbd: {  	[sflag:s0] =	ssyncadd.remote.s32 $0x1  }
0xbe: {  	_ =	sfence.sel $0xFFFF  }
0xbf: {  	[dreg:$0x0] =	wrdreg $0xFFFFFFFF;
	(pc) =	sbr.abs _section_cstart, $3  }
0xc0: {  	[dreg:$0x1] =	wrdreg $0xFFFFFFFF  }
0xc1: {  	_ =	task.clear_ibuf [dreg:s6], $0x2FFFF;
	_ =	strace $0x9FFFFFFF  }
0xc2: {  	(tm) =	ssettm $0x7FFFFFFF  }
0xc3: {  	_ =	shalt  }
tec
execute0_lowered:
.L_overlay_start_1:
0x0: {  	(tag) =	ssettag $0x1  }
0x1: {  	s0 =	rddreg [dreg:$0x0]  }
0x2: {  	s2 =	rddreg [dreg:$0x1];
	s4 =	simm.s32 $0x0  }
0x3: {  	s1 =	srdreg.scid;
	s7 =	stileid.u32;
	s17 =	simm.s32 $0x9  }
0x4: {  	s18 =	simm.s32 $0x2710;
	s19 =	simm.s32 $0x4E20;
	s20 =	simm.s32 $0x50  }
0x5: {  	s21 =	simm.s32 $0x6220;
	s22 =	simm.s32 $0x1;
	s24 =	simm.s32 $0x7620  }
0x6: {  	s29 =	simm.s32 $0x8A20;
	s30 =	simm.s32 $0x3;
	s31 =	simm.s32 $0x5  }
0x7: {  	s23 =	simm.s32 $0x7;
	s28 =	simm.s32 $0x0;
	s1 =	sand.u32 $0x1, s1  }
0x8: {  	s3 =	sshll.u32 s7, $0x1;
	s5 =	smul.u32 $0x9C40, s7;
	[smem:$0x7FF] =	sst s4  }
0x9: {  	s4 =	sadd.s32 $0x17000, s0;
	s7 =	smul.u32 $0x27100, s7;
	s3 =	sor.u32 s1, s3  }
0xa: {  	s6 =	smul.u32 $0x9C400, s1;
	_ =	strace $0x8000004A;
	s1 =	ssub.s32 $0x2, s1  }
0xb: {  	s3 =	smul.u32 $0x4E2, s3;
	s25 =	sshrl.u32 s1, $0x1;
	s7 =	sshrl.u32 s7, $0x2  }
0xc: {  	s6 =	sadd.s32 s5, s6;
	s1 =	ssub.s32 s1, s25;
	s14 =	sadd.s32 s7, s2  }
0xd: {  	s7 =	sadd.s32 s5, s2;
	s25 =	simm.s32 $0x2;
	s3 =	sadd.s32 s3, s0  }
0xe: {  	s6 =	sshrl.u32 s6, $0x3;
	s8 =	sadd.s32 $0x1400, s14;
	s9 =	sadd.s32 $0x2800, s14  }
0xf: {  	s10 =	sadd.s32 $0x3C00, s14;
	s11 =	sadd.s32 $0x5000, s14;
	s12 =	sadd.s32 $0x6400, s14  }
0x10: {  	s13 =	sadd.s32 $0x7800, s14;
	s14 =	sadd.s32 $0x8C00, s14;
	s26 =	sadd.s32 $0xD200, s3  }
0x11: {  	s16 =	smax.u32 s1, $0x1;
	s3 =	sadd.s32 $0x3400, s3;
	[dreg:$0x3] =	wrdreg s26  }
0x12: {  	s1 =	simm.s32 $0x6;
	s0 =	sadd.s32 s6, s0;
	[dreg:$0x4] =	wrdreg s3  }
0x13: {  	v0 =	vimm.f32 $0.0e+00;
	s15 =	sadd.s32 $0x2AA00, s0;
	s0 =	simm.s32 $0x4;
	s26 =	simm.s32 $0x8  }
.LBB2_1:
0x14: {  	s3 =	simm.s32 $0x0;
	s5 =	rddreg [dreg:$0x3]  }
0x15: {  	[tilespmem:s3], [sflag:$0x9] =	stream.linear.gather [hbm4b:s5+s3], $0x2710, $0x38;
	[tilespmem:$0x13A60] =	vst v63  }
0x16: {  	_ =	swait.ge [sflag:s17], $0x2710  }
0x17: {  	[sflag:s17] =	ssyncset.done $0x0  }
0x18: {  	s6 =	rddreg [dreg:$0x4];
	[sflag:s17] =	ssyncadd.s32 $0xFFFFD8F0  }
0x19: {  	[tilespmem:s18], [sflag:$0x9] =	stream.linear.gather [hbm4b:s6+s3], $0x2710, $0x38;
	[tilespmem:$0x13A60] =	vst v63  }
0x1a: {  	_ =	swait.ge [sflag:s17], $0x2710  }
0x1b: {  	[sflag:s17] =	ssyncset.done $0x0  }
0x1c: {  	s5 =	simm.s32 $0x100;
	s3 =	simm.s32 $0x0;
	[sflag:s17] =	ssyncadd.s32 $0xFFFFD8F0  }
.LBB2_2:
0x1d: {  	p0 =	sne.s32 s5, $0x4F00;
	[tilespmem:s3+$0x4E50] =	vst v0;
	s6 =	smov.u32 s5;
	s5 =	sadd.s32 $0x100, s5  }
.Ltmp0:
0x1e: {  	[tilespmem:s3+$0x4E40] =	vst v0;
	(pc) =	sbr.rel @p0 .LBB2_2-.Ltmp0, $3  }
0x1f: {  	[tilespmem:s3+$0x4E20] =	vst v0  }
0x20: {  	[tilespmem:s3+$0x4E30] =	vst v0;
	_ =	sdelay $0x1  }
0x21: {  	s3 =	sshra.s32 s6, $0x2  }
0x22: {  	[tilespmem:s3+$0x4E50] =	vst v0  }
0x23: {  	[tilespmem:s3+$0x4E40] =	vst v0  }
0x24: {  	[tilespmem:s3+$0x4E20] =	vst v0  }
0x25: {  	[tilespmem:s3+$0x4E30] =	vst v0  }
0x26: {  	[spmem:s7] =	stream.linear.scatter [tilespmem:s19], [sflag:$0x9], $0x1400, $0x38;
	[tilespmem:$0x13A60] =	vst v63  }
0x27: {  	_ =	swait.ge [sflag:s17], $0x1400  }
0x28: {  	[sflag:s17] =	ssyncset.done $0x0  }
0x29: {  	[sflag:s17] =	ssyncadd.s32 $0xFFFFEC00  }
0x2a: {  	[spmem:s8] =	stream.linear.scatter [tilespmem:s19], [sflag:$0x9], $0x1400, $0x38;
	[tilespmem:$0x13A60] =	vst v63  }
0x2b: {  	_ =	swait.ge [sflag:s17], $0x1400  }
0x2c: {  	[sflag:s17] =	ssyncset.done $0x0  }
0x2d: {  	[sflag:s17] =	ssyncadd.s32 $0xFFFFEC00  }
0x2e: {  	[spmem:s9] =	stream.linear.scatter [tilespmem:s19], [sflag:$0x9], $0x1400, $0x38;
	[tilespmem:$0x13A60] =	vst v63  }
0x2f: {  	_ =	swait.ge [sflag:s17], $0x1400  }
0x30: {  	[sflag:s17] =	ssyncset.done $0x0  }
0x31: {  	[sflag:s17] =	ssyncadd.s32 $0xFFFFEC00  }
0x32: {  	[spmem:s10] =	stream.linear.scatter [tilespmem:s19], [sflag:$0x9], $0x1400, $0x38;
	[tilespmem:$0x13A60] =	vst v63  }
0x33: {  	_ =	swait.ge [sflag:s17], $0x1400  }
0x34: {  	[sflag:s17] =	ssyncset.done $0x0  }
0x35: {  	[sflag:s17] =	ssyncadd.s32 $0xFFFFEC00  }
0x36: {  	[spmem:s11] =	stream.linear.scatter [tilespmem:s19], [sflag:$0x9], $0x1400, $0x38;
	[tilespmem:$0x13A60] =	vst v63  }
0x37: {  	_ =	swait.ge [sflag:s17], $0x1400  }
0x38: {  	[sflag:s17] =	ssyncset.done $0x0  }
0x39: {  	[sflag:s17] =	ssyncadd.s32 $0xFFFFEC00  }
0x3a: {  	[spmem:s12] =	stream.linear.scatter [tilespmem:s19], [sflag:$0x9], $0x1400, $0x38;
	[tilespmem:$0x13A60] =	vst v63  }
0x3b: {  	_ =	swait.ge [sflag:s17], $0x1400  }
0x3c: {  	[sflag:s17] =	ssyncset.done $0x0  }
0x3d: {  	[sflag:s17] =	ssyncadd.s32 $0xFFFFEC00  }
0x3e: {  	[spmem:s13] =	stream.linear.scatter [tilespmem:s19], [sflag:$0x9], $0x1400, $0x38;
	[tilespmem:$0x13A60] =	vst v63  }
0x3f: {  	_ =	swait.ge [sflag:s17], $0x1400  }
0x40: {  	[sflag:s17] =	ssyncset.done $0x0  }
0x41: {  	[sflag:s17] =	ssyncadd.s32 $0xFFFFEC00  }
0x42: {  	[spmem:s14] =	stream.linear.scatter [tilespmem:s19], [sflag:$0x9], $0x1040, $0x38;
	[tilespmem:$0x13A60] =	vst v63  }
0x43: {  	_ =	swait.ge [sflag:s17], $0x1040  }
0x44: {  	[sflag:s17] =	ssyncset.done $0x0  }
0x45: {  	[sflag:s17] =	ssyncadd.s32 $0xFFFFEFC0  }
0x46: {  	s6 =	simm.s32 $0x0;
	[bflag:$0x0] =	sbarrier.arrive $0xFFFF  }
0x47: {  	[tilespmem:s19], [sflag:$0x1] =	stream.indirect.gather [hbm4b:s4+s20], $0x40, s6, s20, $0xb8;
	[tilespmem:$0x13A60] =	vst v63  }
0x48: {  	_ = 	snop  }
0x49: {  	[tilespmem:s21], [sflag:$0x2] =	stream.indirect.gather [hbm4b:s4+s20], $0x40, s20, s20, $0xb8;
	[tilespmem:$0x13A60] =	vst v63  }
0x4a: {  	_ =	swait.ge [sflag:s22], $0x1400  }
0x4b: {  	[sflag:s22] =	ssyncset.done $0x0  }
0x4c: {  	[sflag:s22] =	ssyncadd.s32 $0xFFFFEC00  }
0x4d: {  	[spmem:s2] =	stream.indirect.scatter.add.f32 [tilespmem:s19], [sflag:$0x5], $0x40, s18, s20, $0xb8;
	[tilespmem:$0x13A60] =	vst v63  }
0x4e: {  	s5 =	simm.s32 $0xA0  }
0x4f: {  	[tilespmem:s24], [sflag:$0x3] =	stream.indirect.gather [hbm4b:s4+s20], $0x40, s5, s20, $0xb8;
	[tilespmem:$0x13A60] =	vst v63  }
0x50: {  	_ =	swait.ge [sflag:s25], $0x1400  }
0x51: {  	[sflag:s25] =	ssyncset.done $0x0  }
0x52: {  	s6 =	simm.s32 $0x2760;
	[sflag:s25] =	ssyncadd.s32 $0xFFFFEC00  }
0x53: {  	[spmem:s2] =	stream.indirect.scatter.add.f32 [tilespmem:s21], [sflag:$0x6], $0x40, s6, s20, $0xb8;
	[tilespmem:$0x13A60] =	vst v63  }
0x54: {  	s5 =	simm.s32 $0xF0  }
0x55: {  	[tilespmem:s29], [sflag:$0x4] =	stream.indirect.gather [hbm4b:s4+s20], $0x40, s5, s20, $0xb8;
	[tilespmem:$0x13A60] =	vst v63  }
0x56: {  	_ =	swait.ge [sflag:s30], $0x1400  }
0x57: {  	[sflag:s30] =	ssyncset.done $0x0  }
0x58: {  	s6 =	simm.s32 $0x27B0;
	[sflag:s30] =	ssyncadd.s32 $0xFFFFEC00  }
0x59: {  	[spmem:s2] =	stream.indirect.scatter.add.f32 [tilespmem:s24], [sflag:$0x7], $0x40, s6, s20, $0xb8;
	[tilespmem:$0x13A60] =	vst v63  }
0x5a: {  	_ =	swait.ge [sflag:s31], $0x1400  }
0x5b: {  	[sflag:s31] =	ssyncset.done $0x0  }
0x5c: {  	s5 =	simm.s32 $0x140;
	[sflag:s31] =	ssyncadd.s32 $0xFFFFEC00  }
0x5d: {  	[tilespmem:s19], [sflag:$0x1] =	stream.indirect.gather [hbm4b:s4+s20], $0x40, s5, s20, $0xb8;
	[tilespmem:$0x13A60] =	vst v63  }
0x5e: {  	_ =	swait.ge [sflag:s0], $0x1400  }
0x5f: {  	[sflag:s0] =	ssyncset.done $0x0  }
0x60: {  	s6 =	simm.s32 $0x2800;
	[sflag:s0] =	ssyncadd.s32 $0xFFFFEC00  }
0x61: {  	[spmem:s2] =	stream.indirect.scatter.add.f32 [tilespmem:s29], [sflag:$0x8], $0x40, s6, s20, $0xb8;
	[tilespmem:$0x13A60] =	vst v63  }
0x62: {  	_ =	swait.ge [sflag:s1], $0x1400  }
0x63: {  	[sflag:s1] =	ssyncset.done $0x0  }
0x64: {  	s5 =	simm.s32 $0x190;
	[sflag:s1] =	ssyncadd.s32 $0xFFFFEC00  }
0x65: {  	[tilespmem:s21], [sflag:$0x2] =	stream.indirect.gather [hbm4b:s4+s20], $0x40, s5, s20, $0xb8;
	[tilespmem:$0x13A60] =	vst v63  }
0x66: {  	_ =	swait.ge [sflag:s22], $0x1400  }
0x67: {  	[sflag:s22] =	ssyncset.done $0x0  }
0x68: {  	s6 =	simm.s32 $0x2850;
	[sflag:s22] =	ssyncadd.s32 $0xFFFFEC00  }
0x69: {  	[spmem:s2] =	stream.indirect.scatter.add.f32 [tilespmem:s19], [sflag:$0x5], $0x40, s6, s20, $0xb8;
	[tilespmem:$0x13A60] =	vst v63  }
0x6a: {  	_ =	swait.ge [sflag:s23], $0x1400  }
0x6b: {  	[sflag:s23] =	ssyncset.done $0x0  }
0x6c: {  	s5 =	simm.s32 $0x1E0;
	[sflag:s23] =	ssyncadd.s32 $0xFFFFEC00  }
0x6d: {  	[tilespmem:s24], [sflag:$0x3] =	stream.indirect.gather [hbm4b:s4+s20], $0x40, s5, s20, $0xb8;
	[tilespmem:$0x13A60] =	vst v63  }
0x6e: {  	_ =	swait.ge [sflag:s25], $0x1400  }
0x6f: {  	[sflag:s25] =	ssyncset.done $0x0  }
0x70: {  	s6 =	simm.s32 $0x28A0;
	[sflag:s25] =	ssyncadd.s32 $0xFFFFEC00  }
0x71: {  	[spmem:s2] =	stream.indirect.scatter.add.f32 [tilespmem:s21], [sflag:$0x6], $0x40, s6, s20, $0xb8;
	[tilespmem:$0x13A60] =	vst v63  }
0x72: {  	_ =	swait.ge [sflag:s26], $0x1400  }
0x73: {  	[sflag:s26] =	ssyncset.done $0x0  }
0x74: {  	s3 =	simm.s32 $0x500;
	s5 =	simm.s32 $0x230;
	[sflag:s26] =	ssyncadd.s32 $0xFFFFEC00  }
.LBB2_4:
0x75: {  	[tilespmem:s29], [sflag:$0x4] =	stream.indirect.gather [hbm4b:s4+s20], $0x40, s5, s20, $0xb8;
	[tilespmem:$0x13A60] =	vst v63  }
0x76: {  	s5 =	smov.u32 s3;
	s3 =	sadd.s32 $0x500, s3;
	_ =	swait.ge [sflag:s30], $0x1400  }
0x77: {  	s5 =	sshra.s32 s5, $0x2;
	p0 =	sne.s32 s3, $0x9600;
	[sflag:s30] =	ssyncset.done $0x0  }
0x78: {  	s6 =	sadd.s32 $0x27B0, s5;
	[sflag:s30] =	ssyncadd.s32 $0xFFFFEC00  }
0x79: {  	[spmem:s2] =	stream.indirect.scatter.add.f32 [tilespmem:s24], [sflag:$0x7], $0x40, s6, s20, $0xb8;
	[tilespmem:$0x13A60] =	vst v63  }
0x7a: {  	_ =	swait.ge [sflag:s31], $0x1400  }
0x7b: {  	[sflag:s31] =	ssyncset.done $0x0  }
0x7c: {  	s6 =	sadd.s32 $0x140, s5;
	[sflag:s31] =	ssyncadd.s32 $0xFFFFEC00  }
0x7d: {  	[tilespmem:s19], [sflag:$0x1] =	stream.indirect.gather [hbm4b:s4+s20], $0x40, s6, s20, $0xb8;
	[tilespmem:$0x13A60] =	vst v63  }
0x7e: {  	_ =	swait.ge [sflag:s0], $0x1400  }
0x7f: {  	[sflag:s0] =	ssyncset.done $0x0  }
0x80: {  	s6 =	sadd.s32 $0x2800, s5;
	[sflag:s0] =	ssyncadd.s32 $0xFFFFEC00  }
0x81: {  	[spmem:s2] =	stream.indirect.scatter.add.f32 [tilespmem:s29], [sflag:$0x8], $0x40, s6, s20, $0xb8;
	[tilespmem:$0x13A60] =	vst v63  }
0x82: {  	_ =	swait.ge [sflag:s1], $0x1400  }
0x83: {  	[sflag:s1] =	ssyncset.done $0x0  }
0x84: {  	s6 =	sadd.s32 $0x190, s5;
	[sflag:s1] =	ssyncadd.s32 $0xFFFFEC00  }
0x85: {  	[tilespmem:s21], [sflag:$0x2] =	stream.indirect.gather [hbm4b:s4+s20], $0x40, s6, s20, $0xb8;
	[tilespmem:$0x13A60] =	vst v63  }
0x86: {  	_ =	swait.ge [sflag:s22], $0x1400  }
0x87: {  	[sflag:s22] =	ssyncset.done $0x0  }
0x88: {  	s6 =	sadd.s32 $0x2850, s5;
	[sflag:s22] =	ssyncadd.s32 $0xFFFFEC00  }
0x89: {  	[spmem:s2] =	stream.indirect.scatter.add.f32 [tilespmem:s19], [sflag:$0x5], $0x40, s6, s20, $0xb8;
	[tilespmem:$0x13A60] =	vst v63  }
0x8a: {  	_ =	swait.ge [sflag:s23], $0x1400  }
0x8b: {  	[sflag:s23] =	ssyncset.done $0x0  }
0x8c: {  	s6 =	sadd.s32 $0x1E0, s5;
	[sflag:s23] =	ssyncadd.s32 $0xFFFFEC00  }
0x8d: {  	[tilespmem:s24], [sflag:$0x3] =	stream.indirect.gather [hbm4b:s4+s20], $0x40, s6, s20, $0xb8;
	[tilespmem:$0x13A60] =	vst v63  }
0x8e: {  	_ =	swait.ge [sflag:s25], $0x1400  }
0x8f: {  	[sflag:s25] =	ssyncset.done $0x0  }
.Ltmp1:
0x90: {  	s6 =	sadd.s32 $0x28A0, s5;
	[sflag:s25] =	ssyncadd.s32 $0xFFFFEC00;
	(pc) =	sbr.rel @p0 .LBB2_4-.Ltmp1, $4  }
0x91: {  	[spmem:s2] =	stream.indirect.scatter.add.f32 [tilespmem:s21], [sflag:$0x6], $0x40, s6, s20, $0xb8;
	[tilespmem:$0x13A60] =	vst v63  }
0x92: {  	_ =	swait.ge [sflag:s26], $0x1400  }
0x93: {  	[sflag:s26] =	ssyncset.done $0x0  }
0x94: {  	s5 =	sadd.s32 $0x230, s5;
	[sflag:s26] =	ssyncadd.s32 $0xFFFFEC00  }
0x95: {  	[tilespmem:s29], [sflag:$0x4] =	stream.indirect.gather [hbm4b:s4+s20], $0x40, s5, s20, $0xb8;
	[tilespmem:$0x13A60] =	vst v63  }
0x96: {  	_ =	swait.ge [sflag:s30], $0x1400  }
0x97: {  	s3 =	sshra.s32 s3, $0x2;
	[sflag:s30] =	ssyncset.done $0x0  }
0x98: {  	s6 =	sadd.s32 $0x27B0, s3;
	[sflag:s30] =	ssyncadd.s32 $0xFFFFEC00  }
0x99: {  	[spmem:s2] =	stream.indirect.scatter.add.f32 [tilespmem:s24], [sflag:$0x7], $0x40, s6, s20, $0xb8;
	[tilespmem:$0x13A60] =	vst v63  }
0x9a: {  	_ =	swait.ge [sflag:s31], $0x1400  }
0x9b: {  	[sflag:s31] =	ssyncset.done $0x0  }
0x9c: {  	s6 =	sadd.s32 $0x140, s3;
	[sflag:s31] =	ssyncadd.s32 $0xFFFFEC00  }
0x9d: {  	[tilespmem:s19], [sflag:$0x1] =	stream.indirect.gather [hbm4b:s4+s20], $0x40, s6, s20, $0xb8;
	[tilespmem:$0x13A60] =	vst v63  }
0x9e: {  	_ =	swait.ge [sflag:s0], $0x1400  }
0x9f: {  	[sflag:s0] =	ssyncset.done $0x0  }
0xa0: {  	s6 =	sadd.s32 $0x2800, s3;
	[sflag:s0] =	ssyncadd.s32 $0xFFFFEC00  }
0xa1: {  	[spmem:s2] =	stream.indirect.scatter.add.f32 [tilespmem:s29], [sflag:$0x8], $0x40, s6, s20, $0xb8;
	[tilespmem:$0x13A60] =	vst v63  }
0xa2: {  	_ =	swait.ge [sflag:s1], $0x1400  }
0xa3: {  	[sflag:s1] =	ssyncset.done $0x0  }
0xa4: {  	[sflag:s1] =	ssyncadd.s32 $0xFFFFEC00  }
0xa5: {  	_ =	swait.ge [sflag:s22], $0x1400  }
0xa6: {  	[sflag:s22] =	ssyncset.done $0x0  }
0xa7: {  	s3 =	sadd.s32 $0x2850, s3;
	[sflag:s22] =	ssyncadd.s32 $0xFFFFEC00  }
0xa8: {  	[spmem:s2] =	stream.indirect.scatter.add.f32 [tilespmem:s19], [sflag:$0x5], $0x40, s3, s20, $0xb8;
	[tilespmem:$0x13A60] =	vst v63  }
0xa9: {  	_ =	swait.ge [sflag:s23], $0x1400  }
0xaa: {  	[sflag:s23] =	ssyncset.done $0x0  }
0xab: {  	[sflag:s23] =	ssyncadd.s32 $0xFFFFEC00  }
0xac: {  	_ =	swait.ge [sflag:s26], $0x1400  }
0xad: {  	[sflag:s26] =	ssyncset.done $0x0  }
0xae: {  	[sflag:s26] =	ssyncadd.s32 $0xFFFFEC00  }
0xaf: {  	s28 =	sadd.s32 $0x1, s28;
	_ =	swait.ge [sflag:s31], $0x1400  }
0xb0: {  	s5 =	stileid.u32;
	p0 =	sne.s32 s28, s16;
	[sflag:s31] =	ssyncset.done $0x0  }
0xb1: {  	s6 =	sshrl.u32 s7, $0x3;
	s3 =	sshll.u32 s5, $0x6;
	[sflag:s31] =	ssyncadd.s32 $0xFFFFEC00  }
.Ltmp2:
0xb2: {  	s3 =	sor.u32 $0x1C09, s3;
	[bflag:$0x0] =	sbarrier.arrive $0xFFFF;
	(pc) =	sbr.rel @p0 .LBB2_1-.Ltmp2, $4  }
0xb3: {  	[hbm:s15], [sflag:s3] =	dma.local [spmem:s6], $0x1388  }
0xb4: {  	_ =	swait.ge [sflag:s17], $0x1388  }
0xb5: {  	[sflag:s17] =	ssyncset.done $0x0  }
0xb6: {  	[sflag:s17] =	ssyncadd.s32 $0xFFFFEC78  }
0xb7: {  	_ =	sfence.sel $0x180000  }
0xb8: {  	[bflag:$0x0] =	sbarrier.arrive $0xFFFF  }
0xb9: {  	_ =	strace $0x9000004A  }
0xba: {  	s0 =	stileid.u32;
	[bflag:$0x2] =	sbarrier.arrive $0xFFFF  }
0xbb: {  	p0 =	sne.s32 s0, $0x0;
	s0 =	rddreg [dreg:$0x2]  }
0xbc: {  	s0 =	sadd.s32 @!p0 $0x100000, s0  }
0xbd: {  	[sflag:s0] =	ssyncadd.tile.s32 @!p0 $0x1;
	_ =	shalt  }
.Lfunc_end2:
_tile_overlayer_lowered:
.L_overlay_start_2:
0xbe: {  	(tag) =	ssettag $0x2  }
0xbf: {  	s0 =	rddreg [dreg:$0x0];
	s2 =	stileid.u32  }
0xc0: {  	s1 =	rddreg [dreg:$0x1];
	p0 =	sne.s32 s2, $0x0  }
0xc1: {  	s3 =	rddreg [dreg:$0x2];
	[bflag:$0x3] =	sbarrier.arrive $0xFFFF;
	s2 =	simm.s32 @!p0 $0x1C09  }
0xc2: {  	[timem:s3], [sflag:s2] =	dma.local @!p0 [hbm:s0], s1  }
0xc3: {  	s0 =	simm.s32 @!p0 $0x9  }
0xc4: {  	_ =	swait.ge @!p0 [sflag:s0], s1  }
0xc5: {  	s1 =	ssub.s32 @!p0 $0x0, s1;
	[sflag:s0] =	ssyncset.done @!p0 $0x0  }
0xc6: {  	[sflag:s0] =	ssyncadd.s32 @!p0 s1  }
0xc7: {  	[bflag:$0x3] =	sbarrier.arrive $0xFFFF  }
0xc8: {  	_ =	shalt  }

// kernel: kernel.8.cloned.1.call-start
scs
__scs_entry_jumppad:
0x0: {  	(pc) =	sbr.rel $0x88, $3  }
0x1: {  	(tag) =	ssettag $0x0;
	lr =	simm.s32 $0x1  }
0x2: {  	[smem:$0x3F90] =	sst lr;
	_ =	strace $0xD0000000  }
0x3: {  	_ = 	snop  }
0x4: {  	_ = 	snop  }
0x5: {  	_ = 	snop  }
0x6: {  	_ = 	snop  }
0x7: {  	_ = 	snop  }
__scs_overlays_trampoline_lowered:
0x8: {  	[smem:$0x3F9F] =	sst s0  }
0x9: {  	[smem:$0x3FA0] =	sst s1  }
0xa: {  	[smem:$0x3FA1] =	sst s2  }
0xb: {  	[smem:$0x3FA2] =	sst s3  }
0xc: {  	[smem:$0x3FA3] =	sst s4  }
0xd: {  	[smem:$0x3FA4] =	sst s5  }
0xe: {  	[smem:$0x3FA5] =	sst s6  }
0xf: {  	[smem:$0x3FA6] =	sst s7  }
0x10: {  	[smem:$0x3FA7] =	sst s8  }
0x11: {  	[smem:$0x3FA8] =	sst s9;
	s0 =	simm.s32 @!p0 $0x0  }
0x12: {  	s1 =	sld [smem:$0x3F8E];
	s0 =	simm.s32 @p0 $0x1  }
0x13: {  	[smem:$0x3FA9] =	sst s0;
	s0 =	simm.s32 @!p1 $0x0  }
0x14: {  	s2 =	sld [smem:$0x3F8D];
	s0 =	simm.s32 @p1 $0x1  }
0x15: {  	[smem:$0x3FAA] =	sst s0;
	s0 =	simm.s32 @!p2 $0x0  }
0x16: {  	s3 =	sld [smem:$0x3FDB];
	s0 =	simm.s32 @p2 $0x1  }
0x17: {  	s4 =	simm.s32 $0x1BF5;
	[smem:$0x3FAC] =	sst s0  }
0x18: {  	s0 =	sld [smem:$0x3F8F];
	_ =	swait.ge [sflag:s4], $0x0  }
0x19: {  	s7 =	sld [smem:$0x3F90]  }
0x1a: {  	s8 =	sadd.s32 $0xFFFFE003, lr  }
0x1b: {  	s9 =	sadd.s32 $0xFFFFFEF7, lr;
	s5 =	simm.s32 $0xFFFFFFFF;
	p2 =	slt.u32 s8, $0xFFFFF086  }
0x1c: {  	p1 =	slt.u32 s9, $0xF7A;
	s5 =	simm.s32 @!p2 $0x0  }
0x1d: {  	s5 =	simm.s32 @p1 $0x1;
	p0 =	seq.s32 s7, s2  }
0x1e: {  	s7 =	smul.u32 @!p0 $0xF7A, s2;
	p2 =	seq.s32 @!p0 s5, $0x0  }
0x1f: {  	s9 =	smul.u32 $0xF7A, s1;
	s8 =	simm.s32 @!p0 $0x1BF5;
	p2 =	por !p2, p0  }
0x20: {  	[sflag:s8] =	ssyncset.s32 @!p0 $0xFFFFF086;
	s6 =	sadd.s32 @!p0 s3, s7;
	s7 =	simm.s32 @!p0 $0x108  }
0x21: {  	s3 =	sadd.s32 s3, s9;
	s6 =	sadd.s32 @!p0 $0x88, s6;
	s7 =	simm.s32 @p2 $0x1082  }
0x22: {  	[simem:s7], [sflag:s8] =	dma.local @!p0 [hbm:s6], $0xF7A  }
0x23: {  	s9 =	sor.u32 $0xD0000000, s2;
	s6 =	simm.s32 $0x108;
	_ =	swait.ge @!p0 [sflag:s8], $0x0  }
0x24: {  	s3 =	sadd.s32 $0x88, s3;
	s6 =	simm.s32 @!p1 $0x1082;
	[sflag:s4] =	ssyncset.s32 $0xFFFFF086  }
0x25: {  	[simem:s6], [sflag:s4] =	dma.local [hbm:s3], $0xF7A  }
0x26: {  	[smem:$0x3F90] =	sst s1;
	(tag) =	ssettag s2;
	_ =	strace s9  }
0x27: {  	s1 =	sld [smem:$0x3FA0]  }
0x28: {  	s2 =	sld [smem:$0x3FA1]  }
0x29: {  	s4 =	sld [smem:$0x3FA3]  }
0x2a: {  	p0 =	seq.s32 s5, $0x0;
	s5 =	sld [smem:$0x3FA4]  }
0x2b: {  	s6 =	sld [smem:$0x3FA5]  }
0x2c: {  	s7 =	sld [smem:$0x3FA6]  }
0x2d: {  	s3 =	simm.s32 $0x108;
	s8 =	sld [smem:$0x3FA7]  }
0x2e: {  	s3 =	simm.s32 @!p0 $0x1082;
	s9 =	sld [smem:$0x3FA8]  }
0x2f: {  	lr =	sadd.s32 s0, s3;
	s0 =	sld [smem:$0x3F9F]  }
0x30: {  	s3 =	sld [smem:$0x3FA2]  }
0x31: {  	[smem:$0x3FAB] =	sst s10  }
0x32: {  	s10 =	sld [smem:$0x3FA9];
	_ =	sdelay $0x3  }
0x33: {  	p0 =	seq.s32 s10, $0x1;
	s10 =	sld [smem:$0x3FAB];
	_ =	sdelay $0x3  }
0x34: {  	[smem:$0x3FAB] =	sst s10  }
0x35: {  	s10 =	sld [smem:$0x3FAA];
	_ =	sdelay $0x3  }
0x36: {  	p1 =	seq.s32 s10, $0x1;
	s10 =	sld [smem:$0x3FAB];
	_ =	sdelay $0x3  }
0x37: {  	[smem:$0x3FAB] =	sst s10  }
0x38: {  	s10 =	sld [smem:$0x3FAC]  }
0x39: {  	_ = 	snop;
	(pc) =	sbr.ind lr, $3  }
0x3a: {  	_ = 	snop  }
0x3b: {  	_ = 	snop  }
0x3c: {  	p2 =	seq.s32 s10, $0x1;
	s10 =	sld [smem:$0x3FAB]  }
0x3d: {  	_ =	shalt  }
0x3e: {  	_ =	shalt  }
0x3f: {  	_ =	shalt  }
0x40: {  	_ =	shalt  }
0x41: {  	_ =	shalt  }
0x42: {  	_ =	shalt  }
0x43: {  	_ =	shalt  }
0x44: {  	_ =	shalt  }
0x45: {  	_ =	shalt  }
0x46: {  	_ =	shalt  }
0x47: {  	_ =	shalt  }
0x48: {  	_ =	shalt  }
0x49: {  	_ =	shalt  }
0x4a: {  	_ =	shalt  }
0x4b: {  	_ =	shalt  }
0x4c: {  	_ =	shalt  }
0x4d: {  	_ =	shalt  }
0x4e: {  	_ =	shalt  }
0x4f: {  	_ =	shalt  }
0x50: {  	_ =	shalt  }
0x51: {  	_ =	shalt  }
0x52: {  	_ =	shalt  }
0x53: {  	_ =	shalt  }
0x54: {  	_ =	shalt  }
0x55: {  	_ =	shalt  }
0x56: {  	_ =	shalt  }
0x57: {  	_ =	shalt  }
0x58: {  	_ =	shalt  }
0x59: {  	_ =	shalt  }
0x5a: {  	_ =	shalt  }
0x5b: {  	_ =	shalt  }
0x5c: {  	_ =	shalt  }
0x5d: {  	_ =	shalt  }
0x5e: {  	_ =	shalt  }
0x5f: {  	_ =	shalt  }
0x60: {  	_ =	shalt  }
0x61: {  	_ =	shalt  }
0x62: {  	_ =	shalt  }
0x63: {  	_ =	shalt  }
0x64: {  	_ =	shalt  }
0x65: {  	_ =	shalt  }
0x66: {  	_ =	shalt  }
0x67: {  	_ =	shalt  }
0x68: {  	_ =	shalt  }
0x69: {  	_ =	shalt  }
0x6a: {  	_ =	shalt  }
0x6b: {  	_ =	shalt  }
0x6c: {  	_ =	shalt  }
0x6d: {  	_ =	shalt  }
0x6e: {  	_ =	shalt  }
0x6f: {  	_ =	shalt  }
0x70: {  	_ =	shalt  }
0x71: {  	_ =	shalt  }
0x72: {  	_ =	shalt  }
0x73: {  	_ =	shalt  }
0x74: {  	_ =	shalt  }
0x75: {  	_ =	shalt  }
0x76: {  	_ =	shalt  }
0x77: {  	_ =	shalt  }
0x78: {  	_ =	shalt  }
0x79: {  	_ =	shalt  }
0x7a: {  	_ =	shalt  }
0x7b: {  	_ =	shalt  }
0x7c: {  	_ =	shalt  }
0x7d: {  	_ =	shalt  }
0x7e: {  	_ =	shalt  }
0x7f: {  	_ =	shalt  }
0x80: {  	_ =	shalt  }
0x81: {  	_ =	shalt  }
0x82: {  	_ =	shalt  }
0x83: {  	_ =	shalt  }
0x84: {  	_ =	shalt  }
0x85: {  	_ =	shalt  }
0x86: {  	_ =	shalt  }
0x87: {  	_ =	shalt  }
.Lfunc_end0:
.L_simem_size_0:
called_computation_lowered:
.L_overlay_start_0:
0x88: {  	s2 =	sld [smem:$0x3FD9]  }
0x89: {  	s3 =	sld [smem:$0x3FFE];
	_ =	sdelay $0x1  }
0x8a: {  	s1 =	srdreg.scid  }
0x8b: {  	s0 =	sand.u32 $0x1, s1  }
0x8c: {  	s17 =	sshll.u32 s0, $0xA;
	s2 =	sadd.s32 s3, s2  }
0x8d: {  	s2 =	sadd.s32 s2, s17  }
0x8e: {  	[smem:$0x3FB7] =	sst s2  }
0x8f: {  	_ = 	snop  }
0x90: {  	s2 =	sld [smem:$0x3FC9];
	(tm) =	ssettm $0x1  }
0x91: {  	s18 =	sld [smem:$0x3FFB];
	_ =	sdelay $0x3  }
0x92: {  	_ =	strace s18  }
0x93: {  	s3 =	sld [smem:$0x3FFC];
	_ =	sdelay $0x3  }
0x94: {  	_ =	strace s3  }
0x95: {  	s3 =	sld [smem:$0x3FFD];
	_ =	sdelay $0x3  }
0x96: {  	_ =	strace s3  }
0x97: {  	_ =	strace $0x8FFFFFFF  }
0x98: {  	s19 =	sld [smem:$0x3FDB];
	_ =	sdelay $0x1  }
0x99: {  	s4 =	simm.s32 $_scs_section_size  }
0x9a: {  	s5 =	simm.s32 $_size__tile_overlayer_lowered;
	s6 =	simm.s32 $_tile_overlayer_lowered  }
0x9b: {  	s22 =	simm.s32 $0x1BFF;
	s21 =	sshll.u32 s6, $0x1;
	s3 =	sadd.s32 s4, s19  }
0x9c: {  	s7 =	simm.s32 $0x0;
	s20 =	sshll.u32 s5, $0x1;
	s5 =	sadd.s32 s21, s3  }
0x9d: {  	[timem:s7], [sflag:s22] =	dma.local [hbm:s5], s20  }
0x9e: {  	_ =	swait.ge [sflag:s22], s20  }
0x9f: {  	s4 =	ssub.s32 $0x0, s20;
	[sflag:s22] =	ssyncset.done $0x0  }
0xa0: {  	[sflag:s22] =	ssyncadd.s32 s4;
	_ =	sdelay $0x1  }
0xa1: {  	s23 =	simm.s32 $0x1B8B  }
0xa2: {  	_ =	swait.ge [sflag:s23], $0x1  }
0xa3: {  	[sflag:s23] =	ssyncset.done $0x0  }
0xa4: {  	s25 =	simm.s32 $0x1B8E;
	s24 =	sld [smem:$0x3FFE];
	[sflag:s23] =	ssyncadd.s32 $0xFFFFFFFF  }
0xa5: {  	s26 =	simm.s32 $execute0_lowered;
	[smem:$0x3FD2] =	sst s25  }
0xa6: {  	s5 =	sshll.u32 s26, $0x1;
	_ =	strace $0x80000046;
	[dreg:$0x1] =	wrdreg $0xFFFFFFFF  }
0xa7: {  	s28 =	simm.s32 $_size_execute0_lowered;
	s3 =	sadd.s32 s3, s5;
	[dreg:$0x0] =	wrdreg $0x0  }
0xa8: {  	s5 =	sshll.u32 s28, $0x1;
	[dreg:$0x2] =	wrdreg s3  }
0xa9: {  	[dreg:$0x3] =	wrdreg s5  }
0xaa: {  	[dreg:$0x4] =	wrdreg $0xC0  }
0xab: {  	_ =	task [dreg:s7], $0x5FFFF  }
0xac: {  	[dreg:$0x1] =	wrdreg $0xFFFFFFFF  }
0xad: {  	[dreg:$0x0] =	wrdreg $0x60  }
0xae: {  	[dreg:$0x2] =	wrdreg s2  }
0xaf: {  	[dreg:$0x3] =	wrdreg s24  }
0xb0: {  	[dreg:$0x4] =	wrdreg $0x161700  }
0xb1: {  	[dreg:$0x5] =	wrdreg $0x9  }
0xb2: {  	_ =	task.clear_ibuf [dreg:s7], $0x6FFFF;
	_ =	strace $0x90000046  }
0xb3: {  	s29 =	simm.s32 $0x9;
	_ =	strace $0x80000048  }
0xb4: {  	_ =	swait.ge [sflag:s29], $0x1  }
0xb5: {  	[sflag:s29] =	ssyncadd.s32 $0xFFFFFFFF  }
0xb6: {  	_ =	strace $0x90000048  }
0xb7: {  	_ =	sfence  }
0xb8: {  	s30 =	sld [smem:$0x0];
	_ =	sdelay $0x2  }
0xb9: {  	s31 =	sshll.u32 s1, $0xD;
	s1 =	sshrl.u32 s1, $0x2  }
0xba: {  	s3 =	sand.u32 $0x4000, s31;
	s1 =	sadd.s32 s1, s30  }
0xbb: {  	s0 =	sor.u32 s3, s0;
	s1 =	sshll.u32 s1, $0x11  }
0xbc: {  	s0 =	sor.u32 s1, s0  }
0xbd: {  	s0 =	sadd.s32 $0x8F2B, s0  }
0xbe: {  	[sflag:s0] =	ssyncadd.remote.s32 $0x1  }
0xbf: {  	_ =	sfence.sel $0xFFFF  }
0xc0: {  	[dreg:$0x0] =	wrdreg $0xFFFFFFFF;
	(pc) =	sbr.abs _section_cstart, $3  }
0xc1: {  	[dreg:$0x1] =	wrdreg $0xFFFFFFFF  }
0xc2: {  	_ =	task.clear_ibuf [dreg:s7], $0x2FFFF;
	_ =	strace $0x9FFFFFFF  }
0xc3: {  	(tm) =	ssettm $0x7FFFFFFF  }
tec
execute0_lowered:
.L_overlay_start_1:
0x0: {  	(tag) =	ssettag $0x1  }
0x1: {  	s1 =	rddreg [dreg:$0x0]  }
0x2: {  	s0 =	rddreg [dreg:$0x1]  }
0x3: {  	s9 =	stileid.u32;
	s2 =	srdreg.scid  }
0x4: {  	s3 =	rddreg [dreg:$0x2];
	s17 =	smul.u32 $0x9C40, s9  }
0x5: {  	s6 =	simm.s32 $0x0;
	s29 =	simm.s32 $0x11260;
	s18 =	smul.u32 $0x9C4, s9  }
0x6: {  	s30 =	simm.s32 $0x13A60;
	s31 =	simm.s32 $0x2;
	s7 =	smul.u32 $0x4E2, s9  }
0x7: {  	s28 =	simm.s32 $0x5;
	s4 =	sand.u32 $0x1, s2;
	s9 =	smul.u32 $0x27100, s9  }
0x8: {  	[smem:$0x7FF] =	sst s6;
	s2 =	simm.s32 $0x6;
	s5 =	smul.u32 $0x9C400, s4  }
0x9: {  	_ =	strace $0x80000047;
	s8 =	ssub.s32 $0x2, s4;
	p0 =	sne.s32 s4, $0x0  }
0xa: {  	s6 =	sadd.s32 s18, s0;
	s10 =	sshrl.u32 s8, $0x1;
	s20 =	sshrl.u32 s9, $0x2  }
0xb: {  	s5 =	sadd.s32 s17, s5;
	s19 =	ssub.s32 s8, s10;
	s21 =	sadd.s32 $0xD200, s6  }
0xc: {  	s6 =	sadd.s32 $0x3400, s6;
	s22 =	sadd.s32 s20, s3;
	s8 =	sadd.s32 s17, s3  }
0xd: {  	s20 =	simm.s32 $0x9C40;
	s5 =	sshrl.u32 s5, $0x3;
	[dreg:$0x4] =	wrdreg s21  }
0xe: {  	[dreg:$0x5] =	wrdreg s6;
	s23 =	sadd.s32 $0x1400, s22;
	s24 =	sadd.s32 $0x2800, s22  }
0xf: {  	s25 =	sadd.s32 $0x3C00, s22;
	s26 =	sadd.s32 $0x5000, s22;
	s13 =	sadd.s32 $0x6400, s22  }
0x10: {  	s14 =	sadd.s32 $0x7800, s22;
	s15 =	sadd.s32 $0x8C00, s22;
	s18 =	smax.u32 s19, $0x1  }
.Ltmp0:
0x11: {  	s19 =	simm.s32 $0x9;
	[dreg:$0x6] =	wrdreg s23;
	(pc) =	sbr.rel .LBB2_1-.Ltmp0, $4  }
0x12: {  	s21 =	simm.s32 $0xEA60;
	s22 =	simm.s32 $0x50;
	[dreg:$0x7] =	wrdreg s24  }
0x13: {  	s5 =	sadd.s32 s5, s0;
	s0 =	sadd.s32 s7, s0;
	[dreg:$0x8] =	wrdreg s25  }
0x14: {  	[dreg:$0x9] =	wrdreg s26;
	s25 =	simm.s32 $0xFE60;
	s26 =	simm.s32 $0x1  }
0x15: {  	v1 =	vimm.f32 $0.0e+00;
	v2 =	vimm.f32 $1.000000000e+00;
	v0 =	vmov s4;
	s23 =	simm.s32 $0x0;
	s16 =	sadd.s32 $0x17000, s5;
	s17 =	sadd.s32 $0x3E200, s0  }
.LBB2_18:
0x16: {  	s0 =	stileid.u32  }
0x17: {  	s0 =	sshll.u32 s0, $0x6  }
0x18: {  	[bflag:$0x0] =	sbarrier.arrive $0xFFFF;
	s5 =	sshrl.u32 s8, $0x3;
	s0 =	sor.u32 $0x1C09, s0  }
0x19: {  	[hbm:s16], [sflag:s0] =	dma.local [spmem:s5], $0x1388  }
0x1a: {  	s23 =	sadd.s32 $0x1, s23;
	_ =	swait.ge [sflag:s19], $0x1388  }
0x1b: {  	p1 =	sne.s32 s23, s18;
	[sflag:s19] =	ssyncset.done $0x0  }
0x1c: {  	s0 =	simm.s32 @!p0 $0x0;
	s5 =	simm.s32 @!p0 $0x13A60;
	[sflag:s19] =	ssyncadd.s32 $0xFFFFEC78  }
0x1d: {  	[hbm4b:s17+s0] =	stream.linear.scatter @!p0 [tilespmem:s5], [sflag:$0x9], $0x2710, $0x38;
	[tilespmem:$0x1FDB0] =	vst v63  }
.Ltmp1:
0x1e: {  	_ = 	snop;
	(pc) =	sbr.rel @!p1 .LBB2_19-.Ltmp1, $4  }
0x1f: {  	s0 =	simm.s32 @!p0 $0x9  }
0x20: {  	_ =	swait.ge @!p0 [sflag:s0], $0x2710  }
0x21: {  	[sflag:s0] =	ssyncset.done @!p0 $0x0  }
0x22: {  	[sflag:s0] =	ssyncadd.s32 @!p0 $0xFFFFD8F0  }
.LBB2_1:
0x23: {  	s0 =	simm.s32 $0x0;
	s5 =	rddreg [dreg:$0x4]  }
0x24: {  	[tilespmem:s0], [sflag:$0x9] =	stream.linear.gather [hbm4b:s5+s0], $0x4E20, $0x38;
	[tilespmem:$0x1FDB0] =	vst v63  }
0x25: {  	_ =	swait.ge [sflag:s19], $0x4E20  }
0x26: {  	[sflag:s19] =	ssyncset.done $0x0  }
0x27: {  	s24 =	rddreg [dreg:$0x5];
	[sflag:s19] =	ssyncadd.s32 $0xFFFFB1E0  }
0x28: {  	[tilespmem:s20], [sflag:$0x9] =	stream.linear.gather [hbm4b:s24+s0], $0x4E20, $0x38;
	[tilespmem:$0x1FDB0] =	vst v63  }
0x29: {  	_ =	swait.ge [sflag:s19], $0x4E20  }
0x2a: {  	[sflag:s19] =	ssyncset.done $0x0  }
0x2b: {  	s5 =	simm.s32 $0x0;
	[sflag:s19] =	ssyncadd.s32 $0xFFFFB1E0  }
0x2c: {  	v3 =	vld [tilespmem:s5+$0x40]  }
0x2d: {  	v4 =	vld [tilespmem:s5+$0x0]  }
0x2e: {  	v7 =	vld [tilespmem:s5+$0x10]  }
0x2f: {  	v8 =	vld [tilespmem:s5+$0x20]  }
0x30: {  	v9 =	vld [tilespmem:s5+$0x30]  }
0x31: {  	s0 =	simm.s32 $0x50;
	v5 =	vshll.u32 v3, $0x1  }
0x32: {  	v3 =	vld [tilespmem:s0+$0x40];
	v4 =	vshll.u32 v4, $0x1;
	v5 =	vor.u32 v0, v5  }
0x33: {  	v6 =	vld [tilespmem:s0+$0x0];
	v7 =	vshll.u32 v7, $0x1;
	v4 =	vor.u32 v0, v4;
	[tilespmem:s5+$0x4E60] =	vst v5  }
0x34: {  	v8 =	vshll.u32 v8, $0x1;
	v7 =	vor.u32 v0, v7;
	v5 =	vld [tilespmem:s0+$0x10];
	[tilespmem:s5+$0x4E20] =	vst v4  }
0x35: {  	v9 =	vshll.u32 v9, $0x1;
	v8 =	vor.u32 v0, v8;
	v4 =	vld [tilespmem:s0+$0x20];
	[tilespmem:s5+$0x4E30] =	vst v7  }
0x36: {  	s6 =	simm.s32 $0x280;
	v7 =	vld [tilespmem:s0+$0x30];
	[tilespmem:s5+$0x4E40] =	vst v8;
	v8 =	vor.u32 v0, v9  }
.LBB2_2:
0x37: {  	s7 =	sshra.s32 s6, $0x2;
	p1 =	sne.s32 s6, $0x13740;
	s6 =	sadd.s32 $0x140, s6;
	v9 =	vshll.u32 v3, $0x1;
	[tilespmem:s5+$0x4E50] =	vst v8  }
.Ltmp2:
0x38: {  	s5 =	smov.u32 s0;
	v3 =	vld [tilespmem:s7+$0x40];
	v8 =	vshll.u32 v6, $0x1;
	v9 =	vor.u32 v0, v9;
	s0 =	smov.u32 s7;
	(pc) =	sbr.rel @p1 .LBB2_2-.Ltmp2, $4  }
0x39: {  	v6 =	vld [tilespmem:s0+$0x0];
	v8 =	vor.u32 v0, v8;
	v10 =	vshll.u32 v5, $0x1;
	[tilespmem:s5+$0x4E60] =	vst v9  }
0x3a: {  	v5 =	vld [tilespmem:s0+$0x10];
	[tilespmem:s5+$0x4E20] =	vst v8;
	v8 =	vor.u32 v0, v10;
	v9 =	vshll.u32 v4, $0x1  }
0x3b: {  	v4 =	vld [tilespmem:s0+$0x20];
	[tilespmem:s5+$0x4E30] =	vst v8;
	v8 =	vor.u32 v0, v9;
	v9 =	vshll.u32 v7, $0x1  }
0x3c: {  	v7 =	vld [tilespmem:s0+$0x30];
	[tilespmem:s5+$0x4E40] =	vst v8;
	v8 =	vor.u32 v0, v9  }
0x3d: {  	v3 =	vshll.u32 v3, $0x1  }
0x3e: {  	[tilespmem:s5+$0x4E50] =	vst v8;
	v6 =	vshll.u32 v6, $0x1;
	v3 =	vor.u32 v0, v3  }
0x3f: {  	v6 =	vor.u32 v0, v6;
	v5 =	vshll.u32 v5, $0x1;
	[tilespmem:s0+$0x4E60] =	vst v3  }
0x40: {  	[tilespmem:s0+$0x4E20] =	vst v6;
	v3 =	vor.u32 v0, v5;
	v4 =	vshll.u32 v4, $0x1  }
0x41: {  	[tilespmem:s0+$0x4E30] =	vst v3;
	v3 =	vor.u32 v0, v4;
	v63 =	vshll.u32 v7, $0x1  }
0x42: {  	[tilespmem:s0+$0x4E40] =	vst v3;
	v3 =	vor.u32 v0, v63  }
0x43: {  	s5 =	simm.s32 $0x100;
	[tilespmem:s0+$0x4E50] =	vst v3;
	s0 =	simm.s32 $0x0  }
.LBB2_4:
0x44: {  	p1 =	sne.s32 s5, $0x4F00;
	[tilespmem:s0+$0xEA90] =	vst v1;
	s6 =	smov.u32 s5;
	s5 =	sadd.s32 $0x100, s5  }
.Ltmp3:
0x45: {  	[tilespmem:s0+$0xEA80] =	vst v1;
	(pc) =	sbr.rel @p1 .LBB2_4-.Ltmp3, $3  }
0x46: {  	[tilespmem:s0+$0xEA60] =	vst v1  }
0x47: {  	[tilespmem:s0+$0xEA70] =	vst v1;
	_ =	sdelay $0x1  }
0x48: {  	s0 =	sshra.s32 s6, $0x2  }
0x49: {  	[tilespmem:s0+$0xEA90] =	vst v1  }
0x4a: {  	[tilespmem:s0+$0xEA80] =	vst v1  }
0x4b: {  	[tilespmem:s0+$0xEA60] =	vst v1  }
0x4c: {  	[tilespmem:s0+$0xEA70] =	vst v1  }
0x4d: {  	[spmem:s8] =	stream.linear.scatter [tilespmem:s21], [sflag:$0x9], $0x1400, $0x38;
	[tilespmem:$0x1FDB0] =	vst v63  }
0x4e: {  	_ =	swait.ge [sflag:s19], $0x1400  }
0x4f: {  	[sflag:s19] =	ssyncset.done $0x0  }
0x50: {  	s10 =	rddreg [dreg:$0x6];
	[sflag:s19] =	ssyncadd.s32 $0xFFFFEC00  }
0x51: {  	[spmem:s10] =	stream.linear.scatter [tilespmem:s21], [sflag:$0x9], $0x1400, $0x38;
	[tilespmem:$0x1FDB0] =	vst v63  }
0x52: {  	_ =	swait.ge [sflag:s19], $0x1400  }
0x53: {  	[sflag:s19] =	ssyncset.done $0x0  }
0x54: {  	s11 =	rddreg [dreg:$0x7];
	[sflag:s19] =	ssyncadd.s32 $0xFFFFEC00  }
0x55: {  	[spmem:s11] =	stream.linear.scatter [tilespmem:s21], [sflag:$0x9], $0x1400, $0x38;
	[tilespmem:$0x1FDB0] =	vst v63  }
0x56: {  	_ =	swait.ge [sflag:s19], $0x1400  }
0x57: {  	[sflag:s19] =	ssyncset.done $0x0  }
0x58: {  	s12 =	rddreg [dreg:$0x8];
	[sflag:s19] =	ssyncadd.s32 $0xFFFFEC00  }
0x59: {  	[spmem:s12] =	stream.linear.scatter [tilespmem:s21], [sflag:$0x9], $0x1400, $0x38;
	[tilespmem:$0x1FDB0] =	vst v63  }
0x5a: {  	_ =	swait.ge [sflag:s19], $0x1400  }
0x5b: {  	[sflag:s19] =	ssyncset.done $0x0  }
0x5c: {  	s24 =	rddreg [dreg:$0x9];
	[sflag:s19] =	ssyncadd.s32 $0xFFFFEC00  }
0x5d: {  	[spmem:s24] =	stream.linear.scatter [tilespmem:s21], [sflag:$0x9], $0x1400, $0x38;
	[tilespmem:$0x1FDB0] =	vst v63  }
0x5e: {  	_ =	swait.ge [sflag:s19], $0x1400  }
0x5f: {  	[sflag:s19] =	ssyncset.done $0x0  }
0x60: {  	[sflag:s19] =	ssyncadd.s32 $0xFFFFEC00  }
0x61: {  	[spmem:s13] =	stream.linear.scatter [tilespmem:s21], [sflag:$0x9], $0x1400, $0x38;
	[tilespmem:$0x1FDB0] =	vst v63  }
0x62: {  	_ =	swait.ge [sflag:s19], $0x1400  }
0x63: {  	[sflag:s19] =	ssyncset.done $0x0  }
0x64: {  	[sflag:s19] =	ssyncadd.s32 $0xFFFFEC00  }
0x65: {  	[spmem:s14] =	stream.linear.scatter [tilespmem:s21], [sflag:$0x9], $0x1400, $0x38;
	[tilespmem:$0x1FDB0] =	vst v63  }
0x66: {  	_ =	swait.ge [sflag:s19], $0x1400  }
0x67: {  	[sflag:s19] =	ssyncset.done $0x0  }
.Ltmp4:
0x68: {  	[sflag:s19] =	ssyncadd.s32 $0xFFFFEC00;
	(pc) =	sbr.rel @p0 .LBB2_9-.Ltmp4, $4  }
0x69: {  	[spmem:s15] =	stream.linear.scatter [tilespmem:s21], [sflag:$0x9], $0x1040, $0x38;
	[tilespmem:$0x1FDB0] =	vst v63  }
0x6a: {  	_ =	swait.ge [sflag:s19], $0x1040  }
0x6b: {  	[sflag:s19] =	ssyncset.done $0x0  }
0x6c: {  	[sflag:s19] =	ssyncadd.s32 $0xFFFFEFC0  }
0x6d: {  	s0 =	simm.s32 $0x40;
	s5 =	simm.s32 $0x0  }
.LBB2_7:
0x6e: {  	p1 =	sne.s32 s0, $0x9C00;
	[tilespmem:s5+$0x13A60] =	vst v1;
	s5 =	smov.u32 s0;
	s0 =	sadd.s32 $0x40, s0  }
.Ltmp5:
0x6f: {  	(pc) =	sbr.rel @p1 .LBB2_7-.Ltmp5, $2  }
0x70: {  	_ =	sdelay $0x2  }
0x71: {  	s5 =	sshra.s32 s5, $0x2  }
0x72: {  	[tilespmem:s5+$0x13A60] =	vst v1  }
0x73: {  	s0 =	simm.s32 $0x4E20;
	[bflag:$0x0] =	sbarrier.arrive $0xFFFF  }
0x74: {  	[tilespmem:s21], [sflag:$0x1] =	stream.indirect.gather [hbm4b:s1+s22], $0x40, s0, s22, $0xb8;
	[tilespmem:$0x1FDB0] =	vst v63  }
0x75: {  	s12 =	simm.s32 $0x4E70  }
0x76: {  	[tilespmem:s25], [sflag:$0x2] =	stream.indirect.gather [hbm4b:s1+s22], $0x40, s12, s22, $0xb8;
	[tilespmem:$0x1FDB0] =	vst v63  }
0x77: {  	_ =	swait.ge [sflag:s26], $0x1400  }
0x78: {  	[sflag:s26] =	ssyncset.done $0x0  }
0x79: {  	[sflag:s26] =	ssyncadd.s32 $0xFFFFEC00  }
0x7a: {  	[spmem:s3] =	stream.indirect.scatter.add.f32 [tilespmem:s21], [sflag:$0x5], $0x40, s20, s22, $0xb8;
	[tilespmem:$0x1FDB0] =	vst v63  }
0x7b: {  	s24 =	simm.s32 $0x4EC0  }
0x7c: {  	[tilespmem:s29], [sflag:$0x3] =	stream.indirect.gather [hbm4b:s1+s22], $0x40, s24, s22, $0xb8;
	[tilespmem:$0x1FDB0] =	vst v63  }
0x7d: {  	v3 =	vld [tilespmem:$0x9C40];
	_ =	sdelay $0x7  }
0x7e: {  	[tilespmem:v3+s30+$0x0] =	vst.idx.add.f32.msk $0xffff, v2  }
0x7f: {  	v3 =	vld [tilespmem:$0x9C50];
	_ =	sdelay $0x7  }
0x80: {  	[tilespmem:v3+s30+$0x0] =	vst.idx.add.f32.msk $0xffff, v2  }
0x81: {  	v3 =	vld [tilespmem:$0x9C60];
	_ =	sdelay $0x7  }
0x82: {  	[tilespmem:v3+s30+$0x0] =	vst.idx.add.f32.msk $0xffff, v2  }
0x83: {  	v3 =	vld [tilespmem:$0x9C70];
	_ =	sdelay $0x7  }
0x84: {  	[tilespmem:v3+s30+$0x0] =	vst.idx.add.f32.msk $0xffff, v2  }
0x85: {  	v3 =	vld [tilespmem:$0x9C80];
	_ =	sdelay $0x3  }
.Ltmp6:
0x86: {  	_ = 	snop;
	(pc) =	sbr.rel .LBB2_10-.Ltmp6, $2  }
0x87: {  	_ =	sdelay $0x2  }
0x88: {  	[tilespmem:v3+s30+$0x0] =	vst.idx.add.f32.msk $0xffff, v2  }
.LBB2_9:
0x89: {  	[bflag:$0x0] =	sbarrier.arrive $0xFFFF;
	s0 =	simm.s32 $0x4E20  }
0x8a: {  	[tilespmem:s21], [sflag:$0x1] =	stream.indirect.gather [hbm4b:s1+s22], $0x40, s0, s22, $0xb8;
	[tilespmem:$0x1FDB0] =	vst v63  }
0x8b: {  	s12 =	simm.s32 $0x4E70  }
0x8c: {  	[tilespmem:s25], [sflag:$0x2] =	stream.indirect.gather [hbm4b:s1+s22], $0x40, s12, s22, $0xb8;
	[tilespmem:$0x1FDB0] =	vst v63  }
0x8d: {  	_ =	swait.ge [sflag:s26], $0x1400  }
0x8e: {  	[sflag:s26] =	ssyncset.done $0x0  }
0x8f: {  	[sflag:s26] =	ssyncadd.s32 $0xFFFFEC00  }
0x90: {  	[spmem:s3] =	stream.indirect.scatter.add.f32 [tilespmem:s21], [sflag:$0x5], $0x40, s20, s22, $0xb8;
	[tilespmem:$0x1FDB0] =	vst v63  }
0x91: {  	s24 =	simm.s32 $0x4EC0  }
0x92: {  	[tilespmem:s29], [sflag:$0x3] =	stream.indirect.gather [hbm4b:s1+s22], $0x40, s24, s22, $0xb8;
	[tilespmem:$0x1FDB0] =	vst v63  }
.LBB2_10:
0x93: {  	_ =	swait.ge [sflag:s31], $0x1400  }
0x94: {  	[sflag:s31] =	ssyncset.done $0x0  }
0x95: {  	s0 =	simm.s32 $0x9C90;
	[sflag:s31] =	ssyncadd.s32 $0xFFFFEC00  }
0x96: {  	[spmem:s3] =	stream.indirect.scatter.add.f32 [tilespmem:s25], [sflag:$0x6], $0x40, s0, s22, $0xb8;
	[tilespmem:$0x1FDB0] =	vst v63  }
0x97: {  	s24 =	simm.s32 $0x4F10;
	s5 =	simm.s32 $0x12660  }
0x98: {  	[tilespmem:s5], [sflag:$0x4] =	stream.indirect.gather [hbm4b:s1+s22], $0x40, s24, s22, $0xb8;
	[tilespmem:$0x1FDB0] =	vst v63  }
0x99: {  	v3 =	vld @!p0 [tilespmem:$0x9C90];
	_ =	sdelay $0x6  }
0x9a: {  	v4 =	vimm.f32 @!p0 $1.000000000e+00;
	s0 =	simm.s32 @!p0 $0x13A60  }
0x9b: {  	[tilespmem:v3+s0+$0x0] =	vst.idx.add.f32.msk @!p0 $0xffff, v4  }
0x9c: {  	v3 =	vld @!p0 [tilespmem:$0x9CA0];
	_ =	sdelay $0x7  }
0x9d: {  	[tilespmem:v3+s0+$0x0] =	vst.idx.add.f32.msk @!p0 $0xffff, v4  }
0x9e: {  	v3 =	vld @!p0 [tilespmem:$0x9CB0];
	_ =	sdelay $0x7  }
0x9f: {  	[tilespmem:v3+s0+$0x0] =	vst.idx.add.f32.msk @!p0 $0xffff, v4  }
0xa0: {  	v3 =	vld @!p0 [tilespmem:$0x9CC0];
	_ =	sdelay $0x7  }
0xa1: {  	[tilespmem:v3+s0+$0x0] =	vst.idx.add.f32.msk @!p0 $0xffff, v4  }
0xa2: {  	v3 =	vld @!p0 [tilespmem:$0x9CD0];
	_ =	sdelay $0x3  }
.Ltmp7:
0xa3: {  	_ = 	snop;
	(pc) =	sbr.rel .LBB2_11-.Ltmp7, $2  }
0xa4: {  	_ =	sdelay $0x2  }
0xa5: {  	s24 =	simm.s32 $0x0;
	s5 =	simm.s32 $0x0;
	[tilespmem:v3+s0+$0x0] =	vst.idx.add.f32.msk @!p0 $0xffff, v4;
	s0 =	simm.s32 $0x3  }
.LBB2_14:
0xa6: {  	s7 =	sshra.s32 s24, $0x2  }
0xa7: {  	s7 =	sadd.s32 $0x5000, s7  }
0xa8: {  	[tilespmem:s29], [sflag:$0x3] =	stream.indirect.gather [hbm4b:s1+s22], $0x40, s7, s22, $0xb8;
	[tilespmem:$0x1FDB0] =	vst v63  }
.LBB2_16:
0xa9: {  	_ =	swait.ge [sflag:s31], $0x1400  }
0xaa: {  	s7 =	sshra.s32 s24, $0x2;
	[sflag:s31] =	ssyncset.done $0x0  }
0xab: {  	s9 =	sadd.s32 $0x9DD0, s7;
	[sflag:s31] =	ssyncadd.s32 $0xFFFFEC00  }
0xac: {  	[spmem:s3] =	stream.indirect.scatter.add.f32 [tilespmem:s25], [sflag:$0x6], $0x40, s9, s22, $0xb8;
	[tilespmem:$0x1FDB0] =	vst v63  }
0xad: {  	v3 =	vld @!p0 [tilespmem:s7+$0x9DD0];
	_ =	sdelay $0x6  }
0xae: {  	v4 =	vimm.f32 @!p0 $1.000000000e+00;
	s7 =	simm.s32 @!p0 $0x13A60  }
0xaf: {  	[tilespmem:v3+s7+$0x0] =	vst.idx.add.f32.msk @!p0 $0xffff, v4  }
0xb0: {  	v3 =	vld @!p0 [tilespmem:s6+$0x9DE0];
	_ =	sdelay $0x7  }
0xb1: {  	[tilespmem:v3+s7+$0x0] =	vst.idx.add.f32.msk @!p0 $0xffff, v4  }
0xb2: {  	v3 =	vld @!p0 [tilespmem:s6+$0x9DF0];
	_ =	sdelay $0x7  }
0xb3: {  	[tilespmem:v3+s7+$0x0] =	vst.idx.add.f32.msk @!p0 $0xffff, v4  }
0xb4: {  	v3 =	vld @!p0 [tilespmem:s6+$0x9E00];
	_ =	sdelay $0x7  }
0xb5: {  	[tilespmem:v3+s7+$0x0] =	vst.idx.add.f32.msk @!p0 $0xffff, v4  }
0xb6: {  	v3 =	vld @!p0 [tilespmem:s6+$0x9E10];
	_ =	sdelay $0x7  }
0xb7: {  	[tilespmem:v3+s7+$0x0] =	vst.idx.add.f32.msk @!p0 $0xffff, v4  }
.LBB2_17:
0xb8: {  	s6 =	simm.s32 @p3 $0x8  }
0xb9: {  	p1 =	sgt.u32 @p3 s5, $0x3C;
	_ =	swait.ge @p3 [sflag:s6], $0x1400  }
0xba: {  	p1 =	por p1, !p3;
	[sflag:s6] =	ssyncset.done @p3 $0x0  }
0xbb: {  	s7 =	simm.s32 @!p1 $0x50;
	[sflag:s6] =	ssyncadd.s32 @p3 $0xFFFFEC00;
	s6 =	sshra.s32 @!p1 s24, $0x2  }
0xbc: {  	s9 =	simm.s32 @!p1 $0x12660;
	s24 =	sadd.s32 $0x500, s24;
	s6 =	sadd.s32 @!p1 $0x5050, s6  }
0xbd: {  	[tilespmem:s9], [sflag:$0x4] =	stream.indirect.gather @!p1 [hbm4b:s1+s7], $0x40, s6, s7, $0xb8;
	[tilespmem:$0x1FDB0] =	vst v63  }
0xbe: {  	p1 =	sne.s32 s24, $0x13B00  }
.Ltmp8:
0xbf: {  	_ = 	snop;
	(pc) =	sbr.rel @!p1 .LBB2_18-.Ltmp8, $2  }
0xc0: {  	_ =	sdelay $0x2  }
0xc1: {  	s5 =	sadd.s32 $0x1, s5;
	s0 =	sadd.s32 $0x4, s0  }
.LBB2_11:
0xc2: {  	s6 =	sadd.s32 $0xFFFFFFFF, s0  }
0xc3: {  	p1 =	sgt.u32 s6, $0xF9  }
0xc4: {  	s6 =	simm.s32 @!p1 $0x3  }
0xc5: {  	_ =	swait.ge @!p1 [sflag:s6], $0x1400  }
0xc6: {  	p2 =	sne.s32 @!p1 s4, $0x0;
	[sflag:s6] =	ssyncset.done @!p1 $0x0  }
0xc7: {  	s9 =	simm.s32 @!p1 $0x50;
	[sflag:s6] =	ssyncadd.s32 @!p1 $0xFFFFEC00;
	s6 =	sshra.s32 @!p1 s24, $0x2  }
0xc8: {  	s10 =	simm.s32 @!p1 $0x11260;
	p2 =	por p2, p1;
	s7 =	sadd.s32 @!p1 $0x9CE0, s6  }
0xc9: {  	[spmem:s3] =	stream.indirect.scatter.add.f32 @!p1 [tilespmem:s10], [sflag:$0x7], $0x40, s7, s9, $0xb8;
	[tilespmem:$0x1FDB0] =	vst v63  }
0xca: {  	v3 =	vld @!p2 [tilespmem:s6+$0x9CE0];
	_ =	sdelay $0x6  }
0xcb: {  	v4 =	vimm.f32 @!p2 $1.000000000e+00;
	s6 =	simm.s32 @!p2 $0x13A60  }
0xcc: {  	s7 =	sshra.s32 @!p2 s24, $0x2;
	[tilespmem:v3+s6+$0x0] =	vst.idx.add.f32.msk @!p2 $0xffff, v4  }
0xcd: {  	v3 =	vld @!p2 [tilespmem:s7+$0x9CF0];
	_ =	sdelay $0x7  }
0xce: {  	[tilespmem:v3+s6+$0x0] =	vst.idx.add.f32.msk @!p2 $0xffff, v4  }
0xcf: {  	v3 =	vld @!p2 [tilespmem:s7+$0x9D00];
	_ =	sdelay $0x7  }
0xd0: {  	[tilespmem:v3+s6+$0x0] =	vst.idx.add.f32.msk @!p2 $0xffff, v4  }
0xd1: {  	v3 =	vld @!p2 [tilespmem:s7+$0x9D10];
	_ =	sdelay $0x7  }
0xd2: {  	[tilespmem:v3+s6+$0x0] =	vst.idx.add.f32.msk @!p2 $0xffff, v4  }
0xd3: {  	v3 =	vld @!p2 [tilespmem:s7+$0x9D20];
	_ =	sdelay $0x7  }
0xd4: {  	[tilespmem:v3+s6+$0x0] =	vst.idx.add.f32.msk @!p2 $0xffff, v4;
	p2 =	seq.s32 s24, $0x13600  }
.Ltmp9:
0xd5: {  	_ = 	snop;
	(pc) =	sbr.rel @!p2 .LBB2_12-.Ltmp9, $4  }
0xd6: {  	_ = 	snop  }
0xd7: {  	_ =	swait.ge [sflag:s28], $0x1400  }
0xd8: {  	[sflag:s28] =	ssyncset.done $0x0  }
0xd9: {  	s6 =	sshra.s32 @!p0 s24, $0x2;
	[sflag:s28] =	ssyncadd.s32 $0xFFFFEC00  }
.Ltmp10:
0xda: {  	(pc) =	sbr.rel .LBB2_13-.Ltmp10, $4  }
0xdb: {  	_ = 	snop  }
0xdc: {  	_ =	swait.ge [sflag:s2], $0x1400  }
0xdd: {  	[sflag:s2] =	ssyncset.done $0x0  }
0xde: {  	p3 =	por $0x0, $0x0;
	[sflag:s2] =	ssyncadd.s32 $0xFFFFEC00  }
.LBB2_12:
0xdf: {  	s7 =	sshra.s32 s24, $0x2  }
0xe0: {  	p3 =	sgt.u32 s0, $0xF9;
	s9 =	sadd.s32 $0x4F60, s7  }
0xe1: {  	[tilespmem:s21], [sflag:$0x1] =	stream.indirect.gather [hbm4b:s1+s22], $0x40, s9, s22, $0xb8;
	[tilespmem:$0x1FDB0] =	vst v63  }
0xe2: {  	s9 =	simm.s32 @!p3 $0x4  }
0xe3: {  	_ =	swait.ge @!p3 [sflag:s9], $0x1400  }
0xe4: {  	p4 =	sne.s32 @!p3 s4, $0x0;
	[sflag:s9] =	ssyncset.done @!p3 $0x0  }
0xe5: {  	s11 =	simm.s32 @!p3 $0x50;
	[sflag:s9] =	ssyncadd.s32 @!p3 $0xFFFFEC00;
	s9 =	sshra.s32 @!p3 s24, $0x2  }
0xe6: {  	s12 =	simm.s32 @!p3 $0x12660;
	p4 =	por p4, p3;
	s10 =	sadd.s32 @!p3 $0x9D30, s9  }
0xe7: {  	[spmem:s3] =	stream.indirect.scatter.add.f32 @!p3 [tilespmem:s12], [sflag:$0x8], $0x40, s10, s11, $0xb8;
	[tilespmem:$0x1FDB0] =	vst v63  }
0xe8: {  	v3 =	vld @!p4 [tilespmem:s9+$0x9D30];
	_ =	sdelay $0x6  }
0xe9: {  	v4 =	vimm.f32 @!p4 $1.000000000e+00;
	s9 =	simm.s32 @!p4 $0x13A60  }
0xea: {  	s10 =	sshra.s32 @!p4 s24, $0x2;
	[tilespmem:v3+s9+$0x0] =	vst.idx.add.f32.msk @!p4 $0xffff, v4  }
0xeb: {  	v3 =	vld @!p4 [tilespmem:s10+$0x9D40];
	_ =	sdelay $0x7  }
0xec: {  	[tilespmem:v3+s9+$0x0] =	vst.idx.add.f32.msk @!p4 $0xffff, v4  }
0xed: {  	v3 =	vld @!p4 [tilespmem:s10+$0x9D50];
	_ =	sdelay $0x7  }
0xee: {  	[tilespmem:v3+s9+$0x0] =	vst.idx.add.f32.msk @!p4 $0xffff, v4  }
0xef: {  	v3 =	vld @!p4 [tilespmem:s10+$0x9D60];
	_ =	sdelay $0x7  }
0xf0: {  	[tilespmem:v3+s9+$0x0] =	vst.idx.add.f32.msk @!p4 $0xffff, v4  }
0xf1: {  	v3 =	vld @!p4 [tilespmem:s10+$0x9D70];
	_ =	sdelay $0x7  }
0xf2: {  	[tilespmem:v3+s9+$0x0] =	vst.idx.add.f32.msk @!p4 $0xffff, v4  }
0xf3: {  	_ =	swait.ge [sflag:s2], $0x1400  }
0xf4: {  	[sflag:s2] =	ssyncset.done $0x0  }
0xf5: {  	s11 =	sadd.s32 $0x4FB0, s7;
	[sflag:s2] =	ssyncadd.s32 $0xFFFFEC00  }
0xf6: {  	[tilespmem:s25], [sflag:$0x2] =	stream.indirect.gather [hbm4b:s1+s22], $0x40, s11, s22, $0xb8;
	[tilespmem:$0x1FDB0] =	vst v63  }
0xf7: {  	_ =	swait.ge [sflag:s26], $0x1400  }
0xf8: {  	[sflag:s26] =	ssyncset.done $0x0  }
0xf9: {  	s12 =	sadd.s32 $0x9D80, s7;
	[sflag:s26] =	ssyncadd.s32 $0xFFFFEC00  }
0xfa: {  	[spmem:s3] =	stream.indirect.scatter.add.f32 [tilespmem:s21], [sflag:$0x5], $0x40, s12, s22, $0xb8;
	[tilespmem:$0x1FDB0] =	vst v63  }
0xfb: {  	v3 =	vld @!p0 [tilespmem:s7+$0x9D80];
	_ =	sdelay $0x6  }
0xfc: {  	v4 =	vimm.f32 @!p0 $1.000000000e+00;
	s7 =	simm.s32 @!p0 $0x13A60  }
0xfd: {  	[tilespmem:v3+s7+$0x0] =	vst.idx.add.f32.msk @!p0 $0xffff, v4  }
0xfe: {  	v3 =	vld @!p0 [tilespmem:s6+$0x9D90];
	_ =	sdelay $0x7  }
0xff: {  	[tilespmem:v3+s7+$0x0] =	vst.idx.add.f32.msk @!p0 $0xffff, v4  }
0x100: {  	v3 =	vld @!p0 [tilespmem:s6+$0x9DA0];
	_ =	sdelay $0x7  }
0x101: {  	[tilespmem:v3+s7+$0x0] =	vst.idx.add.f32.msk @!p0 $0xffff, v4  }
0x102: {  	v3 =	vld @!p0 [tilespmem:s6+$0x9DB0];
	_ =	sdelay $0x7  }
0x103: {  	[tilespmem:v3+s7+$0x0] =	vst.idx.add.f32.msk @!p0 $0xffff, v4  }
0x104: {  	v3 =	vld @!p0 [tilespmem:s6+$0x9DC0];
	_ =	sdelay $0x7  }
0x105: {  	p3 =	slt.u32 s0, $0xFA;
	[tilespmem:v3+s7+$0x0] =	vst.idx.add.f32.msk @!p0 $0xffff, v4  }
.LBB2_13:
0x106: {  	p4 =	sgt.u32 @!p1 s5, $0x3C  }
0x107: {  	p4 =	por p1, p4  }
.Ltmp11:
0x108: {  	_ = 	snop;
	(pc) =	sbr.rel @!p4 .LBB2_14-.Ltmp11, $4  }
0x109: {  	s7 =	simm.s32 @!p1 $0x7  }
0x10a: {  	_ =	swait.ge @!p1 [sflag:s7], $0x1400  }
0x10b: {  	[sflag:s7] =	ssyncset.done @!p1 $0x0  }
0x10c: {  	[sflag:s7] =	ssyncadd.s32 @!p1 $0xFFFFEC00  }
.Ltmp12:
0x10d: {  	(pc) =	sbr.rel @p2 .LBB2_17-.Ltmp12, $4  }
.Ltmp13:
0x10e: {  	(pc) =	sbr.rel @!p2 .LBB2_16-.Ltmp13, $4  }
0x10f: {  	_ = 	snop  }
0x110: {  	_ = 	snop  }
0x111: {  	_ = 	snop  }
0x112: {  	_ = 	snop  }
.LBB2_19:
0x113: {  	_ =	sfence.sel $0x180000  }
0x114: {  	[bflag:$0x0] =	sbarrier.arrive $0xFFFF  }
0x115: {  	_ =	strace $0x90000047  }
0x116: {  	s0 =	stileid.u32;
	[bflag:$0x2] =	sbarrier.arrive $0xFFFF  }
0x117: {  	p0 =	sne.s32 s0, $0x0;
	s0 =	rddreg [dreg:$0x3]  }
0x118: {  	s0 =	sadd.s32 @!p0 $0x100000, s0  }
0x119: {  	[sflag:s0] =	ssyncadd.tile.s32 @!p0 $0x1;
	_ =	shalt  }
.Lfunc_end2:
_tile_overlayer_lowered:
.L_overlay_start_2:
0x11a: {  	(tag) =	ssettag $0x2  }
0x11b: {  	s0 =	rddreg [dreg:$0x0];
	s2 =	stileid.u32  }
0x11c: {  	s1 =	rddreg [dreg:$0x1];
	p0 =	sne.s32 s2, $0x0  }
0x11d: {  	s3 =	rddreg [dreg:$0x2];
	[bflag:$0x3] =	sbarrier.arrive $0xFFFF;
	s2 =	simm.s32 @!p0 $0x1C09  }
0x11e: {  	[timem:s3], [sflag:s2] =	dma.local @!p0 [hbm:s0], s1  }
0x11f: {  	s0 =	simm.s32 @!p0 $0x9  }
0x120: {  	_ =	swait.ge @!p0 [sflag:s0], s1  }
0x121: {  	s1 =	ssub.s32 @!p0 $0x0, s1;
	[sflag:s0] =	ssyncset.done @!p0 $0x0  }
0x122: {  	[sflag:s0] =	ssyncadd.s32 @!p0 s1  }
0x123: {  	[bflag:$0x3] =	sbarrier.arrive $0xFFFF  }
0x124: {  	_ =	shalt  }

</sc_bundles>
